<compile_context>
chip_gen: v7x
topology: tpu7x:2x2x1
jax: 0.10.2.dev20260603
libtpu: 0.0.44.dev20260713+nightly
codegen_flags: <defaults>
</compile_context>

<pallas_src>
import functools

import jax
import jax.numpy as jnp
from jax import lax
from jax.experimental import pallas as pl
from jax.experimental.pallas import tpu as pltpu
from jax.experimental.pallas import tpu_sc as plsc

_NC = 2
_NS = 16
_NW = _NC * _NS
_LANES = 16
_BLK = 128
_HB = 64


def _sc_aggregate(x, col_p, row_p, val_p, b_w, n_pad):
    _, d = x.shape
    rows_per_sub = n_pad // _NS
    mesh = plsc.VectorSubcoreMesh(core_axis_name="c", subcore_axis_name="s")

    @functools.partial(
        pl.kernel,
        out_type=jax.ShapeDtypeStruct((_NC, n_pad, d), jnp.float32),
        mesh=mesh,
        scratch_types=[
            pltpu.VMEM((b_w, _BLK), jnp.int32),
            pltpu.VMEM((b_w, _BLK), jnp.int32),
            pltpu.VMEM((b_w, _BLK), jnp.float32),
            pltpu.VMEM((_HB, d), jnp.float32),
            pltpu.VMEM((_HB, d), jnp.float32),
            pltpu.VMEM_SHARED((n_pad, d), jnp.float32),
            pltpu.SemaphoreType.DMA,
            pltpu.SemaphoreType.DMA,
            pltpu.SemaphoreType.DMA,
            pltpu.SemaphoreType.DMA,
        ],
    )
    def body(x_hbm, col_hbm, row_hbm, val_hbm, out_hbm,
             col_v, row_v, val_v, rows_a, rows_b, acc_sh,
             gsem_a, gsem_b, ssem_a, ssem_b):
        cid = lax.axis_index("c")
        sid = lax.axis_index("s")
        wid = sid * _NC + cid
        sub_rows = pl.ds(sid * rows_per_sub, rows_per_sub)

        def zrow(r, c2):
            for c in range(d // _LANES):
                rows_a[r, pl.ds(c * _LANES, _LANES)] = jnp.zeros(
                    (_LANES,), jnp.float32)
            return c2

        lax.fori_loop(0, _HB, zrow, 0)
        n_zc = rows_per_sub // _HB
        rem = rows_per_sub - n_zc * _HB

        def zcopy(i, c2):
            pltpu.sync_copy(
                rows_a, acc_sh.at[pl.ds(sid * rows_per_sub + i * _HB, _HB)])
            return c2

        lax.fori_loop(0, n_zc, zcopy, 0)
        if rem:
            pltpu.sync_copy(
                rows_a.at[pl.ds(0, rem)],
                acc_sh.at[pl.ds(sid * rows_per_sub + n_zc * _HB, rem)])
        pltpu.sync_copy(col_hbm.at[wid], col_v)
        pltpu.sync_copy(row_hbm.at[wid], row_v)
        pltpu.sync_copy(val_hbm.at[wid], val_v)
        plsc.subcore_barrier()

        def scale(j, h, rows):
            def scale16(g, c2):
                vv = val_v[j, pl.ds(h * _HB + g * _LANES, _LANES)]
                base = g * _LANES
                for kk in range(_LANES):
                    v = vv[kk]
                    for c in range(d // _LANES):
                        sl = pl.ds(c * _LANES, _LANES)
                        rows[base + kk, sl] = rows[base + kk, sl] * v
                return c2

            lax.fori_loop(0, _HB // _LANES, scale16, 0)

        def gath(j, h, rows_ref, sem):
            return pltpu.async_copy(
                x_hbm.at[col_v.at[j, pl.ds(h * _HB, _HB)]], rows_ref, sem)

        def scat(j, h, rows_ref, sem):
            return pltpu.async_copy(
                rows_ref, acc_sh.at[row_v.at[j, pl.ds(h * _HB, _HB)]], sem,
                add=True)

        def process_block(j, carry):
            ga = gath(j, 0, rows_a, gsem_a)
            gb = gath(j, 1, rows_b, gsem_b)
            ga.wait()
            scale(j, 0, rows_a)
            sa = scat(j, 0, rows_a, ssem_a)
            gb.wait()
            scale(j, 1, rows_b)
            sb = scat(j, 1, rows_b, ssem_b)
            sa.wait()
            sb.wait()
            return carry

        lax.fori_loop(0, b_w, process_block, 0)

        plsc.subcore_barrier()
        pltpu.sync_copy(acc_sh.at[sub_rows], out_hbm.at[cid].at[sub_rows])

    return body(x, col_p, row_p, val_p)


def _mm_body(p0_ref, p1_ref, w_ref, b_ref, o_ref):
    s = p0_ref[...] + p1_ref[...]
    acc = jnp.dot(s, w_ref[...], preferred_element_type=jnp.float32)
    o_ref[...] = jnp.maximum(acc + b_ref[...], 0.0)


def _tc_finish(partial, W, b, n):
    d_in = partial.shape[2]
    d_out = W.shape[1]
    bm = 2000 if n % 2000 == 0 else (1000 if n % 1000 == 0 else n)
    return pl.pallas_call(
        _mm_body,
        grid=(n // bm,),
        in_specs=[
            pl.BlockSpec((bm, d_in), lambda i: (i, 0)),
            pl.BlockSpec((bm, d_in), lambda i: (i, 0)),
            pl.BlockSpec((d_in, d_out), lambda i: (0, 0)),
            pl.BlockSpec((1, d_out), lambda i: (0, 0)),
        ],
        out_specs=pl.BlockSpec((bm, d_out), lambda i: (i, 0)),
        out_shape=jax.ShapeDtypeStruct((n, d_out), jnp.float32),
    )(partial[0], partial[1], W, b.reshape(1, d_out))


def kernel(x, adj_indices, adj_values, W, b):
    n, d = x.shape
    e = adj_values.shape[0]
    n_blocks = pl.cdiv(e, _BLK)
    b_w = pl.cdiv(n_blocks, _NW)
    pad = _NW * b_w * _BLK - e
    col_p = jnp.pad(adj_indices[1], (0, pad)).reshape(_NW, b_w, _BLK)
    row_p = jnp.pad(adj_indices[0], (0, pad)).reshape(_NW, b_w, _BLK)
    val_p = jnp.pad(adj_values, (0, pad)).reshape(_NW, b_w, _BLK)
    n_pad = ((n + 8 * _NS - 1) // (8 * _NS)) * (8 * _NS)
    partial = _sc_aggregate(x, col_p, row_p, val_p, b_w, n_pad)
    return _tc_finish(partial, W, b, n)

# --- scband reference (transcript-rebuilt; emitter-appended) ---
"""Pipeline reference for scband-graph-conv-52673478918720 (READ-ONLY COPY).

The authoritative reference and input builder live on the scoring server;
editing this copy changes nothing except your own understanding.
"""

import jax, jax.numpy as jnp
import numpy as np

N = 10000
E = 320000
D_IN = 128
D_OUT = 128


def setup_inputs(seed: int = 0) -> dict:
    key = jax.random.key(seed)
    k1, k2, k3, k4 = jax.random.split(key, 4)
    x = jax.random.normal(k1, (N, D_IN), dtype=jnp.float32)
    adj_indices = jax.random.randint(k2, (2, E), 0, N, dtype=jnp.int32)
    adj_values = jax.random.uniform(k3, (E,), dtype=jnp.float32)
    # learned parameters (xavier-normal W, zero bias) per init_kwargs
    std = float(np.sqrt(2.0 / (D_IN + D_OUT)))
    W = jax.random.normal(k4, (D_IN, D_OUT), dtype=jnp.float32) * std
    b = jnp.zeros((D_OUT,), dtype=jnp.float32)
    return {"x": x, "adj_indices": adj_indices, "adj_values": adj_values, "W": W, "b": b}


def reference(x, adj_indices, adj_values, W, b):
    # dropout p=0.0 and eval mode -> identity
    h = jnp.dot(x, W)  # [N, D_OUT]
    # spmm: out[i] = sum_{(i,j) in adj} adj_values * h[j]
    row = adj_indices[0]
    col = adj_indices[1]
    msg = adj_values[:, None] * jnp.take(h, col, axis=0)  # gather over edges
    out = jax.ops.segment_sum(msg, row, num_segments=N)   # scatter-add over edges
    out = out + b
    out = jax.nn.relu(out)
    return out

if __name__ == "__main__":
    import jax
    _d = setup_inputs()
    print(jax.jit(kernel)(*tuple(_d.values())))

</pallas_src>

<mosaic_0001>
#map = affine_map<(d0, d1) -> (0, 0)>
#map1 = affine_map<(d0, d1) -> (0, 0, 0)>
module attributes {stable_mosaic.version = 14 : i64} {
  func.func @body(%arg0: i32, %arg1: i32, %arg2: memref<10000x128xf32, #tpu.memory_space<hbm>>, %arg3: memref<32x79x128xi32, #tpu.memory_space<hbm>>, %arg4: memref<32x79x128xi32, #tpu.memory_space<hbm>>, %arg5: memref<32x79x128xf32, #tpu.memory_space<hbm>>, %arg6: memref<2x10112x128xf32, #tpu.memory_space<hbm>>, %arg7: memref<79x128xi32, #tpu.memory_space<vmem>>, %arg8: memref<79x128xi32, #tpu.memory_space<vmem>>, %arg9: memref<79x128xf32, #tpu.memory_space<vmem>>, %arg10: memref<64x128xf32, #tpu.memory_space<vmem>>, %arg11: memref<64x128xf32, #tpu.memory_space<vmem>>, %arg12: memref<10112x128xf32, #tpu.memory_space<vmem_shared>>, %arg13: memref<!tpu.dma_semaphore, #tpu.memory_space<semaphore_mem>>, %arg14: memref<!tpu.dma_semaphore, #tpu.memory_space<semaphore_mem>>, %arg15: memref<!tpu.dma_semaphore, #tpu.memory_space<semaphore_mem>>, %arg16: memref<!tpu.dma_semaphore, #tpu.memory_space<semaphore_mem>>) attributes {dimension_semantics = [#tpu.dimension_semantics<core_parallel>, #tpu.dimension_semantics<subcore_parallel>], iteration_bounds = array<i64: 2, 16>, scalar_prefetch = 0 : i64, scratch_operands = 10 : i64, tpu.core_type = #tpu.core_type<sc_vector_subcore>, window_params = [{transform_indices = #map}, {transform_indices = #map1}, {transform_indices = #map1}, {transform_indices = #map1}, {transform_indices = #map1}]} {
    %mul3A = arith.constant 2 : i32
    %mul3A_0 = arith.muli %arg1, %mul3A : i32
    %add3A = arith.addi %mul3A_0, %arg0 : i32
    %mul3A_1 = arith.constant 632 : i32
    %mul3A_2 = arith.muli %arg1, %mul3A_1 : i32
    %scan3A = arith.constant 0 : i32
    %scan3A_3 = arith.constant 0 : i32
    %scan3A_4 = arith.constant 64 : i32
    %scan3A_5 = arith.addi %scan3A_3, %scan3A_4 : i32
    %scan3A_6 = arith.constant 1 : i32
    scf.for %scan3A_25 = %scan3A_3 to %scan3A_5 step %scan3A_6  : i32 {
      %broadcast_in_dim3A = arith.constant 0.000000e+00 : f32
      %broadcast_in_dim3A_26 = vector.broadcast %broadcast_in_dim3A : f32 to vector<16xf32>
      %swap3A = arith.index_cast %scan3A_25 : i32 to index
      %swap3A_27 = arith.constant 0 : index
      %swap3A_28 = tpu.vector_load %arg10[%swap3A, %swap3A_27] {strides = array<i32>} : memref<64x128xf32, #tpu.memory_space<vmem>>, vector<1x16xf32>,
      %swap3A_29 = vector.shape_cast %swap3A_28 : vector<1x16xf32> to vector<16xf32>
      %swap3A_30 = vector.shape_cast %broadcast_in_dim3A_26 : vector<16xf32> to vector<1x16xf32>
      tpu.vector_store %arg10[%swap3A, %swap3A_27], %swap3A_30 {strides = array<i32>} : memref<64x128xf32, #tpu.memory_space<vmem>>, vector<1x16xf32>,
      %broadcast_in_dim3A_31 = arith.constant 0.000000e+00 : f32
      %broadcast_in_dim3A_32 = vector.broadcast %broadcast_in_dim3A_31 : f32 to vector<16xf32>
      %swap3A_33 = arith.index_cast %scan3A_25 : i32 to index
      %swap3A_34 = arith.constant 16 : index
      %swap3A_35 = tpu.vector_load %arg10[%swap3A_33, %swap3A_34] {strides = array<i32>} : memref<64x128xf32, #tpu.memory_space<vmem>>, vector<1x16xf32>,
      %swap3A_36 = vector.shape_cast %swap3A_35 : vector<1x16xf32> to vector<16xf32>
      %swap3A_37 = vector.shape_cast %broadcast_in_dim3A_32 : vector<16xf32> to vector<1x16xf32>
      tpu.vector_store %arg10[%swap3A_33, %swap3A_34], %swap3A_37 {strides = array<i32>} : memref<64x128xf32, #tpu.memory_space<vmem>>, vector<1x16xf32>,
      %broadcast_in_dim3A_38 = arith.constant 0.000000e+00 : f32
      %broadcast_in_dim3A_39 = vector.broadcast %broadcast_in_dim3A_38 : f32 to vector<16xf32>
      %swap3A_40 = arith.index_cast %scan3A_25 : i32 to index
      %swap3A_41 = arith.constant 32 : index
      %swap3A_42 = tpu.vector_load %arg10[%swap3A_40, %swap3A_41] {strides = array<i32>} : memref<64x128xf32, #tpu.memory_space<vmem>>, vector<1x16xf32>,
      %swap3A_43 = vector.shape_cast %swap3A_42 : vector<1x16xf32> to vector<16xf32>
      %swap3A_44 = vector.shape_cast %broadcast_in_dim3A_39 : vector<16xf32> to vector<1x16xf32>
      tpu.vector_store %arg10[%swap3A_40, %swap3A_41], %swap3A_44 {strides = array<i32>} : memref<64x128xf32, #tpu.memory_space<vmem>>, vector<1x16xf32>,
      %broadcast_in_dim3A_45 = arith.constant 0.000000e+00 : f32
      %broadcast_in_dim3A_46 = vector.broadcast %broadcast_in_dim3A_45 : f32 to vector<16xf32>
      %swap3A_47 = arith.index_cast %scan3A_25 : i32 to index
      %swap3A_48 = arith.constant 48 : index
      %swap3A_49 = tpu.vector_load %arg10[%swap3A_47, %swap3A_48] {strides = array<i32>} : memref<64x128xf32, #tpu.memory_space<vmem>>, vector<1x16xf32>,
      %swap3A_50 = vector.shape_cast %swap3A_49 : vector<1x16xf32> to vector<16xf32>
      %swap3A_51 = vector.shape_cast %broadcast_in_dim3A_46 : vector<16xf32> to vector<1x16xf32>
      tpu.vector_store %arg10[%swap3A_47, %swap3A_48], %swap3A_51 {strides = array<i32>} : memref<64x128xf32, #tpu.memory_space<vmem>>, vector<1x16xf32>,
      %broadcast_in_dim3A_52 = arith.constant 0.000000e+00 : f32
      %broadcast_in_dim3A_53 = vector.broadcast %broadcast_in_dim3A_52 : f32 to vector<16xf32>
      %swap3A_54 = arith.index_cast %scan3A_25 : i32 to index
      %swap3A_55 = arith.constant 64 : index
      %swap3A_56 = tpu.vector_load %arg10[%swap3A_54, %swap3A_55] {strides = array<i32>} : memref<64x128xf32, #tpu.memory_space<vmem>>, vector<1x16xf32>,
      %swap3A_57 = vector.shape_cast %swap3A_56 : vector<1x16xf32> to vector<16xf32>
      %swap3A_58 = vector.shape_cast %broadcast_in_dim3A_53 : vector<16xf32> to vector<1x16xf32>
      tpu.vector_store %arg10[%swap3A_54, %swap3A_55], %swap3A_58 {strides = array<i32>} : memref<64x128xf32, #tpu.memory_space<vmem>>, vector<1x16xf32>,
      %broadcast_in_dim3A_59 = arith.constant 0.000000e+00 : f32
      %broadcast_in_dim3A_60 = vector.broadcast %broadcast_in_dim3A_59 : f32 to vector<16xf32>
      %swap3A_61 = arith.index_cast %scan3A_25 : i32 to index
      %swap3A_62 = arith.constant 80 : index
      %swap3A_63 = tpu.vector_load %arg10[%swap3A_61, %swap3A_62] {strides = array<i32>} : memref<64x128xf32, #tpu.memory_space<vmem>>, vector<1x16xf32>,
      %swap3A_64 = vector.shape_cast %swap3A_63 : vector<1x16xf32> to vector<16xf32>
      %swap3A_65 = vector.shape_cast %broadcast_in_dim3A_60 : vector<16xf32> to vector<1x16xf32>
      tpu.vector_store %arg10[%swap3A_61, %swap3A_62], %swap3A_65 {strides = array<i32>} : memref<64x128xf32, #tpu.memory_space<vmem>>, vector<1x16xf32>,
      %broadcast_in_dim3A_66 = arith.constant 0.000000e+00 : f32
      %broadcast_in_dim3A_67 = vector.broadcast %broadcast_in_dim3A_66 : f32 to vector<16xf32>
      %swap3A_68 = arith.index_cast %scan3A_25 : i32 to index
      %swap3A_69 = arith.constant 96 : index
      %swap3A_70 = tpu.vector_load %arg10[%swap3A_68, %swap3A_69] {strides = array<i32>} : memref<64x128xf32, #tpu.memory_space<vmem>>, vector<1x16xf32>,
      %swap3A_71 = vector.shape_cast %swap3A_70 : vector<1x16xf32> to vector<16xf32>
      %swap3A_72 = vector.shape_cast %broadcast_in_dim3A_67 : vector<16xf32> to vector<1x16xf32>
      tpu.vector_store %arg10[%swap3A_68, %swap3A_69], %swap3A_72 {strides = array<i32>} : memref<64x128xf32, #tpu.memory_space<vmem>>, vector<1x16xf32>,
      %broadcast_in_dim3A_73 = arith.constant 0.000000e+00 : f32
      %broadcast_in_dim3A_74 = vector.broadcast %broadcast_in_dim3A_73 : f32 to vector<16xf32>
      %swap3A_75 = arith.index_cast %scan3A_25 : i32 to index
      %swap3A_76 = arith.constant 112 : index
      %swap3A_77 = tpu.vector_load %arg10[%swap3A_75, %swap3A_76] {strides = array<i32>} : memref<64x128xf32, #tpu.memory_space<vmem>>, vector<1x16xf32>,
      %swap3A_78 = vector.shape_cast %swap3A_77 : vector<1x16xf32> to vector<16xf32>
      %swap3A_79 = vector.shape_cast %broadcast_in_dim3A_74 : vector<16xf32> to vector<1x16xf32>
      tpu.vector_store %arg10[%swap3A_75, %swap3A_76], %swap3A_79 {strides = array<i32>} : memref<64x128xf32, #tpu.memory_space<vmem>>, vector<1x16xf32>,
    }
    %scan3A_7 = arith.constant 64 : i32
    %scan3A_8 = arith.constant 0 : i32
    %scan3A_9 = arith.constant 0 : i32
    %scan3A_10 = arith.constant 9 : i32
    %scan3A_11 = arith.addi %scan3A_9, %scan3A_10 : i32
    %scan3A_12 = arith.constant 1 : i32
    scf.for %scan3A_25 = %scan3A_9 to %scan3A_11 step %scan3A_12  : i32 {
      %mul3A_26 = arith.constant 632 : i32
      %mul3A_27 = arith.muli %arg1, %mul3A_26 : i32
      %mul3A_28 = arith.constant 64 : i32
      %mul3A_29 = arith.muli %scan3A_25, %mul3A_28 : i32
      %add3A_30 = arith.addi %mul3A_27, %mul3A_29 : i32
      "tpu.region"() ({
        %run_scoped3A = tpu.sem_alloc : memref<!tpu.dma_semaphore, #tpu.memory_space<semaphore_mem>>
        %dma_start3A = arith.constant 0 : i32
        %dma_start3A_31 = tpu.memref_slice %arg12[%add3A_30, %dma_start3A] : memref<10112x128xf32, #tpu.memory_space<vmem_shared>> -> memref<64x128xf32, #tpu.memory_space<vmem_shared>>
        %dma_start3A_32 = arith.constant 0 : i32
        %dma_start3A_33 = tpu.memref_slice %arg12[%add3A_30, %dma_start3A_32] : memref<10112x128xf32, #tpu.memory_space<vmem_shared>> -> memref<64x128xf32, #tpu.memory_space<vmem_shared>>
        tpu.enqueue_dma source(%arg10 : memref<64x128xf32, #tpu.memory_space<vmem>>) target(%dma_start3A_33 : memref<64x128xf32, #tpu.memory_space<vmem_shared>>) target_semaphore(%run_scoped3A : memref<!tpu.dma_semaphore, #tpu.memory_space<semaphore_mem>>)
        %dma_wait3A = arith.constant 0 : i32
        %dma_wait3A_34 = tpu.memref_slice %arg12[%add3A_30, %dma_wait3A] : memref<10112x128xf32, #tpu.memory_space<vmem_shared>> -> memref<64x128xf32, #tpu.memory_space<vmem_shared>>
        %dma_wait3A_35 = arith.constant 0 : i32
        %dma_wait3A_36 = tpu.memref_slice %arg12[%add3A_30, %dma_wait3A_35] : memref<10112x128xf32, #tpu.memory_space<vmem_shared>> -> memref<64x128xf32, #tpu.memory_space<vmem_shared>>
        tpu.wait_dma2 semaphore(%run_scoped3A : memref<!tpu.dma_semaphore, #tpu.memory_space<semaphore_mem>>) src(%arg10 : memref<64x128xf32, #tpu.memory_space<vmem>>) dst(%dma_wait3A_36 : memref<64x128xf32, #tpu.memory_space<vmem_shared>>)
        tpu.yield
      }) : () -> ()
    }
    %scan3A_13 = arith.constant 9 : i32
    %mul3A_14 = arith.constant 632 : i32
    %mul3A_15 = arith.muli %arg1, %mul3A_14 : i32
    %add3A_16 = arith.constant 576 : i32
    %add3A_17 = arith.addi %mul3A_15, %add3A_16 : i32
    "tpu.region"() ({
      %run_scoped3A = tpu.sem_alloc : memref<!tpu.dma_semaphore, #tpu.memory_space<semaphore_mem>>
      %dma_start3A = arith.constant 0 : i32
      %dma_start3A_25 = arith.constant 0 : i32
      %dma_start3A_26 = tpu.memref_slice %arg10[%dma_start3A, %dma_start3A_25] : memref<64x128xf32, #tpu.memory_space<vmem>> -> memref<56x128xf32, #tpu.memory_space<vmem>>
      %dma_start3A_27 = arith.constant 0 : i32
      %dma_start3A_28 = tpu.memref_slice %arg12[%add3A_17, %dma_start3A_27] : memref<10112x128xf32, #tpu.memory_space<vmem_shared>> -> memref<56x128xf32, #tpu.memory_space<vmem_shared>>
      %dma_start3A_29 = arith.constant 0 : i32
      %dma_start3A_30 = tpu.memref_slice %arg12[%add3A_17, %dma_start3A_29] : memref<10112x128xf32, #tpu.memory_space<vmem_shared>> -> memref<56x128xf32, #tpu.memory_space<vmem_shared>>
      %dma_start3A_31 = arith.constant 0 : i32
      %dma_start3A_32 = arith.constant 0 : i32
      %dma_start3A_33 = tpu.memref_slice %arg10[%dma_start3A_31, %dma_start3A_32] : memref<64x128xf32, #tpu.memory_space<vmem>> -> memref<56x128xf32, #tpu.memory_space<vmem>>
      tpu.enqueue_dma source(%dma_start3A_33 : memref<56x128xf32, #tpu.memory_space<vmem>>) target(%dma_start3A_30 : memref<56x128xf32, #tpu.memory_space<vmem_shared>>) target_semaphore(%run_scoped3A : memref<!tpu.dma_semaphore, #tpu.memory_space<semaphore_mem>>)
      %dma_wait3A = arith.constant 0 : i32
      %dma_wait3A_34 = arith.constant 0 : i32
      %dma_wait3A_35 = tpu.memref_slice %arg10[%dma_wait3A, %dma_wait3A_34] : memref<64x128xf32, #tpu.memory_space<vmem>> -> memref<56x128xf32, #tpu.memory_space<vmem>>
      %dma_wait3A_36 = arith.constant 0 : i32
      %dma_wait3A_37 = tpu.memref_slice %arg12[%add3A_17, %dma_wait3A_36] : memref<10112x128xf32, #tpu.memory_space<vmem_shared>> -> memref<56x128xf32, #tpu.memory_space<vmem_shared>>
      %dma_wait3A_38 = arith.constant 0 : i32
      %dma_wait3A_39 = tpu.memref_slice %arg12[%add3A_17, %dma_wait3A_38] : memref<10112x128xf32, #tpu.memory_space<vmem_shared>> -> memref<56x128xf32, #tpu.memory_space<vmem_shared>>
      %dma_wait3A_40 = arith.constant 0 : i32
      %dma_wait3A_41 = arith.constant 0 : i32
      %dma_wait3A_42 = tpu.memref_slice %arg10[%dma_wait3A_40, %dma_wait3A_41] : memref<64x128xf32, #tpu.memory_space<vmem>> -> memref<56x128xf32, #tpu.memory_space<vmem>>
      tpu.wait_dma2 semaphore(%run_scoped3A : memref<!tpu.dma_semaphore, #tpu.memory_space<semaphore_mem>>) src(%dma_wait3A_42 : memref<56x128xf32, #tpu.memory_space<vmem>>) dst(%dma_wait3A_39 : memref<56x128xf32, #tpu.memory_space<vmem_shared>>)
      tpu.yield
    }) : () -> ()
    "tpu.region"() ({
      %run_scoped3A = tpu.sem_alloc : memref<!tpu.dma_semaphore, #tpu.memory_space<semaphore_mem>>
      %dma_start3A = arith.constant 0 : i32
      %dma_start3A_25 = arith.constant 0 : i32
      %dma_start3A_26 = tpu.memref_slice %arg3[%add3A, %dma_start3A, %dma_start3A_25] : memref<32x79x128xi32, #tpu.memory_space<hbm>> -> memref<1x79x128xi32, #tpu.memory_space<hbm>>
      %dma_start3A_27 = tpu.memref_squeeze %dma_start3A_26 : memref<1x79x128xi32, #tpu.memory_space<hbm>> -> memref<79x128xi32, #tpu.memory_space<hbm>>
      %dma_start3A_28 = arith.constant 0 : i32
      %dma_start3A_29 = arith.constant 0 : i32
      %dma_start3A_30 = tpu.memref_slice %arg3[%add3A, %dma_start3A_28, %dma_start3A_29] : memref<32x79x128xi32, #tpu.memory_space<hbm>> -> memref<1x79x128xi32, #tpu.memory_space<hbm>>
      %dma_start3A_31 = tpu.memref_squeeze %dma_start3A_30 : memref<1x79x128xi32, #tpu.memory_space<hbm>> -> memref<79x128xi32, #tpu.memory_space<hbm>>
      tpu.enqueue_dma source(%dma_start3A_31 : memref<79x128xi32, #tpu.memory_space<hbm>>) target(%arg7 : memref<79x128xi32, #tpu.memory_space<vmem>>) target_semaphore(%run_scoped3A : memref<!tpu.dma_semaphore, #tpu.memory_space<semaphore_mem>>)
      %dma_wait3A = arith.constant 0 : i32
      %dma_wait3A_32 = arith.constant 0 : i32
      %dma_wait3A_33 = tpu.memref_slice %arg3[%add3A, %dma_wait3A, %dma_wait3A_32] : memref<32x79x128xi32, #tpu.memory_space<hbm>> -> memref<1x79x128xi32, #tpu.memory_space<hbm>>
      %dma_wait3A_34 = tpu.memref_squeeze %dma_wait3A_33 : memref<1x79x128xi32, #tpu.memory_space<hbm>> -> memref<79x128xi32, #tpu.memory_space<hbm>>
      %dma_wait3A_35 = arith.constant 0 : i32
      %dma_wait3A_36 = arith.constant 0 : i32
      %dma_wait3A_37 = tpu.memref_slice %arg3[%add3A, %dma_wait3A_35, %dma_wait3A_36] : memref<32x79x128xi32, #tpu.memory_space<hbm>> -> memref<1x79x128xi32, #tpu.memory_space<hbm>>
      %dma_wait3A_38 = tpu.memref_squeeze %dma_wait3A_37 : memref<1x79x128xi32, #tpu.memory_space<hbm>> -> memref<79x128xi32, #tpu.memory_space<hbm>>
      tpu.wait_dma2 semaphore(%run_scoped3A : memref<!tpu.dma_semaphore, #tpu.memory_space<semaphore_mem>>) src(%dma_wait3A_38 : memref<79x128xi32, #tpu.memory_space<hbm>>) dst(%arg7 : memref<79x128xi32, #tpu.memory_space<vmem>>)
      tpu.yield
    }) : () -> ()
    "tpu.region"() ({
      %run_scoped3A = tpu.sem_alloc : memref<!tpu.dma_semaphore, #tpu.memory_space<semaphore_mem>>
      %dma_start3A = arith.constant 0 : i32
      %dma_start3A_25 = arith.constant 0 : i32
      %dma_start3A_26 = tpu.memref_slice %arg4[%add3A, %dma_start3A, %dma_start3A_25] : memref<32x79x128xi32, #tpu.memory_space<hbm>> -> memref<1x79x128xi32, #tpu.memory_space<hbm>>
      %dma_start3A_27 = tpu.memref_squeeze %dma_start3A_26 : memref<1x79x128xi32, #tpu.memory_space<hbm>> -> memref<79x128xi32, #tpu.memory_space<hbm>>
      %dma_start3A_28 = arith.constant 0 : i32
      %dma_start3A_29 = arith.constant 0 : i32
      %dma_start3A_30 = tpu.memref_slice %arg4[%add3A, %dma_start3A_28, %dma_start3A_29] : memref<32x79x128xi32, #tpu.memory_space<hbm>> -> memref<1x79x128xi32, #tpu.memory_space<hbm>>
      %dma_start3A_31 = tpu.memref_squeeze %dma_start3A_30 : memref<1x79x128xi32, #tpu.memory_space<hbm>> -> memref<79x128xi32, #tpu.memory_space<hbm>>
      tpu.enqueue_dma source(%dma_start3A_31 : memref<79x128xi32, #tpu.memory_space<hbm>>) target(%arg8 : memref<79x128xi32, #tpu.memory_space<vmem>>) target_semaphore(%run_scoped3A : memref<!tpu.dma_semaphore, #tpu.memory_space<semaphore_mem>>)
      %dma_wait3A = arith.constant 0 : i32
      %dma_wait3A_32 = arith.constant 0 : i32
      %dma_wait3A_33 = tpu.memref_slice %arg4[%add3A, %dma_wait3A, %dma_wait3A_32] : memref<32x79x128xi32, #tpu.memory_space<hbm>> -> memref<1x79x128xi32, #tpu.memory_space<hbm>>
      %dma_wait3A_34 = tpu.memref_squeeze %dma_wait3A_33 : memref<1x79x128xi32, #tpu.memory_space<hbm>> -> memref<79x128xi32, #tpu.memory_space<hbm>>
      %dma_wait3A_35 = arith.constant 0 : i32
      %dma_wait3A_36 = arith.constant 0 : i32
      %dma_wait3A_37 = tpu.memref_slice %arg4[%add3A, %dma_wait3A_35, %dma_wait3A_36] : memref<32x79x128xi32, #tpu.memory_space<hbm>> -> memref<1x79x128xi32, #tpu.memory_space<hbm>>
      %dma_wait3A_38 = tpu.memref_squeeze %dma_wait3A_37 : memref<1x79x128xi32, #tpu.memory_space<hbm>> -> memref<79x128xi32, #tpu.memory_space<hbm>>
      tpu.wait_dma2 semaphore(%run_scoped3A : memref<!tpu.dma_semaphore, #tpu.memory_space<semaphore_mem>>) src(%dma_wait3A_38 : memref<79x128xi32, #tpu.memory_space<hbm>>) dst(%arg8 : memref<79x128xi32, #tpu.memory_space<vmem>>)
      tpu.yield
    }) : () -> ()
    "tpu.region"() ({
      %run_scoped3A = tpu.sem_alloc : memref<!tpu.dma_semaphore, #tpu.memory_space<semaphore_mem>>
      %dma_start3A = arith.constant 0 : i32
      %dma_start3A_25 = arith.constant 0 : i32
      %dma_start3A_26 = tpu.memref_slice %arg5[%add3A, %dma_start3A, %dma_start3A_25] : memref<32x79x128xf32, #tpu.memory_space<hbm>> -> memref<1x79x128xf32, #tpu.memory_space<hbm>>
      %dma_start3A_27 = tpu.memref_squeeze %dma_start3A_26 : memref<1x79x128xf32, #tpu.memory_space<hbm>> -> memref<79x128xf32, #tpu.memory_space<hbm>>
      %dma_start3A_28 = arith.constant 0 : i32
      %dma_start3A_29 = arith.constant 0 : i32
      %dma_start3A_30 = tpu.memref_slice %arg5[%add3A, %dma_start3A_28, %dma_start3A_29] : memref<32x79x128xf32, #tpu.memory_space<hbm>> -> memref<1x79x128xf32, #tpu.memory_space<hbm>>
      %dma_start3A_31 = tpu.memref_squeeze %dma_start3A_30 : memref<1x79x128xf32, #tpu.memory_space<hbm>> -> memref<79x128xf32, #tpu.memory_space<hbm>>
      tpu.enqueue_dma source(%dma_start3A_31 : memref<79x128xf32, #tpu.memory_space<hbm>>) target(%arg9 : memref<79x128xf32, #tpu.memory_space<vmem>>) target_semaphore(%run_scoped3A : memref<!tpu.dma_semaphore, #tpu.memory_space<semaphore_mem>>)
      %dma_wait3A = arith.constant 0 : i32
      %dma_wait3A_32 = arith.constant 0 : i32
      %dma_wait3A_33 = tpu.memref_slice %arg5[%add3A, %dma_wait3A, %dma_wait3A_32] : memref<32x79x128xf32, #tpu.memory_space<hbm>> -> memref<1x79x128xf32, #tpu.memory_space<hbm>>
      %dma_wait3A_34 = tpu.memref_squeeze %dma_wait3A_33 : memref<1x79x128xf32, #tpu.memory_space<hbm>> -> memref<79x128xf32, #tpu.memory_space<hbm>>
      %dma_wait3A_35 = arith.constant 0 : i32
      %dma_wait3A_36 = arith.constant 0 : i32
      %dma_wait3A_37 = tpu.memref_slice %arg5[%add3A, %dma_wait3A_35, %dma_wait3A_36] : memref<32x79x128xf32, #tpu.memory_space<hbm>> -> memref<1x79x128xf32, #tpu.memory_space<hbm>>
      %dma_wait3A_38 = tpu.memref_squeeze %dma_wait3A_37 : memref<1x79x128xf32, #tpu.memory_space<hbm>> -> memref<79x128xf32, #tpu.memory_space<hbm>>
      tpu.wait_dma2 semaphore(%run_scoped3A : memref<!tpu.dma_semaphore, #tpu.memory_space<semaphore_mem>>) src(%dma_wait3A_38 : memref<79x128xf32, #tpu.memory_space<hbm>>) dst(%arg9 : memref<79x128xf32, #tpu.memory_space<vmem>>)
      tpu.yield
    }) : () -> ()
    %barrier3A = arith.constant 0 : index
    tpu.barrier barrier_id(%barrier3A)
    %scan3A_18 = arith.constant 0 : i32
    %scan3A_19 = arith.constant 0 : i32
    %scan3A_20 = arith.constant 79 : i32
    %scan3A_21 = arith.addi %scan3A_19, %scan3A_20 : i32
    %scan3A_22 = arith.constant 1 : i32
    scf.for %scan3A_25 = %scan3A_19 to %scan3A_21 step %scan3A_22  : i32 {
      %dma_start3A = arith.constant 0 : i32
      %dma_start3A_26 = tpu.memref_slice %arg7[%scan3A_25, %dma_start3A] : memref<79x128xi32, #tpu.memory_space<vmem>> -> memref<1x64xi32, #tpu.memory_space<vmem>>
      %dma_start3A_27 = tpu.memref_squeeze %dma_start3A_26 : memref<1x64xi32, #tpu.memory_space<vmem>> -> memref<64xi32, #tpu.memory_space<vmem>>
      %dma_start3A_28 = arith.constant 0 : i32
      %dma_start3A_29 = arith.constant 0 : i32
      %dma_start3A_30 = tpu.memref_slice %arg2[%dma_start3A_28, %dma_start3A_29] : memref<10000x128xf32, #tpu.memory_space<hbm>> -> memref<10000x128xf32, #tpu.memory_space<hbm>>
      tpu.enqueue_indirect_dma source(%dma_start3A_30 : memref<10000x128xf32, #tpu.memory_space<hbm>>) target(%arg10 : memref<64x128xf32, #tpu.memory_space<vmem>>) offsets(%dma_start3A_27 : memref<64xi32, #tpu.memory_space<vmem>>) semaphore(%arg13 : memref<!tpu.dma_semaphore, #tpu.memory_space<semaphore_mem>>)
      %dma_start3A_31 = arith.constant 64 : i32
      %dma_start3A_32 = tpu.memref_slice %arg7[%scan3A_25, %dma_start3A_31] : memref<79x128xi32, #tpu.memory_space<vmem>> -> memref<1x64xi32, #tpu.memory_space<vmem>>
      %dma_start3A_33 = tpu.memref_squeeze %dma_start3A_32 : memref<1x64xi32, #tpu.memory_space<vmem>> -> memref<64xi32, #tpu.memory_space<vmem>>
      %dma_start3A_34 = arith.constant 0 : i32
      %dma_start3A_35 = arith.constant 0 : i32
      %dma_start3A_36 = tpu.memref_slice %arg2[%dma_start3A_34, %dma_start3A_35] : memref<10000x128xf32, #tpu.memory_space<hbm>> -> memref<10000x128xf32, #tpu.memory_space<hbm>>
      tpu.enqueue_indirect_dma source(%dma_start3A_36 : memref<10000x128xf32, #tpu.memory_space<hbm>>) target(%arg11 : memref<64x128xf32, #tpu.memory_space<vmem>>) offsets(%dma_start3A_33 : memref<64xi32, #tpu.memory_space<vmem>>) semaphore(%arg14 : memref<!tpu.dma_semaphore, #tpu.memory_space<semaphore_mem>>)
      %dma_wait3A = arith.constant 0 : i32
      %dma_wait3A_37 = tpu.memref_slice %arg7[%scan3A_25, %dma_wait3A] : memref<79x128xi32, #tpu.memory_space<vmem>> -> memref<1x64xi32, #tpu.memory_space<vmem>>
      %dma_wait3A_38 = tpu.memref_squeeze %dma_wait3A_37 : memref<1x64xi32, #tpu.memory_space<vmem>> -> memref<64xi32, #tpu.memory_space<vmem>>
      %dma_wait3A_39 = arith.constant 0 : i32
      %dma_wait3A_40 = arith.constant 0 : i32
      %dma_wait3A_41 = tpu.memref_slice %arg2[%dma_wait3A_39, %dma_wait3A_40] : memref<10000x128xf32, #tpu.memory_space<hbm>> -> memref<10000x128xf32, #tpu.memory_space<hbm>>
      tpu.wait_indirect_dma semaphore(%arg13 : memref<!tpu.dma_semaphore, #tpu.memory_space<semaphore_mem>>) src(%dma_wait3A_41 : memref<10000x128xf32, #tpu.memory_space<hbm>>) dst(%arg10 : memref<64x128xf32, #tpu.memory_space<vmem>>)
      %scan3A_42 = arith.constant 0 : i32
      %scan3A_43 = arith.constant 0 : i32
      %scan3A_44 = arith.constant 4 : i32
      %scan3A_45 = arith.addi %scan3A_43, %scan3A_44 : i32
      %scan3A_46 = arith.constant 1 : i32
      scf.for %scan3A_84 = %scan3A_43 to %scan3A_45 step %scan3A_46  : i32 {
        %mul3A_85 = arith.constant 16 : i32
        %mul3A_86 = arith.muli %scan3A_84, %mul3A_85 : i32
        %add3A_87 = arith.constant 0 : i32
        %add3A_88 = arith.addi %add3A_87, %mul3A_86 : i32
        %get3A = arith.index_cast %scan3A_25 : i32 to index
        %get3A_89 = arith.index_cast %add3A_88 : i32 to index
        %get3A_90 = tpu.vector_load %arg9[%get3A, %get3A_89] {strides = array<i32>} : memref<79x128xf32, #tpu.memory_space<vmem>>, vector<1x16xf32>,
        %get3A_91 = vector.shape_cast %get3A_90 : vector<1x16xf32> to vector<16xf32>
        %mul3A_92 = arith.constant 16 : i32
        %mul3A_93 = arith.muli %scan3A_84, %mul3A_92 : i32
        %slice3A = vector.extract_strided_slice %get3A_91 {offsets = [0], sizes = [1], strides = [1]} : vector<16xf32> to vector<1xf32>
        %squeeze3A = vector.extract %slice3A[0] : f32 from vector<1xf32>
        %add3A_94 = arith.constant 0 : i32
        %add3A_95 = arith.addi %mul3A_93, %add3A_94 : i32
        %get3A_96 = arith.index_cast %add3A_95 : i32 to index
        %get3A_97 = arith.constant 0 : index
        %get3A_98 = tpu.vector_load %arg10[%get3A_96, %get3A_97] {strides = array<i32>} : memref<64x128xf32, #tpu.memory_space<vmem>>, vector<1x16xf32>,
        %get3A_99 = vector.shape_cast %get3A_98 : vector<1x16xf32> to vector<16xf32>
        %mul3A_100 = vector.broadcast %squeeze3A : f32 to vector<16xf32>
        %mul3A_101 = arith.mulf %get3A_99, %mul3A_100 : vector<16xf32>
        %add3A_102 = arith.constant 0 : i32
        %add3A_103 = arith.addi %mul3A_93, %add3A_102 : i32
        %swap3A = arith.index_cast %add3A_103 : i32 to index
        %swap3A_104 = arith.constant 0 : index
        %swap3A_105 = tpu.vector_load %arg10[%swap3A, %swap3A_104] {strides = array<i32>} : memref<64x128xf32, #tpu.memory_space<vmem>>, vector<1x16xf32>,
        %swap3A_106 = vector.shape_cast %swap3A_105 : vector<1x16xf32> to vector<16xf32>
        %swap3A_107 = vector.shape_cast %mul3A_101 : vector<16xf32> to vector<1x16xf32>
        tpu.vector_store %arg10[%swap3A, %swap3A_104], %swap3A_107 {strides = array<i32>} : memref<64x128xf32, #tpu.memory_space<vmem>>, vector<1x16xf32>,
        %add3A_108 = arith.constant 0 : i32
        %add3A_109 = arith.addi %mul3A_93, %add3A_108 : i32
        %get3A_110 = arith.index_cast %add3A_109 : i32 to index
        %get3A_111 = arith.constant 16 : index
        %get3A_112 = tpu.vector_load %arg10[%get3A_110, %get3A_111] {strides = array<i32>} : memref<64x128xf32, #tpu.memory_space<vmem>>, vector<1x16xf32>,
        %get3A_113 = vector.shape_cast %get3A_112 : vector<1x16xf32> to vector<16xf32>
        %mul3A_114 = vector.broadcast %squeeze3A : f32 to vector<16xf32>
        %mul3A_115 = arith.mulf %get3A_113, %mul3A_114 : vector<16xf32>
        %add3A_116 = arith.constant 0 : i32
        %add3A_117 = arith.addi %mul3A_93, %add3A_116 : i32
        %swap3A_118 = arith.index_cast %add3A_117 : i32 to index
        %swap3A_119 = arith.constant 16 : index
        %swap3A_120 = tpu.vector_load %arg10[%swap3A_118, %swap3A_119] {strides = array<i32>} : memref<64x128xf32, #tpu.memory_space<vmem>>, vector<1x16xf32>,
        %swap3A_121 = vector.shape_cast %swap3A_120 : vector<1x16xf32> to vector<16xf32>
        %swap3A_122 = vector.shape_cast %mul3A_115 : vector<16xf32> to vector<1x16xf32>
        tpu.vector_store %arg10[%swap3A_118, %swap3A_119], %swap3A_122 {strides = array<i32>} : memref<64x128xf32, #tpu.memory_space<vmem>>, vector<1x16xf32>,
        %add3A_123 = arith.constant 0 : i32
        %add3A_124 = arith.addi %mul3A_93, %add3A_123 : i32
        %get3A_125 = arith.index_cast %add3A_124 : i32 to index
        %get3A_126 = arith.constant 32 : index
        %get3A_127 = tpu.vector_load %arg10[%get3A_125, %get3A_126] {strides = array<i32>} : memref<64x128xf32, #tpu.memory_space<vmem>>, vector<1x16xf32>,
        %get3A_128 = vector.shape_cast %get3A_127 : vector<1x16xf32> to vector<16xf32>
        %mul3A_129 = vector.broadcast %squeeze3A : f32 to vector<16xf32>
        %mul3A_130 = arith.mulf %get3A_128, %mul3A_129 : vector<16xf32>
        %add3A_131 = arith.constant 0 : i32
        %add3A_132 = arith.addi %mul3A_93, %add3A_131 : i32
        %swap3A_133 = arith.index_cast %add3A_132 : i32 to index
        %swap3A_134 = arith.constant 32 : index
        %swap3A_135 = tpu.vector_load %arg10[%swap3A_133, %swap3A_134] {strides = array<i32>} : memref<64x128xf32, #tpu.memory_space<vmem>>, vector<1x16xf32>,
        %swap3A_136 = vector.shape_cast %swap3A_135 : vector<1x16xf32> to vector<16xf32>
        %swap3A_137 = vector.shape_cast %mul3A_130 : vector<16xf32> to vector<1x16xf32>
        tpu.vector_store %arg10[%swap3A_133, %swap3A_134], %swap3A_137 {strides = array<i32>} : memref<64x128xf32, #tpu.memory_space<vmem>>, vector<1x16xf32>,
        %add3A_138 = arith.constant 0 : i32
        %add3A_139 = arith.addi %mul3A_93, %add3A_138 : i32
        %get3A_140 = arith.index_cast %add3A_139 : i32 to index
        %get3A_141 = arith.constant 48 : index
        %get3A_142 = tpu.vector_load %arg10[%get3A_140, %get3A_141] {strides = array<i32>} : memref<64x128xf32, #tpu.memory_space<vmem>>, vector<1x16xf32>,
        %get3A_143 = vector.shape_cast %get3A_142 : vector<1x16xf32> to vector<16xf32>
        %mul3A_144 = vector.broadcast %squeeze3A : f32 to vector<16xf32>
        %mul3A_145 = arith.mulf %get3A_143, %mul3A_144 : vector<16xf32>
        %add3A_146 = arith.constant 0 : i32
        %add3A_147 = arith.addi %mul3A_93, %add3A_146 : i32
        %swap3A_148 = arith.index_cast %add3A_147 : i32 to index
        %swap3A_149 = arith.constant 48 : index
        %swap3A_150 = tpu.vector_load %arg10[%swap3A_148, %swap3A_149] {strides = array<i32>} : memref<64x128xf32, #tpu.memory_space<vmem>>, vector<1x16xf32>,
        %swap3A_151 = vector.shape_cast %swap3A_150 : vector<1x16xf32> to vector<16xf32>
        %swap3A_152 = vector.shape_cast %mul3A_145 : vector<16xf32> to vector<1x16xf32>
        tpu.vector_store %arg10[%swap3A_148, %swap3A_149], %swap3A_152 {strides = array<i32>} : memref<64x128xf32, #tpu.memory_space<vmem>>, vector<1x16xf32>,
        %add3A_153 = arith.constant 0 : i32
        %add3A_154 = arith.addi %mul3A_93, %add3A_153 : i32
        %get3A_155 = arith.index_cast %add3A_154 : i32 to index
        %get3A_156 = arith.constant 64 : index
        %get3A_157 = tpu.vector_load %arg10[%get3A_155, %get3A_156] {strides = array<i32>} : memref<64x128xf32, #tpu.memory_space<vmem>>, vector<1x16xf32>,
        %get3A_158 = vector.shape_cast %get3A_157 : vector<1x16xf32> to vector<16xf32>
        %mul3A_159 = vector.broadcast %squeeze3A : f32 to vector<16xf32>
        %mul3A_160 = arith.mulf %get3A_158, %mul3A_159 : vector<16xf32>
        %add3A_161 = arith.constant 0 : i32
        %add3A_162 = arith.addi %mul3A_93, %add3A_161 : i32
        %swap3A_163 = arith.index_cast %add3A_162 : i32 to index
        %swap3A_164 = arith.constant 64 : index
        %swap3A_165 = tpu.vector_load %arg10[%swap3A_163, %swap3A_164] {strides = array<i32>} : memref<64x128xf32, #tpu.memory_space<vmem>>, vector<1x16xf32>,
        %swap3A_166 = vector.shape_cast %swap3A_165 : vector<1x16xf32> to vector<16xf32>
        %swap3A_167 = vector.shape_cast %mul3A_160 : vector<16xf32> to vector<1x16xf32>
        tpu.vector_store %arg10[%swap3A_163, %swap3A_164], %swap3A_167 {strides = array<i32>} : memref<64x128xf32, #tpu.memory_space<vmem>>, vector<1x16xf32>,
        %add3A_168 = arith.constant 0 : i32
        %add3A_169 = arith.addi %mul3A_93, %add3A_168 : i32
        %get3A_170 = arith.index_cast %add3A_169 : i32 to index
        %get3A_171 = arith.constant 80 : index
        %get3A_172 = tpu.vector_load %arg10[%get3A_170, %get3A_171] {strides = array<i32>} : memref<64x128xf32, #tpu.memory_space<vmem>>, vector<1x16xf32>,
        %get3A_173 = vector.shape_cast %get3A_172 : vector<1x16xf32> to vector<16xf32>
        %mul3A_174 = vector.broadcast %squeeze3A : f32 to vector<16xf32>
        %mul3A_175 = arith.mulf %get3A_173, %mul3A_174 : vector<16xf32>
        %add3A_176 = arith.constant 0 : i32
        %add3A_177 = arith.addi %mul3A_93, %add3A_176 : i32
        %swap3A_178 = arith.index_cast %add3A_177 : i32 to index
        %swap3A_179 = arith.constant 80 : index
        %swap3A_180 = tpu.vector_load %arg10[%swap3A_178, %swap3A_179] {strides = array<i32>} : memref<64x128xf32, #tpu.memory_space<vmem>>, vector<1x16xf32>,
        %swap3A_181 = vector.shape_cast %swap3A_180 : vector<1x16xf32> to vector<16xf32>
        %swap3A_182 = vector.shape_cast %mul3A_175 : vector<16xf32> to vector<1x16xf32>
        tpu.vector_store %arg10[%swap3A_178, %swap3A_179], %swap3A_182 {strides = array<i32>} : memref<64x128xf32, #tpu.memory_space<vmem>>, vector<1x16xf32>,
        %add3A_183 = arith.constant 0 : i32
        %add3A_184 = arith.addi %mul3A_93, %add3A_183 : i32
        %get3A_185 = arith.index_cast %add3A_184 : i32 to index
        %get3A_186 = arith.constant 96 : index
        %get3A_187 = tpu.vector_load %arg10[%get3A_185, %get3A_186] {strides = array<i32>} : memref<64x128xf32, #tpu.memory_space<vmem>>, vector<1x16xf32>,
        %get3A_188 = vector.shape_cast %get3A_187 : vector<1x16xf32> to vector<16xf32>
        %mul3A_189 = vector.broadcast %squeeze3A : f32 to vector<16xf32>
        %mul3A_190 = arith.mulf %get3A_188, %mul3A_189 : vector<16xf32>
        %add3A_191 = arith.constant 0 : i32
        %add3A_192 = arith.addi %mul3A_93, %add3A_191 : i32
        %swap3A_193 = arith.index_cast %add3A_192 : i32 to index
        %swap3A_194 = arith.constant 96 : index
        %swap3A_195 = tpu.vector_load %arg10[%swap3A_193, %swap3A_194] {strides = array<i32>} : memref<64x128xf32, #tpu.memory_space<vmem>>, vector<1x16xf32>,
        %swap3A_196 = vector.shape_cast %swap3A_195 : vector<1x16xf32> to vector<16xf32>
        %swap3A_197 = vector.shape_cast %mul3A_190 : vector<16xf32> to vector<1x16xf32>
        tpu.vector_store %arg10[%swap3A_193, %swap3A_194], %swap3A_197 {strides = array<i32>} : memref<64x128xf32, #tpu.memory_space<vmem>>, vector<1x16xf32>,
        %add3A_198 = arith.constant 0 : i32
        %add3A_199 = arith.addi %mul3A_93, %add3A_198 : i32
        %get3A_200 = arith.index_cast %add3A_199 : i32 to index
        %get3A_201 = arith.constant 112 : index
        %get3A_202 = tpu.vector_load %arg10[%get3A_200, %get3A_201] {strides = array<i32>} : memref<64x128xf32, #tpu.memory_space<vmem>>, vector<1x16xf32>,
        %get3A_203 = vector.shape_cast %get3A_202 : vector<1x16xf32> to vector<16xf32>
        %mul3A_204 = vector.broadcast %squeeze3A : f32 to vector<16xf32>
        %mul3A_205 = arith.mulf %get3A_203, %mul3A_204 : vector<16xf32>
        %add3A_206 = arith.constant 0 : i32
        %add3A_207 = arith.addi %mul3A_93, %add3A_206 : i32
        %swap3A_208 = arith.index_cast %add3A_207 : i32 to index
        %swap3A_209 = arith.constant 112 : index
        %swap3A_210 = tpu.vector_load %arg10[%swap3A_208, %swap3A_209] {strides = array<i32>} : memref<64x128xf32, #tpu.memory_space<vmem>>, vector<1x16xf32>,
        %swap3A_211 = vector.shape_cast %swap3A_210 : vector<1x16xf32> to vector<16xf32>
        %swap3A_212 = vector.shape_cast %mul3A_205 : vector<16xf32> to vector<1x16xf32>
        tpu.vector_store %arg10[%swap3A_208, %swap3A_209], %swap3A_212 {strides = array<i32>} : memref<64x128xf32, #tpu.memory_space<vmem>>, vector<1x16xf32>,
        %slice3A_213 = vector.extract_strided_slice %get3A_91 {offsets = [1], sizes = [1], strides = [1]} : vector<16xf32> to vector<1xf32>
        %squeeze3A_214 = vector.extract %slice3A_213[0] : f32 from vector<1xf32>
        %add3A_215 = arith.constant 1 : i32
        %add3A_216 = arith.addi %mul3A_93, %add3A_215 : i32
        %get3A_217 = arith.index_cast %add3A_216 : i32 to index
        %get3A_218 = arith.constant 0 : index
        %get3A_219 = tpu.vector_load %arg10[%get3A_217, %get3A_218] {strides = array<i32>} : memref<64x128xf32, #tpu.memory_space<vmem>>, vector<1x16xf32>,
        %get3A_220 = vector.shape_cast %get3A_219 : vector<1x16xf32> to vector<16xf32>
        %mul3A_221 = vector.broadcast %squeeze3A_214 : f32 to vector<16xf32>
        %mul3A_222 = arith.mulf %get3A_220, %mul3A_221 : vector<16xf32>
        %add3A_223 = arith.constant 1 : i32
        %add3A_224 = arith.addi %mul3A_93, %add3A_223 : i32
        %swap3A_225 = arith.index_cast %add3A_224 : i32 to index
        %swap3A_226 = arith.constant 0 : index
        %swap3A_227 = tpu.vector_load %arg10[%swap3A_225, %swap3A_226] {strides = array<i32>} : memref<64x128xf32, #tpu.memory_space<vmem>>, vector<1x16xf32>,
        %swap3A_228 = vector.shape_cast %swap3A_227 : vector<1x16xf32> to vector<16xf32>
        %swap3A_229 = vector.shape_cast %mul3A_222 : vector<16xf32> to vector<1x16xf32>
        tpu.vector_store %arg10[%swap3A_225, %swap3A_226], %swap3A_229 {strides = array<i32>} : memref<64x128xf32, #tpu.memory_space<vmem>>, vector<1x16xf32>,
        %add3A_230 = arith.constant 1 : i32
        %add3A_231 = arith.addi %mul3A_93, %add3A_230 : i32
        %get3A_232 = arith.index_cast %add3A_231 : i32 to index
        %get3A_233 = arith.constant 16 : index
        %get3A_234 = tpu.vector_load %arg10[%get3A_232, %get3A_233] {strides = array<i32>} : memref<64x128xf32, #tpu.memory_space<vmem>>, vector<1x16xf32>,
        %get3A_235 = vector.shape_cast %get3A_234 : vector<1x16xf32> to vector<16xf32>
        %mul3A_236 = vector.broadcast %squeeze3A_214 : f32 to vector<16xf32>
        %mul3A_237 = arith.mulf %get3A_235, %mul3A_236 : vector<16xf32>
        %add3A_238 = arith.constant 1 : i32
        %add3A_239 = arith.addi %mul3A_93, %add3A_238 : i32
        %swap3A_240 = arith.index_cast %add3A_239 : i32 to index
        %swap3A_241 = arith.constant 16 : index
        %swap3A_242 = tpu.vector_load %arg10[%swap3A_240, %swap3A_241] {strides = array<i32>} : memref<64x128xf32, #tpu.memory_space<vmem>>, vector<1x16xf32>,
        %swap3A_243 = vector.shape_cast %swap3A_242 : vector<1x16xf32> to vector<16xf32>
        %swap3A_244 = vector.shape_cast %mul3A_237 : vector<16xf32> to vector<1x16xf32>
        tpu.vector_store %arg10[%swap3A_240, %swap3A_241], %swap3A_244 {strides = array<i32>} : memref<64x128xf32, #tpu.memory_space<vmem>>, vector<1x16xf32>,
        %add3A_245 = arith.constant 1 : i32
        %add3A_246 = arith.addi %mul3A_93, %add3A_245 : i32
        %get3A_247 = arith.index_cast %add3A_246 : i32 to index
        %get3A_248 = arith.constant 32 : index
        %get3A_249 = tpu.vector_load %arg10[%get3A_247, %get3A_248] {strides = array<i32>} : memref<64x128xf32, #tpu.memory_space<vmem>>, vector<1x16xf32>,
        %get3A_250 = vector.shape_cast %get3A_249 : vector<1x16xf32> to vector<16xf32>
        %mul3A_251 = vector.broadcast %squeeze3A_214 : f32 to vector<16xf32>
        %mul3A_252 = arith.mulf %get3A_250, %mul3A_251 : vector<16xf32>
        %add3A_253 = arith.constant 1 : i32
        %add3A_254 = arith.addi %mul3A_93, %add3A_253 : i32
        %swap3A_255 = arith.index_cast %add3A_254 : i32 to index
        %swap3A_256 = arith.constant 32 : index
        %swap3A_257 = tpu.vector_load %arg10[%swap3A_255, %swap3A_256] {strides = array<i32>} : memref<64x128xf32, #tpu.memory_space<vmem>>, vector<1x16xf32>,
        %swap3A_258 = vector.shape_cast %swap3A_257 : vector<1x16xf32> to vector<16xf32>
        %swap3A_259 = vector.shape_cast %mul3A_252 : vector<16xf32> to vector<1x16xf32>
        tpu.vector_store %arg10[%swap3A_255, %swap3A_256], %swap3A_259 {strides = array<i32>} : memref<64x128xf32, #tpu.memory_space<vmem>>, vector<1x16xf32>,
        %add3A_260 = arith.constant 1 : i32
        %add3A_261 = arith.addi %mul3A_93, %add3A_260 : i32
        %get3A_262 = arith.index_cast %add3A_261 : i32 to index
        %get3A_263 = arith.constant 48 : index
        %get3A_264 = tpu.vector_load %arg10[%get3A_262, %get3A_263] {strides = array<i32>} : memref<64x128xf32, #tpu.memory_space<vmem>>, vector<1x16xf32>,
        %get3A_265 = vector.shape_cast %get3A_264 : vector<1x16xf32> to vector<16xf32>
        %mul3A_266 = vector.broadcast %squeeze3A_214 : f32 to vector<16xf32>
        %mul3A_267 = arith.mulf %get3A_265, %mul3A_266 : vector<16xf32>
        %add3A_268 = arith.constant 1 : i32
        %add3A_269 = arith.addi %mul3A_93, %add3A_268 : i32
        %swap3A_270 = arith.index_cast %add3A_269 : i32 to index
        %swap3A_271 = arith.constant 48 : index
        %swap3A_272 = tpu.vector_load %arg10[%swap3A_270, %swap3A_271] {strides = array<i32>} : memref<64x128xf32, #tpu.memory_space<vmem>>, vector<1x16xf32>,
        %swap3A_273 = vector.shape_cast %swap3A_272 : vector<1x16xf32> to vector<16xf32>
        %swap3A_274 = vector.shape_cast %mul3A_267 : vector<16xf32> to vector<1x16xf32>
        tpu.vector_store %arg10[%swap3A_270, %swap3A_271], %swap3A_274 {strides = array<i32>} : memref<64x128xf32, #tpu.memory_space<vmem>>, vector<1x16xf32>,
        %add3A_275 = arith.constant 1 : i32
        %add3A_276 = arith.addi %mul3A_93, %add3A_275 : i32
        %get3A_277 = arith.index_cast %add3A_276 : i32 to index
        %get3A_278 = arith.constant 64 : index
        %get3A_279 = tpu.vector_load %arg10[%get3A_277, %get3A_278] {strides = array<i32>} : memref<64x128xf32, #tpu.memory_space<vmem>>, vector<1x16xf32>,
        %get3A_280 = vector.shape_cast %get3A_279 : vector<1x16xf32> to vector<16xf32>
        %mul3A_281 = vector.broadcast %squeeze3A_214 : f32 to vector<16xf32>
        %mul3A_282 = arith.mulf %get3A_280, %mul3A_281 : vector<16xf32>
        %add3A_283 = arith.constant 1 : i32
        %add3A_284 = arith.addi %mul3A_93, %add3A_283 : i32
        %swap3A_285 = arith.index_cast %add3A_284 : i32 to index
        %swap3A_286 = arith.constant 64 : index
        %swap3A_287 = tpu.vector_load %arg10[%swap3A_285, %swap3A_286] {strides = array<i32>} : memref<64x128xf32, #tpu.memory_space<vmem>>, vector<1x16xf32>,
        %swap3A_288 = vector.shape_cast %swap3A_287 : vector<1x16xf32> to vector<16xf32>
        %swap3A_289 = vector.shape_cast %mul3A_282 : vector<16xf32> to vector<1x16xf32>
        tpu.vector_store %arg10[%swap3A_285, %swap3A_286], %swap3A_289 {strides = array<i32>} : memref<64x128xf32, #tpu.memory_space<vmem>>, vector<1x16xf32>,
        %add3A_290 = arith.constant 1 : i32
        %add3A_291 = arith.addi %mul3A_93, %add3A_290 : i32
        %get3A_292 = arith.index_cast %add3A_291 : i32 to index
        %get3A_293 = arith.constant 80 : index
        %get3A_294 = tpu.vector_load %arg10[%get3A_292, %get3A_293] {strides = array<i32>} : memref<64x128xf32, #tpu.memory_space<vmem>>, vector<1x16xf32>,
        %get3A_295 = vector.shape_cast %get3A_294 : vector<1x16xf32> to vector<16xf32>
        %mul3A_296 = vector.broadcast %squeeze3A_214 : f32 to vector<16xf32>
        %mul3A_297 = arith.mulf %get3A_295, %mul3A_296 : vector<16xf32>
        %add3A_298 = arith.constant 1 : i32
        %add3A_299 = arith.addi %mul3A_93, %add3A_298 : i32
        %swap3A_300 = arith.index_cast %add3A_299 : i32 to index
        %swap3A_301 = arith.constant 80 : index
        %swap3A_302 = tpu.vector_load %arg10[%swap3A_300, %swap3A_301] {strides = array<i32>} : memref<64x128xf32, #tpu.memory_space<vmem>>, vector<1x16xf32>,
        %swap3A_303 = vector.shape_cast %swap3A_302 : vector<1x16xf32> to vector<16xf32>
        %swap3A_304 = vector.shape_cast %mul3A_297 : vector<16xf32> to vector<1x16xf32>
        tpu.vector_store %arg10[%swap3A_300, %swap3A_301], %swap3A_304 {strides = array<i32>} : memref<64x128xf32, #tpu.memory_space<vmem>>, vector<1x16xf32>,
        %add3A_305 = arith.constant 1 : i32
        %add3A_306 = arith.addi %mul3A_93, %add3A_305 : i32
        %get3A_307 = arith.index_cast %add3A_306 : i32 to index
        %get3A_308 = arith.constant 96 : index
        %get3A_309 = tpu.vector_load %arg10[%get3A_307, %get3A_308] {strides = array<i32>} : memref<64x128xf32, #tpu.memory_space<vmem>>, vector<1x16xf32>,
        %get3A_310 = vector.shape_cast %get3A_309 : vector<1x16xf32> to vector<16xf32>
        %mul3A_311 = vector.broadcast %squeeze3A_214 : f32 to vector<16xf32>
        %mul3A_312 = arith.mulf %get3A_310, %mul3A_311 : vector<16xf32>
        %add3A_313 = arith.constant 1 : i32
        %add3A_314 = arith.addi %mul3A_93, %add3A_313 : i32
        %swap3A_315 = arith.index_cast %add3A_314 : i32 to index
        %swap3A_316 = arith.constant 96 : index
        %swap3A_317 = tpu.vector_load %arg10[%swap3A_315, %swap3A_316] {strides = array<i32>} : memref<64x128xf32, #tpu.memory_space<vmem>>, vector<1x16xf32>,
        %swap3A_318 = vector.shape_cast %swap3A_317 : vector<1x16xf32> to vector<16xf32>
        %swap3A_319 = vector.shape_cast %mul3A_312 : vector<16xf32> to vector<1x16xf32>
        tpu.vector_store %arg10[%swap3A_315, %swap3A_316], %swap3A_319 {strides = array<i32>} : memref<64x128xf32, #tpu.memory_space<vmem>>, vector<1x16xf32>,
        %add3A_320 = arith.constant 1 : i32
        %add3A_321 = arith.addi %mul3A_93, %add3A_320 : i32
        %get3A_322 = arith.index_cast %add3A_321 : i32 to index
        %get3A_323 = arith.constant 112 : index
        %get3A_324 = tpu.vector_load %arg10[%get3A_322, %get3A_323] {strides = array<i32>} : memref<64x128xf32, #tpu.memory_space<vmem>>, vector<1x16xf32>,
        %get3A_325 = vector.shape_cast %get3A_324 : vector<1x16xf32> to vector<16xf32>
        %mul3A_326 = vector.broadcast %squeeze3A_214 : f32 to vector<16xf32>
        %mul3A_327 = arith.mulf %get3A_325, %mul3A_326 : vector<16xf32>
        %add3A_328 = arith.constant 1 : i32
        %add3A_329 = arith.addi %mul3A_93, %add3A_328 : i32
        %swap3A_330 = arith.index_cast %add3A_329 : i32 to index
        %swap3A_331 = arith.constant 112 : index
        %swap3A_332 = tpu.vector_load %arg10[%swap3A_330, %swap3A_331] {strides = array<i32>} : memref<64x128xf32, #tpu.memory_space<vmem>>, vector<1x16xf32>,
        %swap3A_333 = vector.shape_cast %swap3A_332 : vector<1x16xf32> to vector<16xf32>
        %swap3A_334 = vector.shape_cast %mul3A_327 : vector<16xf32> to vector<1x16xf32>
        tpu.vector_store %arg10[%swap3A_330, %swap3A_331], %swap3A_334 {strides = array<i32>} : memref<64x128xf32, #tpu.memory_space<vmem>>, vector<1x16xf32>,
        %slice3A_335 = vector.extract_strided_slice %get3A_91 {offsets = [2], sizes = [1], strides = [1]} : vector<16xf32> to vector<1xf32>
        %squeeze3A_336 = vector.extract %slice3A_335[0] : f32 from vector<1xf32>
        %add3A_337 = arith.constant 2 : i32
        %add3A_338 = arith.addi %mul3A_93, %add3A_337 : i32
        %get3A_339 = arith.index_cast %add3A_338 : i32 to index
        %get3A_340 = arith.constant 0 : index
        %get3A_341 = tpu.vector_load %arg10[%get3A_339, %get3A_340] {strides = array<i32>} : memref<64x128xf32, #tpu.memory_space<vmem>>, vector<1x16xf32>,
        %get3A_342 = vector.shape_cast %get3A_341 : vector<1x16xf32> to vector<16xf32>
        %mul3A_343 = vector.broadcast %squeeze3A_336 : f32 to vector<16xf32>
        %mul3A_344 = arith.mulf %get3A_342, %mul3A_343 : vector<16xf32>
        %add3A_345 = arith.constant 2 : i32
        %add3A_346 = arith.addi %mul3A_93, %add3A_345 : i32
        %swap3A_347 = arith.index_cast %add3A_346 : i32 to index
        %swap3A_348 = arith.constant 0 : index
        %swap3A_349 = tpu.vector_load %arg10[%swap3A_347, %swap3A_348] {strides = array<i32>} : memref<64x128xf32, #tpu.memory_space<vmem>>, vector<1x16xf32>,
        %swap3A_350 = vector.shape_cast %swap3A_349 : vector<1x16xf32> to vector<16xf32>
        %swap3A_351 = vector.shape_cast %mul3A_344 : vector<16xf32> to vector<1x16xf32>
        tpu.vector_store %arg10[%swap3A_347, %swap3A_348], %swap3A_351 {strides = array<i32>} : memref<64x128xf32, #tpu.memory_space<vmem>>, vector<1x16xf32>,
        %add3A_352 = arith.constant 2 : i32
        %add3A_353 = arith.addi %mul3A_93, %add3A_352 : i32
        %get3A_354 = arith.index_cast %add3A_353 : i32 to index
        %get3A_355 = arith.constant 16 : index
        %get3A_356 = tpu.vector_load %arg10[%get3A_354, %get3A_355] {strides = array<i32>} : memref<64x128xf32, #tpu.memory_space<vmem>>, vector<1x16xf32>,
        %get3A_357 = vector.shape_cast %get3A_356 : vector<1x16xf32> to vector<16xf32>
        %mul3A_358 = vector.broadcast %squeeze3A_336 : f32 to vector<16xf32>
        %mul3A_359 = arith.mulf %get3A_357, %mul3A_358 : vector<16xf32>
        %add3A_360 = arith.constant 2 : i32
        %add3A_361 = arith.addi %mul3A_93, %add3A_360 : i32
        %swap3A_362 = arith.index_cast %add3A_361 : i32 to index
        %swap3A_363 = arith.constant 16 : index
        %swap3A_364 = tpu.vector_load %arg10[%swap3A_362, %swap3A_363] {strides = array<i32>} : memref<64x128xf32, #tpu.memory_space<vmem>>, vector<1x16xf32>,
        %swap3A_365 = vector.shape_cast %swap3A_364 : vector<1x16xf32> to vector<16xf32>
        %swap3A_366 = vector.shape_cast %mul3A_359 : vector<16xf32> to vector<1x16xf32>
        tpu.vector_store %arg10[%swap3A_362, %swap3A_363], %swap3A_366 {strides = array<i32>} : memref<64x128xf32, #tpu.memory_space<vmem>>, vector<1x16xf32>,
        %add3A_367 = arith.constant 2 : i32
        %add3A_368 = arith.addi %mul3A_93, %add3A_367 : i32
        %get3A_369 = arith.index_cast %add3A_368 : i32 to index
        %get3A_370 = arith.constant 32 : index
        %get3A_371 = tpu.vector_load %arg10[%get3A_369, %get3A_370] {strides = array<i32>} : memref<64x128xf32, #tpu.memory_space<vmem>>, vector<1x16xf32>,
        %get3A_372 = vector.shape_cast %get3A_371 : vector<1x16xf32> to vector<16xf32>
        %mul3A_373 = vector.broadcast %squeeze3A_336 : f32 to vector<16xf32>
        %mul3A_374 = arith.mulf %get3A_372, %mul3A_373 : vector<16xf32>
        %add3A_375 = arith.constant 2 : i32
        %add3A_376 = arith.addi %mul3A_93, %add3A_375 : i32
        %swap3A_377 = arith.index_cast %add3A_376 : i32 to index
        %swap3A_378 = arith.constant 32 : index
        %swap3A_379 = tpu.vector_load %arg10[%swap3A_377, %swap3A_378] {strides = array<i32>} : memref<64x128xf32, #tpu.memory_space<vmem>>, vector<1x16xf32>,
        %swap3A_380 = vector.shape_cast %swap3A_379 : vector<1x16xf32> to vector<16xf32>
        %swap3A_381 = vector.shape_cast %mul3A_374 : vector<16xf32> to vector<1x16xf32>
        tpu.vector_store %arg10[%swap3A_377, %swap3A_378], %swap3A_381 {strides = array<i32>} : memref<64x128xf32, #tpu.memory_space<vmem>>, vector<1x16xf32>,
        %add3A_382 = arith.constant 2 : i32
        %add3A_383 = arith.addi %mul3A_93, %add3A_382 : i32
        %get3A_384 = arith.index_cast %add3A_383 : i32 to index
        %get3A_385 = arith.constant 48 : index
        %get3A_386 = tpu.vector_load %arg10[%get3A_384, %get3A_385] {strides = array<i32>} : memref<64x128xf32, #tpu.memory_space<vmem>>, vector<1x16xf32>,
        %get3A_387 = vector.shape_cast %get3A_386 : vector<1x16xf32> to vector<16xf32>
        %mul3A_388 = vector.broadcast %squeeze3A_336 : f32 to vector<16xf32>
        %mul3A_389 = arith.mulf %get3A_387, %mul3A_388 : vector<16xf32>
        %add3A_390 = arith.constant 2 : i32
        %add3A_391 = arith.addi %mul3A_93, %add3A_390 : i32
        %swap3A_392 = arith.index_cast %add3A_391 : i32 to index
        %swap3A_393 = arith.constant 48 : index
        %swap3A_394 = tpu.vector_load %arg10[%swap3A_392, %swap3A_393] {strides = array<i32>} : memref<64x128xf32, #tpu.memory_space<vmem>>, vector<1x16xf32>,
        %swap3A_395 = vector.shape_cast %swap3A_394 : vector<1x16xf32> to vector<16xf32>
        %swap3A_396 = vector.shape_cast %mul3A_389 : vector<16xf32> to vector<1x16xf32>
        tpu.vector_store %arg10[%swap3A_392, %swap3A_393], %swap3A_396 {strides = array<i32>} : memref<64x128xf32, #tpu.memory_space<vmem>>, vector<1x16xf32>,
        %add3A_397 = arith.constant 2 : i32
        %add3A_398 = arith.addi %mul3A_93, %add3A_397 : i32
        %get3A_399 = arith.index_cast %add3A_398 : i32 to index
        %get3A_400 = arith.constant 64 : index
        %get3A_401 = tpu.vector_load %arg10[%get3A_399, %get3A_400] {strides = array<i32>} : memref<64x128xf32, #tpu.memory_space<vmem>>, vector<1x16xf32>,
        %get3A_402 = vector.shape_cast %get3A_401 : vector<1x16xf32> to vector<16xf32>
        %mul3A_403 = vector.broadcast %squeeze3A_336 : f32 to vector<16xf32>
        %mul3A_404 = arith.mulf %get3A_402, %mul3A_403 : vector<16xf32>
        %add3A_405 = arith.constant 2 : i32
        %add3A_406 = arith.addi %mul3A_93, %add3A_405 : i32
        %swap3A_407 = arith.index_cast %add3A_406 : i32 to index
        %swap3A_408 = arith.constant 64 : index
        %swap3A_409 = tpu.vector_load %arg10[%swap3A_407, %swap3A_408] {strides = array<i32>} : memref<64x128xf32, #tpu.memory_space<vmem>>, vector<1x16xf32>,
        %swap3A_410 = vector.shape_cast %swap3A_409 : vector<1x16xf32> to vector<16xf32>
        %swap3A_411 = vector.shape_cast %mul3A_404 : vector<16xf32> to vector<1x16xf32>
        tpu.vector_store %arg10[%swap3A_407, %swap3A_408], %swap3A_411 {strides = array<i32>} : memref<64x128xf32, #tpu.memory_space<vmem>>, vector<1x16xf32>,
        %add3A_412 = arith.constant 2 : i32
        %add3A_413 = arith.addi %mul3A_93, %add3A_412 : i32
        %get3A_414 = arith.index_cast %add3A_413 : i32 to index
        %get3A_415 = arith.constant 80 : index
        %get3A_416 = tpu.vector_load %arg10[%get3A_414, %get3A_415] {strides = array<i32>} : memref<64x128xf32, #tpu.memory_space<vmem>>, vector<1x16xf32>,
        %get3A_417 = vector.shape_cast %get3A_416 : vector<1x16xf32> to vector<16xf32>
        %mul3A_418 = vector.broadcast %squeeze3A_336 : f32 to vector<16xf32>
        %mul3A_419 = arith.mulf %get3A_417, %mul3A_418 : vector<16xf32>
        %add3A_420 = arith.constant 2 : i32
        %add3A_421 = arith.addi %mul3A_93, %add3A_420 : i32
        %swap3A_422 = arith.index_cast %add3A_421 : i32 to index
        %swap3A_423 = arith.constant 80 : index
        %swap3A_424 = tpu.vector_load %arg10[%swap3A_422, %swap3A_423] {strides = array<i32>} : memref<64x128xf32, #tpu.memory_space<vmem>>, vector<1x16xf32>,
        %swap3A_425 = vector.shape_cast %swap3A_424 : vector<1x16xf32> to vector<16xf32>
        %swap3A_426 = vector.shape_cast %mul3A_419 : vector<16xf32> to vector<1x16xf32>
        tpu.vector_store %arg10[%swap3A_422, %swap3A_423], %swap3A_426 {strides = array<i32>} : memref<64x128xf32, #tpu.memory_space<vmem>>, vector<1x16xf32>,
        %add3A_427 = arith.constant 2 : i32
        %add3A_428 = arith.addi %mul3A_93, %add3A_427 : i32
        %get3A_429 = arith.index_cast %add3A_428 : i32 to index
        %get3A_430 = arith.constant 96 : index
        %get3A_431 = tpu.vector_load %arg10[%get3A_429, %get3A_430] {strides = array<i32>} : memref<64x128xf32, #tpu.memory_space<vmem>>, vector<1x16xf32>,
        %get3A_432 = vector.shape_cast %get3A_431 : vector<1x16xf32> to vector<16xf32>
        %mul3A_433 = vector.broadcast %squeeze3A_336 : f32 to vector<16xf32>
        %mul3A_434 = arith.mulf %get3A_432, %mul3A_433 : vector<16xf32>
        %add3A_435 = arith.constant 2 : i32
        %add3A_436 = arith.addi %mul3A_93, %add3A_435 : i32
        %swap3A_437 = arith.index_cast %add3A_436 : i32 to index
        %swap3A_438 = arith.constant 96 : index
        %swap3A_439 = tpu.vector_load %arg10[%swap3A_437, %swap3A_438] {strides = array<i32>} : memref<64x128xf32, #tpu.memory_space<vmem>>, vector<1x16xf32>,
        %swap3A_440 = vector.shape_cast %swap3A_439 : vector<1x16xf32> to vector<16xf32>
        %swap3A_441 = vector.shape_cast %mul3A_434 : vector<16xf32> to vector<1x16xf32>
        tpu.vector_store %arg10[%swap3A_437, %swap3A_438], %swap3A_441 {strides = array<i32>} : memref<64x128xf32, #tpu.memory_space<vmem>>, vector<1x16xf32>,
        %add3A_442 = arith.constant 2 : i32
        %add3A_443 = arith.addi %mul3A_93, %add3A_442 : i32
        %get3A_444 = arith.index_cast %add3A_443 : i32 to index
        %get3A_445 = arith.constant 112 : index
        %get3A_446 = tpu.vector_load %arg10[%get3A_444, %get3A_445] {strides = array<i32>} : memref<64x128xf32, #tpu.memory_space<vmem>>, vector<1x16xf32>,
        %get3A_447 = vector.shape_cast %get3A_446 : vector<1x16xf32> to vector<16xf32>
        %mul3A_448 = vector.broadcast %squeeze3A_336 : f32 to vector<16xf32>
        %mul3A_449 = arith.mulf %get3A_447, %mul3A_448 : vector<16xf32>
        %add3A_450 = arith.constant 2 : i32
        %add3A_451 = arith.addi %mul3A_93, %add3A_450 : i32
        %swap3A_452 = arith.index_cast %add3A_451 : i32 to index
        %swap3A_453 = arith.constant 112 : index
        %swap3A_454 = tpu.vector_load %arg10[%swap3A_452, %swap3A_453] {strides = array<i32>} : memref<64x128xf32, #tpu.memory_space<vmem>>, vector<1x16xf32>,
        %swap3A_455 = vector.shape_cast %swap3A_454 : vector<1x16xf32> to vector<16xf32>
        %swap3A_456 = vector.shape_cast %mul3A_449 : vector<16xf32> to vector<1x16xf32>
        tpu.vector_store %arg10[%swap3A_452, %swap3A_453], %swap3A_456 {strides = array<i32>} : memref<64x128xf32, #tpu.memory_space<vmem>>, vector<1x16xf32>,
        %slice3A_457 = vector.extract_strided_slice %get3A_91 {offsets = [3], sizes = [1], strides = [1]} : vector<16xf32> to vector<1xf32>
        %squeeze3A_458 = vector.extract %slice3A_457[0] : f32 from vector<1xf32>
        %add3A_459 = arith.constant 3 : i32
        %add3A_460 = arith.addi %mul3A_93, %add3A_459 : i32
        %get3A_461 = arith.index_cast %add3A_460 : i32 to index
        %get3A_462 = arith.constant 0 : index
        %get3A_463 = tpu.vector_load %arg10[%get3A_461, %get3A_462] {strides = array<i32>} : memref<64x128xf32, #tpu.memory_space<vmem>>, vector<1x16xf32>,
        %get3A_464 = vector.shape_cast %get3A_463 : vector<1x16xf32> to vector<16xf32>
        %mul3A_465 = vector.broadcast %squeeze3A_458 : f32 to vector<16xf32>
        %mul3A_466 = arith.mulf %get3A_464, %mul3A_465 : vector<16xf32>
        %add3A_467 = arith.constant 3 : i32
        %add3A_468 = arith.addi %mul3A_93, %add3A_467 : i32
        %swap3A_469 = arith.index_cast %add3A_468 : i32 to index
        %swap3A_470 = arith.constant 0 : index
        %swap3A_471 = tpu.vector_load %arg10[%swap3A_469, %swap3A_470] {strides = array<i32>} : memref<64x128xf32, #tpu.memory_space<vmem>>, vector<1x16xf32>,
        %swap3A_472 = vector.shape_cast %swap3A_471 : vector<1x16xf32> to vector<16xf32>
        %swap3A_473 = vector.shape_cast %mul3A_466 : vector<16xf32> to vector<1x16xf32>
        tpu.vector_store %arg10[%swap3A_469, %swap3A_470], %swap3A_473 {strides = array<i32>} : memref<64x128xf32, #tpu.memory_space<vmem>>, vector<1x16xf32>,
        %add3A_474 = arith.constant 3 : i32
        %add3A_475 = arith.addi %mul3A_93, %add3A_474 : i32
        %get3A_476 = arith.index_cast %add3A_475 : i32 to index
        %get3A_477 = arith.constant 16 : index
        %get3A_478 = tpu.vector_load %arg10[%get3A_476, %get3A_477] {strides = array<i32>} : memref<64x128xf32, #tpu.memory_space<vmem>>, vector<1x16xf32>,
        %get3A_479 = vector.shape_cast %get3A_478 : vector<1x16xf32> to vector<16xf32>
        %mul3A_480 = vector.broadcast %squeeze3A_458 : f32 to vector<16xf32>
        %mul3A_481 = arith.mulf %get3A_479, %mul3A_480 : vector<16xf32>
        %add3A_482 = arith.constant 3 : i32
        %add3A_483 = arith.addi %mul3A_93, %add3A_482 : i32
        %swap3A_484 = arith.index_cast %add3A_483 : i32 to index
        %swap3A_485 = arith.constant 16 : index
        %swap3A_486 = tpu.vector_load %arg10[%swap3A_484, %swap3A_485] {strides = array<i32>} : memref<64x128xf32, #tpu.memory_space<vmem>>, vector<1x16xf32>,
        %swap3A_487 = vector.shape_cast %swap3A_486 : vector<1x16xf32> to vector<16xf32>
        %swap3A_488 = vector.shape_cast %mul3A_481 : vector<16xf32> to vector<1x16xf32>
        tpu.vector_store %arg10[%swap3A_484, %swap3A_485], %swap3A_488 {strides = array<i32>} : memref<64x128xf32, #tpu.memory_space<vmem>>, vector<1x16xf32>,
        %add3A_489 = arith.constant 3 : i32
        %add3A_490 = arith.addi %mul3A_93, %add3A_489 : i32
        %get3A_491 = arith.index_cast %add3A_490 : i32 to index
        %get3A_492 = arith.constant 32 : index
        %get3A_493 = tpu.vector_load %arg10[%get3A_491, %get3A_492] {strides = array<i32>} : memref<64x128xf32, #tpu.memory_space<vmem>>, vector<1x16xf32>,
        %get3A_494 = vector.shape_cast %get3A_493 : vector<1x16xf32> to vector<16xf32>
        %mul3A_495 = vector.broadcast %squeeze3A_458 : f32 to vector<16xf32>
        %mul3A_496 = arith.mulf %get3A_494, %mul3A_495 : vector<16xf32>
        %add3A_497 = arith.constant 3 : i32
        %add3A_498 = arith.addi %mul3A_93, %add3A_497 : i32
        %swap3A_499 = arith.index_cast %add3A_498 : i32 to index
        %swap3A_500 = arith.constant 32 : index
        %swap3A_501 = tpu.vector_load %arg10[%swap3A_499, %swap3A_500] {strides = array<i32>} : memref<64x128xf32, #tpu.memory_space<vmem>>, vector<1x16xf32>,
        %swap3A_502 = vector.shape_cast %swap3A_501 : vector<1x16xf32> to vector<16xf32>
        %swap3A_503 = vector.shape_cast %mul3A_496 : vector<16xf32> to vector<1x16xf32>
        tpu.vector_store %arg10[%swap3A_499, %swap3A_500], %swap3A_503 {strides = array<i32>} : memref<64x128xf32, #tpu.memory_space<vmem>>, vector<1x16xf32>,
        %add3A_504 = arith.constant 3 : i32
        %add3A_505 = arith.addi %mul3A_93, %add3A_504 : i32
        %get3A_506 = arith.index_cast %add3A_505 : i32 to index
        %get3A_507 = arith.constant 48 : index
        %get3A_508 = tpu.vector_load %arg10[%get3A_506, %get3A_507] {strides = array<i32>} : memref<64x128xf32, #tpu.memory_space<vmem>>, vector<1x16xf32>,
        %get3A_509 = vector.shape_cast %get3A_508 : vector<1x16xf32> to vector<16xf32>
        %mul3A_510 = vector.broadcast %squeeze3A_458 : f32 to vector<16xf32>
        %mul3A_511 = arith.mulf %get3A_509, %mul3A_510 : vector<16xf32>
        %add3A_512 = arith.constant 3 : i32
        %add3A_513 = arith.addi %mul3A_93, %add3A_512 : i32
        %swap3A_514 = arith.index_cast %add3A_513 : i32 to index
        %swap3A_515 = arith.constant 48 : index
        %swap3A_516 = tpu.vector_load %arg10[%swap3A_514, %swap3A_515] {strides = array<i32>} : memref<64x128xf32, #tpu.memory_space<vmem>>, vector<1x16xf32>,
        %swap3A_517 = vector.shape_cast %swap3A_516 : vector<1x16xf32> to vector<16xf32>
        %swap3A_518 = vector.shape_cast %mul3A_511 : vector<16xf32> to vector<1x16xf32>
        tpu.vector_store %arg10[%swap3A_514, %swap3A_515], %swap3A_518 {strides = array<i32>} : memref<64x128xf32, #tpu.memory_space<vmem>>, vector<1x16xf32>,
        %add3A_519 = arith.constant 3 : i32
        %add3A_520 = arith.addi %mul3A_93, %add3A_519 : i32
        %get3A_521 = arith.index_cast %add3A_520 : i32 to index
        %get3A_522 = arith.constant 64 : index
        %get3A_523 = tpu.vector_load %arg10[%get3A_521, %get3A_522] {strides = array<i32>} : memref<64x128xf32, #tpu.memory_space<vmem>>, vector<1x16xf32>,
        %get3A_524 = vector.shape_cast %get3A_523 : vector<1x16xf32> to vector<16xf32>
        %mul3A_525 = vector.broadcast %squeeze3A_458 : f32 to vector<16xf32>
        %mul3A_526 = arith.mulf %get3A_524, %mul3A_525 : vector<16xf32>
        %add3A_527 = arith.constant 3 : i32
        %add3A_528 = arith.addi %mul3A_93, %add3A_527 : i32
        %swap3A_529 = arith.index_cast %add3A_528 : i32 to index
        %swap3A_530 = arith.constant 64 : index
        %swap3A_531 = tpu.vector_load %arg10[%swap3A_529, %swap3A_530] {strides = array<i32>} : memref<64x128xf32, #tpu.memory_space<vmem>>, vector<1x16xf32>,
        %swap3A_532 = vector.shape_cast %swap3A_531 : vector<1x16xf32> to vector<16xf32>
        %swap3A_533 = vector.shape_cast %mul3A_526 : vector<16xf32> to vector<1x16xf32>
        tpu.vector_store %arg10[%swap3A_529, %swap3A_530], %swap3A_533 {strides = array<i32>} : memref<64x128xf32, #tpu.memory_space<vmem>>, vector<1x16xf32>,
        %add3A_534 = arith.constant 3 : i32
        %add3A_535 = arith.addi %mul3A_93, %add3A_534 : i32
        %get3A_536 = arith.index_cast %add3A_535 : i32 to index
        %get3A_537 = arith.constant 80 : index
        %get3A_538 = tpu.vector_load %arg10[%get3A_536, %get3A_537] {strides = array<i32>} : memref<64x128xf32, #tpu.memory_space<vmem>>, vector<1x16xf32>,
        %get3A_539 = vector.shape_cast %get3A_538 : vector<1x16xf32> to vector<16xf32>
        %mul3A_540 = vector.broadcast %squeeze3A_458 : f32 to vector<16xf32>
        %mul3A_541 = arith.mulf %get3A_539, %mul3A_540 : vector<16xf32>
        %add3A_542 = arith.constant 3 : i32
        %add3A_543 = arith.addi %mul3A_93, %add3A_542 : i32
        %swap3A_544 = arith.index_cast %add3A_543 : i32 to index
        %swap3A_545 = arith.constant 80 : index
        %swap3A_546 = tpu.vector_load %arg10[%swap3A_544, %swap3A_545] {strides = array<i32>} : memref<64x128xf32, #tpu.memory_space<vmem>>, vector<1x16xf32>,
        %swap3A_547 = vector.shape_cast %swap3A_546 : vector<1x16xf32> to vector<16xf32>
        %swap3A_548 = vector.shape_cast %mul3A_541 : vector<16xf32> to vector<1x16xf32>
        tpu.vector_store %arg10[%swap3A_544, %swap3A_545], %swap3A_548 {strides = array<i32>} : memref<64x128xf32, #tpu.memory_space<vmem>>, vector<1x16xf32>,
        %add3A_549 = arith.constant 3 : i32
        %add3A_550 = arith.addi %mul3A_93, %add3A_549 : i32
        %get3A_551 = arith.index_cast %add3A_550 : i32 to index
        %get3A_552 = arith.constant 96 : index
        %get3A_553 = tpu.vector_load %arg10[%get3A_551, %get3A_552] {strides = array<i32>} : memref<64x128xf32, #tpu.memory_space<vmem>>, vector<1x16xf32>,
        %get3A_554 = vector.shape_cast %get3A_553 : vector<1x16xf32> to vector<16xf32>
        %mul3A_555 = vector.broadcast %squeeze3A_458 : f32 to vector<16xf32>
        %mul3A_556 = arith.mulf %get3A_554, %mul3A_555 : vector<16xf32>
        %add3A_557 = arith.constant 3 : i32
        %add3A_558 = arith.addi %mul3A_93, %add3A_557 : i32
        %swap3A_559 = arith.index_cast %add3A_558 : i32 to index
        %swap3A_560 = arith.constant 96 : index
        %swap3A_561 = tpu.vector_load %arg10[%swap3A_559, %swap3A_560] {strides = array<i32>} : memref<64x128xf32, #tpu.memory_space<vmem>>, vector<1x16xf32>,
        %swap3A_562 = vector.shape_cast %swap3A_561 : vector<1x16xf32> to vector<16xf32>
        %swap3A_563 = vector.shape_cast %mul3A_556 : vector<16xf32> to vector<1x16xf32>
        tpu.vector_store %arg10[%swap3A_559, %swap3A_560], %swap3A_563 {strides = array<i32>} : memref<64x128xf32, #tpu.memory_space<vmem>>, vector<1x16xf32>,
        %add3A_564 = arith.constant 3 : i32
        %add3A_565 = arith.addi %mul3A_93, %add3A_564 : i32
        %get3A_566 = arith.index_cast %add3A_565 : i32 to index
        %get3A_567 = arith.constant 112 : index
        %get3A_568 = tpu.vector_load %arg10[%get3A_566, %get3A_567] {strides = array<i32>} : memref<64x128xf32, #tpu.memory_space<vmem>>, vector<1x16xf32>,
        %get3A_569 = vector.shape_cast %get3A_568 : vector<1x16xf32> to vector<16xf32>
        %mul3A_570 = vector.broadcast %squeeze3A_458 : f32 to vector<16xf32>
        %mul3A_571 = arith.mulf %get3A_569, %mul3A_570 : vector<16xf32>
        %add3A_572 = arith.constant 3 : i32
        %add3A_573 = arith.addi %mul3A_93, %add3A_572 : i32
        %swap3A_574 = arith.index_cast %add3A_573 : i32 to index
        %swap3A_575 = arith.constant 112 : index
        %swap3A_576 = tpu.vector_load %arg10[%swap3A_574, %swap3A_575] {strides = array<i32>} : memref<64x128xf32, #tpu.memory_space<vmem>>, vector<1x16xf32>,
        %swap3A_577 = vector.shape_cast %swap3A_576 : vector<1x16xf32> to vector<16xf32>
        %swap3A_578 = vector.shape_cast %mul3A_571 : vector<16xf32> to vector<1x16xf32>
        tpu.vector_store %arg10[%swap3A_574, %swap3A_575], %swap3A_578 {strides = array<i32>} : memref<64x128xf32, #tpu.memory_space<vmem>>, vector<1x16xf32>,
        %slice3A_579 = vector.extract_strided_slice %get3A_91 {offsets = [4], sizes = [1], strides = [1]} : vector<16xf32> to vector<1xf32>
        %squeeze3A_580 = vector.extract %slice3A_579[0] : f32 from vector<1xf32>
        %add3A_581 = arith.constant 4 : i32
        %add3A_582 = arith.addi %mul3A_93, %add3A_581 : i32
        %get3A_583 = arith.index_cast %add3A_582 : i32 to index
        %get3A_584 = arith.constant 0 : index
        %get3A_585 = tpu.vector_load %arg10[%get3A_583, %get3A_584] {strides = array<i32>} : memref<64x128xf32, #tpu.memory_space<vmem>>, vector<1x16xf32>,
        %get3A_586 = vector.shape_cast %get3A_585 : vector<1x16xf32> to vector<16xf32>
        %mul3A_587 = vector.broadcast %squeeze3A_580 : f32 to vector<16xf32>
        %mul3A_588 = arith.mulf %get3A_586, %mul3A_587 : vector<16xf32>
        %add3A_589 = arith.constant 4 : i32
        %add3A_590 = arith.addi %mul3A_93, %add3A_589 : i32
        %swap3A_591 = arith.index_cast %add3A_590 : i32 to index
        %swap3A_592 = arith.constant 0 : index
        %swap3A_593 = tpu.vector_load %arg10[%swap3A_591, %swap3A_592] {strides = array<i32>} : memref<64x128xf32, #tpu.memory_space<vmem>>, vector<1x16xf32>,
        %swap3A_594 = vector.shape_cast %swap3A_593 : vector<1x16xf32> to vector<16xf32>
        %swap3A_595 = vector.shape_cast %mul3A_588 : vector<16xf32> to vector<1x16xf32>
        tpu.vector_store %arg10[%swap3A_591, %swap3A_592], %swap3A_595 {strides = array<i32>} : memref<64x128xf32, #tpu.memory_space<vmem>>, vector<1x16xf32>,
        %add3A_596 = arith.constant 4 : i32
        %add3A_597 = arith.addi %mul3A_93, %add3A_596 : i32
        %get3A_598 = arith.index_cast %add3A_597 : i32 to index
        %get3A_599 = arith.constant 16 : index
        %get3A_600 = tpu.vector_load %arg10[%get3A_598, %get3A_599] {strides = array<i32>} : memref<64x128xf32, #tpu.memory_space<vmem>>, vector<1x16xf32>,
        %get3A_601 = vector.shape_cast %get3A_600 : vector<1x16xf32> to vector<16xf32>
        %mul3A_602 = vector.broadcast %squeeze3A_580 : f32 to vector<16xf32>
        %mul3A_603 = arith.mulf %get3A_601, %mul3A_602 : vector<16xf32>
        %add3A_604 = arith.constant 4 : i32
        %add3A_605 = arith.addi %mul3A_93, %add3A_604 : i32
        %swap3A_606 = arith.index_cast %add3A_605 : i32 to index
        %swap3A_607 = arith.constant 16 : index
        %swap3A_608 = tpu.vector_load %arg10[%swap3A_606, %swap3A_607] {strides = array<i32>} : memref<64x128xf32, #tpu.memory_space<vmem>>, vector<1x16xf32>,
        %swap3A_609 = vector.shape_cast %swap3A_608 : vector<1x16xf32> to vector<16xf32>
        %swap3A_610 = vector.shape_cast %mul3A_603 : vector<16xf32> to vector<1x16xf32>
        tpu.vector_store %arg10[%swap3A_606, %swap3A_607], %swap3A_610 {strides = array<i32>} : memref<64x128xf32, #tpu.memory_space<vmem>>, vector<1x16xf32>,
        %add3A_611 = arith.constant 4 : i32
        %add3A_612 = arith.addi %mul3A_93, %add3A_611 : i32
        %get3A_613 = arith.index_cast %add3A_612 : i32 to index
        %get3A_614 = arith.constant 32 : index
        %get3A_615 = tpu.vector_load %arg10[%get3A_613, %get3A_614] {strides = array<i32>} : memref<64x128xf32, #tpu.memory_space<vmem>>, vector<1x16xf32>,
        %get3A_616 = vector.shape_cast %get3A_615 : vector<1x16xf32> to vector<16xf32>
        %mul3A_617 = vector.broadcast %squeeze3A_580 : f32 to vector<16xf32>
        %mul3A_618 = arith.mulf %get3A_616, %mul3A_617 : vector<16xf32>
        %add3A_619 = arith.constant 4 : i32
        %add3A_620 = arith.addi %mul3A_93, %add3A_619 : i32
        %swap3A_621 = arith.index_cast %add3A_620 : i32 to index
        %swap3A_622 = arith.constant 32 : index
        %swap3A_623 = tpu.vector_load %arg10[%swap3A_621, %swap3A_622] {strides = array<i32>} : memref<64x128xf32, #tpu.memory_space<vmem>>, vector<1x16xf32>,
        %swap3A_624 = vector.shape_cast %swap3A_623 : vector<1x16xf32> to vector<16xf32>
        %swap3A_625 = vector.shape_cast %mul3A_618 : vector<16xf32> to vector<1x16xf32>
        tpu.vector_store %arg10[%swap3A_621, %swap3A_622], %swap3A_625 {strides = array<i32>} : memref<64x128xf32, #tpu.memory_space<vmem>>, vector<1x16xf32>,
        %add3A_626 = arith.constant 4 : i32
        %add3A_627 = arith.addi %mul3A_93, %add3A_626 : i32
        %get3A_628 = arith.index_cast %add3A_627 : i32 to index
        %get3A_629 = arith.constant 48 : index
        %get3A_630 = tpu.vector_load %arg10[%get3A_628, %get3A_629] {strides = array<i32>} : memref<64x128xf32, #tpu.memory_space<vmem>>, vector<1x16xf32>,
        %get3A_631 = vector.shape_cast %get3A_630 : vector<1x16xf32> to vector<16xf32>
        %mul3A_632 = vector.broadcast %squeeze3A_580 : f32 to vector<16xf32>
        %mul3A_633 = arith.mulf %get3A_631, %mul3A_632 : vector<16xf32>
        %add3A_634 = arith.constant 4 : i32
        %add3A_635 = arith.addi %mul3A_93, %add3A_634 : i32
        %swap3A_636 = arith.index_cast %add3A_635 : i32 to index
        %swap3A_637 = arith.constant 48 : index
        %swap3A_638 = tpu.vector_load %arg10[%swap3A_636, %swap3A_637] {strides = array<i32>} : memref<64x128xf32, #tpu.memory_space<vmem>>, vector<1x16xf32>,
        %swap3A_639 = vector.shape_cast %swap3A_638 : vector<1x16xf32> to vector<16xf32>
        %swap3A_640 = vector.shape_cast %mul3A_633 : vector<16xf32> to vector<1x16xf32>
        tpu.vector_store %arg10[%swap3A_636, %swap3A_637], %swap3A_640 {strides = array<i32>} : memref<64x128xf32, #tpu.memory_space<vmem>>, vector<1x16xf32>,
        %add3A_641 = arith.constant 4 : i32
        %add3A_642 = arith.addi %mul3A_93, %add3A_641 : i32
        %get3A_643 = arith.index_cast %add3A_642 : i32 to index
        %get3A_644 = arith.constant 64 : index
        %get3A_645 = tpu.vector_load %arg10[%get3A_643, %get3A_644] {strides = array<i32>} : memref<64x128xf32, #tpu.memory_space<vmem>>, vector<1x16xf32>,
        %get3A_646 = vector.shape_cast %get3A_645 : vector<1x16xf32> to vector<16xf32>
        %mul3A_647 = vector.broadcast %squeeze3A_580 : f32 to vector<16xf32>
        %mul3A_648 = arith.mulf %get3A_646, %mul3A_647 : vector<16xf32>
        %add3A_649 = arith.constant 4 : i32
        %add3A_650 = arith.addi %mul3A_93, %add3A_649 : i32
        %swap3A_651 = arith.index_cast %add3A_650 : i32 to index
        %swap3A_652 = arith.constant 64 : index
        %swap3A_653 = tpu.vector_load %arg10[%swap3A_651, %swap3A_652] {strides = array<i32>} : memref<64x128xf32, #tpu.memory_space<vmem>>, vector<1x16xf32>,
        %swap3A_654 = vector.shape_cast %swap3A_653 : vector<1x16xf32> to vector<16xf32>
        %swap3A_655 = vector.shape_cast %mul3A_648 : vector<16xf32> to vector<1x16xf32>
        tpu.vector_store %arg10[%swap3A_651, %swap3A_652], %swap3A_655 {strides = array<i32>} : memref<64x128xf32, #tpu.memory_space<vmem>>, vector<1x16xf32>,
        %add3A_656 = arith.constant 4 : i32
        %add3A_657 = arith.addi %mul3A_93, %add3A_656 : i32
        %get3A_658 = arith.index_cast %add3A_657 : i32 to index
        %get3A_659 = arith.constant 80 : index
        %get3A_660 = tpu.vector_load %arg10[%get3A_658, %get3A_659] {strides = array<i32>} : memref<64x128xf32, #tpu.memory_space<vmem>>, vector<1x16xf32>,
        %get3A_661 = vector.shape_cast %get3A_660 : vector<1x16xf32> to vector<16xf32>
        %mul3A_662 = vector.broadcast %squeeze3A_580 : f32 to vector<16xf32>
        %mul3A_663 = arith.mulf %get3A_661, %mul3A_662 : vector<16xf32>
        %add3A_664 = arith.constant 4 : i32
        %add3A_665 = arith.addi %mul3A_93, %add3A_664 : i32
        %swap3A_666 = arith.index_cast %add3A_665 : i32 to index
        %swap3A_667 = arith.constant 80 : index
        %swap3A_668 = tpu.vector_load %arg10[%swap3A_666, %swap3A_667] {strides = array<i32>} : memref<64x128xf32, #tpu.memory_space<vmem>>, vector<1x16xf32>,
        %swap3A_669 = vector.shape_cast %swap3A_668 : vector<1x16xf32> to vector<16xf32>
        %swap3A_670 = vector.shape_cast %mul3A_663 : vector<16xf32> to vector<1x16xf32>
        tpu.vector_store %arg10[%swap3A_666, %swap3A_667], %swap3A_670 {strides = array<i32>} : memref<64x128xf32, #tpu.memory_space<vmem>>, vector<1x16xf32>,
        %add3A_671 = arith.constant 4 : i32
        %add3A_672 = arith.addi %mul3A_93, %add3A_671 : i32
        %get3A_673 = arith.index_cast %add3A_672 : i32 to index
        %get3A_674 = arith.constant 96 : index
        %get3A_675 = tpu.vector_load %arg10[%get3A_673, %get3A_674] {strides = array<i32>} : memref<64x128xf32, #tpu.memory_space<vmem>>, vector<1x16xf32>,
        %get3A_676 = vector.shape_cast %get3A_675 : vector<1x16xf32> to vector<16xf32>
        %mul3A_677 = vector.broadcast %squeeze3A_580 : f32 to vector<16xf32>
        %mul3A_678 = arith.mulf %get3A_676, %mul3A_677 : vector<16xf32>
        %add3A_679 = arith.constant 4 : i32
        %add3A_680 = arith.addi %mul3A_93, %add3A_679 : i32
        %swap3A_681 = arith.index_cast %add3A_680 : i32 to index
        %swap3A_682 = arith.constant 96 : index
        %swap3A_683 = tpu.vector_load %arg10[%swap3A_681, %swap3A_682] {strides = array<i32>} : memref<64x128xf32, #tpu.memory_space<vmem>>, vector<1x16xf32>,
        %swap3A_684 = vector.shape_cast %swap3A_683 : vector<1x16xf32> to vector<16xf32>
        %swap3A_685 = vector.shape_cast %mul3A_678 : vector<16xf32> to vector<1x16xf32>
        tpu.vector_store %arg10[%swap3A_681, %swap3A_682], %swap3A_685 {strides = array<i32>} : memref<64x128xf32, #tpu.memory_space<vmem>>, vector<1x16xf32>,
        %add3A_686 = arith.constant 4 : i32
        %add3A_687 = arith.addi %mul3A_93, %add3A_686 : i32
        %get3A_688 = arith.index_cast %add3A_687 : i32 to index
        %get3A_689 = arith.constant 112 : index
        %get3A_690 = tpu.vector_load %arg10[%get3A_688, %get3A_689] {strides = array<i32>} : memref<64x128xf32, #tpu.memory_space<vmem>>, vector<1x16xf32>,
        %get3A_691 = vector.shape_cast %get3A_690 : vector<1x16xf32> to vector<16xf32>
        %mul3A_692 = vector.broadcast %squeeze3A_580 : f32 to vector<16xf32>
        %mul3A_693 = arith.mulf %get3A_691, %mul3A_692 : vector<16xf32>
        %add3A_694 = arith.constant 4 : i32
        %add3A_695 = arith.addi %mul3A_93, %add3A_694 : i32
        %swap3A_696 = arith.index_cast %add3A_695 : i32 to index
        %swap3A_697 = arith.constant 112 : index
        %swap3A_698 = tpu.vector_load %arg10[%swap3A_696, %swap3A_697] {strides = array<i32>} : memref<64x128xf32, #tpu.memory_space<vmem>>, vector<1x16xf32>,
        %swap3A_699 = vector.shape_cast %swap3A_698 : vector<1x16xf32> to vector<16xf32>
        %swap3A_700 = vector.shape_cast %mul3A_693 : vector<16xf32> to vector<1x16xf32>
        tpu.vector_store %arg10[%swap3A_696, %swap3A_697], %swap3A_700 {strides = array<i32>} : memref<64x128xf32, #tpu.memory_space<vmem>>, vector<1x16xf32>,
        %slice3A_701 = vector.extract_strided_slice %get3A_91 {offsets = [5], sizes = [1], strides = [1]} : vector<16xf32> to vector<1xf32>
        %squeeze3A_702 = vector.extract %slice3A_701[0] : f32 from vector<1xf32>
        %add3A_703 = arith.constant 5 : i32
        %add3A_704 = arith.addi %mul3A_93, %add3A_703 : i32
        %get3A_705 = arith.index_cast %add3A_704 : i32 to index
        %get3A_706 = arith.constant 0 : index
        %get3A_707 = tpu.vector_load %arg10[%get3A_705, %get3A_706] {strides = array<i32>} : memref<64x128xf32, #tpu.memory_space<vmem>>, vector<1x16xf32>,
        %get3A_708 = vector.shape_cast %get3A_707 : vector<1x16xf32> to vector<16xf32>
        %mul3A_709 = vector.broadcast %squeeze3A_702 : f32 to vector<16xf32>
        %mul3A_710 = arith.mulf %get3A_708, %mul3A_709 : vector<16xf32>
        %add3A_711 = arith.constant 5 : i32
        %add3A_712 = arith.addi %mul3A_93, %add3A_711 : i32
        %swap3A_713 = arith.index_cast %add3A_712 : i32 to index
        %swap3A_714 = arith.constant 0 : index
        %swap3A_715 = tpu.vector_load %arg10[%swap3A_713, %swap3A_714] {strides = array<i32>} : memref<64x128xf32, #tpu.memory_space<vmem>>, vector<1x16xf32>,
        %swap3A_716 = vector.shape_cast %swap3A_715 : vector<1x16xf32> to vector<16xf32>
        %swap3A_717 = vector.shape_cast %mul3A_710 : vector<16xf32> to vector<1x16xf32>
        tpu.vector_store %arg10[%swap3A_713, %swap3A_714], %swap3A_717 {strides = array<i32>} : memref<64x128xf32, #tpu.memory_space<vmem>>, vector<1x16xf32>,
        %add3A_718 = arith.constant 5 : i32
        %add3A_719 = arith.addi %mul3A_93, %add3A_718 : i32
        %get3A_720 = arith.index_cast %add3A_719 : i32 to index
        %get3A_721 = arith.constant 16 : index
        %get3A_722 = tpu.vector_load %arg10[%get3A_720, %get3A_721] {strides = array<i32>} : memref<64x128xf32, #tpu.memory_space<vmem>>, vector<1x16xf32>,
        %get3A_723 = vector.shape_cast %get3A_722 : vector<1x16xf32> to vector<16xf32>
        %mul3A_724 = vector.broadcast %squeeze3A_702 : f32 to vector<16xf32>
        %mul3A_725 = arith.mulf %get3A_723, %mul3A_724 : vector<16xf32>
        %add3A_726 = arith.constant 5 : i32
        %add3A_727 = arith.addi %mul3A_93, %add3A_726 : i32
        %swap3A_728 = arith.index_cast %add3A_727 : i32 to index
        %swap3A_729 = arith.constant 16 : index
        %swap3A_730 = tpu.vector_load %arg10[%swap3A_728, %swap3A_729] {strides = array<i32>} : memref<64x128xf32, #tpu.memory_space<vmem>>, vector<1x16xf32>,
        %swap3A_731 = vector.shape_cast %swap3A_730 : vector<1x16xf32> to vector<16xf32>
        %swap3A_732 = vector.shape_cast %mul3A_725 : vector<16xf32> to vector<1x16xf32>
        tpu.vector_store %arg10[%swap3A_728, %swap3A_729], %swap3A_732 {strides = array<i32>} : memref<64x128xf32, #tpu.memory_space<vmem>>, vector<1x16xf32>,
        %add3A_733 = arith.constant 5 : i32
        %add3A_734 = arith.addi %mul3A_93, %add3A_733 : i32
        %get3A_735 = arith.index_cast %add3A_734 : i32 to index
        %get3A_736 = arith.constant 32 : index
        %get3A_737 = tpu.vector_load %arg10[%get3A_735, %get3A_736] {strides = array<i32>} : memref<64x128xf32, #tpu.memory_space<vmem>>, vector<1x16xf32>,
        %get3A_738 = vector.shape_cast %get3A_737 : vector<1x16xf32> to vector<16xf32>
        %mul3A_739 = vector.broadcast %squeeze3A_702 : f32 to vector<16xf32>
        %mul3A_740 = arith.mulf %get3A_738, %mul3A_739 : vector<16xf32>
        %add3A_741 = arith.constant 5 : i32
        %add3A_742 = arith.addi %mul3A_93, %add3A_741 : i32
        %swap3A_743 = arith.index_cast %add3A_742 : i32 to index
        %swap3A_744 = arith.constant 32 : index
        %swap3A_745 = tpu.vector_load %arg10[%swap3A_743, %swap3A_744] {strides = array<i32>} : memref<64x128xf32, #tpu.memory_space<vmem>>, vector<1x16xf32>,
        %swap3A_746 = vector.shape_cast %swap3A_745 : vector<1x16xf32> to vector<16xf32>
        %swap3A_747 = vector.shape_cast %mul3A_740 : vector<16xf32> to vector<1x16xf32>
        tpu.vector_store %arg10[%swap3A_743, %swap3A_744], %swap3A_747 {strides = array<i32>} : memref<64x128xf32, #tpu.memory_space<vmem>>, vector<1x16xf32>,
        %add3A_748 = arith.constant 5 : i32
        %add3A_749 = arith.addi %mul3A_93, %add3A_748 : i32
        %get3A_750 = arith.index_cast %add3A_749 : i32 to index
        %get3A_751 = arith.constant 48 : index
        %get3A_752 = tpu.vector_load %arg10[%get3A_750, %get3A_751] {strides = array<i32>} : memref<64x128xf32, #tpu.memory_space<vmem>>, vector<1x16xf32>,
        %get3A_753 = vector.shape_cast %get3A_752 : vector<1x16xf32> to vector<16xf32>
        %mul3A_754 = vector.broadcast %squeeze3A_702 : f32 to vector<16xf32>
        %mul3A_755 = arith.mulf %get3A_753, %mul3A_754 : vector<16xf32>
        %add3A_756 = arith.constant 5 : i32
        %add3A_757 = arith.addi %mul3A_93, %add3A_756 : i32
        %swap3A_758 = arith.index_cast %add3A_757 : i32 to index
        %swap3A_759 = arith.constant 48 : index
        %swap3A_760 = tpu.vector_load %arg10[%swap3A_758, %swap3A_759] {strides = array<i32>} : memref<64x128xf32, #tpu.memory_space<vmem>>, vector<1x16xf32>,
        %swap3A_761 = vector.shape_cast %swap3A_760 : vector<1x16xf32> to vector<16xf32>
        %swap3A_762 = vector.shape_cast %mul3A_755 : vector<16xf32> to vector<1x16xf32>
        tpu.vector_store %arg10[%swap3A_758, %swap3A_759], %swap3A_762 {strides = array<i32>} : memref<64x128xf32, #tpu.memory_space<vmem>>, vector<1x16xf32>,
        %add3A_763 = arith.constant 5 : i32
        %add3A_764 = arith.addi %mul3A_93, %add3A_763 : i32
        %get3A_765 = arith.index_cast %add3A_764 : i32 to index
        %get3A_766 = arith.constant 64 : index
        %get3A_767 = tpu.vector_load %arg10[%get3A_765, %get3A_766] {strides = array<i32>} : memref<64x128xf32, #tpu.memory_space<vmem>>, vector<1x16xf32>,
        %get3A_768 = vector.shape_cast %get3A_767 : vector<1x16xf32> to vector<16xf32>
        %mul3A_769 = vector.broadcast %squeeze3A_702 : f32 to vector<16xf32>
        %mul3A_770 = arith.mulf %get3A_768, %mul3A_769 : vector<16xf32>
        %add3A_771 = arith.constant 5 : i32
        %add3A_772 = arith.addi %mul3A_93, %add3A_771 : i32
        %swap3A_773 = arith.index_cast %add3A_772 : i32 to index
        %swap3A_774 = arith.constant 64 : index
        %swap3A_775 = tpu.vector_load %arg10[%swap3A_773, %swap3A_774] {strides = array<i32>} : memref<64x128xf32, #tpu.memory_space<vmem>>, vector<1x16xf32>,
        %swap3A_776 = vector.shape_cast %swap3A_775 : vector<1x16xf32> to vector<16xf32>
        %swap3A_777 = vector.shape_cast %mul3A_770 : vector<16xf32> to vector<1x16xf32>
        tpu.vector_store %arg10[%swap3A_773, %swap3A_774], %swap3A_777 {strides = array<i32>} : memref<64x128xf32, #tpu.memory_space<vmem>>, vector<1x16xf32>,
        %add3A_778 = arith.constant 5 : i32
        %add3A_779 = arith.addi %mul3A_93, %add3A_778 : i32
        %get3A_780 = arith.index_cast %add3A_779 : i32 to index
        %get3A_781 = arith.constant 80 : index
        %get3A_782 = tpu.vector_load %arg10[%get3A_780, %get3A_781] {strides = array<i32>} : memref<64x128xf32, #tpu.memory_space<vmem>>, vector<1x16xf32>,
        %get3A_783 = vector.shape_cast %get3A_782 : vector<1x16xf32> to vector<16xf32>
        %mul3A_784 = vector.broadcast %squeeze3A_702 : f32 to vector<16xf32>
        %mul3A_785 = arith.mulf %get3A_783, %mul3A_784 : vector<16xf32>
        %add3A_786 = arith.constant 5 : i32
        %add3A_787 = arith.addi %mul3A_93, %add3A_786 : i32
        %swap3A_788 = arith.index_cast %add3A_787 : i32 to index
        %swap3A_789 = arith.constant 80 : index
        %swap3A_790 = tpu.vector_load %arg10[%swap3A_788, %swap3A_789] {strides = array<i32>} : memref<64x128xf32, #tpu.memory_space<vmem>>, vector<1x16xf32>,
        %swap3A_791 = vector.shape_cast %swap3A_790 : vector<1x16xf32> to vector<16xf32>
        %swap3A_792 = vector.shape_cast %mul3A_785 : vector<16xf32> to vector<1x16xf32>
        tpu.vector_store %arg10[%swap3A_788, %swap3A_789], %swap3A_792 {strides = array<i32>} : memref<64x128xf32, #tpu.memory_space<vmem>>, vector<1x16xf32>,
        %add3A_793 = arith.constant 5 : i32
        %add3A_794 = arith.addi %mul3A_93, %add3A_793 : i32
        %get3A_795 = arith.index_cast %add3A_794 : i32 to index
        %get3A_796 = arith.constant 96 : index
        %get3A_797 = tpu.vector_load %arg10[%get3A_795, %get3A_796] {strides = array<i32>} : memref<64x128xf32, #tpu.memory_space<vmem>>, vector<1x16xf32>,
        %get3A_798 = vector.shape_cast %get3A_797 : vector<1x16xf32> to vector<16xf32>
        %mul3A_799 = vector.broadcast %squeeze3A_702 : f32 to vector<16xf32>
        %mul3A_800 = arith.mulf %get3A_798, %mul3A_799 : vector<16xf32>
        %add3A_801 = arith.constant 5 : i32
        %add3A_802 = arith.addi %mul3A_93, %add3A_801 : i32
        %swap3A_803 = arith.index_cast %add3A_802 : i32 to index
        %swap3A_804 = arith.constant 96 : index
        %swap3A_805 = tpu.vector_load %arg10[%swap3A_803, %swap3A_804] {strides = array<i32>} : memref<64x128xf32, #tpu.memory_space<vmem>>, vector<1x16xf32>,
        %swap3A_806 = vector.shape_cast %swap3A_805 : vector<1x16xf32> to vector<16xf32>
        %swap3A_807 = vector.shape_cast %mul3A_800 : vector<16xf32> to vector<1x16xf32>
        tpu.vector_store %arg10[%swap3A_803, %swap3A_804], %swap3A_807 {strides = array<i32>} : memref<64x128xf32, #tpu.memory_space<vmem>>, vector<1x16xf32>,
        %add3A_808 = arith.constant 5 : i32
        %add3A_809 = arith.addi %mul3A_93, %add3A_808 : i32
        %get3A_810 = arith.index_cast %add3A_809 : i32 to index
        %get3A_811 = arith.constant 112 : index
        %get3A_812 = tpu.vector_load %arg10[%get3A_810, %get3A_811] {strides = array<i32>} : memref<64x128xf32, #tpu.memory_space<vmem>>, vector<1x16xf32>,
        %get3A_813 = vector.shape_cast %get3A_812 : vector<1x16xf32> to vector<16xf32>
        %mul3A_814 = vector.broadcast %squeeze3A_702 : f32 to vector<16xf32>
        %mul3A_815 = arith.mulf %get3A_813, %mul3A_814 : vector<16xf32>
        %add3A_816 = arith.constant 5 : i32
        %add3A_817 = arith.addi %mul3A_93, %add3A_816 : i32
        %swap3A_818 = arith.index_cast %add3A_817 : i32 to index
        %swap3A_819 = arith.constant 112 : index
        %swap3A_820 = tpu.vector_load %arg10[%swap3A_818, %swap3A_819] {strides = array<i32>} : memref<64x128xf32, #tpu.memory_space<vmem>>, vector<1x16xf32>,
        %swap3A_821 = vector.shape_cast %swap3A_820 : vector<1x16xf32> to vector<16xf32>
        %swap3A_822 = vector.shape_cast %mul3A_815 : vector<16xf32> to vector<1x16xf32>
        tpu.vector_store %arg10[%swap3A_818, %swap3A_819], %swap3A_822 {strides = array<i32>} : memref<64x128xf32, #tpu.memory_space<vmem>>, vector<1x16xf32>,
        %slice3A_823 = vector.extract_strided_slice %get3A_91 {offsets = [6], sizes = [1], strides = [1]} : vector<16xf32> to vector<1xf32>
        %squeeze3A_824 = vector.extract %slice3A_823[0] : f32 from vector<1xf32>
        %add3A_825 = arith.constant 6 : i32
        %add3A_826 = arith.addi %mul3A_93, %add3A_825 : i32
        %get3A_827 = arith.index_cast %add3A_826 : i32 to index
        %get3A_828 = arith.constant 0 : index
        %get3A_829 = tpu.vector_load %arg10[%get3A_827, %get3A_828] {strides = array<i32>} : memref<64x128xf32, #tpu.memory_space<vmem>>, vector<1x16xf32>,
        %get3A_830 = vector.shape_cast %get3A_829 : vector<1x16xf32> to vector<16xf32>
        %mul3A_831 = vector.broadcast %squeeze3A_824 : f32 to vector<16xf32>
        %mul3A_832 = arith.mulf %get3A_830, %mul3A_831 : vector<16xf32>
        %add3A_833 = arith.constant 6 : i32
        %add3A_834 = arith.addi %mul3A_93, %add3A_833 : i32
        %swap3A_835 = arith.index_cast %add3A_834 : i32 to index
        %swap3A_836 = arith.constant 0 : index
        %swap3A_837 = tpu.vector_load %arg10[%swap3A_835, %swap3A_836] {strides = array<i32>} : memref<64x128xf32, #tpu.memory_space<vmem>>, vector<1x16xf32>,
        %swap3A_838 = vector.shape_cast %swap3A_837 : vector<1x16xf32> to vector<16xf32>
        %swap3A_839 = vector.shape_cast %mul3A_832 : vector<16xf32> to vector<1x16xf32>
        tpu.vector_store %arg10[%swap3A_835, %swap3A_836], %swap3A_839 {strides = array<i32>} : memref<64x128xf32, #tpu.memory_space<vmem>>, vector<1x16xf32>,
        %add3A_840 = arith.constant 6 : i32
        %add3A_841 = arith.addi %mul3A_93, %add3A_840 : i32
        %get3A_842 = arith.index_cast %add3A_841 : i32 to index
        %get3A_843 = arith.constant 16 : index
        %get3A_844 = tpu.vector_load %arg10[%get3A_842, %get3A_843] {strides = array<i32>} : memref<64x128xf32, #tpu.memory_space<vmem>>, vector<1x16xf32>,
        %get3A_845 = vector.shape_cast %get3A_844 : vector<1x16xf32> to vector<16xf32>
        %mul3A_846 = vector.broadcast %squeeze3A_824 : f32 to vector<16xf32>
        %mul3A_847 = arith.mulf %get3A_845, %mul3A_846 : vector<16xf32>
        %add3A_848 = arith.constant 6 : i32
        %add3A_849 = arith.addi %mul3A_93, %add3A_848 : i32
        %swap3A_850 = arith.index_cast %add3A_849 : i32 to index
        %swap3A_851 = arith.constant 16 : index
        %swap3A_852 = tpu.vector_load %arg10[%swap3A_850, %swap3A_851] {strides = array<i32>} : memref<64x128xf32, #tpu.memory_space<vmem>>, vector<1x16xf32>,
        %swap3A_853 = vector.shape_cast %swap3A_852 : vector<1x16xf32> to vector<16xf32>
        %swap3A_854 = vector.shape_cast %mul3A_847 : vector<16xf32> to vector<1x16xf32>
        tpu.vector_store %arg10[%swap3A_850, %swap3A_851], %swap3A_854 {strides = array<i32>} : memref<64x128xf32, #tpu.memory_space<vmem>>, vector<1x16xf32>,
        %add3A_855 = arith.constant 6 : i32
        %add3A_856 = arith.addi %mul3A_93, %add3A_855 : i32
        %get3A_857 = arith.index_cast %add3A_856 : i32 to index
        %get3A_858 = arith.constant 32 : index
        %get3A_859 = tpu.vector_load %arg10[%get3A_857, %get3A_858] {strides = array<i32>} : memref<64x128xf32, #tpu.memory_space<vmem>>, vector<1x16xf32>,
        %get3A_860 = vector.shape_cast %get3A_859 : vector<1x16xf32> to vector<16xf32>
        %mul3A_861 = vector.broadcast %squeeze3A_824 : f32 to vector<16xf32>
        %mul3A_862 = arith.mulf %get3A_860, %mul3A_861 : vector<16xf32>
        %add3A_863 = arith.constant 6 : i32
        %add3A_864 = arith.addi %mul3A_93, %add3A_863 : i32
        %swap3A_865 = arith.index_cast %add3A_864 : i32 to index
        %swap3A_866 = arith.constant 32 : index
        %swap3A_867 = tpu.vector_load %arg10[%swap3A_865, %swap3A_866] {strides = array<i32>} : memref<64x128xf32, #tpu.memory_space<vmem>>, vector<1x16xf32>,
        %swap3A_868 = vector.shape_cast %swap3A_867 : vector<1x16xf32> to vector<16xf32>
        %swap3A_869 = vector.shape_cast %mul3A_862 : vector<16xf32> to vector<1x16xf32>
        tpu.vector_store %arg10[%swap3A_865, %swap3A_866], %swap3A_869 {strides = array<i32>} : memref<64x128xf32, #tpu.memory_space<vmem>>, vector<1x16xf32>,
        %add3A_870 = arith.constant 6 : i32
        %add3A_871 = arith.addi %mul3A_93, %add3A_870 : i32
        %get3A_872 = arith.index_cast %add3A_871 : i32 to index
        %get3A_873 = arith.constant 48 : index
        %get3A_874 = tpu.vector_load %arg10[%get3A_872, %get3A_873] {strides = array<i32>} : memref<64x128xf32, #tpu.memory_space<vmem>>, vector<1x16xf32>,
        %get3A_875 = vector.shape_cast %get3A_874 : vector<1x16xf32> to vector<16xf32>
        %mul3A_876 = vector.broadcast %squeeze3A_824 : f32 to vector<16xf32>
        %mul3A_877 = arith.mulf %get3A_875, %mul3A_876 : vector<16xf32>
        %add3A_878 = arith.constant 6 : i32
        %add3A_879 = arith.addi %mul3A_93, %add3A_878 : i32
        %swap3A_880 = arith.index_cast %add3A_879 : i32 to index
        %swap3A_881 = arith.constant 48 : index
        %swap3A_882 = tpu.vector_load %arg10[%swap3A_880, %swap3A_881] {strides = array<i32>} : memref<64x128xf32, #tpu.memory_space<vmem>>, vector<1x16xf32>,
        %swap3A_883 = vector.shape_cast %swap3A_882 : vector<1x16xf32> to vector<16xf32>
        %swap3A_884 = vector.shape_cast %mul3A_877 : vector<16xf32> to vector<1x16xf32>
        tpu.vector_store %arg10[%swap3A_880, %swap3A_881], %swap3A_884 {strides = array<i32>} : memref<64x128xf32, #tpu.memory_space<vmem>>, vector<1x16xf32>,
        %add3A_885 = arith.constant 6 : i32
        %add3A_886 = arith.addi %mul3A_93, %add3A_885 : i32
        %get3A_887 = arith.index_cast %add3A_886 : i32 to index
        %get3A_888 = arith.constant 64 : index
        %get3A_889 = tpu.vector_load %arg10[%get3A_887, %get3A_888] {strides = array<i32>} : memref<64x128xf32, #tpu.memory_space<vmem>>, vector<1x16xf32>,
        %get3A_890 = vector.shape_cast %get3A_889 : vector<1x16xf32> to vector<16xf32>
        %mul3A_891 = vector.broadcast %squeeze3A_824 : f32 to vector<16xf32>
        %mul3A_892 = arith.mulf %get3A_890, %mul3A_891 : vector<16xf32>
        %add3A_893 = arith.constant 6 : i32
        %add3A_894 = arith.addi %mul3A_93, %add3A_893 : i32
        %swap3A_895 = arith.index_cast %add3A_894 : i32 to index
        %swap3A_896 = arith.constant 64 : index
        %swap3A_897 = tpu.vector_load %arg10[%swap3A_895, %swap3A_896] {strides = array<i32>} : memref<64x128xf32, #tpu.memory_space<vmem>>, vector<1x16xf32>,
        %swap3A_898 = vector.shape_cast %swap3A_897 : vector<1x16xf32> to vector<16xf32>
        %swap3A_899 = vector.shape_cast %mul3A_892 : vector<16xf32> to vector<1x16xf32>
        tpu.vector_store %arg10[%swap3A_895, %swap3A_896], %swap3A_899 {strides = array<i32>} : memref<64x128xf32, #tpu.memory_space<vmem>>, vector<1x16xf32>,
        %add3A_900 = arith.constant 6 : i32
        %add3A_901 = arith.addi %mul3A_93, %add3A_900 : i32
        %get3A_902 = arith.index_cast %add3A_901 : i32 to index
        %get3A_903 = arith.constant 80 : index
        %get3A_904 = tpu.vector_load %arg10[%get3A_902, %get3A_903] {strides = array<i32>} : memref<64x128xf32, #tpu.memory_space<vmem>>, vector<1x16xf32>,
        %get3A_905 = vector.shape_cast %get3A_904 : vector<1x16xf32> to vector<16xf32>
        %mul3A_906 = vector.broadcast %squeeze3A_824 : f32 to vector<16xf32>
        %mul3A_907 = arith.mulf %get3A_905, %mul3A_906 : vector<16xf32>
        %add3A_908 = arith.constant 6 : i32
        %add3A_909 = arith.addi %mul3A_93, %add3A_908 : i32
        %swap3A_910 = arith.index_cast %add3A_909 : i32 to index
        %swap3A_911 = arith.constant 80 : index
        %swap3A_912 = tpu.vector_load %arg10[%swap3A_910, %swap3A_911] {strides = array<i32>} : memref<64x128xf32, #tpu.memory_space<vmem>>, vector<1x16xf32>,
        %swap3A_913 = vector.shape_cast %swap3A_912 : vector<1x16xf32> to vector<16xf32>
        %swap3A_914 = vector.shape_cast %mul3A_907 : vector<16xf32> to vector<1x16xf32>
        tpu.vector_store %arg10[%swap3A_910, %swap3A_911], %swap3A_914 {strides = array<i32>} : memref<64x128xf32, #tpu.memory_space<vmem>>, vector<1x16xf32>,
        %add3A_915 = arith.constant 6 : i32
        %add3A_916 = arith.addi %mul3A_93, %add3A_915 : i32
        %get3A_917 = arith.index_cast %add3A_916 : i32 to index
        %get3A_918 = arith.constant 96 : index
        %get3A_919 = tpu.vector_load %arg10[%get3A_917, %get3A_918] {strides = array<i32>} : memref<64x128xf32, #tpu.memory_space<vmem>>, vector<1x16xf32>,
        %get3A_920 = vector.shape_cast %get3A_919 : vector<1x16xf32> to vector<16xf32>
        %mul3A_921 = vector.broadcast %squeeze3A_824 : f32 to vector<16xf32>
        %mul3A_922 = arith.mulf %get3A_920, %mul3A_921 : vector<16xf32>
        %add3A_923 = arith.constant 6 : i32
        %add3A_924 = arith.addi %mul3A_93, %add3A_923 : i32
        %swap3A_925 = arith.index_cast %add3A_924 : i32 to index
        %swap3A_926 = arith.constant 96 : index
        %swap3A_927 = tpu.vector_load %arg10[%swap3A_925, %swap3A_926] {strides = array<i32>} : memref<64x128xf32, #tpu.memory_space<vmem>>, vector<1x16xf32>,
        %swap3A_928 = vector.shape_cast %swap3A_927 : vector<1x16xf32> to vector<16xf32>
        %swap3A_929 = vector.shape_cast %mul3A_922 : vector<16xf32> to vector<1x16xf32>
        tpu.vector_store %arg10[%swap3A_925, %swap3A_926], %swap3A_929 {strides = array<i32>} : memref<64x128xf32, #tpu.memory_space<vmem>>, vector<1x16xf32>,
        %add3A_930 = arith.constant 6 : i32
        %add3A_931 = arith.addi %mul3A_93, %add3A_930 : i32
        %get3A_932 = arith.index_cast %add3A_931 : i32 to index
        %get3A_933 = arith.constant 112 : index
        %get3A_934 = tpu.vector_load %arg10[%get3A_932, %get3A_933] {strides = array<i32>} : memref<64x128xf32, #tpu.memory_space<vmem>>, vector<1x16xf32>,
        %get3A_935 = vector.shape_cast %get3A_934 : vector<1x16xf32> to vector<16xf32>
        %mul3A_936 = vector.broadcast %squeeze3A_824 : f32 to vector<16xf32>
        %mul3A_937 = arith.mulf %get3A_935, %mul3A_936 : vector<16xf32>
        %add3A_938 = arith.constant 6 : i32
        %add3A_939 = arith.addi %mul3A_93, %add3A_938 : i32
        %swap3A_940 = arith.index_cast %add3A_939 : i32 to index
        %swap3A_941 = arith.constant 112 : index
        %swap3A_942 = tpu.vector_load %arg10[%swap3A_940, %swap3A_941] {strides = array<i32>} : memref<64x128xf32, #tpu.memory_space<vmem>>, vector<1x16xf32>,
        %swap3A_943 = vector.shape_cast %swap3A_942 : vector<1x16xf32> to vector<16xf32>
        %swap3A_944 = vector.shape_cast %mul3A_937 : vector<16xf32> to vector<1x16xf32>
        tpu.vector_store %arg10[%swap3A_940, %swap3A_941], %swap3A_944 {strides = array<i32>} : memref<64x128xf32, #tpu.memory_space<vmem>>, vector<1x16xf32>,
        %slice3A_945 = vector.extract_strided_slice %get3A_91 {offsets = [7], sizes = [1], strides = [1]} : vector<16xf32> to vector<1xf32>
        %squeeze3A_946 = vector.extract %slice3A_945[0] : f32 from vector<1xf32>
        %add3A_947 = arith.constant 7 : i32
        %add3A_948 = arith.addi %mul3A_93, %add3A_947 : i32
        %get3A_949 = arith.index_cast %add3A_948 : i32 to index
        %get3A_950 = arith.constant 0 : index
        %get3A_951 = tpu.vector_load %arg10[%get3A_949, %get3A_950] {strides = array<i32>} : memref<64x128xf32, #tpu.memory_space<vmem>>, vector<1x16xf32>,
        %get3A_952 = vector.shape_cast %get3A_951 : vector<1x16xf32> to vector<16xf32>
        %mul3A_953 = vector.broadcast %squeeze3A_946 : f32 to vector<16xf32>
        %mul3A_954 = arith.mulf %get3A_952, %mul3A_953 : vector<16xf32>
        %add3A_955 = arith.constant 7 : i32
        %add3A_956 = arith.addi %mul3A_93, %add3A_955 : i32
        %swap3A_957 = arith.index_cast %add3A_956 : i32 to index
        %swap3A_958 = arith.constant 0 : index
        %swap3A_959 = tpu.vector_load %arg10[%swap3A_957, %swap3A_958] {strides = array<i32>} : memref<64x128xf32, #tpu.memory_space<vmem>>, vector<1x16xf32>,
        %swap3A_960 = vector.shape_cast %swap3A_959 : vector<1x16xf32> to vector<16xf32>
        %swap3A_961 = vector.shape_cast %mul3A_954 : vector<16xf32> to vector<1x16xf32>
        tpu.vector_store %arg10[%swap3A_957, %swap3A_958], %swap3A_961 {strides = array<i32>} : memref<64x128xf32, #tpu.memory_space<vmem>>, vector<1x16xf32>,
        %add3A_962 = arith.constant 7 : i32
        %add3A_963 = arith.addi %mul3A_93, %add3A_962 : i32
        %get3A_964 = arith.index_cast %add3A_963 : i32 to index
        %get3A_965 = arith.constant 16 : index
        %get3A_966 = tpu.vector_load %arg10[%get3A_964, %get3A_965] {strides = array<i32>} : memref<64x128xf32, #tpu.memory_space<vmem>>, vector<1x16xf32>,
        %get3A_967 = vector.shape_cast %get3A_966 : vector<1x16xf32> to vector<16xf32>
        %mul3A_968 = vector.broadcast %squeeze3A_946 : f32 to vector<16xf32>
        %mul3A_969 = arith.mulf %get3A_967, %mul3A_968 : vector<16xf32>
        %add3A_970 = arith.constant 7 : i32
        %add3A_971 = arith.addi %mul3A_93, %add3A_970 : i32
        %swap3A_972 = arith.index_cast %add3A_971 : i32 to index
        %swap3A_973 = arith.constant 16 : index
        %swap3A_974 = tpu.vector_load %arg10[%swap3A_972, %swap3A_973] {strides = array<i32>} : memref<64x128xf32, #tpu.memory_space<vmem>>, vector<1x16xf32>,
        %swap3A_975 = vector.shape_cast %swap3A_974 : vector<1x16xf32> to vector<16xf32>
        %swap3A_976 = vector.shape_cast %mul3A_969 : vector<16xf32> to vector<1x16xf32>
        tpu.vector_store %arg10[%swap3A_972, %swap3A_973], %swap3A_976 {strides = array<i32>} : memref<64x128xf32, #tpu.memory_space<vmem>>, vector<1x16xf32>,
        %add3A_977 = arith.constant 7 : i32
        %add3A_978 = arith.addi %mul3A_93, %add3A_977 : i32
        %get3A_979 = arith.index_cast %add3A_978 : i32 to index
        %get3A_980 = arith.constant 32 : index
        %get3A_981 = tpu.vector_load %arg10[%get3A_979, %get3A_980] {strides = array<i32>} : memref<64x128xf32, #tpu.memory_space<vmem>>, vector<1x16xf32>,
        %get3A_982 = vector.shape_cast %get3A_981 : vector<1x16xf32> to vector<16xf32>
        %mul3A_983 = vector.broadcast %squeeze3A_946 : f32 to vector<16xf32>
        %mul3A_984 = arith.mulf %get3A_982, %mul3A_983 : vector<16xf32>
        %add3A_985 = arith.constant 7 : i32
        %add3A_986 = arith.addi %mul3A_93, %add3A_985 : i32
        %swap3A_987 = arith.index_cast %add3A_986 : i32 to index
        %swap3A_988 = arith.constant 32 : index
        %swap3A_989 = tpu.vector_load %arg10[%swap3A_987, %swap3A_988] {strides = array<i32>} : memref<64x128xf32, #tpu.memory_space<vmem>>, vector<1x16xf32>,
        %swap3A_990 = vector.shape_cast %swap3A_989 : vector<1x16xf32> to vector<16xf32>
        %swap3A_991 = vector.shape_cast %mul3A_984 : vector<16xf32> to vector<1x16xf32>
        tpu.vector_store %arg10[%swap3A_987, %swap3A_988], %swap3A_991 {strides = array<i32>} : memref<64x128xf32, #tpu.memory_space<vmem>>, vector<1x16xf32>,
        %add3A_992 = arith.constant 7 : i32
        %add3A_993 = arith.addi %mul3A_93, %add3A_992 : i32
        %get3A_994 = arith.index_cast %add3A_993 : i32 to index
        %get3A_995 = arith.constant 48 : index
        %get3A_996 = tpu.vector_load %arg10[%get3A_994, %get3A_995] {strides = array<i32>} : memref<64x128xf32, #tpu.memory_space<vmem>>, vector<1x16xf32>,
        %get3A_997 = vector.shape_cast %get3A_996 : vector<1x16xf32> to vector<16xf32>
        %mul3A_998 = vector.broadcast %squeeze3A_946 : f32 to vector<16xf32>
        %mul3A_999 = arith.mulf %get3A_997, %mul3A_998 : vector<16xf32>
        %add3A_1000 = arith.constant 7 : i32
        %add3A_1001 = arith.addi %mul3A_93, %add3A_1000 : i32
        %swap3A_1002 = arith.index_cast %add3A_1001 : i32 to index
        %swap3A_1003 = arith.constant 48 : index
        %swap3A_1004 = tpu.vector_load %arg10[%swap3A_1002, %swap3A_1003] {strides = array<i32>} : memref<64x128xf32, #tpu.memory_space<vmem>>, vector<1x16xf32>,
        %swap3A_1005 = vector.shape_cast %swap3A_1004 : vector<1x16xf32> to vector<16xf32>
        %swap3A_1006 = vector.shape_cast %mul3A_999 : vector<16xf32> to vector<1x16xf32>
        tpu.vector_store %arg10[%swap3A_1002, %swap3A_1003], %swap3A_1006 {strides = array<i32>} : memref<64x128xf32, #tpu.memory_space<vmem>>, vector<1x16xf32>,
        %add3A_1007 = arith.constant 7 : i32
        %add3A_1008 = arith.addi %mul3A_93, %add3A_1007 : i32
        %get3A_1009 = arith.index_cast %add3A_1008 : i32 to index
        %get3A_1010 = arith.constant 64 : index
        %get3A_1011 = tpu.vector_load %arg10[%get3A_1009, %get3A_1010] {strides = array<i32>} : memref<64x128xf32, #tpu.memory_space<vmem>>, vector<1x16xf32>,
        %get3A_1012 = vector.shape_cast %get3A_1011 : vector<1x16xf32> to vector<16xf32>
        %mul3A_1013 = vector.broadcast %squeeze3A_946 : f32 to vector<16xf32>
        %mul3A_1014 = arith.mulf %get3A_1012, %mul3A_1013 : vector<16xf32>
        %add3A_1015 = arith.constant 7 : i32
        %add3A_1016 = arith.addi %mul3A_93, %add3A_1015 : i32
        %swap3A_1017 = arith.index_cast %add3A_1016 : i32 to index
        %swap3A_1018 = arith.constant 64 : index
        %swap3A_1019 = tpu.vector_load %arg10[%swap3A_1017, %swap3A_1018] {strides = array<i32>} : memref<64x128xf32, #tpu.memory_space<vmem>>, vector<1x16xf32>,
        %swap3A_1020 = vector.shape_cast %swap3A_1019 : vector<1x16xf32> to vector<16xf32>
        %swap3A_1021 = vector.shape_cast %mul3A_1014 : vector<16xf32> to vector<1x16xf32>
        tpu.vector_store %arg10[%swap3A_1017, %swap3A_1018], %swap3A_1021 {strides = array<i32>} : memref<64x128xf32, #tpu.memory_space<vmem>>, vector<1x16xf32>,
        %add3A_1022 = arith.constant 7 : i32
        %add3A_1023 = arith.addi %mul3A_93, %add3A_1022 : i32
        %get3A_1024 = arith.index_cast %add3A_1023 : i32 to index
        %get3A_1025 = arith.constant 80 : index
        %get3A_1026 = tpu.vector_load %arg10[%get3A_1024, %get3A_1025] {strides = array<i32>} : memref<64x128xf32, #tpu.memory_space<vmem>>, vector<1x16xf32>,
        %get3A_1027 = vector.shape_cast %get3A_1026 : vector<1x16xf32> to vector<16xf32>
        %mul3A_1028 = vector.broadcast %squeeze3A_946 : f32 to vector<16xf32>
        %mul3A_1029 = arith.mulf %get3A_1027, %mul3A_1028 : vector<16xf32>
        %add3A_1030 = arith.constant 7 : i32
        %add3A_1031 = arith.addi %mul3A_93, %add3A_1030 : i32
        %swap3A_1032 = arith.index_cast %add3A_1031 : i32 to index
        %swap3A_1033 = arith.constant 80 : index
        %swap3A_1034 = tpu.vector_load %arg10[%swap3A_1032, %swap3A_1033] {strides = array<i32>} : memref<64x128xf32, #tpu.memory_space<vmem>>, vector<1x16xf32>,
        %swap3A_1035 = vector.shape_cast %swap3A_1034 : vector<1x16xf32> to vector<16xf32>
        %swap3A_1036 = vector.shape_cast %mul3A_1029 : vector<16xf32> to vector<1x16xf32>
        tpu.vector_store %arg10[%swap3A_1032, %swap3A_1033], %swap3A_1036 {strides = array<i32>} : memref<64x128xf32, #tpu.memory_space<vmem>>, vector<1x16xf32>,
        %add3A_1037 = arith.constant 7 : i32
        %add3A_1038 = arith.addi %mul3A_93, %add3A_1037 : i32
        %get3A_1039 = arith.index_cast %add3A_1038 : i32 to index
        %get3A_1040 = arith.constant 96 : index
        %get3A_1041 = tpu.vector_load %arg10[%get3A_1039, %get3A_1040] {strides = array<i32>} : memref<64x128xf32, #tpu.memory_space<vmem>>, vector<1x16xf32>,
        %get3A_1042 = vector.shape_cast %get3A_1041 : vector<1x16xf32> to vector<16xf32>
        %mul3A_1043 = vector.broadcast %squeeze3A_946 : f32 to vector<16xf32>
        %mul3A_1044 = arith.mulf %get3A_1042, %mul3A_1043 : vector<16xf32>
        %add3A_1045 = arith.constant 7 : i32
        %add3A_1046 = arith.addi %mul3A_93, %add3A_1045 : i32
        %swap3A_1047 = arith.index_cast %add3A_1046 : i32 to index
        %swap3A_1048 = arith.constant 96 : index
        %swap3A_1049 = tpu.vector_load %arg10[%swap3A_1047, %swap3A_1048] {strides = array<i32>} : memref<64x128xf32, #tpu.memory_space<vmem>>, vector<1x16xf32>,
        %swap3A_1050 = vector.shape_cast %swap3A_1049 : vector<1x16xf32> to vector<16xf32>
        %swap3A_1051 = vector.shape_cast %mul3A_1044 : vector<16xf32> to vector<1x16xf32>
        tpu.vector_store %arg10[%swap3A_1047, %swap3A_1048], %swap3A_1051 {strides = array<i32>} : memref<64x128xf32, #tpu.memory_space<vmem>>, vector<1x16xf32>,
        %add3A_1052 = arith.constant 7 : i32
        %add3A_1053 = arith.addi %mul3A_93, %add3A_1052 : i32
        %get3A_1054 = arith.index_cast %add3A_1053 : i32 to index
        %get3A_1055 = arith.constant 112 : index
        %get3A_1056 = tpu.vector_load %arg10[%get3A_1054, %get3A_1055] {strides = array<i32>} : memref<64x128xf32, #tpu.memory_space<vmem>>, vector<1x16xf32>,
        %get3A_1057 = vector.shape_cast %get3A_1056 : vector<1x16xf32> to vector<16xf32>
        %mul3A_1058 = vector.broadcast %squeeze3A_946 : f32 to vector<16xf32>
        %mul3A_1059 = arith.mulf %get3A_1057, %mul3A_1058 : vector<16xf32>
        %add3A_1060 = arith.constant 7 : i32
        %add3A_1061 = arith.addi %mul3A_93, %add3A_1060 : i32
        %swap3A_1062 = arith.index_cast %add3A_1061 : i32 to index
        %swap3A_1063 = arith.constant 112 : index
        %swap3A_1064 = tpu.vector_load %arg10[%swap3A_1062, %swap3A_1063] {strides = array<i32>} : memref<64x128xf32, #tpu.memory_space<vmem>>, vector<1x16xf32>,
        %swap3A_1065 = vector.shape_cast %swap3A_1064 : vector<1x16xf32> to vector<16xf32>
        %swap3A_1066 = vector.shape_cast %mul3A_1059 : vector<16xf32> to vector<1x16xf32>
        tpu.vector_store %arg10[%swap3A_1062, %swap3A_1063], %swap3A_1066 {strides = array<i32>} : memref<64x128xf32, #tpu.memory_space<vmem>>, vector<1x16xf32>,
        %slice3A_1067 = vector.extract_strided_slice %get3A_91 {offsets = [8], sizes = [1], strides = [1]} : vector<16xf32> to vector<1xf32>
        %squeeze3A_1068 = vector.extract %slice3A_1067[0] : f32 from vector<1xf32>
        %add3A_1069 = arith.constant 8 : i32
        %add3A_1070 = arith.addi %mul3A_93, %add3A_1069 : i32
        %get3A_1071 = arith.index_cast %add3A_1070 : i32 to index
        %get3A_1072 = arith.constant 0 : index
        %get3A_1073 = tpu.vector_load %arg10[%get3A_1071, %get3A_1072] {strides = array<i32>} : memref<64x128xf32, #tpu.memory_space<vmem>>, vector<1x16xf32>,
        %get3A_1074 = vector.shape_cast %get3A_1073 : vector<1x16xf32> to vector<16xf32>
        %mul3A_1075 = vector.broadcast %squeeze3A_1068 : f32 to vector<16xf32>
        %mul3A_1076 = arith.mulf %get3A_1074, %mul3A_1075 : vector<16xf32>
        %add3A_1077 = arith.constant 8 : i32
        %add3A_1078 = arith.addi %mul3A_93, %add3A_1077 : i32
        %swap3A_1079 = arith.index_cast %add3A_1078 : i32 to index
        %swap3A_1080 = arith.constant 0 : index
        %swap3A_1081 = tpu.vector_load %arg10[%swap3A_1079, %swap3A_1080] {strides = array<i32>} : memref<64x128xf32, #tpu.memory_space<vmem>>, vector<1x16xf32>,
        %swap3A_1082 = vector.shape_cast %swap3A_1081 : vector<1x16xf32> to vector<16xf32>
        %swap3A_1083 = vector.shape_cast %mul3A_1076 : vector<16xf32> to vector<1x16xf32>
        tpu.vector_store %arg10[%swap3A_1079, %swap3A_1080], %swap3A_1083 {strides = array<i32>} : memref<64x128xf32, #tpu.memory_space<vmem>>, vector<1x16xf32>,
        %add3A_1084 = arith.constant 8 : i32
        %add3A_1085 = arith.addi %mul3A_93, %add3A_1084 : i32
        %get3A_1086 = arith.index_cast %add3A_1085 : i32 to index
        %get3A_1087 = arith.constant 16 : index
        %get3A_1088 = tpu.vector_load %arg10[%get3A_1086, %get3A_1087] {strides = array<i32>} : memref<64x128xf32, #tpu.memory_space<vmem>>, vector<1x16xf32>,
        %get3A_1089 = vector.shape_cast %get3A_1088 : vector<1x16xf32> to vector<16xf32>
        %mul3A_1090 = vector.broadcast %squeeze3A_1068 : f32 to vector<16xf32>
        %mul3A_1091 = arith.mulf %get3A_1089, %mul3A_1090 : vector<16xf32>
        %add3A_1092 = arith.constant 8 : i32
        %add3A_1093 = arith.addi %mul3A_93, %add3A_1092 : i32
        %swap3A_1094 = arith.index_cast %add3A_1093 : i32 to index
        %swap3A_1095 = arith.constant 16 : index
        %swap3A_1096 = tpu.vector_load %arg10[%swap3A_1094, %swap3A_1095] {strides = array<i32>} : memref<64x128xf32, #tpu.memory_space<vmem>>, vector<1x16xf32>,
        %swap3A_1097 = vector.shape_cast %swap3A_1096 : vector<1x16xf32> to vector<16xf32>
        %swap3A_1098 = vector.shape_cast %mul3A_1091 : vector<16xf32> to vector<1x16xf32>
        tpu.vector_store %arg10[%swap3A_1094, %swap3A_1095], %swap3A_1098 {strides = array<i32>} : memref<64x128xf32, #tpu.memory_space<vmem>>, vector<1x16xf32>,
        %add3A_1099 = arith.constant 8 : i32
        %add3A_1100 = arith.addi %mul3A_93, %add3A_1099 : i32
        %get3A_1101 = arith.index_cast %add3A_1100 : i32 to index
        %get3A_1102 = arith.constant 32 : index
        %get3A_1103 = tpu.vector_load %arg10[%get3A_1101, %get3A_1102] {strides = array<i32>} : memref<64x128xf32, #tpu.memory_space<vmem>>, vector<1x16xf32>,
        %get3A_1104 = vector.shape_cast %get3A_1103 : vector<1x16xf32> to vector<16xf32>
        %mul3A_1105 = vector.broadcast %squeeze3A_1068 : f32 to vector<16xf32>
        %mul3A_1106 = arith.mulf %get3A_1104, %mul3A_1105 : vector<16xf32>
        %add3A_1107 = arith.constant 8 : i32
        %add3A_1108 = arith.addi %mul3A_93, %add3A_1107 : i32
        %swap3A_1109 = arith.index_cast %add3A_1108 : i32 to index
        %swap3A_1110 = arith.constant 32 : index
        %swap3A_1111 = tpu.vector_load %arg10[%swap3A_1109, %swap3A_1110] {strides = array<i32>} : memref<64x128xf32, #tpu.memory_space<vmem>>, vector<1x16xf32>,
        %swap3A_1112 = vector.shape_cast %swap3A_1111 : vector<1x16xf32> to vector<16xf32>
        %swap3A_1113 = vector.shape_cast %mul3A_1106 : vector<16xf32> to vector<1x16xf32>
        tpu.vector_store %arg10[%swap3A_1109, %swap3A_1110], %swap3A_1113 {strides = array<i32>} : memref<64x128xf32, #tpu.memory_space<vmem>>, vector<1x16xf32>,
        %add3A_1114 = arith.constant 8 : i32
        %add3A_1115 = arith.addi %mul3A_93, %add3A_1114 : i32
        %get3A_1116 = arith.index_cast %add3A_1115 : i32 to index
        %get3A_1117 = arith.constant 48 : index
        %get3A_1118 = tpu.vector_load %arg10[%get3A_1116, %get3A_1117] {strides = array<i32>} : memref<64x128xf32, #tpu.memory_space<vmem>>, vector<1x16xf32>,
        %get3A_1119 = vector.shape_cast %get3A_1118 : vector<1x16xf32> to vector<16xf32>
        %mul3A_1120 = vector.broadcast %squeeze3A_1068 : f32 to vector<16xf32>
        %mul3A_1121 = arith.mulf %get3A_1119, %mul3A_1120 : vector<16xf32>
        %add3A_1122 = arith.constant 8 : i32
        %add3A_1123 = arith.addi %mul3A_93, %add3A_1122 : i32
        %swap3A_1124 = arith.index_cast %add3A_1123 : i32 to index
        %swap3A_1125 = arith.constant 48 : index
        %swap3A_1126 = tpu.vector_load %arg10[%swap3A_1124, %swap3A_1125] {strides = array<i32>} : memref<64x128xf32, #tpu.memory_space<vmem>>, vector<1x16xf32>,
        %swap3A_1127 = vector.shape_cast %swap3A_1126 : vector<1x16xf32> to vector<16xf32>
        %swap3A_1128 = vector.shape_cast %mul3A_1121 : vector<16xf32> to vector<1x16xf32>
        tpu.vector_store %arg10[%swap3A_1124, %swap3A_1125], %swap3A_1128 {strides = array<i32>} : memref<64x128xf32, #tpu.memory_space<vmem>>, vector<1x16xf32>,
        %add3A_1129 = arith.constant 8 : i32
        %add3A_1130 = arith.addi %mul3A_93, %add3A_1129 : i32
        %get3A_1131 = arith.index_cast %add3A_1130 : i32 to index
        %get3A_1132 = arith.constant 64 : index
        %get3A_1133 = tpu.vector_load %arg10[%get3A_1131, %get3A_1132] {strides = array<i32>} : memref<64x128xf32, #tpu.memory_space<vmem>>, vector<1x16xf32>,
        %get3A_1134 = vector.shape_cast %get3A_1133 : vector<1x16xf32> to vector<16xf32>
        %mul3A_1135 = vector.broadcast %squeeze3A_1068 : f32 to vector<16xf32>
        %mul3A_1136 = arith.mulf %get3A_1134, %mul3A_1135 : vector<16xf32>
        %add3A_1137 = arith.constant 8 : i32
        %add3A_1138 = arith.addi %mul3A_93, %add3A_1137 : i32
        %swap3A_1139 = arith.index_cast %add3A_1138 : i32 to index
        %swap3A_1140 = arith.constant 64 : index
        %swap3A_1141 = tpu.vector_load %arg10[%swap3A_1139, %swap3A_1140] {strides = array<i32>} : memref<64x128xf32, #tpu.memory_space<vmem>>, vector<1x16xf32>,
        %swap3A_1142 = vector.shape_cast %swap3A_1141 : vector<1x16xf32> to vector<16xf32>
        %swap3A_1143 = vector.shape_cast %mul3A_1136 : vector<16xf32> to vector<1x16xf32>
        tpu.vector_store %arg10[%swap3A_1139, %swap3A_1140], %swap3A_1143 {strides = array<i32>} : memref<64x128xf32, #tpu.memory_space<vmem>>, vector<1x16xf32>,
        %add3A_1144 = arith.constant 8 : i32
        %add3A_1145 = arith.addi %mul3A_93, %add3A_1144 : i32
        %get3A_1146 = arith.index_cast %add3A_1145 : i32 to index
        %get3A_1147 = arith.constant 80 : index
        %get3A_1148 = tpu.vector_load %arg10[%get3A_1146, %get3A_1147] {strides = array<i32>} : memref<64x128xf32, #tpu.memory_space<vmem>>, vector<1x16xf32>,
        %get3A_1149 = vector.shape_cast %get3A_1148 : vector<1x16xf32> to vector<16xf32>
        %mul3A_1150 = vector.broadcast %squeeze3A_1068 : f32 to vector<16xf32>
        %mul3A_1151 = arith.mulf %get3A_1149, %mul3A_1150 : vector<16xf32>
        %add3A_1152 = arith.constant 8 : i32
        %add3A_1153 = arith.addi %mul3A_93, %add3A_1152 : i32
        %swap3A_1154 = arith.index_cast %add3A_1153 : i32 to index
        %swap3A_1155 = arith.constant 80 : index
        %swap3A_1156 = tpu.vector_load %arg10[%swap3A_1154, %swap3A_1155] {strides = array<i32>} : memref<64x128xf32, #tpu.memory_space<vmem>>, vector<1x16xf32>,
        %swap3A_1157 = vector.shape_cast %swap3A_1156 : vector<1x16xf32> to vector<16xf32>
        %swap3A_1158 = vector.shape_cast %mul3A_1151 : vector<16xf32> to vector<1x16xf32>
        tpu.vector_store %arg10[%swap3A_1154, %swap3A_1155], %swap3A_1158 {strides = array<i32>} : memref<64x128xf32, #tpu.memory_space<vmem>>, vector<1x16xf32>,
        %add3A_1159 = arith.constant 8 : i32
        %add3A_1160 = arith.addi %mul3A_93, %add3A_1159 : i32
        %get3A_1161 = arith.index_cast %add3A_1160 : i32 to index
        %get3A_1162 = arith.constant 96 : index
        %get3A_1163 = tpu.vector_load %arg10[%get3A_1161, %get3A_1162] {strides = array<i32>} : memref<64x128xf32, #tpu.memory_space<vmem>>, vector<1x16xf32>,
        %get3A_1164 = vector.shape_cast %get3A_1163 : vector<1x16xf32> to vector<16xf32>
        %mul3A_1165 = vector.broadcast %squeeze3A_1068 : f32 to vector<16xf32>
        %mul3A_1166 = arith.mulf %get3A_1164, %mul3A_1165 : vector<16xf32>
        %add3A_1167 = arith.constant 8 : i32
        %add3A_1168 = arith.addi %mul3A_93, %add3A_1167 : i32
        %swap3A_1169 = arith.index_cast %add3A_1168 : i32 to index
        %swap3A_1170 = arith.constant 96 : index
        %swap3A_1171 = tpu.vector_load %arg10[%swap3A_1169, %swap3A_1170] {strides = array<i32>} : memref<64x128xf32, #tpu.memory_space<vmem>>, vector<1x16xf32>,
        %swap3A_1172 = vector.shape_cast %swap3A_1171 : vector<1x16xf32> to vector<16xf32>
        %swap3A_1173 = vector.shape_cast %mul3A_1166 : vector<16xf32> to vector<1x16xf32>
        tpu.vector_store %arg10[%swap3A_1169, %swap3A_1170], %swap3A_1173 {strides = array<i32>} : memref<64x128xf32, #tpu.memory_space<vmem>>, vector<1x16xf32>,
        %add3A_1174 = arith.constant 8 : i32
        %add3A_1175 = arith.addi %mul3A_93, %add3A_1174 : i32
        %get3A_1176 = arith.index_cast %add3A_1175 : i32 to index
        %get3A_1177 = arith.constant 112 : index
        %get3A_1178 = tpu.vector_load %arg10[%get3A_1176, %get3A_1177] {strides = array<i32>} : memref<64x128xf32, #tpu.memory_space<vmem>>, vector<1x16xf32>,
        %get3A_1179 = vector.shape_cast %get3A_1178 : vector<1x16xf32> to vector<16xf32>
        %mul3A_1180 = vector.broadcast %squeeze3A_1068 : f32 to vector<16xf32>
        %mul3A_1181 = arith.mulf %get3A_1179, %mul3A_1180 : vector<16xf32>
        %add3A_1182 = arith.constant 8 : i32
        %add3A_1183 = arith.addi %mul3A_93, %add3A_1182 : i32
        %swap3A_1184 = arith.index_cast %add3A_1183 : i32 to index
        %swap3A_1185 = arith.constant 112 : index
        %swap3A_1186 = tpu.vector_load %arg10[%swap3A_1184, %swap3A_1185] {strides = array<i32>} : memref<64x128xf32, #tpu.memory_space<vmem>>, vector<1x16xf32>,
        %swap3A_1187 = vector.shape_cast %swap3A_1186 : vector<1x16xf32> to vector<16xf32>
        %swap3A_1188 = vector.shape_cast %mul3A_1181 : vector<16xf32> to vector<1x16xf32>
        tpu.vector_store %arg10[%swap3A_1184, %swap3A_1185], %swap3A_1188 {strides = array<i32>} : memref<64x128xf32, #tpu.memory_space<vmem>>, vector<1x16xf32>,
        %slice3A_1189 = vector.extract_strided_slice %get3A_91 {offsets = [9], sizes = [1], strides = [1]} : vector<16xf32> to vector<1xf32>
        %squeeze3A_1190 = vector.extract %slice3A_1189[0] : f32 from vector<1xf32>
        %add3A_1191 = arith.constant 9 : i32
        %add3A_1192 = arith.addi %mul3A_93, %add3A_1191 : i32
        %get3A_1193 = arith.index_cast %add3A_1192 : i32 to index
        %get3A_1194 = arith.constant 0 : index
        %get3A_1195 = tpu.vector_load %arg10[%get3A_1193, %get3A_1194] {strides = array<i32>} : memref<64x128xf32, #tpu.memory_space<vmem>>, vector<1x16xf32>,
        %get3A_1196 = vector.shape_cast %get3A_1195 : vector<1x16xf32> to vector<16xf32>
        %mul3A_1197 = vector.broadcast %squeeze3A_1190 : f32 to vector<16xf32>
        %mul3A_1198 = arith.mulf %get3A_1196, %mul3A_1197 : vector<16xf32>
        %add3A_1199 = arith.constant 9 : i32
        %add3A_1200 = arith.addi %mul3A_93, %add3A_1199 : i32
        %swap3A_1201 = arith.index_cast %add3A_1200 : i32 to index
        %swap3A_1202 = arith.constant 0 : index
        %swap3A_1203 = tpu.vector_load %arg10[%swap3A_1201, %swap3A_1202] {strides = array<i32>} : memref<64x128xf32, #tpu.memory_space<vmem>>, vector<1x16xf32>,
        %swap3A_1204 = vector.shape_cast %swap3A_1203 : vector<1x16xf32> to vector<16xf32>
        %swap3A_1205 = vector.shape_cast %mul3A_1198 : vector<16xf32> to vector<1x16xf32>
        tpu.vector_store %arg10[%swap3A_1201, %swap3A_1202], %swap3A_1205 {strides = array<i32>} : memref<64x128xf32, #tpu.memory_space<vmem>>, vector<1x16xf32>,
        %add3A_1206 = arith.constant 9 : i32
        %add3A_1207 = arith.addi %mul3A_93, %add3A_1206 : i32
        %get3A_1208 = arith.index_cast %add3A_1207 : i32 to index
        %get3A_1209 = arith.constant 16 : index
        %get3A_1210 = tpu.vector_load %arg10[%get3A_1208, %get3A_1209] {strides = array<i32>} : memref<64x128xf32, #tpu.memory_space<vmem>>, vector<1x16xf32>,
        %get3A_1211 = vector.shape_cast %get3A_1210 : vector<1x16xf32> to vector<16xf32>
        %mul3A_1212 = vector.broadcast %squeeze3A_1190 : f32 to vector<16xf32>
        %mul3A_1213 = arith.mulf %get3A_1211, %mul3A_1212 : vector<16xf32>
        %add3A_1214 = arith.constant 9 : i32
        %add3A_1215 = arith.addi %mul3A_93, %add3A_1214 : i32
        %swap3A_1216 = arith.index_cast %add3A_1215 : i32 to index
        %swap3A_1217 = arith.constant 16 : index
        %swap3A_1218 = tpu.vector_load %arg10[%swap3A_1216, %swap3A_1217] {strides = array<i32>} : memref<64x128xf32, #tpu.memory_space<vmem>>, vector<1x16xf32>,
        %swap3A_1219 = vector.shape_cast %swap3A_1218 : vector<1x16xf32> to vector<16xf32>
        %swap3A_1220 = vector.shape_cast %mul3A_1213 : vector<16xf32> to vector<1x16xf32>
        tpu.vector_store %arg10[%swap3A_1216, %swap3A_1217], %swap3A_1220 {strides = array<i32>} : memref<64x128xf32, #tpu.memory_space<vmem>>, vector<1x16xf32>,
        %add3A_1221 = arith.constant 9 : i32
        %add3A_1222 = arith.addi %mul3A_93, %add3A_1221 : i32
        %get3A_1223 = arith.index_cast %add3A_1222 : i32 to index
        %get3A_1224 = arith.constant 32 : index
        %get3A_1225 = tpu.vector_load %arg10[%get3A_1223, %get3A_1224] {strides = array<i32>} : memref<64x128xf32, #tpu.memory_space<vmem>>, vector<1x16xf32>,
        %get3A_1226 = vector.shape_cast %get3A_1225 : vector<1x16xf32> to vector<16xf32>
        %mul3A_1227 = vector.broadcast %squeeze3A_1190 : f32 to vector<16xf32>
        %mul3A_1228 = arith.mulf %get3A_1226, %mul3A_1227 : vector<16xf32>
        %add3A_1229 = arith.constant 9 : i32
        %add3A_1230 = arith.addi %mul3A_93, %add3A_1229 : i32
        %swap3A_1231 = arith.index_cast %add3A_1230 : i32 to index
        %swap3A_1232 = arith.constant 32 : index
        %swap3A_1233 = tpu.vector_load %arg10[%swap3A_1231, %swap3A_1232] {strides = array<i32>} : memref<64x128xf32, #tpu.memory_space<vmem>>, vector<1x16xf32>,
        %swap3A_1234 = vector.shape_cast %swap3A_1233 : vector<1x16xf32> to vector<16xf32>
        %swap3A_1235 = vector.shape_cast %mul3A_1228 : vector<16xf32> to vector<1x16xf32>
        tpu.vector_store %arg10[%swap3A_1231, %swap3A_1232], %swap3A_1235 {strides = array<i32>} : memref<64x128xf32, #tpu.memory_space<vmem>>, vector<1x16xf32>,
        %add3A_1236 = arith.constant 9 : i32
        %add3A_1237 = arith.addi %mul3A_93, %add3A_1236 : i32
        %get3A_1238 = arith.index_cast %add3A_1237 : i32 to index
        %get3A_1239 = arith.constant 48 : index
        %get3A_1240 = tpu.vector_load %arg10[%get3A_1238, %get3A_1239] {strides = array<i32>} : memref<64x128xf32, #tpu.memory_space<vmem>>, vector<1x16xf32>,
        %get3A_1241 = vector.shape_cast %get3A_1240 : vector<1x16xf32> to vector<16xf32>
        %mul3A_1242 = vector.broadcast %squeeze3A_1190 : f32 to vector<16xf32>
        %mul3A_1243 = arith.mulf %get3A_1241, %mul3A_1242 : vector<16xf32>
        %add3A_1244 = arith.constant 9 : i32
        %add3A_1245 = arith.addi %mul3A_93, %add3A_1244 : i32
        %swap3A_1246 = arith.index_cast %add3A_1245 : i32 to index
        %swap3A_1247 = arith.constant 48 : index
        %swap3A_1248 = tpu.vector_load %arg10[%swap3A_1246, %swap3A_1247] {strides = array<i32>} : memref<64x128xf32, #tpu.memory_space<vmem>>, vector<1x16xf32>,
        %swap3A_1249 = vector.shape_cast %swap3A_1248 : vector<1x16xf32> to vector<16xf32>
        %swap3A_1250 = vector.shape_cast %mul3A_1243 : vector<16xf32> to vector<1x16xf32>
        tpu.vector_store %arg10[%swap3A_1246, %swap3A_1247], %swap3A_1250 {strides = array<i32>} : memref<64x128xf32, #tpu.memory_space<vmem>>, vector<1x16xf32>,
        %add3A_1251 = arith.constant 9 : i32
        %add3A_1252 = arith.addi %mul3A_93, %add3A_1251 : i32
        %get3A_1253 = arith.index_cast %add3A_1252 : i32 to index
        %get3A_1254 = arith.constant 64 : index
        %get3A_1255 = tpu.vector_load %arg10[%get3A_1253, %get3A_1254] {strides = array<i32>} : memref<64x128xf32, #tpu.memory_space<vmem>>, vector<1x16xf32>,
        %get3A_1256 = vector.shape_cast %get3A_1255 : vector<1x16xf32> to vector<16xf32>
        %mul3A_1257 = vector.broadcast %squeeze3A_1190 : f32 to vector<16xf32>
        %mul3A_1258 = arith.mulf %get3A_1256, %mul3A_1257 : vector<16xf32>
        %add3A_1259 = arith.constant 9 : i32
        %add3A_1260 = arith.addi %mul3A_93, %add3A_1259 : i32
        %swap3A_1261 = arith.index_cast %add3A_1260 : i32 to index
        %swap3A_1262 = arith.constant 64 : index
        %swap3A_1263 = tpu.vector_load %arg10[%swap3A_1261, %swap3A_1262] {strides = array<i32>} : memref<64x128xf32, #tpu.memory_space<vmem>>, vector<1x16xf32>,
        %swap3A_1264 = vector.shape_cast %swap3A_1263 : vector<1x16xf32> to vector<16xf32>
        %swap3A_1265 = vector.shape_cast %mul3A_1258 : vector<16xf32> to vector<1x16xf32>
        tpu.vector_store %arg10[%swap3A_1261, %swap3A_1262], %swap3A_1265 {strides = array<i32>} : memref<64x128xf32, #tpu.memory_space<vmem>>, vector<1x16xf32>,
        %add3A_1266 = arith.constant 9 : i32
        %add3A_1267 = arith.addi %mul3A_93, %add3A_1266 : i32
        %get3A_1268 = arith.index_cast %add3A_1267 : i32 to index
        %get3A_1269 = arith.constant 80 : index
        %get3A_1270 = tpu.vector_load %arg10[%get3A_1268, %get3A_1269] {strides = array<i32>} : memref<64x128xf32, #tpu.memory_space<vmem>>, vector<1x16xf32>,
        %get3A_1271 = vector.shape_cast %get3A_1270 : vector<1x16xf32> to vector<16xf32>
        %mul3A_1272 = vector.broadcast %squeeze3A_1190 : f32 to vector<16xf32>
        %mul3A_1273 = arith.mulf %get3A_1271, %mul3A_1272 : vector<16xf32>
        %add3A_1274 = arith.constant 9 : i32
        %add3A_1275 = arith.addi %mul3A_93, %add3A_1274 : i32
        %swap3A_1276 = arith.index_cast %add3A_1275 : i32 to index
        %swap3A_1277 = arith.constant 80 : index
        %swap3A_1278 = tpu.vector_load %arg10[%swap3A_1276, %swap3A_1277] {strides = array<i32>} : memref<64x128xf32, #tpu.memory_space<vmem>>, vector<1x16xf32>,
        %swap3A_1279 = vector.shape_cast %swap3A_1278 : vector<1x16xf32> to vector<16xf32>
        %swap3A_1280 = vector.shape_cast %mul3A_1273 : vector<16xf32> to vector<1x16xf32>
        tpu.vector_store %arg10[%swap3A_1276, %swap3A_1277], %swap3A_1280 {strides = array<i32>} : memref<64x128xf32, #tpu.memory_space<vmem>>, vector<1x16xf32>,
        %add3A_1281 = arith.constant 9 : i32
        %add3A_1282 = arith.addi %mul3A_93, %add3A_1281 : i32
        %get3A_1283 = arith.index_cast %add3A_1282 : i32 to index
        %get3A_1284 = arith.constant 96 : index
        %get3A_1285 = tpu.vector_load %arg10[%get3A_1283, %get3A_1284] {strides = array<i32>} : memref<64x128xf32, #tpu.memory_space<vmem>>, vector<1x16xf32>,
        %get3A_1286 = vector.shape_cast %get3A_1285 : vector<1x16xf32> to vector<16xf32>
        %mul3A_1287 = vector.broadcast %squeeze3A_1190 : f32 to vector<16xf32>
        %mul3A_1288 = arith.mulf %get3A_1286, %mul3A_1287 : vector<16xf32>
        %add3A_1289 = arith.constant 9 : i32
        %add3A_1290 = arith.addi %mul3A_93, %add3A_1289 : i32
        %swap3A_1291 = arith.index_cast %add3A_1290 : i32 to index
        %swap3A_1292 = arith.constant 96 : index
        %swap3A_1293 = tpu.vector_load %arg10[%swap3A_1291, %swap3A_1292] {strides = array<i32>} : memref<64x128xf32, #tpu.memory_space<vmem>>, vector<1x16xf32>,
        %swap3A_1294 = vector.shape_cast %swap3A_1293 : vector<1x16xf32> to vector<16xf32>
        %swap3A_1295 = vector.shape_cast %mul3A_1288 : vector<16xf32> to vector<1x16xf32>
        tpu.vector_store %arg10[%swap3A_1291, %swap3A_1292], %swap3A_1295 {strides = array<i32>} : memref<64x128xf32, #tpu.memory_space<vmem>>, vector<1x16xf32>,
        %add3A_1296 = arith.constant 9 : i32
        %add3A_1297 = arith.addi %mul3A_93, %add3A_1296 : i32
        %get3A_1298 = arith.index_cast %add3A_1297 : i32 to index
        %get3A_1299 = arith.constant 112 : index
        %get3A_1300 = tpu.vector_load %arg10[%get3A_1298, %get3A_1299] {strides = array<i32>} : memref<64x128xf32, #tpu.memory_space<vmem>>, vector<1x16xf32>,
        %get3A_1301 = vector.shape_cast %get3A_1300 : vector<1x16xf32> to vector<16xf32>
        %mul3A_1302 = vector.broadcast %squeeze3A_1190 : f32 to vector<16xf32>
        %mul3A_1303 = arith.mulf %get3A_1301, %mul3A_1302 : vector<16xf32>
        %add3A_1304 = arith.constant 9 : i32
        %add3A_1305 = arith.addi %mul3A_93, %add3A_1304 : i32
        %swap3A_1306 = arith.index_cast %add3A_1305 : i32 to index
        %swap3A_1307 = arith.constant 112 : index
        %swap3A_1308 = tpu.vector_load %arg10[%swap3A_1306, %swap3A_1307] {strides = array<i32>} : memref<64x128xf32, #tpu.memory_space<vmem>>, vector<1x16xf32>,
        %swap3A_1309 = vector.shape_cast %swap3A_1308 : vector<1x16xf32> to vector<16xf32>
        %swap3A_1310 = vector.shape_cast %mul3A_1303 : vector<16xf32> to vector<1x16xf32>
        tpu.vector_store %arg10[%swap3A_1306, %swap3A_1307], %swap3A_1310 {strides = array<i32>} : memref<64x128xf32, #tpu.memory_space<vmem>>, vector<1x16xf32>,
        %slice3A_1311 = vector.extract_strided_slice %get3A_91 {offsets = [10], sizes = [1], strides = [1]} : vector<16xf32> to vector<1xf32>
        %squeeze3A_1312 = vector.extract %slice3A_1311[0] : f32 from vector<1xf32>
        %add3A_1313 = arith.constant 10 : i32
        %add3A_1314 = arith.addi %mul3A_93, %add3A_1313 : i32
        %get3A_1315 = arith.index_cast %add3A_1314 : i32 to index
        %get3A_1316 = arith.constant 0 : index
        %get3A_1317 = tpu.vector_load %arg10[%get3A_1315, %get3A_1316] {strides = array<i32>} : memref<64x128xf32, #tpu.memory_space<vmem>>, vector<1x16xf32>,
        %get3A_1318 = vector.shape_cast %get3A_1317 : vector<1x16xf32> to vector<16xf32>
        %mul3A_1319 = vector.broadcast %squeeze3A_1312 : f32 to vector<16xf32>
        %mul3A_1320 = arith.mulf %get3A_1318, %mul3A_1319 : vector<16xf32>
        %add3A_1321 = arith.constant 10 : i32
        %add3A_1322 = arith.addi %mul3A_93, %add3A_1321 : i32
        %swap3A_1323 = arith.index_cast %add3A_1322 : i32 to index
        %swap3A_1324 = arith.constant 0 : index
        %swap3A_1325 = tpu.vector_load %arg10[%swap3A_1323, %swap3A_1324] {strides = array<i32>} : memref<64x128xf32, #tpu.memory_space<vmem>>, vector<1x16xf32>,
        %swap3A_1326 = vector.shape_cast %swap3A_1325 : vector<1x16xf32> to vector<16xf32>
        %swap3A_1327 = vector.shape_cast %mul3A_1320 : vector<16xf32> to vector<1x16xf32>
        tpu.vector_store %arg10[%swap3A_1323, %swap3A_1324], %swap3A_1327 {strides = array<i32>} : memref<64x128xf32, #tpu.memory_space<vmem>>, vector<1x16xf32>,
        %add3A_1328 = arith.constant 10 : i32
        %add3A_1329 = arith.addi %mul3A_93, %add3A_1328 : i32
        %get3A_1330 = arith.index_cast %add3A_1329 : i32 to index
        %get3A_1331 = arith.constant 16 : index
        %get3A_1332 = tpu.vector_load %arg10[%get3A_1330, %get3A_1331] {strides = array<i32>} : memref<64x128xf32, #tpu.memory_space<vmem>>, vector<1x16xf32>,
        %get3A_1333 = vector.shape_cast %get3A_1332 : vector<1x16xf32> to vector<16xf32>
        %mul3A_1334 = vector.broadcast %squeeze3A_1312 : f32 to vector<16xf32>
        %mul3A_1335 = arith.mulf %get3A_1333, %mul3A_1334 : vector<16xf32>
        %add3A_1336 = arith.constant 10 : i32
        %add3A_1337 = arith.addi %mul3A_93, %add3A_1336 : i32
        %swap3A_1338 = arith.index_cast %add3A_1337 : i32 to index
        %swap3A_1339 = arith.constant 16 : index
        %swap3A_1340 = tpu.vector_load %arg10[%swap3A_1338, %swap3A_1339] {strides = array<i32>} : memref<64x128xf32, #tpu.memory_space<vmem>>, vector<1x16xf32>,
        %swap3A_1341 = vector.shape_cast %swap3A_1340 : vector<1x16xf32> to vector<16xf32>
        %swap3A_1342 = vector.shape_cast %mul3A_1335 : vector<16xf32> to vector<1x16xf32>
        tpu.vector_store %arg10[%swap3A_1338, %swap3A_1339], %swap3A_1342 {strides = array<i32>} : memref<64x128xf32, #tpu.memory_space<vmem>>, vector<1x16xf32>,
        %add3A_1343 = arith.constant 10 : i32
        %add3A_1344 = arith.addi %mul3A_93, %add3A_1343 : i32
        %get3A_1345 = arith.index_cast %add3A_1344 : i32 to index
        %get3A_1346 = arith.constant 32 : index
        %get3A_1347 = tpu.vector_load %arg10[%get3A_1345, %get3A_1346] {strides = array<i32>} : memref<64x128xf32, #tpu.memory_space<vmem>>, vector<1x16xf32>,
        %get3A_1348 = vector.shape_cast %get3A_1347 : vector<1x16xf32> to vector<16xf32>
        %mul3A_1349 = vector.broadcast %squeeze3A_1312 : f32 to vector<16xf32>
        %mul3A_1350 = arith.mulf %get3A_1348, %mul3A_1349 : vector<16xf32>
        %add3A_1351 = arith.constant 10 : i32
        %add3A_1352 = arith.addi %mul3A_93, %add3A_1351 : i32
        %swap3A_1353 = arith.index_cast %add3A_1352 : i32 to index
        %swap3A_1354 = arith.constant 32 : index
        %swap3A_1355 = tpu.vector_load %arg10[%swap3A_1353, %swap3A_1354] {strides = array<i32>} : memref<64x128xf32, #tpu.memory_space<vmem>>, vector<1x16xf32>,
        %swap3A_1356 = vector.shape_cast %swap3A_1355 : vector<1x16xf32> to vector<16xf32>
        %swap3A_1357 = vector.shape_cast %mul3A_1350 : vector<16xf32> to vector<1x16xf32>
        tpu.vector_store %arg10[%swap3A_1353, %swap3A_1354], %swap3A_1357 {strides = array<i32>} : memref<64x128xf32, #tpu.memory_space<vmem>>, vector<1x16xf32>,
        %add3A_1358 = arith.constant 10 : i32
        %add3A_1359 = arith.addi %mul3A_93, %add3A_1358 : i32
        %get3A_1360 = arith.index_cast %add3A_1359 : i32 to index
        %get3A_1361 = arith.constant 48 : index
        %get3A_1362 = tpu.vector_load %arg10[%get3A_1360, %get3A_1361] {strides = array<i32>} : memref<64x128xf32, #tpu.memory_space<vmem>>, vector<1x16xf32>,
        %get3A_1363 = vector.shape_cast %get3A_1362 : vector<1x16xf32> to vector<16xf32>
        %mul3A_1364 = vector.broadcast %squeeze3A_1312 : f32 to vector<16xf32>
        %mul3A_1365 = arith.mulf %get3A_1363, %mul3A_1364 : vector<16xf32>
        %add3A_1366 = arith.constant 10 : i32
        %add3A_1367 = arith.addi %mul3A_93, %add3A_1366 : i32
        %swap3A_1368 = arith.index_cast %add3A_1367 : i32 to index
        %swap3A_1369 = arith.constant 48 : index
        %swap3A_1370 = tpu.vector_load %arg10[%swap3A_1368, %swap3A_1369] {strides = array<i32>} : memref<64x128xf32, #tpu.memory_space<vmem>>, vector<1x16xf32>,
        %swap3A_1371 = vector.shape_cast %swap3A_1370 : vector<1x16xf32> to vector<16xf32>
        %swap3A_1372 = vector.shape_cast %mul3A_1365 : vector<16xf32> to vector<1x16xf32>
        tpu.vector_store %arg10[%swap3A_1368, %swap3A_1369], %swap3A_1372 {strides = array<i32>} : memref<64x128xf32, #tpu.memory_space<vmem>>, vector<1x16xf32>,
        %add3A_1373 = arith.constant 10 : i32
        %add3A_1374 = arith.addi %mul3A_93, %add3A_1373 : i32
        %get3A_1375 = arith.index_cast %add3A_1374 : i32 to index
        %get3A_1376 = arith.constant 64 : index
        %get3A_1377 = tpu.vector_load %arg10[%get3A_1375, %get3A_1376] {strides = array<i32>} : memref<64x128xf32, #tpu.memory_space<vmem>>, vector<1x16xf32>,
        %get3A_1378 = vector.shape_cast %get3A_1377 : vector<1x16xf32> to vector<16xf32>
        %mul3A_1379 = vector.broadcast %squeeze3A_1312 : f32 to vector<16xf32>
        %mul3A_1380 = arith.mulf %get3A_1378, %mul3A_1379 : vector<16xf32>
        %add3A_1381 = arith.constant 10 : i32
        %add3A_1382 = arith.addi %mul3A_93, %add3A_1381 : i32
        %swap3A_1383 = arith.index_cast %add3A_1382 : i32 to index
        %swap3A_1384 = arith.constant 64 : index
        %swap3A_1385 = tpu.vector_load %arg10[%swap3A_1383, %swap3A_1384] {strides = array<i32>} : memref<64x128xf32, #tpu.memory_space<vmem>>, vector<1x16xf32>,
        %swap3A_1386 = vector.shape_cast %swap3A_1385 : vector<1x16xf32> to vector<16xf32>
        %swap3A_1387 = vector.shape_cast %mul3A_1380 : vector<16xf32> to vector<1x16xf32>
        tpu.vector_store %arg10[%swap3A_1383, %swap3A_1384], %swap3A_1387 {strides = array<i32>} : memref<64x128xf32, #tpu.memory_space<vmem>>, vector<1x16xf32>,
        %add3A_1388 = arith.constant 10 : i32
        %add3A_1389 = arith.addi %mul3A_93, %add3A_1388 : i32
        %get3A_1390 = arith.index_cast %add3A_1389 : i32 to index
        %get3A_1391 = arith.constant 80 : index
        %get3A_1392 = tpu.vector_load %arg10[%get3A_1390, %get3A_1391] {strides = array<i32>} : memref<64x128xf32, #tpu.memory_space<vmem>>, vector<1x16xf32>,
        %get3A_1393 = vector.shape_cast %get3A_1392 : vector<1x16xf32> to vector<16xf32>
        %mul3A_1394 = vector.broadcast %squeeze3A_1312 : f32 to vector<16xf32>
        %mul3A_1395 = arith.mulf %get3A_1393, %mul3A_1394 : vector<16xf32>
        %add3A_1396 = arith.constant 10 : i32
        %add3A_1397 = arith.addi %mul3A_93, %add3A_1396 : i32
        %swap3A_1398 = arith.index_cast %add3A_1397 : i32 to index
        %swap3A_1399 = arith.constant 80 : index
        %swap3A_1400 = tpu.vector_load %arg10[%swap3A_1398, %swap3A_1399] {strides = array<i32>} : memref<64x128xf32, #tpu.memory_space<vmem>>, vector<1x16xf32>,
        %swap3A_1401 = vector.shape_cast %swap3A_1400 : vector<1x16xf32> to vector<16xf32>
        %swap3A_1402 = vector.shape_cast %mul3A_1395 : vector<16xf32> to vector<1x16xf32>
        tpu.vector_store %arg10[%swap3A_1398, %swap3A_1399], %swap3A_1402 {strides = array<i32>} : memref<64x128xf32, #tpu.memory_space<vmem>>, vector<1x16xf32>,
        %add3A_1403 = arith.constant 10 : i32
        %add3A_1404 = arith.addi %mul3A_93, %add3A_1403 : i32
        %get3A_1405 = arith.index_cast %add3A_1404 : i32 to index
        %get3A_1406 = arith.constant 96 : index
        %get3A_1407 = tpu.vector_load %arg10[%get3A_1405, %get3A_1406] {strides = array<i32>} : memref<64x128xf32, #tpu.memory_space<vmem>>, vector<1x16xf32>,
        %get3A_1408 = vector.shape_cast %get3A_1407 : vector<1x16xf32> to vector<16xf32>
        %mul3A_1409 = vector.broadcast %squeeze3A_1312 : f32 to vector<16xf32>
        %mul3A_1410 = arith.mulf %get3A_1408, %mul3A_1409 : vector<16xf32>
        %add3A_1411 = arith.constant 10 : i32
        %add3A_1412 = arith.addi %mul3A_93, %add3A_1411 : i32
        %swap3A_1413 = arith.index_cast %add3A_1412 : i32 to index
        %swap3A_1414 = arith.constant 96 : index
        %swap3A_1415 = tpu.vector_load %arg10[%swap3A_1413, %swap3A_1414] {strides = array<i32>} : memref<64x128xf32, #tpu.memory_space<vmem>>, vector<1x16xf32>,
        %swap3A_1416 = vector.shape_cast %swap3A_1415 : vector<1x16xf32> to vector<16xf32>
        %swap3A_1417 = vector.shape_cast %mul3A_1410 : vector<16xf32> to vector<1x16xf32>
        tpu.vector_store %arg10[%swap3A_1413, %swap3A_1414], %swap3A_1417 {strides = array<i32>} : memref<64x128xf32, #tpu.memory_space<vmem>>, vector<1x16xf32>,
        %add3A_1418 = arith.constant 10 : i32
        %add3A_1419 = arith.addi %mul3A_93, %add3A_1418 : i32
        %get3A_1420 = arith.index_cast %add3A_1419 : i32 to index
        %get3A_1421 = arith.constant 112 : index
        %get3A_1422 = tpu.vector_load %arg10[%get3A_1420, %get3A_1421] {strides = array<i32>} : memref<64x128xf32, #tpu.memory_space<vmem>>, vector<1x16xf32>,
        %get3A_1423 = vector.shape_cast %get3A_1422 : vector<1x16xf32> to vector<16xf32>
        %mul3A_1424 = vector.broadcast %squeeze3A_1312 : f32 to vector<16xf32>
        %mul3A_1425 = arith.mulf %get3A_1423, %mul3A_1424 : vector<16xf32>
        %add3A_1426 = arith.constant 10 : i32
        %add3A_1427 = arith.addi %mul3A_93, %add3A_1426 : i32
        %swap3A_1428 = arith.index_cast %add3A_1427 : i32 to index
        %swap3A_1429 = arith.constant 112 : index
        %swap3A_1430 = tpu.vector_load %arg10[%swap3A_1428, %swap3A_1429] {strides = array<i32>} : memref<64x128xf32, #tpu.memory_space<vmem>>, vector<1x16xf32>,
        %swap3A_1431 = vector.shape_cast %swap3A_1430 : vector<1x16xf32> to vector<16xf32>
        %swap3A_1432 = vector.shape_cast %mul3A_1425 : vector<16xf32> to vector<1x16xf32>
        tpu.vector_store %arg10[%swap3A_1428, %swap3A_1429], %swap3A_1432 {strides = array<i32>} : memref<64x128xf32, #tpu.memory_space<vmem>>, vector<1x16xf32>,
        %slice3A_1433 = vector.extract_strided_slice %get3A_91 {offsets = [11], sizes = [1], strides = [1]} : vector<16xf32> to vector<1xf32>
        %squeeze3A_1434 = vector.extract %slice3A_1433[0] : f32 from vector<1xf32>
        %add3A_1435 = arith.constant 11 : i32
        %add3A_1436 = arith.addi %mul3A_93, %add3A_1435 : i32
        %get3A_1437 = arith.index_cast %add3A_1436 : i32 to index
        %get3A_1438 = arith.constant 0 : index
        %get3A_1439 = tpu.vector_load %arg10[%get3A_1437, %get3A_1438] {strides = array<i32>} : memref<64x128xf32, #tpu.memory_space<vmem>>, vector<1x16xf32>,
        %get3A_1440 = vector.shape_cast %get3A_1439 : vector<1x16xf32> to vector<16xf32>
        %mul3A_1441 = vector.broadcast %squeeze3A_1434 : f32 to vector<16xf32>
        %mul3A_1442 = arith.mulf %get3A_1440, %mul3A_1441 : vector<16xf32>
        %add3A_1443 = arith.constant 11 : i32
        %add3A_1444 = arith.addi %mul3A_93, %add3A_1443 : i32
        %swap3A_1445 = arith.index_cast %add3A_1444 : i32 to index
        %swap3A_1446 = arith.constant 0 : index
        %swap3A_1447 = tpu.vector_load %arg10[%swap3A_1445, %swap3A_1446] {strides = array<i32>} : memref<64x128xf32, #tpu.memory_space<vmem>>, vector<1x16xf32>,
        %swap3A_1448 = vector.shape_cast %swap3A_1447 : vector<1x16xf32> to vector<16xf32>
        %swap3A_1449 = vector.shape_cast %mul3A_1442 : vector<16xf32> to vector<1x16xf32>
        tpu.vector_store %arg10[%swap3A_1445, %swap3A_1446], %swap3A_1449 {strides = array<i32>} : memref<64x128xf32, #tpu.memory_space<vmem>>, vector<1x16xf32>,
        %add3A_1450 = arith.constant 11 : i32
        %add3A_1451 = arith.addi %mul3A_93, %add3A_1450 : i32
        %get3A_1452 = arith.index_cast %add3A_1451 : i32 to index
        %get3A_1453 = arith.constant 16 : index
        %get3A_1454 = tpu.vector_load %arg10[%get3A_1452, %get3A_1453] {strides = array<i32>} : memref<64x128xf32, #tpu.memory_space<vmem>>, vector<1x16xf32>,
        %get3A_1455 = vector.shape_cast %get3A_1454 : vector<1x16xf32> to vector<16xf32>
        %mul3A_1456 = vector.broadcast %squeeze3A_1434 : f32 to vector<16xf32>
        %mul3A_1457 = arith.mulf %get3A_1455, %mul3A_1456 : vector<16xf32>
        %add3A_1458 = arith.constant 11 : i32
        %add3A_1459 = arith.addi %mul3A_93, %add3A_1458 : i32
        %swap3A_1460 = arith.index_cast %add3A_1459 : i32 to index
        %swap3A_1461 = arith.constant 16 : index
        %swap3A_1462 = tpu.vector_load %arg10[%swap3A_1460, %swap3A_1461] {strides = array<i32>} : memref<64x128xf32, #tpu.memory_space<vmem>>, vector<1x16xf32>,
        %swap3A_1463 = vector.shape_cast %swap3A_1462 : vector<1x16xf32> to vector<16xf32>
        %swap3A_1464 = vector.shape_cast %mul3A_1457 : vector<16xf32> to vector<1x16xf32>
        tpu.vector_store %arg10[%swap3A_1460, %swap3A_1461], %swap3A_1464 {strides = array<i32>} : memref<64x128xf32, #tpu.memory_space<vmem>>, vector<1x16xf32>,
        %add3A_1465 = arith.constant 11 : i32
        %add3A_1466 = arith.addi %mul3A_93, %add3A_1465 : i32
        %get3A_1467 = arith.index_cast %add3A_1466 : i32 to index
        %get3A_1468 = arith.constant 32 : index
        %get3A_1469 = tpu.vector_load %arg10[%get3A_1467, %get3A_1468] {strides = array<i32>} : memref<64x128xf32, #tpu.memory_space<vmem>>, vector<1x16xf32>,
        %get3A_1470 = vector.shape_cast %get3A_1469 : vector<1x16xf32> to vector<16xf32>
        %mul3A_1471 = vector.broadcast %squeeze3A_1434 : f32 to vector<16xf32>
        %mul3A_1472 = arith.mulf %get3A_1470, %mul3A_1471 : vector<16xf32>
        %add3A_1473 = arith.constant 11 : i32
        %add3A_1474 = arith.addi %mul3A_93, %add3A_1473 : i32
        %swap3A_1475 = arith.index_cast %add3A_1474 : i32 to index
        %swap3A_1476 = arith.constant 32 : index
        %swap3A_1477 = tpu.vector_load %arg10[%swap3A_1475, %swap3A_1476] {strides = array<i32>} : memref<64x128xf32, #tpu.memory_space<vmem>>, vector<1x16xf32>,
        %swap3A_1478 = vector.shape_cast %swap3A_1477 : vector<1x16xf32> to vector<16xf32>
        %swap3A_1479 = vector.shape_cast %mul3A_1472 : vector<16xf32> to vector<1x16xf32>
        tpu.vector_store %arg10[%swap3A_1475, %swap3A_1476], %swap3A_1479 {strides = array<i32>} : memref<64x128xf32, #tpu.memory_space<vmem>>, vector<1x16xf32>,
        %add3A_1480 = arith.constant 11 : i32
        %add3A_1481 = arith.addi %mul3A_93, %add3A_1480 : i32
        %get3A_1482 = arith.index_cast %add3A_1481 : i32 to index
        %get3A_1483 = arith.constant 48 : index
        %get3A_1484 = tpu.vector_load %arg10[%get3A_1482, %get3A_1483] {strides = array<i32>} : memref<64x128xf32, #tpu.memory_space<vmem>>, vector<1x16xf32>,
        %get3A_1485 = vector.shape_cast %get3A_1484 : vector<1x16xf32> to vector<16xf32>
        %mul3A_1486 = vector.broadcast %squeeze3A_1434 : f32 to vector<16xf32>
        %mul3A_1487 = arith.mulf %get3A_1485, %mul3A_1486 : vector<16xf32>
        %add3A_1488 = arith.constant 11 : i32
        %add3A_1489 = arith.addi %mul3A_93, %add3A_1488 : i32
        %swap3A_1490 = arith.index_cast %add3A_1489 : i32 to index
        %swap3A_1491 = arith.constant 48 : index
        %swap3A_1492 = tpu.vector_load %arg10[%swap3A_1490, %swap3A_1491] {strides = array<i32>} : memref<64x128xf32, #tpu.memory_space<vmem>>, vector<1x16xf32>,
        %swap3A_1493 = vector.shape_cast %swap3A_1492 : vector<1x16xf32> to vector<16xf32>
        %swap3A_1494 = vector.shape_cast %mul3A_1487 : vector<16xf32> to vector<1x16xf32>
        tpu.vector_store %arg10[%swap3A_1490, %swap3A_1491], %swap3A_1494 {strides = array<i32>} : memref<64x128xf32, #tpu.memory_space<vmem>>, vector<1x16xf32>,
        %add3A_1495 = arith.constant 11 : i32
        %add3A_1496 = arith.addi %mul3A_93, %add3A_1495 : i32
        %get3A_1497 = arith.index_cast %add3A_1496 : i32 to index
        %get3A_1498 = arith.constant 64 : index
        %get3A_1499 = tpu.vector_load %arg10[%get3A_1497, %get3A_1498] {strides = array<i32>} : memref<64x128xf32, #tpu.memory_space<vmem>>, vector<1x16xf32>,
        %get3A_1500 = vector.shape_cast %get3A_1499 : vector<1x16xf32> to vector<16xf32>
        %mul3A_1501 = vector.broadcast %squeeze3A_1434 : f32 to vector<16xf32>
        %mul3A_1502 = arith.mulf %get3A_1500, %mul3A_1501 : vector<16xf32>
        %add3A_1503 = arith.constant 11 : i32
        %add3A_1504 = arith.addi %mul3A_93, %add3A_1503 : i32
        %swap3A_1505 = arith.index_cast %add3A_1504 : i32 to index
        %swap3A_1506 = arith.constant 64 : index
        %swap3A_1507 = tpu.vector_load %arg10[%swap3A_1505, %swap3A_1506] {strides = array<i32>} : memref<64x128xf32, #tpu.memory_space<vmem>>, vector<1x16xf32>,
        %swap3A_1508 = vector.shape_cast %swap3A_1507 : vector<1x16xf32> to vector<16xf32>
        %swap3A_1509 = vector.shape_cast %mul3A_1502 : vector<16xf32> to vector<1x16xf32>
        tpu.vector_store %arg10[%swap3A_1505, %swap3A_1506], %swap3A_1509 {strides = array<i32>} : memref<64x128xf32, #tpu.memory_space<vmem>>, vector<1x16xf32>,
        %add3A_1510 = arith.constant 11 : i32
        %add3A_1511 = arith.addi %mul3A_93, %add3A_1510 : i32
        %get3A_1512 = arith.index_cast %add3A_1511 : i32 to index
        %get3A_1513 = arith.constant 80 : index
        %get3A_1514 = tpu.vector_load %arg10[%get3A_1512, %get3A_1513] {strides = array<i32>} : memref<64x128xf32, #tpu.memory_space<vmem>>, vector<1x16xf32>,
        %get3A_1515 = vector.shape_cast %get3A_1514 : vector<1x16xf32> to vector<16xf32>
        %mul3A_1516 = vector.broadcast %squeeze3A_1434 : f32 to vector<16xf32>
        %mul3A_1517 = arith.mulf %get3A_1515, %mul3A_1516 : vector<16xf32>
        %add3A_1518 = arith.constant 11 : i32
        %add3A_1519 = arith.addi %mul3A_93, %add3A_1518 : i32
        %swap3A_1520 = arith.index_cast %add3A_1519 : i32 to index
        %swap3A_1521 = arith.constant 80 : index
        %swap3A_1522 = tpu.vector_load %arg10[%swap3A_1520, %swap3A_1521] {strides = array<i32>} : memref<64x128xf32, #tpu.memory_space<vmem>>, vector<1x16xf32>,
        %swap3A_1523 = vector.shape_cast %swap3A_1522 : vector<1x16xf32> to vector<16xf32>
        %swap3A_1524 = vector.shape_cast %mul3A_1517 : vector<16xf32> to vector<1x16xf32>
        tpu.vector_store %arg10[%swap3A_1520, %swap3A_1521], %swap3A_1524 {strides = array<i32>} : memref<64x128xf32, #tpu.memory_space<vmem>>, vector<1x16xf32>,
        %add3A_1525 = arith.constant 11 : i32
        %add3A_1526 = arith.addi %mul3A_93, %add3A_1525 : i32
        %get3A_1527 = arith.index_cast %add3A_1526 : i32 to index
        %get3A_1528 = arith.constant 96 : index
        %get3A_1529 = tpu.vector_load %arg10[%get3A_1527, %get3A_1528] {strides = array<i32>} : memref<64x128xf32, #tpu.memory_space<vmem>>, vector<1x16xf32>,
        %get3A_1530 = vector.shape_cast %get3A_1529 : vector<1x16xf32> to vector<16xf32>
        %mul3A_1531 = vector.broadcast %squeeze3A_1434 : f32 to vector<16xf32>
        %mul3A_1532 = arith.mulf %get3A_1530, %mul3A_1531 : vector<16xf32>
        %add3A_1533 = arith.constant 11 : i32
        %add3A_1534 = arith.addi %mul3A_93, %add3A_1533 : i32
        %swap3A_1535 = arith.index_cast %add3A_1534 : i32 to index
        %swap3A_1536 = arith.constant 96 : index
        %swap3A_1537 = tpu.vector_load %arg10[%swap3A_1535, %swap3A_1536] {strides = array<i32>} : memref<64x128xf32, #tpu.memory_space<vmem>>, vector<1x16xf32>,
        %swap3A_1538 = vector.shape_cast %swap3A_1537 : vector<1x16xf32> to vector<16xf32>
        %swap3A_1539 = vector.shape_cast %mul3A_1532 : vector<16xf32> to vector<1x16xf32>
        tpu.vector_store %arg10[%swap3A_1535, %swap3A_1536], %swap3A_1539 {strides = array<i32>} : memref<64x128xf32, #tpu.memory_space<vmem>>, vector<1x16xf32>,
        %add3A_1540 = arith.constant 11 : i32
        %add3A_1541 = arith.addi %mul3A_93, %add3A_1540 : i32
        %get3A_1542 = arith.index_cast %add3A_1541 : i32 to index
        %get3A_1543 = arith.constant 112 : index
        %get3A_1544 = tpu.vector_load %arg10[%get3A_1542, %get3A_1543] {strides = array<i32>} : memref<64x128xf32, #tpu.memory_space<vmem>>, vector<1x16xf32>,
        %get3A_1545 = vector.shape_cast %get3A_1544 : vector<1x16xf32> to vector<16xf32>
        %mul3A_1546 = vector.broadcast %squeeze3A_1434 : f32 to vector<16xf32>
        %mul3A_1547 = arith.mulf %get3A_1545, %mul3A_1546 : vector<16xf32>
        %add3A_1548 = arith.constant 11 : i32
        %add3A_1549 = arith.addi %mul3A_93, %add3A_1548 : i32
        %swap3A_1550 = arith.index_cast %add3A_1549 : i32 to index
        %swap3A_1551 = arith.constant 112 : index
        %swap3A_1552 = tpu.vector_load %arg10[%swap3A_1550, %swap3A_1551] {strides = array<i32>} : memref<64x128xf32, #tpu.memory_space<vmem>>, vector<1x16xf32>,
        %swap3A_1553 = vector.shape_cast %swap3A_1552 : vector<1x16xf32> to vector<16xf32>
        %swap3A_1554 = vector.shape_cast %mul3A_1547 : vector<16xf32> to vector<1x16xf32>
        tpu.vector_store %arg10[%swap3A_1550, %swap3A_1551], %swap3A_1554 {strides = array<i32>} : memref<64x128xf32, #tpu.memory_space<vmem>>, vector<1x16xf32>,
        %slice3A_1555 = vector.extract_strided_slice %get3A_91 {offsets = [12], sizes = [1], strides = [1]} : vector<16xf32> to vector<1xf32>
        %squeeze3A_1556 = vector.extract %slice3A_1555[0] : f32 from vector<1xf32>
        %add3A_1557 = arith.constant 12 : i32
        %add3A_1558 = arith.addi %mul3A_93, %add3A_1557 : i32
        %get3A_1559 = arith.index_cast %add3A_1558 : i32 to index
        %get3A_1560 = arith.constant 0 : index
        %get3A_1561 = tpu.vector_load %arg10[%get3A_1559, %get3A_1560] {strides = array<i32>} : memref<64x128xf32, #tpu.memory_space<vmem>>, vector<1x16xf32>,
        %get3A_1562 = vector.shape_cast %get3A_1561 : vector<1x16xf32> to vector<16xf32>
        %mul3A_1563 = vector.broadcast %squeeze3A_1556 : f32 to vector<16xf32>
        %mul3A_1564 = arith.mulf %get3A_1562, %mul3A_1563 : vector<16xf32>
        %add3A_1565 = arith.constant 12 : i32
        %add3A_1566 = arith.addi %mul3A_93, %add3A_1565 : i32
        %swap3A_1567 = arith.index_cast %add3A_1566 : i32 to index
        %swap3A_1568 = arith.constant 0 : index
        %swap3A_1569 = tpu.vector_load %arg10[%swap3A_1567, %swap3A_1568] {strides = array<i32>} : memref<64x128xf32, #tpu.memory_space<vmem>>, vector<1x16xf32>,
        %swap3A_1570 = vector.shape_cast %swap3A_1569 : vector<1x16xf32> to vector<16xf32>
        %swap3A_1571 = vector.shape_cast %mul3A_1564 : vector<16xf32> to vector<1x16xf32>
        tpu.vector_store %arg10[%swap3A_1567, %swap3A_1568], %swap3A_1571 {strides = array<i32>} : memref<64x128xf32, #tpu.memory_space<vmem>>, vector<1x16xf32>,
        %add3A_1572 = arith.constant 12 : i32
        %add3A_1573 = arith.addi %mul3A_93, %add3A_1572 : i32
        %get3A_1574 = arith.index_cast %add3A_1573 : i32 to index
        %get3A_1575 = arith.constant 16 : index
        %get3A_1576 = tpu.vector_load %arg10[%get3A_1574, %get3A_1575] {strides = array<i32>} : memref<64x128xf32, #tpu.memory_space<vmem>>, vector<1x16xf32>,
        %get3A_1577 = vector.shape_cast %get3A_1576 : vector<1x16xf32> to vector<16xf32>
        %mul3A_1578 = vector.broadcast %squeeze3A_1556 : f32 to vector<16xf32>
        %mul3A_1579 = arith.mulf %get3A_1577, %mul3A_1578 : vector<16xf32>
        %add3A_1580 = arith.constant 12 : i32
        %add3A_1581 = arith.addi %mul3A_93, %add3A_1580 : i32
        %swap3A_1582 = arith.index_cast %add3A_1581 : i32 to index
        %swap3A_1583 = arith.constant 16 : index
        %swap3A_1584 = tpu.vector_load %arg10[%swap3A_1582, %swap3A_1583] {strides = array<i32>} : memref<64x128xf32, #tpu.memory_space<vmem>>, vector<1x16xf32>,
        %swap3A_1585 = vector.shape_cast %swap3A_1584 : vector<1x16xf32> to vector<16xf32>
        %swap3A_1586 = vector.shape_cast %mul3A_1579 : vector<16xf32> to vector<1x16xf32>
        tpu.vector_store %arg10[%swap3A_1582, %swap3A_1583], %swap3A_1586 {strides = array<i32>} : memref<64x128xf32, #tpu.memory_space<vmem>>, vector<1x16xf32>,
        %add3A_1587 = arith.constant 12 : i32
        %add3A_1588 = arith.addi %mul3A_93, %add3A_1587 : i32
        %get3A_1589 = arith.index_cast %add3A_1588 : i32 to index
        %get3A_1590 = arith.constant 32 : index
        %get3A_1591 = tpu.vector_load %arg10[%get3A_1589, %get3A_1590] {strides = array<i32>} : memref<64x128xf32, #tpu.memory_space<vmem>>, vector<1x16xf32>,
        %get3A_1592 = vector.shape_cast %get3A_1591 : vector<1x16xf32> to vector<16xf32>
        %mul3A_1593 = vector.broadcast %squeeze3A_1556 : f32 to vector<16xf32>
        %mul3A_1594 = arith.mulf %get3A_1592, %mul3A_1593 : vector<16xf32>
        %add3A_1595 = arith.constant 12 : i32
        %add3A_1596 = arith.addi %mul3A_93, %add3A_1595 : i32
        %swap3A_1597 = arith.index_cast %add3A_1596 : i32 to index
        %swap3A_1598 = arith.constant 32 : index
        %swap3A_1599 = tpu.vector_load %arg10[%swap3A_1597, %swap3A_1598] {strides = array<i32>} : memref<64x128xf32, #tpu.memory_space<vmem>>, vector<1x16xf32>,
        %swap3A_1600 = vector.shape_cast %swap3A_1599 : vector<1x16xf32> to vector<16xf32>
        %swap3A_1601 = vector.shape_cast %mul3A_1594 : vector<16xf32> to vector<1x16xf32>
        tpu.vector_store %arg10[%swap3A_1597, %swap3A_1598], %swap3A_1601 {strides = array<i32>} : memref<64x128xf32, #tpu.memory_space<vmem>>, vector<1x16xf32>,
        %add3A_1602 = arith.constant 12 : i32
        %add3A_1603 = arith.addi %mul3A_93, %add3A_1602 : i32
        %get3A_1604 = arith.index_cast %add3A_1603 : i32 to index
        %get3A_1605 = arith.constant 48 : index
        %get3A_1606 = tpu.vector_load %arg10[%get3A_1604, %get3A_1605] {strides = array<i32>} : memref<64x128xf32, #tpu.memory_space<vmem>>, vector<1x16xf32>,
        %get3A_1607 = vector.shape_cast %get3A_1606 : vector<1x16xf32> to vector<16xf32>
        %mul3A_1608 = vector.broadcast %squeeze3A_1556 : f32 to vector<16xf32>
        %mul3A_1609 = arith.mulf %get3A_1607, %mul3A_1608 : vector<16xf32>
        %add3A_1610 = arith.constant 12 : i32
        %add3A_1611 = arith.addi %mul3A_93, %add3A_1610 : i32
        %swap3A_1612 = arith.index_cast %add3A_1611 : i32 to index
        %swap3A_1613 = arith.constant 48 : index
        %swap3A_1614 = tpu.vector_load %arg10[%swap3A_1612, %swap3A_1613] {strides = array<i32>} : memref<64x128xf32, #tpu.memory_space<vmem>>, vector<1x16xf32>,
        %swap3A_1615 = vector.shape_cast %swap3A_1614 : vector<1x16xf32> to vector<16xf32>
        %swap3A_1616 = vector.shape_cast %mul3A_1609 : vector<16xf32> to vector<1x16xf32>
        tpu.vector_store %arg10[%swap3A_1612, %swap3A_1613], %swap3A_1616 {strides = array<i32>} : memref<64x128xf32, #tpu.memory_space<vmem>>, vector<1x16xf32>,
        %add3A_1617 = arith.constant 12 : i32
        %add3A_1618 = arith.addi %mul3A_93, %add3A_1617 : i32
        %get3A_1619 = arith.index_cast %add3A_1618 : i32 to index
        %get3A_1620 = arith.constant 64 : index
        %get3A_1621 = tpu.vector_load %arg10[%get3A_1619, %get3A_1620] {strides = array<i32>} : memref<64x128xf32, #tpu.memory_space<vmem>>, vector<1x16xf32>,
        %get3A_1622 = vector.shape_cast %get3A_1621 : vector<1x16xf32> to vector<16xf32>
        %mul3A_1623 = vector.broadcast %squeeze3A_1556 : f32 to vector<16xf32>
        %mul3A_1624 = arith.mulf %get3A_1622, %mul3A_1623 : vector<16xf32>
        %add3A_1625 = arith.constant 12 : i32
        %add3A_1626 = arith.addi %mul3A_93, %add3A_1625 : i32
        %swap3A_1627 = arith.index_cast %add3A_1626 : i32 to index
        %swap3A_1628 = arith.constant 64 : index
        %swap3A_1629 = tpu.vector_load %arg10[%swap3A_1627, %swap3A_1628] {strides = array<i32>} : memref<64x128xf32, #tpu.memory_space<vmem>>, vector<1x16xf32>,
        %swap3A_1630 = vector.shape_cast %swap3A_1629 : vector<1x16xf32> to vector<16xf32>
        %swap3A_1631 = vector.shape_cast %mul3A_1624 : vector<16xf32> to vector<1x16xf32>
        tpu.vector_store %arg10[%swap3A_1627, %swap3A_1628], %swap3A_1631 {strides = array<i32>} : memref<64x128xf32, #tpu.memory_space<vmem>>, vector<1x16xf32>,
        %add3A_1632 = arith.constant 12 : i32
        %add3A_1633 = arith.addi %mul3A_93, %add3A_1632 : i32
        %get3A_1634 = arith.index_cast %add3A_1633 : i32 to index
        %get3A_1635 = arith.constant 80 : index
        %get3A_1636 = tpu.vector_load %arg10[%get3A_1634, %get3A_1635] {strides = array<i32>} : memref<64x128xf32, #tpu.memory_space<vmem>>, vector<1x16xf32>,
        %get3A_1637 = vector.shape_cast %get3A_1636 : vector<1x16xf32> to vector<16xf32>
        %mul3A_1638 = vector.broadcast %squeeze3A_1556 : f32 to vector<16xf32>
        %mul3A_1639 = arith.mulf %get3A_1637, %mul3A_1638 : vector<16xf32>
        %add3A_1640 = arith.constant 12 : i32
        %add3A_1641 = arith.addi %mul3A_93, %add3A_1640 : i32
        %swap3A_1642 = arith.index_cast %add3A_1641 : i32 to index
        %swap3A_1643 = arith.constant 80 : index
        %swap3A_1644 = tpu.vector_load %arg10[%swap3A_1642, %swap3A_1643] {strides = array<i32>} : memref<64x128xf32, #tpu.memory_space<vmem>>, vector<1x16xf32>,
        %swap3A_1645 = vector.shape_cast %swap3A_1644 : vector<1x16xf32> to vector<16xf32>
        %swap3A_1646 = vector.shape_cast %mul3A_1639 : vector<16xf32> to vector<1x16xf32>
        tpu.vector_store %arg10[%swap3A_1642, %swap3A_1643], %swap3A_1646 {strides = array<i32>} : memref<64x128xf32, #tpu.memory_space<vmem>>, vector<1x16xf32>,
        %add3A_1647 = arith.constant 12 : i32
        %add3A_1648 = arith.addi %mul3A_93, %add3A_1647 : i32
        %get3A_1649 = arith.index_cast %add3A_1648 : i32 to index
        %get3A_1650 = arith.constant 96 : index
        %get3A_1651 = tpu.vector_load %arg10[%get3A_1649, %get3A_1650] {strides = array<i32>} : memref<64x128xf32, #tpu.memory_space<vmem>>, vector<1x16xf32>,
        %get3A_1652 = vector.shape_cast %get3A_1651 : vector<1x16xf32> to vector<16xf32>
        %mul3A_1653 = vector.broadcast %squeeze3A_1556 : f32 to vector<16xf32>
        %mul3A_1654 = arith.mulf %get3A_1652, %mul3A_1653 : vector<16xf32>
        %add3A_1655 = arith.constant 12 : i32
        %add3A_1656 = arith.addi %mul3A_93, %add3A_1655 : i32
        %swap3A_1657 = arith.index_cast %add3A_1656 : i32 to index
        %swap3A_1658 = arith.constant 96 : index
        %swap3A_1659 = tpu.vector_load %arg10[%swap3A_1657, %swap3A_1658] {strides = array<i32>} : memref<64x128xf32, #tpu.memory_space<vmem>>, vector<1x16xf32>,
        %swap3A_1660 = vector.shape_cast %swap3A_1659 : vector<1x16xf32> to vector<16xf32>
        %swap3A_1661 = vector.shape_cast %mul3A_1654 : vector<16xf32> to vector<1x16xf32>
        tpu.vector_store %arg10[%swap3A_1657, %swap3A_1658], %swap3A_1661 {strides = array<i32>} : memref<64x128xf32, #tpu.memory_space<vmem>>, vector<1x16xf32>,
        %add3A_1662 = arith.constant 12 : i32
        %add3A_1663 = arith.addi %mul3A_93, %add3A_1662 : i32
        %get3A_1664 = arith.index_cast %add3A_1663 : i32 to index
        %get3A_1665 = arith.constant 112 : index
        %get3A_1666 = tpu.vector_load %arg10[%get3A_1664, %get3A_1665] {strides = array<i32>} : memref<64x128xf32, #tpu.memory_space<vmem>>, vector<1x16xf32>,
        %get3A_1667 = vector.shape_cast %get3A_1666 : vector<1x16xf32> to vector<16xf32>
        %mul3A_1668 = vector.broadcast %squeeze3A_1556 : f32 to vector<16xf32>
        %mul3A_1669 = arith.mulf %get3A_1667, %mul3A_1668 : vector<16xf32>
        %add3A_1670 = arith.constant 12 : i32
        %add3A_1671 = arith.addi %mul3A_93, %add3A_1670 : i32
        %swap3A_1672 = arith.index_cast %add3A_1671 : i32 to index
        %swap3A_1673 = arith.constant 112 : index
        %swap3A_1674 = tpu.vector_load %arg10[%swap3A_1672, %swap3A_1673] {strides = array<i32>} : memref<64x128xf32, #tpu.memory_space<vmem>>, vector<1x16xf32>,
        %swap3A_1675 = vector.shape_cast %swap3A_1674 : vector<1x16xf32> to vector<16xf32>
        %swap3A_1676 = vector.shape_cast %mul3A_1669 : vector<16xf32> to vector<1x16xf32>
        tpu.vector_store %arg10[%swap3A_1672, %swap3A_1673], %swap3A_1676 {strides = array<i32>} : memref<64x128xf32, #tpu.memory_space<vmem>>, vector<1x16xf32>,
        %slice3A_1677 = vector.extract_strided_slice %get3A_91 {offsets = [13], sizes = [1], strides = [1]} : vector<16xf32> to vector<1xf32>
        %squeeze3A_1678 = vector.extract %slice3A_1677[0] : f32 from vector<1xf32>
        %add3A_1679 = arith.constant 13 : i32
        %add3A_1680 = arith.addi %mul3A_93, %add3A_1679 : i32
        %get3A_1681 = arith.index_cast %add3A_1680 : i32 to index
        %get3A_1682 = arith.constant 0 : index
        %get3A_1683 = tpu.vector_load %arg10[%get3A_1681, %get3A_1682] {strides = array<i32>} : memref<64x128xf32, #tpu.memory_space<vmem>>, vector<1x16xf32>,
        %get3A_1684 = vector.shape_cast %get3A_1683 : vector<1x16xf32> to vector<16xf32>
        %mul3A_1685 = vector.broadcast %squeeze3A_1678 : f32 to vector<16xf32>
        %mul3A_1686 = arith.mulf %get3A_1684, %mul3A_1685 : vector<16xf32>
        %add3A_1687 = arith.constant 13 : i32
        %add3A_1688 = arith.addi %mul3A_93, %add3A_1687 : i32
        %swap3A_1689 = arith.index_cast %add3A_1688 : i32 to index
        %swap3A_1690 = arith.constant 0 : index
        %swap3A_1691 = tpu.vector_load %arg10[%swap3A_1689, %swap3A_1690] {strides = array<i32>} : memref<64x128xf32, #tpu.memory_space<vmem>>, vector<1x16xf32>,
        %swap3A_1692 = vector.shape_cast %swap3A_1691 : vector<1x16xf32> to vector<16xf32>
        %swap3A_1693 = vector.shape_cast %mul3A_1686 : vector<16xf32> to vector<1x16xf32>
        tpu.vector_store %arg10[%swap3A_1689, %swap3A_1690], %swap3A_1693 {strides = array<i32>} : memref<64x128xf32, #tpu.memory_space<vmem>>, vector<1x16xf32>,
        %add3A_1694 = arith.constant 13 : i32
        %add3A_1695 = arith.addi %mul3A_93, %add3A_1694 : i32
        %get3A_1696 = arith.index_cast %add3A_1695 : i32 to index
        %get3A_1697 = arith.constant 16 : index
        %get3A_1698 = tpu.vector_load %arg10[%get3A_1696, %get3A_1697] {strides = array<i32>} : memref<64x128xf32, #tpu.memory_space<vmem>>, vector<1x16xf32>,
        %get3A_1699 = vector.shape_cast %get3A_1698 : vector<1x16xf32> to vector<16xf32>
        %mul3A_1700 = vector.broadcast %squeeze3A_1678 : f32 to vector<16xf32>
        %mul3A_1701 = arith.mulf %get3A_1699, %mul3A_1700 : vector<16xf32>
        %add3A_1702 = arith.constant 13 : i32
        %add3A_1703 = arith.addi %mul3A_93, %add3A_1702 : i32
        %swap3A_1704 = arith.index_cast %add3A_1703 : i32 to index
        %swap3A_1705 = arith.constant 16 : index
        %swap3A_1706 = tpu.vector_load %arg10[%swap3A_1704, %swap3A_1705] {strides = array<i32>} : memref<64x128xf32, #tpu.memory_space<vmem>>, vector<1x16xf32>,
        %swap3A_1707 = vector.shape_cast %swap3A_1706 : vector<1x16xf32> to vector<16xf32>
        %swap3A_1708 = vector.shape_cast %mul3A_1701 : vector<16xf32> to vector<1x16xf32>
        tpu.vector_store %arg10[%swap3A_1704, %swap3A_1705], %swap3A_1708 {strides = array<i32>} : memref<64x128xf32, #tpu.memory_space<vmem>>, vector<1x16xf32>,
        %add3A_1709 = arith.constant 13 : i32
        %add3A_1710 = arith.addi %mul3A_93, %add3A_1709 : i32
        %get3A_1711 = arith.index_cast %add3A_1710 : i32 to index
        %get3A_1712 = arith.constant 32 : index
        %get3A_1713 = tpu.vector_load %arg10[%get3A_1711, %get3A_1712] {strides = array<i32>} : memref<64x128xf32, #tpu.memory_space<vmem>>, vector<1x16xf32>,
        %get3A_1714 = vector.shape_cast %get3A_1713 : vector<1x16xf32> to vector<16xf32>
        %mul3A_1715 = vector.broadcast %squeeze3A_1678 : f32 to vector<16xf32>
        %mul3A_1716 = arith.mulf %get3A_1714, %mul3A_1715 : vector<16xf32>
        %add3A_1717 = arith.constant 13 : i32
        %add3A_1718 = arith.addi %mul3A_93, %add3A_1717 : i32
        %swap3A_1719 = arith.index_cast %add3A_1718 : i32 to index
        %swap3A_1720 = arith.constant 32 : index
        %swap3A_1721 = tpu.vector_load %arg10[%swap3A_1719, %swap3A_1720] {strides = array<i32>} : memref<64x128xf32, #tpu.memory_space<vmem>>, vector<1x16xf32>,
        %swap3A_1722 = vector.shape_cast %swap3A_1721 : vector<1x16xf32> to vector<16xf32>
        %swap3A_1723 = vector.shape_cast %mul3A_1716 : vector<16xf32> to vector<1x16xf32>
        tpu.vector_store %arg10[%swap3A_1719, %swap3A_1720], %swap3A_1723 {strides = array<i32>} : memref<64x128xf32, #tpu.memory_space<vmem>>, vector<1x16xf32>,
        %add3A_1724 = arith.constant 13 : i32
        %add3A_1725 = arith.addi %mul3A_93, %add3A_1724 : i32
        %get3A_1726 = arith.index_cast %add3A_1725 : i32 to index
        %get3A_1727 = arith.constant 48 : index
        %get3A_1728 = tpu.vector_load %arg10[%get3A_1726, %get3A_1727] {strides = array<i32>} : memref<64x128xf32, #tpu.memory_space<vmem>>, vector<1x16xf32>,
        %get3A_1729 = vector.shape_cast %get3A_1728 : vector<1x16xf32> to vector<16xf32>
        %mul3A_1730 = vector.broadcast %squeeze3A_1678 : f32 to vector<16xf32>
        %mul3A_1731 = arith.mulf %get3A_1729, %mul3A_1730 : vector<16xf32>
        %add3A_1732 = arith.constant 13 : i32
        %add3A_1733 = arith.addi %mul3A_93, %add3A_1732 : i32
        %swap3A_1734 = arith.index_cast %add3A_1733 : i32 to index
        %swap3A_1735 = arith.constant 48 : index
        %swap3A_1736 = tpu.vector_load %arg10[%swap3A_1734, %swap3A_1735] {strides = array<i32>} : memref<64x128xf32, #tpu.memory_space<vmem>>, vector<1x16xf32>,
        %swap3A_1737 = vector.shape_cast %swap3A_1736 : vector<1x16xf32> to vector<16xf32>
        %swap3A_1738 = vector.shape_cast %mul3A_1731 : vector<16xf32> to vector<1x16xf32>
        tpu.vector_store %arg10[%swap3A_1734, %swap3A_1735], %swap3A_1738 {strides = array<i32>} : memref<64x128xf32, #tpu.memory_space<vmem>>, vector<1x16xf32>,
        %add3A_1739 = arith.constant 13 : i32
        %add3A_1740 = arith.addi %mul3A_93, %add3A_1739 : i32
        %get3A_1741 = arith.index_cast %add3A_1740 : i32 to index
        %get3A_1742 = arith.constant 64 : index
        %get3A_1743 = tpu.vector_load %arg10[%get3A_1741, %get3A_1742] {strides = array<i32>} : memref<64x128xf32, #tpu.memory_space<vmem>>, vector<1x16xf32>,
        %get3A_1744 = vector.shape_cast %get3A_1743 : vector<1x16xf32> to vector<16xf32>
        %mul3A_1745 = vector.broadcast %squeeze3A_1678 : f32 to vector<16xf32>
        %mul3A_1746 = arith.mulf %get3A_1744, %mul3A_1745 : vector<16xf32>
        %add3A_1747 = arith.constant 13 : i32
        %add3A_1748 = arith.addi %mul3A_93, %add3A_1747 : i32
        %swap3A_1749 = arith.index_cast %add3A_1748 : i32 to index
        %swap3A_1750 = arith.constant 64 : index
        %swap3A_1751 = tpu.vector_load %arg10[%swap3A_1749, %swap3A_1750] {strides = array<i32>} : memref<64x128xf32, #tpu.memory_space<vmem>>, vector<1x16xf32>,
        %swap3A_1752 = vector.shape_cast %swap3A_1751 : vector<1x16xf32> to vector<16xf32>
        %swap3A_1753 = vector.shape_cast %mul3A_1746 : vector<16xf32> to vector<1x16xf32>
        tpu.vector_store %arg10[%swap3A_1749, %swap3A_1750], %swap3A_1753 {strides = array<i32>} : memref<64x128xf32, #tpu.memory_space<vmem>>, vector<1x16xf32>,
        %add3A_1754 = arith.constant 13 : i32
        %add3A_1755 = arith.addi %mul3A_93, %add3A_1754 : i32
        %get3A_1756 = arith.index_cast %add3A_1755 : i32 to index
        %get3A_1757 = arith.constant 80 : index
        %get3A_1758 = tpu.vector_load %arg10[%get3A_1756, %get3A_1757] {strides = array<i32>} : memref<64x128xf32, #tpu.memory_space<vmem>>, vector<1x16xf32>,
        %get3A_1759 = vector.shape_cast %get3A_1758 : vector<1x16xf32> to vector<16xf32>
        %mul3A_1760 = vector.broadcast %squeeze3A_1678 : f32 to vector<16xf32>
        %mul3A_1761 = arith.mulf %get3A_1759, %mul3A_1760 : vector<16xf32>
        %add3A_1762 = arith.constant 13 : i32
        %add3A_1763 = arith.addi %mul3A_93, %add3A_1762 : i32
        %swap3A_1764 = arith.index_cast %add3A_1763 : i32 to index
        %swap3A_1765 = arith.constant 80 : index
        %swap3A_1766 = tpu.vector_load %arg10[%swap3A_1764, %swap3A_1765] {strides = array<i32>} : memref<64x128xf32, #tpu.memory_space<vmem>>, vector<1x16xf32>,
        %swap3A_1767 = vector.shape_cast %swap3A_1766 : vector<1x16xf32> to vector<16xf32>
        %swap3A_1768 = vector.shape_cast %mul3A_1761 : vector<16xf32> to vector<1x16xf32>
        tpu.vector_store %arg10[%swap3A_1764, %swap3A_1765], %swap3A_1768 {strides = array<i32>} : memref<64x128xf32, #tpu.memory_space<vmem>>, vector<1x16xf32>,
        %add3A_1769 = arith.constant 13 : i32
        %add3A_1770 = arith.addi %mul3A_93, %add3A_1769 : i32
        %get3A_1771 = arith.index_cast %add3A_1770 : i32 to index
        %get3A_1772 = arith.constant 96 : index
        %get3A_1773 = tpu.vector_load %arg10[%get3A_1771, %get3A_1772] {strides = array<i32>} : memref<64x128xf32, #tpu.memory_space<vmem>>, vector<1x16xf32>,
        %get3A_1774 = vector.shape_cast %get3A_1773 : vector<1x16xf32> to vector<16xf32>
        %mul3A_1775 = vector.broadcast %squeeze3A_1678 : f32 to vector<16xf32>
        %mul3A_1776 = arith.mulf %get3A_1774, %mul3A_1775 : vector<16xf32>
        %add3A_1777 = arith.constant 13 : i32
        %add3A_1778 = arith.addi %mul3A_93, %add3A_1777 : i32
        %swap3A_1779 = arith.index_cast %add3A_1778 : i32 to index
        %swap3A_1780 = arith.constant 96 : index
        %swap3A_1781 = tpu.vector_load %arg10[%swap3A_1779, %swap3A_1780] {strides = array<i32>} : memref<64x128xf32, #tpu.memory_space<vmem>>, vector<1x16xf32>,
        %swap3A_1782 = vector.shape_cast %swap3A_1781 : vector<1x16xf32> to vector<16xf32>
        %swap3A_1783 = vector.shape_cast %mul3A_1776 : vector<16xf32> to vector<1x16xf32>
        tpu.vector_store %arg10[%swap3A_1779, %swap3A_1780], %swap3A_1783 {strides = array<i32>} : memref<64x128xf32, #tpu.memory_space<vmem>>, vector<1x16xf32>,
        %add3A_1784 = arith.constant 13 : i32
        %add3A_1785 = arith.addi %mul3A_93, %add3A_1784 : i32
        %get3A_1786 = arith.index_cast %add3A_1785 : i32 to index
        %get3A_1787 = arith.constant 112 : index
        %get3A_1788 = tpu.vector_load %arg10[%get3A_1786, %get3A_1787] {strides = array<i32>} : memref<64x128xf32, #tpu.memory_space<vmem>>, vector<1x16xf32>,
        %get3A_1789 = vector.shape_cast %get3A_1788 : vector<1x16xf32> to vector<16xf32>
        %mul3A_1790 = vector.broadcast %squeeze3A_1678 : f32 to vector<16xf32>
        %mul3A_1791 = arith.mulf %get3A_1789, %mul3A_1790 : vector<16xf32>
        %add3A_1792 = arith.constant 13 : i32
        %add3A_1793 = arith.addi %mul3A_93, %add3A_1792 : i32
        %swap3A_1794 = arith.index_cast %add3A_1793 : i32 to index
        %swap3A_1795 = arith.constant 112 : index
        %swap3A_1796 = tpu.vector_load %arg10[%swap3A_1794, %swap3A_1795] {strides = array<i32>} : memref<64x128xf32, #tpu.memory_space<vmem>>, vector<1x16xf32>,
        %swap3A_1797 = vector.shape_cast %swap3A_1796 : vector<1x16xf32> to vector<16xf32>
        %swap3A_1798 = vector.shape_cast %mul3A_1791 : vector<16xf32> to vector<1x16xf32>
        tpu.vector_store %arg10[%swap3A_1794, %swap3A_1795], %swap3A_1798 {strides = array<i32>} : memref<64x128xf32, #tpu.memory_space<vmem>>, vector<1x16xf32>,
        %slice3A_1799 = vector.extract_strided_slice %get3A_91 {offsets = [14], sizes = [1], strides = [1]} : vector<16xf32> to vector<1xf32>
        %squeeze3A_1800 = vector.extract %slice3A_1799[0] : f32 from vector<1xf32>
        %add3A_1801 = arith.constant 14 : i32
        %add3A_1802 = arith.addi %mul3A_93, %add3A_1801 : i32
        %get3A_1803 = arith.index_cast %add3A_1802 : i32 to index
        %get3A_1804 = arith.constant 0 : index
        %get3A_1805 = tpu.vector_load %arg10[%get3A_1803, %get3A_1804] {strides = array<i32>} : memref<64x128xf32, #tpu.memory_space<vmem>>, vector<1x16xf32>,
        %get3A_1806 = vector.shape_cast %get3A_1805 : vector<1x16xf32> to vector<16xf32>
        %mul3A_1807 = vector.broadcast %squeeze3A_1800 : f32 to vector<16xf32>
        %mul3A_1808 = arith.mulf %get3A_1806, %mul3A_1807 : vector<16xf32>
        %add3A_1809 = arith.constant 14 : i32
        %add3A_1810 = arith.addi %mul3A_93, %add3A_1809 : i32
        %swap3A_1811 = arith.index_cast %add3A_1810 : i32 to index
        %swap3A_1812 = arith.constant 0 : index
        %swap3A_1813 = tpu.vector_load %arg10[%swap3A_1811, %swap3A_1812] {strides = array<i32>} : memref<64x128xf32, #tpu.memory_space<vmem>>, vector<1x16xf32>,
        %swap3A_1814 = vector.shape_cast %swap3A_1813 : vector<1x16xf32> to vector<16xf32>
        %swap3A_1815 = vector.shape_cast %mul3A_1808 : vector<16xf32> to vector<1x16xf32>
        tpu.vector_store %arg10[%swap3A_1811, %swap3A_1812], %swap3A_1815 {strides = array<i32>} : memref<64x128xf32, #tpu.memory_space<vmem>>, vector<1x16xf32>,
        %add3A_1816 = arith.constant 14 : i32
        %add3A_1817 = arith.addi %mul3A_93, %add3A_1816 : i32
        %get3A_1818 = arith.index_cast %add3A_1817 : i32 to index
        %get3A_1819 = arith.constant 16 : index
        %get3A_1820 = tpu.vector_load %arg10[%get3A_1818, %get3A_1819] {strides = array<i32>} : memref<64x128xf32, #tpu.memory_space<vmem>>, vector<1x16xf32>,
        %get3A_1821 = vector.shape_cast %get3A_1820 : vector<1x16xf32> to vector<16xf32>
        %mul3A_1822 = vector.broadcast %squeeze3A_1800 : f32 to vector<16xf32>
        %mul3A_1823 = arith.mulf %get3A_1821, %mul3A_1822 : vector<16xf32>
        %add3A_1824 = arith.constant 14 : i32
        %add3A_1825 = arith.addi %mul3A_93, %add3A_1824 : i32
        %swap3A_1826 = arith.index_cast %add3A_1825 : i32 to index
        %swap3A_1827 = arith.constant 16 : index
        %swap3A_1828 = tpu.vector_load %arg10[%swap3A_1826, %swap3A_1827] {strides = array<i32>} : memref<64x128xf32, #tpu.memory_space<vmem>>, vector<1x16xf32>,
        %swap3A_1829 = vector.shape_cast %swap3A_1828 : vector<1x16xf32> to vector<16xf32>
        %swap3A_1830 = vector.shape_cast %mul3A_1823 : vector<16xf32> to vector<1x16xf32>
        tpu.vector_store %arg10[%swap3A_1826, %swap3A_1827], %swap3A_1830 {strides = array<i32>} : memref<64x128xf32, #tpu.memory_space<vmem>>, vector<1x16xf32>,
        %add3A_1831 = arith.constant 14 : i32
        %add3A_1832 = arith.addi %mul3A_93, %add3A_1831 : i32
        %get3A_1833 = arith.index_cast %add3A_1832 : i32 to index
        %get3A_1834 = arith.constant 32 : index
        %get3A_1835 = tpu.vector_load %arg10[%get3A_1833, %get3A_1834] {strides = array<i32>} : memref<64x128xf32, #tpu.memory_space<vmem>>, vector<1x16xf32>,
        %get3A_1836 = vector.shape_cast %get3A_1835 : vector<1x16xf32> to vector<16xf32>
        %mul3A_1837 = vector.broadcast %squeeze3A_1800 : f32 to vector<16xf32>
        %mul3A_1838 = arith.mulf %get3A_1836, %mul3A_1837 : vector<16xf32>
        %add3A_1839 = arith.constant 14 : i32
        %add3A_1840 = arith.addi %mul3A_93, %add3A_1839 : i32
        %swap3A_1841 = arith.index_cast %add3A_1840 : i32 to index
        %swap3A_1842 = arith.constant 32 : index
        %swap3A_1843 = tpu.vector_load %arg10[%swap3A_1841, %swap3A_1842] {strides = array<i32>} : memref<64x128xf32, #tpu.memory_space<vmem>>, vector<1x16xf32>,
        %swap3A_1844 = vector.shape_cast %swap3A_1843 : vector<1x16xf32> to vector<16xf32>
        %swap3A_1845 = vector.shape_cast %mul3A_1838 : vector<16xf32> to vector<1x16xf32>
        tpu.vector_store %arg10[%swap3A_1841, %swap3A_1842], %swap3A_1845 {strides = array<i32>} : memref<64x128xf32, #tpu.memory_space<vmem>>, vector<1x16xf32>,
        %add3A_1846 = arith.constant 14 : i32
        %add3A_1847 = arith.addi %mul3A_93, %add3A_1846 : i32
        %get3A_1848 = arith.index_cast %add3A_1847 : i32 to index
        %get3A_1849 = arith.constant 48 : index
        %get3A_1850 = tpu.vector_load %arg10[%get3A_1848, %get3A_1849] {strides = array<i32>} : memref<64x128xf32, #tpu.memory_space<vmem>>, vector<1x16xf32>,
        %get3A_1851 = vector.shape_cast %get3A_1850 : vector<1x16xf32> to vector<16xf32>
        %mul3A_1852 = vector.broadcast %squeeze3A_1800 : f32 to vector<16xf32>
        %mul3A_1853 = arith.mulf %get3A_1851, %mul3A_1852 : vector<16xf32>
        %add3A_1854 = arith.constant 14 : i32
        %add3A_1855 = arith.addi %mul3A_93, %add3A_1854 : i32
        %swap3A_1856 = arith.index_cast %add3A_1855 : i32 to index
        %swap3A_1857 = arith.constant 48 : index
        %swap3A_1858 = tpu.vector_load %arg10[%swap3A_1856, %swap3A_1857] {strides = array<i32>} : memref<64x128xf32, #tpu.memory_space<vmem>>, vector<1x16xf32>,
        %swap3A_1859 = vector.shape_cast %swap3A_1858 : vector<1x16xf32> to vector<16xf32>
        %swap3A_1860 = vector.shape_cast %mul3A_1853 : vector<16xf32> to vector<1x16xf32>
        tpu.vector_store %arg10[%swap3A_1856, %swap3A_1857], %swap3A_1860 {strides = array<i32>} : memref<64x128xf32, #tpu.memory_space<vmem>>, vector<1x16xf32>,
        %add3A_1861 = arith.constant 14 : i32
        %add3A_1862 = arith.addi %mul3A_93, %add3A_1861 : i32
        %get3A_1863 = arith.index_cast %add3A_1862 : i32 to index
        %get3A_1864 = arith.constant 64 : index
        %get3A_1865 = tpu.vector_load %arg10[%get3A_1863, %get3A_1864] {strides = array<i32>} : memref<64x128xf32, #tpu.memory_space<vmem>>, vector<1x16xf32>,
        %get3A_1866 = vector.shape_cast %get3A_1865 : vector<1x16xf32> to vector<16xf32>
        %mul3A_1867 = vector.broadcast %squeeze3A_1800 : f32 to vector<16xf32>
        %mul3A_1868 = arith.mulf %get3A_1866, %mul3A_1867 : vector<16xf32>
        %add3A_1869 = arith.constant 14 : i32
        %add3A_1870 = arith.addi %mul3A_93, %add3A_1869 : i32
        %swap3A_1871 = arith.index_cast %add3A_1870 : i32 to index
        %swap3A_1872 = arith.constant 64 : index
        %swap3A_1873 = tpu.vector_load %arg10[%swap3A_1871, %swap3A_1872] {strides = array<i32>} : memref<64x128xf32, #tpu.memory_space<vmem>>, vector<1x16xf32>,
        %swap3A_1874 = vector.shape_cast %swap3A_1873 : vector<1x16xf32> to vector<16xf32>
        %swap3A_1875 = vector.shape_cast %mul3A_1868 : vector<16xf32> to vector<1x16xf32>
        tpu.vector_store %arg10[%swap3A_1871, %swap3A_1872], %swap3A_1875 {strides = array<i32>} : memref<64x128xf32, #tpu.memory_space<vmem>>, vector<1x16xf32>,
        %add3A_1876 = arith.constant 14 : i32
        %add3A_1877 = arith.addi %mul3A_93, %add3A_1876 : i32
        %get3A_1878 = arith.index_cast %add3A_1877 : i32 to index
        %get3A_1879 = arith.constant 80 : index
        %get3A_1880 = tpu.vector_load %arg10[%get3A_1878, %get3A_1879] {strides = array<i32>} : memref<64x128xf32, #tpu.memory_space<vmem>>, vector<1x16xf32>,
        %get3A_1881 = vector.shape_cast %get3A_1880 : vector<1x16xf32> to vector<16xf32>
        %mul3A_1882 = vector.broadcast %squeeze3A_1800 : f32 to vector<16xf32>
        %mul3A_1883 = arith.mulf %get3A_1881, %mul3A_1882 : vector<16xf32>
        %add3A_1884 = arith.constant 14 : i32
        %add3A_1885 = arith.addi %mul3A_93, %add3A_1884 : i32
        %swap3A_1886 = arith.index_cast %add3A_1885 : i32 to index
        %swap3A_1887 = arith.constant 80 : index
        %swap3A_1888 = tpu.vector_load %arg10[%swap3A_1886, %swap3A_1887] {strides = array<i32>} : memref<64x128xf32, #tpu.memory_space<vmem>>, vector<1x16xf32>,
        %swap3A_1889 = vector.shape_cast %swap3A_1888 : vector<1x16xf32> to vector<16xf32>
        %swap3A_1890 = vector.shape_cast %mul3A_1883 : vector<16xf32> to vector<1x16xf32>
        tpu.vector_store %arg10[%swap3A_1886, %swap3A_1887], %swap3A_1890 {strides = array<i32>} : memref<64x128xf32, #tpu.memory_space<vmem>>, vector<1x16xf32>,
        %add3A_1891 = arith.constant 14 : i32
        %add3A_1892 = arith.addi %mul3A_93, %add3A_1891 : i32
        %get3A_1893 = arith.index_cast %add3A_1892 : i32 to index
        %get3A_1894 = arith.constant 96 : index
        %get3A_1895 = tpu.vector_load %arg10[%get3A_1893, %get3A_1894] {strides = array<i32>} : memref<64x128xf32, #tpu.memory_space<vmem>>, vector<1x16xf32>,
        %get3A_1896 = vector.shape_cast %get3A_1895 : vector<1x16xf32> to vector<16xf32>
        %mul3A_1897 = vector.broadcast %squeeze3A_1800 : f32 to vector<16xf32>
        %mul3A_1898 = arith.mulf %get3A_1896, %mul3A_1897 : vector<16xf32>
        %add3A_1899 = arith.constant 14 : i32
        %add3A_1900 = arith.addi %mul3A_93, %add3A_1899 : i32
        %swap3A_1901 = arith.index_cast %add3A_1900 : i32 to index
        %swap3A_1902 = arith.constant 96 : index
        %swap3A_1903 = tpu.vector_load %arg10[%swap3A_1901, %swap3A_1902] {strides = array<i32>} : memref<64x128xf32, #tpu.memory_space<vmem>>, vector<1x16xf32>,
        %swap3A_1904 = vector.shape_cast %swap3A_1903 : vector<1x16xf32> to vector<16xf32>
        %swap3A_1905 = vector.shape_cast %mul3A_1898 : vector<16xf32> to vector<1x16xf32>
        tpu.vector_store %arg10[%swap3A_1901, %swap3A_1902], %swap3A_1905 {strides = array<i32>} : memref<64x128xf32, #tpu.memory_space<vmem>>, vector<1x16xf32>,
        %add3A_1906 = arith.constant 14 : i32
        %add3A_1907 = arith.addi %mul3A_93, %add3A_1906 : i32
        %get3A_1908 = arith.index_cast %add3A_1907 : i32 to index
        %get3A_1909 = arith.constant 112 : index
        %get3A_1910 = tpu.vector_load %arg10[%get3A_1908, %get3A_1909] {strides = array<i32>} : memref<64x128xf32, #tpu.memory_space<vmem>>, vector<1x16xf32>,
        %get3A_1911 = vector.shape_cast %get3A_1910 : vector<1x16xf32> to vector<16xf32>
        %mul3A_1912 = vector.broadcast %squeeze3A_1800 : f32 to vector<16xf32>
        %mul3A_1913 = arith.mulf %get3A_1911, %mul3A_1912 : vector<16xf32>
        %add3A_1914 = arith.constant 14 : i32
        %add3A_1915 = arith.addi %mul3A_93, %add3A_1914 : i32
        %swap3A_1916 = arith.index_cast %add3A_1915 : i32 to index
        %swap3A_1917 = arith.constant 112 : index
        %swap3A_1918 = tpu.vector_load %arg10[%swap3A_1916, %swap3A_1917] {strides = array<i32>} : memref<64x128xf32, #tpu.memory_space<vmem>>, vector<1x16xf32>,
        %swap3A_1919 = vector.shape_cast %swap3A_1918 : vector<1x16xf32> to vector<16xf32>
        %swap3A_1920 = vector.shape_cast %mul3A_1913 : vector<16xf32> to vector<1x16xf32>
        tpu.vector_store %arg10[%swap3A_1916, %swap3A_1917], %swap3A_1920 {strides = array<i32>} : memref<64x128xf32, #tpu.memory_space<vmem>>, vector<1x16xf32>,
        %slice3A_1921 = vector.extract_strided_slice %get3A_91 {offsets = [15], sizes = [1], strides = [1]} : vector<16xf32> to vector<1xf32>
        %squeeze3A_1922 = vector.extract %slice3A_1921[0] : f32 from vector<1xf32>
        %add3A_1923 = arith.constant 15 : i32
        %add3A_1924 = arith.addi %mul3A_93, %add3A_1923 : i32
        %get3A_1925 = arith.index_cast %add3A_1924 : i32 to index
        %get3A_1926 = arith.constant 0 : index
        %get3A_1927 = tpu.vector_load %arg10[%get3A_1925, %get3A_1926] {strides = array<i32>} : memref<64x128xf32, #tpu.memory_space<vmem>>, vector<1x16xf32>,
        %get3A_1928 = vector.shape_cast %get3A_1927 : vector<1x16xf32> to vector<16xf32>
        %mul3A_1929 = vector.broadcast %squeeze3A_1922 : f32 to vector<16xf32>
        %mul3A_1930 = arith.mulf %get3A_1928, %mul3A_1929 : vector<16xf32>
        %add3A_1931 = arith.constant 15 : i32
        %add3A_1932 = arith.addi %mul3A_93, %add3A_1931 : i32
        %swap3A_1933 = arith.index_cast %add3A_1932 : i32 to index
        %swap3A_1934 = arith.constant 0 : index
        %swap3A_1935 = tpu.vector_load %arg10[%swap3A_1933, %swap3A_1934] {strides = array<i32>} : memref<64x128xf32, #tpu.memory_space<vmem>>, vector<1x16xf32>,
        %swap3A_1936 = vector.shape_cast %swap3A_1935 : vector<1x16xf32> to vector<16xf32>
        %swap3A_1937 = vector.shape_cast %mul3A_1930 : vector<16xf32> to vector<1x16xf32>
        tpu.vector_store %arg10[%swap3A_1933, %swap3A_1934], %swap3A_1937 {strides = array<i32>} : memref<64x128xf32, #tpu.memory_space<vmem>>, vector<1x16xf32>,
        %add3A_1938 = arith.constant 15 : i32
        %add3A_1939 = arith.addi %mul3A_93, %add3A_1938 : i32
        %get3A_1940 = arith.index_cast %add3A_1939 : i32 to index
        %get3A_1941 = arith.constant 16 : index
        %get3A_1942 = tpu.vector_load %arg10[%get3A_1940, %get3A_1941] {strides = array<i32>} : memref<64x128xf32, #tpu.memory_space<vmem>>, vector<1x16xf32>,
        %get3A_1943 = vector.shape_cast %get3A_1942 : vector<1x16xf32> to vector<16xf32>
        %mul3A_1944 = vector.broadcast %squeeze3A_1922 : f32 to vector<16xf32>
        %mul3A_1945 = arith.mulf %get3A_1943, %mul3A_1944 : vector<16xf32>
        %add3A_1946 = arith.constant 15 : i32
        %add3A_1947 = arith.addi %mul3A_93, %add3A_1946 : i32
        %swap3A_1948 = arith.index_cast %add3A_1947 : i32 to index
        %swap3A_1949 = arith.constant 16 : index
        %swap3A_1950 = tpu.vector_load %arg10[%swap3A_1948, %swap3A_1949] {strides = array<i32>} : memref<64x128xf32, #tpu.memory_space<vmem>>, vector<1x16xf32>,
        %swap3A_1951 = vector.shape_cast %swap3A_1950 : vector<1x16xf32> to vector<16xf32>
        %swap3A_1952 = vector.shape_cast %mul3A_1945 : vector<16xf32> to vector<1x16xf32>
        tpu.vector_store %arg10[%swap3A_1948, %swap3A_1949], %swap3A_1952 {strides = array<i32>} : memref<64x128xf32, #tpu.memory_space<vmem>>, vector<1x16xf32>,
        %add3A_1953 = arith.constant 15 : i32
        %add3A_1954 = arith.addi %mul3A_93, %add3A_1953 : i32
        %get3A_1955 = arith.index_cast %add3A_1954 : i32 to index
        %get3A_1956 = arith.constant 32 : index
        %get3A_1957 = tpu.vector_load %arg10[%get3A_1955, %get3A_1956] {strides = array<i32>} : memref<64x128xf32, #tpu.memory_space<vmem>>, vector<1x16xf32>,
        %get3A_1958 = vector.shape_cast %get3A_1957 : vector<1x16xf32> to vector<16xf32>
        %mul3A_1959 = vector.broadcast %squeeze3A_1922 : f32 to vector<16xf32>
        %mul3A_1960 = arith.mulf %get3A_1958, %mul3A_1959 : vector<16xf32>
        %add3A_1961 = arith.constant 15 : i32
        %add3A_1962 = arith.addi %mul3A_93, %add3A_1961 : i32
        %swap3A_1963 = arith.index_cast %add3A_1962 : i32 to index
        %swap3A_1964 = arith.constant 32 : index
        %swap3A_1965 = tpu.vector_load %arg10[%swap3A_1963, %swap3A_1964] {strides = array<i32>} : memref<64x128xf32, #tpu.memory_space<vmem>>, vector<1x16xf32>,
        %swap3A_1966 = vector.shape_cast %swap3A_1965 : vector<1x16xf32> to vector<16xf32>
        %swap3A_1967 = vector.shape_cast %mul3A_1960 : vector<16xf32> to vector<1x16xf32>
        tpu.vector_store %arg10[%swap3A_1963, %swap3A_1964], %swap3A_1967 {strides = array<i32>} : memref<64x128xf32, #tpu.memory_space<vmem>>, vector<1x16xf32>,
        %add3A_1968 = arith.constant 15 : i32
        %add3A_1969 = arith.addi %mul3A_93, %add3A_1968 : i32
        %get3A_1970 = arith.index_cast %add3A_1969 : i32 to index
        %get3A_1971 = arith.constant 48 : index
        %get3A_1972 = tpu.vector_load %arg10[%get3A_1970, %get3A_1971] {strides = array<i32>} : memref<64x128xf32, #tpu.memory_space<vmem>>, vector<1x16xf32>,
        %get3A_1973 = vector.shape_cast %get3A_1972 : vector<1x16xf32> to vector<16xf32>
        %mul3A_1974 = vector.broadcast %squeeze3A_1922 : f32 to vector<16xf32>
        %mul3A_1975 = arith.mulf %get3A_1973, %mul3A_1974 : vector<16xf32>
        %add3A_1976 = arith.constant 15 : i32
        %add3A_1977 = arith.addi %mul3A_93, %add3A_1976 : i32
        %swap3A_1978 = arith.index_cast %add3A_1977 : i32 to index
        %swap3A_1979 = arith.constant 48 : index
        %swap3A_1980 = tpu.vector_load %arg10[%swap3A_1978, %swap3A_1979] {strides = array<i32>} : memref<64x128xf32, #tpu.memory_space<vmem>>, vector<1x16xf32>,
        %swap3A_1981 = vector.shape_cast %swap3A_1980 : vector<1x16xf32> to vector<16xf32>
        %swap3A_1982 = vector.shape_cast %mul3A_1975 : vector<16xf32> to vector<1x16xf32>
        tpu.vector_store %arg10[%swap3A_1978, %swap3A_1979], %swap3A_1982 {strides = array<i32>} : memref<64x128xf32, #tpu.memory_space<vmem>>, vector<1x16xf32>,
        %add3A_1983 = arith.constant 15 : i32
        %add3A_1984 = arith.addi %mul3A_93, %add3A_1983 : i32
        %get3A_1985 = arith.index_cast %add3A_1984 : i32 to index
        %get3A_1986 = arith.constant 64 : index
        %get3A_1987 = tpu.vector_load %arg10[%get3A_1985, %get3A_1986] {strides = array<i32>} : memref<64x128xf32, #tpu.memory_space<vmem>>, vector<1x16xf32>,
        %get3A_1988 = vector.shape_cast %get3A_1987 : vector<1x16xf32> to vector<16xf32>
        %mul3A_1989 = vector.broadcast %squeeze3A_1922 : f32 to vector<16xf32>
        %mul3A_1990 = arith.mulf %get3A_1988, %mul3A_1989 : vector<16xf32>
        %add3A_1991 = arith.constant 15 : i32
        %add3A_1992 = arith.addi %mul3A_93, %add3A_1991 : i32
        %swap3A_1993 = arith.index_cast %add3A_1992 : i32 to index
        %swap3A_1994 = arith.constant 64 : index
        %swap3A_1995 = tpu.vector_load %arg10[%swap3A_1993, %swap3A_1994] {strides = array<i32>} : memref<64x128xf32, #tpu.memory_space<vmem>>, vector<1x16xf32>,
        %swap3A_1996 = vector.shape_cast %swap3A_1995 : vector<1x16xf32> to vector<16xf32>
        %swap3A_1997 = vector.shape_cast %mul3A_1990 : vector<16xf32> to vector<1x16xf32>
        tpu.vector_store %arg10[%swap3A_1993, %swap3A_1994], %swap3A_1997 {strides = array<i32>} : memref<64x128xf32, #tpu.memory_space<vmem>>, vector<1x16xf32>,
        %add3A_1998 = arith.constant 15 : i32
        %add3A_1999 = arith.addi %mul3A_93, %add3A_1998 : i32
        %get3A_2000 = arith.index_cast %add3A_1999 : i32 to index
        %get3A_2001 = arith.constant 80 : index
        %get3A_2002 = tpu.vector_load %arg10[%get3A_2000, %get3A_2001] {strides = array<i32>} : memref<64x128xf32, #tpu.memory_space<vmem>>, vector<1x16xf32>,
        %get3A_2003 = vector.shape_cast %get3A_2002 : vector<1x16xf32> to vector<16xf32>
        %mul3A_2004 = vector.broadcast %squeeze3A_1922 : f32 to vector<16xf32>
        %mul3A_2005 = arith.mulf %get3A_2003, %mul3A_2004 : vector<16xf32>
        %add3A_2006 = arith.constant 15 : i32
        %add3A_2007 = arith.addi %mul3A_93, %add3A_2006 : i32
        %swap3A_2008 = arith.index_cast %add3A_2007 : i32 to index
        %swap3A_2009 = arith.constant 80 : index
        %swap3A_2010 = tpu.vector_load %arg10[%swap3A_2008, %swap3A_2009] {strides = array<i32>} : memref<64x128xf32, #tpu.memory_space<vmem>>, vector<1x16xf32>,
        %swap3A_2011 = vector.shape_cast %swap3A_2010 : vector<1x16xf32> to vector<16xf32>
        %swap3A_2012 = vector.shape_cast %mul3A_2005 : vector<16xf32> to vector<1x16xf32>
        tpu.vector_store %arg10[%swap3A_2008, %swap3A_2009], %swap3A_2012 {strides = array<i32>} : memref<64x128xf32, #tpu.memory_space<vmem>>, vector<1x16xf32>,
        %add3A_2013 = arith.constant 15 : i32
        %add3A_2014 = arith.addi %mul3A_93, %add3A_2013 : i32
        %get3A_2015 = arith.index_cast %add3A_2014 : i32 to index
        %get3A_2016 = arith.constant 96 : index
        %get3A_2017 = tpu.vector_load %arg10[%get3A_2015, %get3A_2016] {strides = array<i32>} : memref<64x128xf32, #tpu.memory_space<vmem>>, vector<1x16xf32>,
        %get3A_2018 = vector.shape_cast %get3A_2017 : vector<1x16xf32> to vector<16xf32>
        %mul3A_2019 = vector.broadcast %squeeze3A_1922 : f32 to vector<16xf32>
        %mul3A_2020 = arith.mulf %get3A_2018, %mul3A_2019 : vector<16xf32>
        %add3A_2021 = arith.constant 15 : i32
        %add3A_2022 = arith.addi %mul3A_93, %add3A_2021 : i32
        %swap3A_2023 = arith.index_cast %add3A_2022 : i32 to index
        %swap3A_2024 = arith.constant 96 : index
        %swap3A_2025 = tpu.vector_load %arg10[%swap3A_2023, %swap3A_2024] {strides = array<i32>} : memref<64x128xf32, #tpu.memory_space<vmem>>, vector<1x16xf32>,
        %swap3A_2026 = vector.shape_cast %swap3A_2025 : vector<1x16xf32> to vector<16xf32>
        %swap3A_2027 = vector.shape_cast %mul3A_2020 : vector<16xf32> to vector<1x16xf32>
        tpu.vector_store %arg10[%swap3A_2023, %swap3A_2024], %swap3A_2027 {strides = array<i32>} : memref<64x128xf32, #tpu.memory_space<vmem>>, vector<1x16xf32>,
        %add3A_2028 = arith.constant 15 : i32
        %add3A_2029 = arith.addi %mul3A_93, %add3A_2028 : i32
        %get3A_2030 = arith.index_cast %add3A_2029 : i32 to index
        %get3A_2031 = arith.constant 112 : index
        %get3A_2032 = tpu.vector_load %arg10[%get3A_2030, %get3A_2031] {strides = array<i32>} : memref<64x128xf32, #tpu.memory_space<vmem>>, vector<1x16xf32>,
        %get3A_2033 = vector.shape_cast %get3A_2032 : vector<1x16xf32> to vector<16xf32>
        %mul3A_2034 = vector.broadcast %squeeze3A_1922 : f32 to vector<16xf32>
        %mul3A_2035 = arith.mulf %get3A_2033, %mul3A_2034 : vector<16xf32>
        %add3A_2036 = arith.constant 15 : i32
        %add3A_2037 = arith.addi %mul3A_93, %add3A_2036 : i32
        %swap3A_2038 = arith.index_cast %add3A_2037 : i32 to index
        %swap3A_2039 = arith.constant 112 : index
        %swap3A_2040 = tpu.vector_load %arg10[%swap3A_2038, %swap3A_2039] {strides = array<i32>} : memref<64x128xf32, #tpu.memory_space<vmem>>, vector<1x16xf32>,
        %swap3A_2041 = vector.shape_cast %swap3A_2040 : vector<1x16xf32> to vector<16xf32>
        %swap3A_2042 = vector.shape_cast %mul3A_2035 : vector<16xf32> to vector<1x16xf32>
        tpu.vector_store %arg10[%swap3A_2038, %swap3A_2039], %swap3A_2042 {strides = array<i32>} : memref<64x128xf32, #tpu.memory_space<vmem>>, vector<1x16xf32>,
      }
      %scan3A_47 = arith.constant 4 : i32
      %dma_start3A_48 = arith.constant 0 : i32
      %dma_start3A_49 = tpu.memref_slice %arg8[%scan3A_25, %dma_start3A_48] : memref<79x128xi32, #tpu.memory_space<vmem>> -> memref<1x64xi32, #tpu.memory_space<vmem>>
      %dma_start3A_50 = tpu.memref_squeeze %dma_start3A_49 : memref<1x64xi32, #tpu.memory_space<vmem>> -> memref<64xi32, #tpu.memory_space<vmem>>
      %dma_start3A_51 = arith.constant 0 : i32
      %dma_start3A_52 = arith.constant 0 : i32
      %dma_start3A_53 = tpu.memref_slice %arg12[%dma_start3A_51, %dma_start3A_52] : memref<10112x128xf32, #tpu.memory_space<vmem_shared>> -> memref<10112x128xf32, #tpu.memory_space<vmem_shared>>
      tpu.enqueue_indirect_dma source(%arg10 : memref<64x128xf32, #tpu.memory_space<vmem>>) target(%dma_start3A_53 : memref<10112x128xf32, #tpu.memory_space<vmem_shared>>) offsets(%dma_start3A_50 : memref<64xi32, #tpu.memory_space<vmem>>) semaphore(%arg15 : memref<!tpu.dma_semaphore, #tpu.memory_space<semaphore_mem>>) {add = true}
      %dma_wait3A_54 = arith.constant 64 : i32
      %dma_wait3A_55 = tpu.memref_slice %arg7[%scan3A_25, %dma_wait3A_54] : memref<79x128xi32, #tpu.memory_space<vmem>> -> memref<1x64xi32, #tpu.memory_space<vmem>>
      %dma_wait3A_56 = tpu.memref_squeeze %dma_wait3A_55 : memref<1x64xi32, #tpu.memory_space<vmem>> -> memref<64xi32, #tpu.memory_space<vmem>>
      %dma_wait3A_57 = arith.constant 0 : i32
      %dma_wait3A_58 = arith.constant 0 : i32
      %dma_wait3A_59 = tpu.memref_slice %arg2[%dma_wait3A_57, %dma_wait3A_58] : memref<10000x128xf32, #tpu.memory_space<hbm>> -> memref<10000x128xf32, #tpu.memory_space<hbm>>
      tpu.wait_indirect_dma semaphore(%arg14 : memref<!tpu.dma_semaphore, #tpu.memory_space<semaphore_mem>>) src(%dma_wait3A_59 : memref<10000x128xf32, #tpu.memory_space<hbm>>) dst(%arg11 : memref<64x128xf32, #tpu.memory_space<vmem>>)
      %scan3A_60 = arith.constant 0 : i32
      %scan3A_61 = arith.constant 0 : i32
      %scan3A_62 = arith.constant 4 : i32
      %scan3A_63 = arith.addi %scan3A_61, %scan3A_62 : i32
      %scan3A_64 = arith.constant 1 : i32
      scf.for %scan3A_84 = %scan3A_61 to %scan3A_63 step %scan3A_64  : i32 {
        %mul3A_85 = arith.constant 16 : i32
        %mul3A_86 = arith.muli %scan3A_84, %mul3A_85 : i32
        %add3A_87 = arith.constant 64 : i32
        %add3A_88 = arith.addi %add3A_87, %mul3A_86 : i32
        %get3A = arith.index_cast %scan3A_25 : i32 to index
        %get3A_89 = arith.index_cast %add3A_88 : i32 to index
        %get3A_90 = tpu.vector_load %arg9[%get3A, %get3A_89] {strides = array<i32>} : memref<79x128xf32, #tpu.memory_space<vmem>>, vector<1x16xf32>,
        %get3A_91 = vector.shape_cast %get3A_90 : vector<1x16xf32> to vector<16xf32>
        %mul3A_92 = arith.constant 16 : i32
        %mul3A_93 = arith.muli %scan3A_84, %mul3A_92 : i32
        %slice3A = vector.extract_strided_slice %get3A_91 {offsets = [0], sizes = [1], strides = [1]} : vector<16xf32> to vector<1xf32>
        %squeeze3A = vector.extract %slice3A[0] : f32 from vector<1xf32>
        %add3A_94 = arith.constant 0 : i32
        %add3A_95 = arith.addi %mul3A_93, %add3A_94 : i32
        %get3A_96 = arith.index_cast %add3A_95 : i32 to index
        %get3A_97 = arith.constant 0 : index
        %get3A_98 = tpu.vector_load %arg11[%get3A_96, %get3A_97] {strides = array<i32>} : memref<64x128xf32, #tpu.memory_space<vmem>>, vector<1x16xf32>,
        %get3A_99 = vector.shape_cast %get3A_98 : vector<1x16xf32> to vector<16xf32>
        %mul3A_100 = vector.broadcast %squeeze3A : f32 to vector<16xf32>
        %mul3A_101 = arith.mulf %get3A_99, %mul3A_100 : vector<16xf32>
        %add3A_102 = arith.constant 0 : i32
        %add3A_103 = arith.addi %mul3A_93, %add3A_102 : i32
        %swap3A = arith.index_cast %add3A_103 : i32 to index
        %swap3A_104 = arith.constant 0 : index
        %swap3A_105 = tpu.vector_load %arg11[%swap3A, %swap3A_104] {strides = array<i32>} : memref<64x128xf32, #tpu.memory_space<vmem>>, vector<1x16xf32>,
        %swap3A_106 = vector.shape_cast %swap3A_105 : vector<1x16xf32> to vector<16xf32>
        %swap3A_107 = vector.shape_cast %mul3A_101 : vector<16xf32> to vector<1x16xf32>
        tpu.vector_store %arg11[%swap3A, %swap3A_104], %swap3A_107 {strides = array<i32>} : memref<64x128xf32, #tpu.memory_space<vmem>>, vector<1x16xf32>,
        %add3A_108 = arith.constant 0 : i32
        %add3A_109 = arith.addi %mul3A_93, %add3A_108 : i32
        %get3A_110 = arith.index_cast %add3A_109 : i32 to index
        %get3A_111 = arith.constant 16 : index
        %get3A_112 = tpu.vector_load %arg11[%get3A_110, %get3A_111] {strides = array<i32>} : memref<64x128xf32, #tpu.memory_space<vmem>>, vector<1x16xf32>,
        %get3A_113 = vector.shape_cast %get3A_112 : vector<1x16xf32> to vector<16xf32>
        %mul3A_114 = vector.broadcast %squeeze3A : f32 to vector<16xf32>
        %mul3A_115 = arith.mulf %get3A_113, %mul3A_114 : vector<16xf32>
        %add3A_116 = arith.constant 0 : i32
        %add3A_117 = arith.addi %mul3A_93, %add3A_116 : i32
        %swap3A_118 = arith.index_cast %add3A_117 : i32 to index
        %swap3A_119 = arith.constant 16 : index
        %swap3A_120 = tpu.vector_load %arg11[%swap3A_118, %swap3A_119] {strides = array<i32>} : memref<64x128xf32, #tpu.memory_space<vmem>>, vector<1x16xf32>,
        %swap3A_121 = vector.shape_cast %swap3A_120 : vector<1x16xf32> to vector<16xf32>
        %swap3A_122 = vector.shape_cast %mul3A_115 : vector<16xf32> to vector<1x16xf32>
        tpu.vector_store %arg11[%swap3A_118, %swap3A_119], %swap3A_122 {strides = array<i32>} : memref<64x128xf32, #tpu.memory_space<vmem>>, vector<1x16xf32>,
        %add3A_123 = arith.constant 0 : i32
        %add3A_124 = arith.addi %mul3A_93, %add3A_123 : i32
        %get3A_125 = arith.index_cast %add3A_124 : i32 to index
        %get3A_126 = arith.constant 32 : index
        %get3A_127 = tpu.vector_load %arg11[%get3A_125, %get3A_126] {strides = array<i32>} : memref<64x128xf32, #tpu.memory_space<vmem>>, vector<1x16xf32>,
        %get3A_128 = vector.shape_cast %get3A_127 : vector<1x16xf32> to vector<16xf32>
        %mul3A_129 = vector.broadcast %squeeze3A : f32 to vector<16xf32>
        %mul3A_130 = arith.mulf %get3A_128, %mul3A_129 : vector<16xf32>
        %add3A_131 = arith.constant 0 : i32
        %add3A_132 = arith.addi %mul3A_93, %add3A_131 : i32
        %swap3A_133 = arith.index_cast %add3A_132 : i32 to index
        %swap3A_134 = arith.constant 32 : index
        %swap3A_135 = tpu.vector_load %arg11[%swap3A_133, %swap3A_134] {strides = array<i32>} : memref<64x128xf32, #tpu.memory_space<vmem>>, vector<1x16xf32>,
        %swap3A_136 = vector.shape_cast %swap3A_135 : vector<1x16xf32> to vector<16xf32>
        %swap3A_137 = vector.shape_cast %mul3A_130 : vector<16xf32> to vector<1x16xf32>
        tpu.vector_store %arg11[%swap3A_133, %swap3A_134], %swap3A_137 {strides = array<i32>} : memref<64x128xf32, #tpu.memory_space<vmem>>, vector<1x16xf32>,
        %add3A_138 = arith.constant 0 : i32
        %add3A_139 = arith.addi %mul3A_93, %add3A_138 : i32
        %get3A_140 = arith.index_cast %add3A_139 : i32 to index
        %get3A_141 = arith.constant 48 : index
        %get3A_142 = tpu.vector_load %arg11[%get3A_140, %get3A_141] {strides = array<i32>} : memref<64x128xf32, #tpu.memory_space<vmem>>, vector<1x16xf32>,
        %get3A_143 = vector.shape_cast %get3A_142 : vector<1x16xf32> to vector<16xf32>
        %mul3A_144 = vector.broadcast %squeeze3A : f32 to vector<16xf32>
        %mul3A_145 = arith.mulf %get3A_143, %mul3A_144 : vector<16xf32>
        %add3A_146 = arith.constant 0 : i32
        %add3A_147 = arith.addi %mul3A_93, %add3A_146 : i32
        %swap3A_148 = arith.index_cast %add3A_147 : i32 to index
        %swap3A_149 = arith.constant 48 : index
        %swap3A_150 = tpu.vector_load %arg11[%swap3A_148, %swap3A_149] {strides = array<i32>} : memref<64x128xf32, #tpu.memory_space<vmem>>, vector<1x16xf32>,
        %swap3A_151 = vector.shape_cast %swap3A_150 : vector<1x16xf32> to vector<16xf32>
        %swap3A_152 = vector.shape_cast %mul3A_145 : vector<16xf32> to vector<1x16xf32>
        tpu.vector_store %arg11[%swap3A_148, %swap3A_149], %swap3A_152 {strides = array<i32>} : memref<64x128xf32, #tpu.memory_space<vmem>>, vector<1x16xf32>,
        %add3A_153 = arith.constant 0 : i32
        %add3A_154 = arith.addi %mul3A_93, %add3A_153 : i32
        %get3A_155 = arith.index_cast %add3A_154 : i32 to index
        %get3A_156 = arith.constant 64 : index
        %get3A_157 = tpu.vector_load %arg11[%get3A_155, %get3A_156] {strides = array<i32>} : memref<64x128xf32, #tpu.memory_space<vmem>>, vector<1x16xf32>,
        %get3A_158 = vector.shape_cast %get3A_157 : vector<1x16xf32> to vector<16xf32>
        %mul3A_159 = vector.broadcast %squeeze3A : f32 to vector<16xf32>
        %mul3A_160 = arith.mulf %get3A_158, %mul3A_159 : vector<16xf32>
        %add3A_161 = arith.constant 0 : i32
        %add3A_162 = arith.addi %mul3A_93, %add3A_161 : i32
        %swap3A_163 = arith.index_cast %add3A_162 : i32 to index
        %swap3A_164 = arith.constant 64 : index
        %swap3A_165 = tpu.vector_load %arg11[%swap3A_163, %swap3A_164] {strides = array<i32>} : memref<64x128xf32, #tpu.memory_space<vmem>>, vector<1x16xf32>,
        %swap3A_166 = vector.shape_cast %swap3A_165 : vector<1x16xf32> to vector<16xf32>
        %swap3A_167 = vector.shape_cast %mul3A_160 : vector<16xf32> to vector<1x16xf32>
        tpu.vector_store %arg11[%swap3A_163, %swap3A_164], %swap3A_167 {strides = array<i32>} : memref<64x128xf32, #tpu.memory_space<vmem>>, vector<1x16xf32>,
        %add3A_168 = arith.constant 0 : i32
        %add3A_169 = arith.addi %mul3A_93, %add3A_168 : i32
        %get3A_170 = arith.index_cast %add3A_169 : i32 to index
        %get3A_171 = arith.constant 80 : index
        %get3A_172 = tpu.vector_load %arg11[%get3A_170, %get3A_171] {strides = array<i32>} : memref<64x128xf32, #tpu.memory_space<vmem>>, vector<1x16xf32>,
        %get3A_173 = vector.shape_cast %get3A_172 : vector<1x16xf32> to vector<16xf32>
        %mul3A_174 = vector.broadcast %squeeze3A : f32 to vector<16xf32>
        %mul3A_175 = arith.mulf %get3A_173, %mul3A_174 : vector<16xf32>
        %add3A_176 = arith.constant 0 : i32
        %add3A_177 = arith.addi %mul3A_93, %add3A_176 : i32
        %swap3A_178 = arith.index_cast %add3A_177 : i32 to index
        %swap3A_179 = arith.constant 80 : index
        %swap3A_180 = tpu.vector_load %arg11[%swap3A_178, %swap3A_179] {strides = array<i32>} : memref<64x128xf32, #tpu.memory_space<vmem>>, vector<1x16xf32>,
        %swap3A_181 = vector.shape_cast %swap3A_180 : vector<1x16xf32> to vector<16xf32>
        %swap3A_182 = vector.shape_cast %mul3A_175 : vector<16xf32> to vector<1x16xf32>
        tpu.vector_store %arg11[%swap3A_178, %swap3A_179], %swap3A_182 {strides = array<i32>} : memref<64x128xf32, #tpu.memory_space<vmem>>, vector<1x16xf32>,
        %add3A_183 = arith.constant 0 : i32
        %add3A_184 = arith.addi %mul3A_93, %add3A_183 : i32
        %get3A_185 = arith.index_cast %add3A_184 : i32 to index
        %get3A_186 = arith.constant 96 : index
        %get3A_187 = tpu.vector_load %arg11[%get3A_185, %get3A_186] {strides = array<i32>} : memref<64x128xf32, #tpu.memory_space<vmem>>, vector<1x16xf32>,
        %get3A_188 = vector.shape_cast %get3A_187 : vector<1x16xf32> to vector<16xf32>
        %mul3A_189 = vector.broadcast %squeeze3A : f32 to vector<16xf32>
        %mul3A_190 = arith.mulf %get3A_188, %mul3A_189 : vector<16xf32>
        %add3A_191 = arith.constant 0 : i32
        %add3A_192 = arith.addi %mul3A_93, %add3A_191 : i32
        %swap3A_193 = arith.index_cast %add3A_192 : i32 to index
        %swap3A_194 = arith.constant 96 : index
        %swap3A_195 = tpu.vector_load %arg11[%swap3A_193, %swap3A_194] {strides = array<i32>} : memref<64x128xf32, #tpu.memory_space<vmem>>, vector<1x16xf32>,
        %swap3A_196 = vector.shape_cast %swap3A_195 : vector<1x16xf32> to vector<16xf32>
        %swap3A_197 = vector.shape_cast %mul3A_190 : vector<16xf32> to vector<1x16xf32>
        tpu.vector_store %arg11[%swap3A_193, %swap3A_194], %swap3A_197 {strides = array<i32>} : memref<64x128xf32, #tpu.memory_space<vmem>>, vector<1x16xf32>,
        %add3A_198 = arith.constant 0 : i32
        %add3A_199 = arith.addi %mul3A_93, %add3A_198 : i32
        %get3A_200 = arith.index_cast %add3A_199 : i32 to index
        %get3A_201 = arith.constant 112 : index
        %get3A_202 = tpu.vector_load %arg11[%get3A_200, %get3A_201] {strides = array<i32>} : memref<64x128xf32, #tpu.memory_space<vmem>>, vector<1x16xf32>,
        %get3A_203 = vector.shape_cast %get3A_202 : vector<1x16xf32> to vector<16xf32>
        %mul3A_204 = vector.broadcast %squeeze3A : f32 to vector<16xf32>
        %mul3A_205 = arith.mulf %get3A_203, %mul3A_204 : vector<16xf32>
        %add3A_206 = arith.constant 0 : i32
        %add3A_207 = arith.addi %mul3A_93, %add3A_206 : i32
        %swap3A_208 = arith.index_cast %add3A_207 : i32 to index
        %swap3A_209 = arith.constant 112 : index
        %swap3A_210 = tpu.vector_load %arg11[%swap3A_208, %swap3A_209] {strides = array<i32>} : memref<64x128xf32, #tpu.memory_space<vmem>>, vector<1x16xf32>,
        %swap3A_211 = vector.shape_cast %swap3A_210 : vector<1x16xf32> to vector<16xf32>
        %swap3A_212 = vector.shape_cast %mul3A_205 : vector<16xf32> to vector<1x16xf32>
        tpu.vector_store %arg11[%swap3A_208, %swap3A_209], %swap3A_212 {strides = array<i32>} : memref<64x128xf32, #tpu.memory_space<vmem>>, vector<1x16xf32>,
        %slice3A_213 = vector.extract_strided_slice %get3A_91 {offsets = [1], sizes = [1], strides = [1]} : vector<16xf32> to vector<1xf32>
        %squeeze3A_214 = vector.extract %slice3A_213[0] : f32 from vector<1xf32>
        %add3A_215 = arith.constant 1 : i32
        %add3A_216 = arith.addi %mul3A_93, %add3A_215 : i32
        %get3A_217 = arith.index_cast %add3A_216 : i32 to index
        %get3A_218 = arith.constant 0 : index
        %get3A_219 = tpu.vector_load %arg11[%get3A_217, %get3A_218] {strides = array<i32>} : memref<64x128xf32, #tpu.memory_space<vmem>>, vector<1x16xf32>,
        %get3A_220 = vector.shape_cast %get3A_219 : vector<1x16xf32> to vector<16xf32>
        %mul3A_221 = vector.broadcast %squeeze3A_214 : f32 to vector<16xf32>
        %mul3A_222 = arith.mulf %get3A_220, %mul3A_221 : vector<16xf32>
        %add3A_223 = arith.constant 1 : i32
        %add3A_224 = arith.addi %mul3A_93, %add3A_223 : i32
        %swap3A_225 = arith.index_cast %add3A_224 : i32 to index
        %swap3A_226 = arith.constant 0 : index
        %swap3A_227 = tpu.vector_load %arg11[%swap3A_225, %swap3A_226] {strides = array<i32>} : memref<64x128xf32, #tpu.memory_space<vmem>>, vector<1x16xf32>,
        %swap3A_228 = vector.shape_cast %swap3A_227 : vector<1x16xf32> to vector<16xf32>
        %swap3A_229 = vector.shape_cast %mul3A_222 : vector<16xf32> to vector<1x16xf32>
        tpu.vector_store %arg11[%swap3A_225, %swap3A_226], %swap3A_229 {strides = array<i32>} : memref<64x128xf32, #tpu.memory_space<vmem>>, vector<1x16xf32>,
        %add3A_230 = arith.constant 1 : i32
        %add3A_231 = arith.addi %mul3A_93, %add3A_230 : i32
        %get3A_232 = arith.index_cast %add3A_231 : i32 to index
        %get3A_233 = arith.constant 16 : index
        %get3A_234 = tpu.vector_load %arg11[%get3A_232, %get3A_233] {strides = array<i32>} : memref<64x128xf32, #tpu.memory_space<vmem>>, vector<1x16xf32>,
        %get3A_235 = vector.shape_cast %get3A_234 : vector<1x16xf32> to vector<16xf32>
        %mul3A_236 = vector.broadcast %squeeze3A_214 : f32 to vector<16xf32>
        %mul3A_237 = arith.mulf %get3A_235, %mul3A_236 : vector<16xf32>
        %add3A_238 = arith.constant 1 : i32
        %add3A_239 = arith.addi %mul3A_93, %add3A_238 : i32
        %swap3A_240 = arith.index_cast %add3A_239 : i32 to index
        %swap3A_241 = arith.constant 16 : index
        %swap3A_242 = tpu.vector_load %arg11[%swap3A_240, %swap3A_241] {strides = array<i32>} : memref<64x128xf32, #tpu.memory_space<vmem>>, vector<1x16xf32>,
        %swap3A_243 = vector.shape_cast %swap3A_242 : vector<1x16xf32> to vector<16xf32>
        %swap3A_244 = vector.shape_cast %mul3A_237 : vector<16xf32> to vector<1x16xf32>
        tpu.vector_store %arg11[%swap3A_240, %swap3A_241], %swap3A_244 {strides = array<i32>} : memref<64x128xf32, #tpu.memory_space<vmem>>, vector<1x16xf32>,
        %add3A_245 = arith.constant 1 : i32
        %add3A_246 = arith.addi %mul3A_93, %add3A_245 : i32
        %get3A_247 = arith.index_cast %add3A_246 : i32 to index
        %get3A_248 = arith.constant 32 : index
        %get3A_249 = tpu.vector_load %arg11[%get3A_247, %get3A_248] {strides = array<i32>} : memref<64x128xf32, #tpu.memory_space<vmem>>, vector<1x16xf32>,
        %get3A_250 = vector.shape_cast %get3A_249 : vector<1x16xf32> to vector<16xf32>
        %mul3A_251 = vector.broadcast %squeeze3A_214 : f32 to vector<16xf32>
        %mul3A_252 = arith.mulf %get3A_250, %mul3A_251 : vector<16xf32>
        %add3A_253 = arith.constant 1 : i32
        %add3A_254 = arith.addi %mul3A_93, %add3A_253 : i32
        %swap3A_255 = arith.index_cast %add3A_254 : i32 to index
        %swap3A_256 = arith.constant 32 : index
        %swap3A_257 = tpu.vector_load %arg11[%swap3A_255, %swap3A_256] {strides = array<i32>} : memref<64x128xf32, #tpu.memory_space<vmem>>, vector<1x16xf32>,
        %swap3A_258 = vector.shape_cast %swap3A_257 : vector<1x16xf32> to vector<16xf32>
        %swap3A_259 = vector.shape_cast %mul3A_252 : vector<16xf32> to vector<1x16xf32>
        tpu.vector_store %arg11[%swap3A_255, %swap3A_256], %swap3A_259 {strides = array<i32>} : memref<64x128xf32, #tpu.memory_space<vmem>>, vector<1x16xf32>,
        %add3A_260 = arith.constant 1 : i32
        %add3A_261 = arith.addi %mul3A_93, %add3A_260 : i32
        %get3A_262 = arith.index_cast %add3A_261 : i32 to index
        %get3A_263 = arith.constant 48 : index
        %get3A_264 = tpu.vector_load %arg11[%get3A_262, %get3A_263] {strides = array<i32>} : memref<64x128xf32, #tpu.memory_space<vmem>>, vector<1x16xf32>,
        %get3A_265 = vector.shape_cast %get3A_264 : vector<1x16xf32> to vector<16xf32>
        %mul3A_266 = vector.broadcast %squeeze3A_214 : f32 to vector<16xf32>
        %mul3A_267 = arith.mulf %get3A_265, %mul3A_266 : vector<16xf32>
        %add3A_268 = arith.constant 1 : i32
        %add3A_269 = arith.addi %mul3A_93, %add3A_268 : i32
        %swap3A_270 = arith.index_cast %add3A_269 : i32 to index
        %swap3A_271 = arith.constant 48 : index
        %swap3A_272 = tpu.vector_load %arg11[%swap3A_270, %swap3A_271] {strides = array<i32>} : memref<64x128xf32, #tpu.memory_space<vmem>>, vector<1x16xf32>,
        %swap3A_273 = vector.shape_cast %swap3A_272 : vector<1x16xf32> to vector<16xf32>
        %swap3A_274 = vector.shape_cast %mul3A_267 : vector<16xf32> to vector<1x16xf32>
        tpu.vector_store %arg11[%swap3A_270, %swap3A_271], %swap3A_274 {strides = array<i32>} : memref<64x128xf32, #tpu.memory_space<vmem>>, vector<1x16xf32>,
        %add3A_275 = arith.constant 1 : i32
        %add3A_276 = arith.addi %mul3A_93, %add3A_275 : i32
        %get3A_277 = arith.index_cast %add3A_276 : i32 to index
        %get3A_278 = arith.constant 64 : index
        %get3A_279 = tpu.vector_load %arg11[%get3A_277, %get3A_278] {strides = array<i32>} : memref<64x128xf32, #tpu.memory_space<vmem>>, vector<1x16xf32>,
        %get3A_280 = vector.shape_cast %get3A_279 : vector<1x16xf32> to vector<16xf32>
        %mul3A_281 = vector.broadcast %squeeze3A_214 : f32 to vector<16xf32>
        %mul3A_282 = arith.mulf %get3A_280, %mul3A_281 : vector<16xf32>
        %add3A_283 = arith.constant 1 : i32
        %add3A_284 = arith.addi %mul3A_93, %add3A_283 : i32
        %swap3A_285 = arith.index_cast %add3A_284 : i32 to index
        %swap3A_286 = arith.constant 64 : index
        %swap3A_287 = tpu.vector_load %arg11[%swap3A_285, %swap3A_286] {strides = array<i32>} : memref<64x128xf32, #tpu.memory_space<vmem>>, vector<1x16xf32>,
        %swap3A_288 = vector.shape_cast %swap3A_287 : vector<1x16xf32> to vector<16xf32>
        %swap3A_289 = vector.shape_cast %mul3A_282 : vector<16xf32> to vector<1x16xf32>
        tpu.vector_store %arg11[%swap3A_285, %swap3A_286], %swap3A_289 {strides = array<i32>} : memref<64x128xf32, #tpu.memory_space<vmem>>, vector<1x16xf32>,
        %add3A_290 = arith.constant 1 : i32
        %add3A_291 = arith.addi %mul3A_93, %add3A_290 : i32
        %get3A_292 = arith.index_cast %add3A_291 : i32 to index
        %get3A_293 = arith.constant 80 : index
        %get3A_294 = tpu.vector_load %arg11[%get3A_292, %get3A_293] {strides = array<i32>} : memref<64x128xf32, #tpu.memory_space<vmem>>, vector<1x16xf32>,
        %get3A_295 = vector.shape_cast %get3A_294 : vector<1x16xf32> to vector<16xf32>
        %mul3A_296 = vector.broadcast %squeeze3A_214 : f32 to vector<16xf32>
        %mul3A_297 = arith.mulf %get3A_295, %mul3A_296 : vector<16xf32>
        %add3A_298 = arith.constant 1 : i32
        %add3A_299 = arith.addi %mul3A_93, %add3A_298 : i32
        %swap3A_300 = arith.index_cast %add3A_299 : i32 to index
        %swap3A_301 = arith.constant 80 : index
        %swap3A_302 = tpu.vector_load %arg11[%swap3A_300, %swap3A_301] {strides = array<i32>} : memref<64x128xf32, #tpu.memory_space<vmem>>, vector<1x16xf32>,
        %swap3A_303 = vector.shape_cast %swap3A_302 : vector<1x16xf32> to vector<16xf32>
        %swap3A_304 = vector.shape_cast %mul3A_297 : vector<16xf32> to vector<1x16xf32>
        tpu.vector_store %arg11[%swap3A_300, %swap3A_301], %swap3A_304 {strides = array<i32>} : memref<64x128xf32, #tpu.memory_space<vmem>>, vector<1x16xf32>,
        %add3A_305 = arith.constant 1 : i32
        %add3A_306 = arith.addi %mul3A_93, %add3A_305 : i32
        %get3A_307 = arith.index_cast %add3A_306 : i32 to index
        %get3A_308 = arith.constant 96 : index
        %get3A_309 = tpu.vector_load %arg11[%get3A_307, %get3A_308] {strides = array<i32>} : memref<64x128xf32, #tpu.memory_space<vmem>>, vector<1x16xf32>,
        %get3A_310 = vector.shape_cast %get3A_309 : vector<1x16xf32> to vector<16xf32>
        %mul3A_311 = vector.broadcast %squeeze3A_214 : f32 to vector<16xf32>
        %mul3A_312 = arith.mulf %get3A_310, %mul3A_311 : vector<16xf32>
        %add3A_313 = arith.constant 1 : i32
        %add3A_314 = arith.addi %mul3A_93, %add3A_313 : i32
        %swap3A_315 = arith.index_cast %add3A_314 : i32 to index
        %swap3A_316 = arith.constant 96 : index
        %swap3A_317 = tpu.vector_load %arg11[%swap3A_315, %swap3A_316] {strides = array<i32>} : memref<64x128xf32, #tpu.memory_space<vmem>>, vector<1x16xf32>,
        %swap3A_318 = vector.shape_cast %swap3A_317 : vector<1x16xf32> to vector<16xf32>
        %swap3A_319 = vector.shape_cast %mul3A_312 : vector<16xf32> to vector<1x16xf32>
        tpu.vector_store %arg11[%swap3A_315, %swap3A_316], %swap3A_319 {strides = array<i32>} : memref<64x128xf32, #tpu.memory_space<vmem>>, vector<1x16xf32>,
        %add3A_320 = arith.constant 1 : i32
        %add3A_321 = arith.addi %mul3A_93, %add3A_320 : i32
        %get3A_322 = arith.index_cast %add3A_321 : i32 to index
        %get3A_323 = arith.constant 112 : index
        %get3A_324 = tpu.vector_load %arg11[%get3A_322, %get3A_323] {strides = array<i32>} : memref<64x128xf32, #tpu.memory_space<vmem>>, vector<1x16xf32>,
        %get3A_325 = vector.shape_cast %get3A_324 : vector<1x16xf32> to vector<16xf32>
        %mul3A_326 = vector.broadcast %squeeze3A_214 : f32 to vector<16xf32>
        %mul3A_327 = arith.mulf %get3A_325, %mul3A_326 : vector<16xf32>
        %add3A_328 = arith.constant 1 : i32
        %add3A_329 = arith.addi %mul3A_93, %add3A_328 : i32
        %swap3A_330 = arith.index_cast %add3A_329 : i32 to index
        %swap3A_331 = arith.constant 112 : index
        %swap3A_332 = tpu.vector_load %arg11[%swap3A_330, %swap3A_331] {strides = array<i32>} : memref<64x128xf32, #tpu.memory_space<vmem>>, vector<1x16xf32>,
        %swap3A_333 = vector.shape_cast %swap3A_332 : vector<1x16xf32> to vector<16xf32>
        %swap3A_334 = vector.shape_cast %mul3A_327 : vector<16xf32> to vector<1x16xf32>
        tpu.vector_store %arg11[%swap3A_330, %swap3A_331], %swap3A_334 {strides = array<i32>} : memref<64x128xf32, #tpu.memory_space<vmem>>, vector<1x16xf32>,
        %slice3A_335 = vector.extract_strided_slice %get3A_91 {offsets = [2], sizes = [1], strides = [1]} : vector<16xf32> to vector<1xf32>
        %squeeze3A_336 = vector.extract %slice3A_335[0] : f32 from vector<1xf32>
        %add3A_337 = arith.constant 2 : i32
        %add3A_338 = arith.addi %mul3A_93, %add3A_337 : i32
        %get3A_339 = arith.index_cast %add3A_338 : i32 to index
        %get3A_340 = arith.constant 0 : index
        %get3A_341 = tpu.vector_load %arg11[%get3A_339, %get3A_340] {strides = array<i32>} : memref<64x128xf32, #tpu.memory_space<vmem>>, vector<1x16xf32>,
        %get3A_342 = vector.shape_cast %get3A_341 : vector<1x16xf32> to vector<16xf32>
        %mul3A_343 = vector.broadcast %squeeze3A_336 : f32 to vector<16xf32>
        %mul3A_344 = arith.mulf %get3A_342, %mul3A_343 : vector<16xf32>
        %add3A_345 = arith.constant 2 : i32
        %add3A_346 = arith.addi %mul3A_93, %add3A_345 : i32
        %swap3A_347 = arith.index_cast %add3A_346 : i32 to index
        %swap3A_348 = arith.constant 0 : index
        %swap3A_349 = tpu.vector_load %arg11[%swap3A_347, %swap3A_348] {strides = array<i32>} : memref<64x128xf32, #tpu.memory_space<vmem>>, vector<1x16xf32>,
        %swap3A_350 = vector.shape_cast %swap3A_349 : vector<1x16xf32> to vector<16xf32>
        %swap3A_351 = vector.shape_cast %mul3A_344 : vector<16xf32> to vector<1x16xf32>
        tpu.vector_store %arg11[%swap3A_347, %swap3A_348], %swap3A_351 {strides = array<i32>} : memref<64x128xf32, #tpu.memory_space<vmem>>, vector<1x16xf32>,
        %add3A_352 = arith.constant 2 : i32
        %add3A_353 = arith.addi %mul3A_93, %add3A_352 : i32
        %get3A_354 = arith.index_cast %add3A_353 : i32 to index
        %get3A_355 = arith.constant 16 : index
        %get3A_356 = tpu.vector_load %arg11[%get3A_354, %get3A_355] {strides = array<i32>} : memref<64x128xf32, #tpu.memory_space<vmem>>, vector<1x16xf32>,
        %get3A_357 = vector.shape_cast %get3A_356 : vector<1x16xf32> to vector<16xf32>
        %mul3A_358 = vector.broadcast %squeeze3A_336 : f32 to vector<16xf32>
        %mul3A_359 = arith.mulf %get3A_357, %mul3A_358 : vector<16xf32>
        %add3A_360 = arith.constant 2 : i32
        %add3A_361 = arith.addi %mul3A_93, %add3A_360 : i32
        %swap3A_362 = arith.index_cast %add3A_361 : i32 to index
        %swap3A_363 = arith.constant 16 : index
        %swap3A_364 = tpu.vector_load %arg11[%swap3A_362, %swap3A_363] {strides = array<i32>} : memref<64x128xf32, #tpu.memory_space<vmem>>, vector<1x16xf32>,
        %swap3A_365 = vector.shape_cast %swap3A_364 : vector<1x16xf32> to vector<16xf32>
        %swap3A_366 = vector.shape_cast %mul3A_359 : vector<16xf32> to vector<1x16xf32>
        tpu.vector_store %arg11[%swap3A_362, %swap3A_363], %swap3A_366 {strides = array<i32>} : memref<64x128xf32, #tpu.memory_space<vmem>>, vector<1x16xf32>,
        %add3A_367 = arith.constant 2 : i32
        %add3A_368 = arith.addi %mul3A_93, %add3A_367 : i32
        %get3A_369 = arith.index_cast %add3A_368 : i32 to index
        %get3A_370 = arith.constant 32 : index
        %get3A_371 = tpu.vector_load %arg11[%get3A_369, %get3A_370] {strides = array<i32>} : memref<64x128xf32, #tpu.memory_space<vmem>>, vector<1x16xf32>,
        %get3A_372 = vector.shape_cast %get3A_371 : vector<1x16xf32> to vector<16xf32>
        %mul3A_373 = vector.broadcast %squeeze3A_336 : f32 to vector<16xf32>
        %mul3A_374 = arith.mulf %get3A_372, %mul3A_373 : vector<16xf32>
        %add3A_375 = arith.constant 2 : i32
        %add3A_376 = arith.addi %mul3A_93, %add3A_375 : i32
        %swap3A_377 = arith.index_cast %add3A_376 : i32 to index
        %swap3A_378 = arith.constant 32 : index
        %swap3A_379 = tpu.vector_load %arg11[%swap3A_377, %swap3A_378] {strides = array<i32>} : memref<64x128xf32, #tpu.memory_space<vmem>>, vector<1x16xf32>,
        %swap3A_380 = vector.shape_cast %swap3A_379 : vector<1x16xf32> to vector<16xf32>
        %swap3A_381 = vector.shape_cast %mul3A_374 : vector<16xf32> to vector<1x16xf32>
        tpu.vector_store %arg11[%swap3A_377, %swap3A_378], %swap3A_381 {strides = array<i32>} : memref<64x128xf32, #tpu.memory_space<vmem>>, vector<1x16xf32>,
        %add3A_382 = arith.constant 2 : i32
        %add3A_383 = arith.addi %mul3A_93, %add3A_382 : i32
        %get3A_384 = arith.index_cast %add3A_383 : i32 to index
        %get3A_385 = arith.constant 48 : index
        %get3A_386 = tpu.vector_load %arg11[%get3A_384, %get3A_385] {strides = array<i32>} : memref<64x128xf32, #tpu.memory_space<vmem>>, vector<1x16xf32>,
        %get3A_387 = vector.shape_cast %get3A_386 : vector<1x16xf32> to vector<16xf32>
        %mul3A_388 = vector.broadcast %squeeze3A_336 : f32 to vector<16xf32>
        %mul3A_389 = arith.mulf %get3A_387, %mul3A_388 : vector<16xf32>
        %add3A_390 = arith.constant 2 : i32
        %add3A_391 = arith.addi %mul3A_93, %add3A_390 : i32
        %swap3A_392 = arith.index_cast %add3A_391 : i32 to index
        %swap3A_393 = arith.constant 48 : index
        %swap3A_394 = tpu.vector_load %arg11[%swap3A_392, %swap3A_393] {strides = array<i32>} : memref<64x128xf32, #tpu.memory_space<vmem>>, vector<1x16xf32>,
        %swap3A_395 = vector.shape_cast %swap3A_394 : vector<1x16xf32> to vector<16xf32>
        %swap3A_396 = vector.shape_cast %mul3A_389 : vector<16xf32> to vector<1x16xf32>
        tpu.vector_store %arg11[%swap3A_392, %swap3A_393], %swap3A_396 {strides = array<i32>} : memref<64x128xf32, #tpu.memory_space<vmem>>, vector<1x16xf32>,
        %add3A_397 = arith.constant 2 : i32
        %add3A_398 = arith.addi %mul3A_93, %add3A_397 : i32
        %get3A_399 = arith.index_cast %add3A_398 : i32 to index
        %get3A_400 = arith.constant 64 : index
        %get3A_401 = tpu.vector_load %arg11[%get3A_399, %get3A_400] {strides = array<i32>} : memref<64x128xf32, #tpu.memory_space<vmem>>, vector<1x16xf32>,
        %get3A_402 = vector.shape_cast %get3A_401 : vector<1x16xf32> to vector<16xf32>
        %mul3A_403 = vector.broadcast %squeeze3A_336 : f32 to vector<16xf32>
        %mul3A_404 = arith.mulf %get3A_402, %mul3A_403 : vector<16xf32>
        %add3A_405 = arith.constant 2 : i32
        %add3A_406 = arith.addi %mul3A_93, %add3A_405 : i32
        %swap3A_407 = arith.index_cast %add3A_406 : i32 to index
        %swap3A_408 = arith.constant 64 : index
        %swap3A_409 = tpu.vector_load %arg11[%swap3A_407, %swap3A_408] {strides = array<i32>} : memref<64x128xf32, #tpu.memory_space<vmem>>, vector<1x16xf32>,
        %swap3A_410 = vector.shape_cast %swap3A_409 : vector<1x16xf32> to vector<16xf32>
        %swap3A_411 = vector.shape_cast %mul3A_404 : vector<16xf32> to vector<1x16xf32>
        tpu.vector_store %arg11[%swap3A_407, %swap3A_408], %swap3A_411 {strides = array<i32>} : memref<64x128xf32, #tpu.memory_space<vmem>>, vector<1x16xf32>,
        %add3A_412 = arith.constant 2 : i32
        %add3A_413 = arith.addi %mul3A_93, %add3A_412 : i32
        %get3A_414 = arith.index_cast %add3A_413 : i32 to index
        %get3A_415 = arith.constant 80 : index
        %get3A_416 = tpu.vector_load %arg11[%get3A_414, %get3A_415] {strides = array<i32>} : memref<64x128xf32, #tpu.memory_space<vmem>>, vector<1x16xf32>,
        %get3A_417 = vector.shape_cast %get3A_416 : vector<1x16xf32> to vector<16xf32>
        %mul3A_418 = vector.broadcast %squeeze3A_336 : f32 to vector<16xf32>
        %mul3A_419 = arith.mulf %get3A_417, %mul3A_418 : vector<16xf32>
        %add3A_420 = arith.constant 2 : i32
        %add3A_421 = arith.addi %mul3A_93, %add3A_420 : i32
        %swap3A_422 = arith.index_cast %add3A_421 : i32 to index
        %swap3A_423 = arith.constant 80 : index
        %swap3A_424 = tpu.vector_load %arg11[%swap3A_422, %swap3A_423] {strides = array<i32>} : memref<64x128xf32, #tpu.memory_space<vmem>>, vector<1x16xf32>,
        %swap3A_425 = vector.shape_cast %swap3A_424 : vector<1x16xf32> to vector<16xf32>
        %swap3A_426 = vector.shape_cast %mul3A_419 : vector<16xf32> to vector<1x16xf32>
        tpu.vector_store %arg11[%swap3A_422, %swap3A_423], %swap3A_426 {strides = array<i32>} : memref<64x128xf32, #tpu.memory_space<vmem>>, vector<1x16xf32>,
        %add3A_427 = arith.constant 2 : i32
        %add3A_428 = arith.addi %mul3A_93, %add3A_427 : i32
        %get3A_429 = arith.index_cast %add3A_428 : i32 to index
        %get3A_430 = arith.constant 96 : index
        %get3A_431 = tpu.vector_load %arg11[%get3A_429, %get3A_430] {strides = array<i32>} : memref<64x128xf32, #tpu.memory_space<vmem>>, vector<1x16xf32>,
        %get3A_432 = vector.shape_cast %get3A_431 : vector<1x16xf32> to vector<16xf32>
        %mul3A_433 = vector.broadcast %squeeze3A_336 : f32 to vector<16xf32>
        %mul3A_434 = arith.mulf %get3A_432, %mul3A_433 : vector<16xf32>
        %add3A_435 = arith.constant 2 : i32
        %add3A_436 = arith.addi %mul3A_93, %add3A_435 : i32
        %swap3A_437 = arith.index_cast %add3A_436 : i32 to index
        %swap3A_438 = arith.constant 96 : index
        %swap3A_439 = tpu.vector_load %arg11[%swap3A_437, %swap3A_438] {strides = array<i32>} : memref<64x128xf32, #tpu.memory_space<vmem>>, vector<1x16xf32>,
        %swap3A_440 = vector.shape_cast %swap3A_439 : vector<1x16xf32> to vector<16xf32>
        %swap3A_441 = vector.shape_cast %mul3A_434 : vector<16xf32> to vector<1x16xf32>
        tpu.vector_store %arg11[%swap3A_437, %swap3A_438], %swap3A_441 {strides = array<i32>} : memref<64x128xf32, #tpu.memory_space<vmem>>, vector<1x16xf32>,
        %add3A_442 = arith.constant 2 : i32
        %add3A_443 = arith.addi %mul3A_93, %add3A_442 : i32
        %get3A_444 = arith.index_cast %add3A_443 : i32 to index
        %get3A_445 = arith.constant 112 : index
        %get3A_446 = tpu.vector_load %arg11[%get3A_444, %get3A_445] {strides = array<i32>} : memref<64x128xf32, #tpu.memory_space<vmem>>, vector<1x16xf32>,
        %get3A_447 = vector.shape_cast %get3A_446 : vector<1x16xf32> to vector<16xf32>
        %mul3A_448 = vector.broadcast %squeeze3A_336 : f32 to vector<16xf32>
        %mul3A_449 = arith.mulf %get3A_447, %mul3A_448 : vector<16xf32>
        %add3A_450 = arith.constant 2 : i32
        %add3A_451 = arith.addi %mul3A_93, %add3A_450 : i32
        %swap3A_452 = arith.index_cast %add3A_451 : i32 to index
        %swap3A_453 = arith.constant 112 : index
        %swap3A_454 = tpu.vector_load %arg11[%swap3A_452, %swap3A_453] {strides = array<i32>} : memref<64x128xf32, #tpu.memory_space<vmem>>, vector<1x16xf32>,
        %swap3A_455 = vector.shape_cast %swap3A_454 : vector<1x16xf32> to vector<16xf32>
        %swap3A_456 = vector.shape_cast %mul3A_449 : vector<16xf32> to vector<1x16xf32>
        tpu.vector_store %arg11[%swap3A_452, %swap3A_453], %swap3A_456 {strides = array<i32>} : memref<64x128xf32, #tpu.memory_space<vmem>>, vector<1x16xf32>,
        %slice3A_457 = vector.extract_strided_slice %get3A_91 {offsets = [3], sizes = [1], strides = [1]} : vector<16xf32> to vector<1xf32>
        %squeeze3A_458 = vector.extract %slice3A_457[0] : f32 from vector<1xf32>
        %add3A_459 = arith.constant 3 : i32
        %add3A_460 = arith.addi %mul3A_93, %add3A_459 : i32
        %get3A_461 = arith.index_cast %add3A_460 : i32 to index
        %get3A_462 = arith.constant 0 : index
        %get3A_463 = tpu.vector_load %arg11[%get3A_461, %get3A_462] {strides = array<i32>} : memref<64x128xf32, #tpu.memory_space<vmem>>, vector<1x16xf32>,
        %get3A_464 = vector.shape_cast %get3A_463 : vector<1x16xf32> to vector<16xf32>
        %mul3A_465 = vector.broadcast %squeeze3A_458 : f32 to vector<16xf32>
        %mul3A_466 = arith.mulf %get3A_464, %mul3A_465 : vector<16xf32>
        %add3A_467 = arith.constant 3 : i32
        %add3A_468 = arith.addi %mul3A_93, %add3A_467 : i32
        %swap3A_469 = arith.index_cast %add3A_468 : i32 to index
        %swap3A_470 = arith.constant 0 : index
        %swap3A_471 = tpu.vector_load %arg11[%swap3A_469, %swap3A_470] {strides = array<i32>} : memref<64x128xf32, #tpu.memory_space<vmem>>, vector<1x16xf32>,
        %swap3A_472 = vector.shape_cast %swap3A_471 : vector<1x16xf32> to vector<16xf32>
        %swap3A_473 = vector.shape_cast %mul3A_466 : vector<16xf32> to vector<1x16xf32>
        tpu.vector_store %arg11[%swap3A_469, %swap3A_470], %swap3A_473 {strides = array<i32>} : memref<64x128xf32, #tpu.memory_space<vmem>>, vector<1x16xf32>,
        %add3A_474 = arith.constant 3 : i32
        %add3A_475 = arith.addi %mul3A_93, %add3A_474 : i32
        %get3A_476 = arith.index_cast %add3A_475 : i32 to index
        %get3A_477 = arith.constant 16 : index
        %get3A_478 = tpu.vector_load %arg11[%get3A_476, %get3A_477] {strides = array<i32>} : memref<64x128xf32, #tpu.memory_space<vmem>>, vector<1x16xf32>,
        %get3A_479 = vector.shape_cast %get3A_478 : vector<1x16xf32> to vector<16xf32>
        %mul3A_480 = vector.broadcast %squeeze3A_458 : f32 to vector<16xf32>
        %mul3A_481 = arith.mulf %get3A_479, %mul3A_480 : vector<16xf32>
        %add3A_482 = arith.constant 3 : i32
        %add3A_483 = arith.addi %mul3A_93, %add3A_482 : i32
        %swap3A_484 = arith.index_cast %add3A_483 : i32 to index
        %swap3A_485 = arith.constant 16 : index
        %swap3A_486 = tpu.vector_load %arg11[%swap3A_484, %swap3A_485] {strides = array<i32>} : memref<64x128xf32, #tpu.memory_space<vmem>>, vector<1x16xf32>,
        %swap3A_487 = vector.shape_cast %swap3A_486 : vector<1x16xf32> to vector<16xf32>
        %swap3A_488 = vector.shape_cast %mul3A_481 : vector<16xf32> to vector<1x16xf32>
        tpu.vector_store %arg11[%swap3A_484, %swap3A_485], %swap3A_488 {strides = array<i32>} : memref<64x128xf32, #tpu.memory_space<vmem>>, vector<1x16xf32>,
        %add3A_489 = arith.constant 3 : i32
        %add3A_490 = arith.addi %mul3A_93, %add3A_489 : i32
        %get3A_491 = arith.index_cast %add3A_490 : i32 to index
        %get3A_492 = arith.constant 32 : index
        %get3A_493 = tpu.vector_load %arg11[%get3A_491, %get3A_492] {strides = array<i32>} : memref<64x128xf32, #tpu.memory_space<vmem>>, vector<1x16xf32>,
        %get3A_494 = vector.shape_cast %get3A_493 : vector<1x16xf32> to vector<16xf32>
        %mul3A_495 = vector.broadcast %squeeze3A_458 : f32 to vector<16xf32>
        %mul3A_496 = arith.mulf %get3A_494, %mul3A_495 : vector<16xf32>
        %add3A_497 = arith.constant 3 : i32
        %add3A_498 = arith.addi %mul3A_93, %add3A_497 : i32
        %swap3A_499 = arith.index_cast %add3A_498 : i32 to index
        %swap3A_500 = arith.constant 32 : index
        %swap3A_501 = tpu.vector_load %arg11[%swap3A_499, %swap3A_500] {strides = array<i32>} : memref<64x128xf32, #tpu.memory_space<vmem>>, vector<1x16xf32>,
        %swap3A_502 = vector.shape_cast %swap3A_501 : vector<1x16xf32> to vector<16xf32>
        %swap3A_503 = vector.shape_cast %mul3A_496 : vector<16xf32> to vector<1x16xf32>
        tpu.vector_store %arg11[%swap3A_499, %swap3A_500], %swap3A_503 {strides = array<i32>} : memref<64x128xf32, #tpu.memory_space<vmem>>, vector<1x16xf32>,
        %add3A_504 = arith.constant 3 : i32
        %add3A_505 = arith.addi %mul3A_93, %add3A_504 : i32
        %get3A_506 = arith.index_cast %add3A_505 : i32 to index
        %get3A_507 = arith.constant 48 : index
        %get3A_508 = tpu.vector_load %arg11[%get3A_506, %get3A_507] {strides = array<i32>} : memref<64x128xf32, #tpu.memory_space<vmem>>, vector<1x16xf32>,
        %get3A_509 = vector.shape_cast %get3A_508 : vector<1x16xf32> to vector<16xf32>
        %mul3A_510 = vector.broadcast %squeeze3A_458 : f32 to vector<16xf32>
        %mul3A_511 = arith.mulf %get3A_509, %mul3A_510 : vector<16xf32>
        %add3A_512 = arith.constant 3 : i32
        %add3A_513 = arith.addi %mul3A_93, %add3A_512 : i32
        %swap3A_514 = arith.index_cast %add3A_513 : i32 to index
        %swap3A_515 = arith.constant 48 : index
        %swap3A_516 = tpu.vector_load %arg11[%swap3A_514, %swap3A_515] {strides = array<i32>} : memref<64x128xf32, #tpu.memory_space<vmem>>, vector<1x16xf32>,
        %swap3A_517 = vector.shape_cast %swap3A_516 : vector<1x16xf32> to vector<16xf32>
        %swap3A_518 = vector.shape_cast %mul3A_511 : vector<16xf32> to vector<1x16xf32>
        tpu.vector_store %arg11[%swap3A_514, %swap3A_515], %swap3A_518 {strides = array<i32>} : memref<64x128xf32, #tpu.memory_space<vmem>>, vector<1x16xf32>,
        %add3A_519 = arith.constant 3 : i32
        %add3A_520 = arith.addi %mul3A_93, %add3A_519 : i32
        %get3A_521 = arith.index_cast %add3A_520 : i32 to index
        %get3A_522 = arith.constant 64 : index
        %get3A_523 = tpu.vector_load %arg11[%get3A_521, %get3A_522] {strides = array<i32>} : memref<64x128xf32, #tpu.memory_space<vmem>>, vector<1x16xf32>,
        %get3A_524 = vector.shape_cast %get3A_523 : vector<1x16xf32> to vector<16xf32>
        %mul3A_525 = vector.broadcast %squeeze3A_458 : f32 to vector<16xf32>
        %mul3A_526 = arith.mulf %get3A_524, %mul3A_525 : vector<16xf32>
        %add3A_527 = arith.constant 3 : i32
        %add3A_528 = arith.addi %mul3A_93, %add3A_527 : i32
        %swap3A_529 = arith.index_cast %add3A_528 : i32 to index
        %swap3A_530 = arith.constant 64 : index
        %swap3A_531 = tpu.vector_load %arg11[%swap3A_529, %swap3A_530] {strides = array<i32>} : memref<64x128xf32, #tpu.memory_space<vmem>>, vector<1x16xf32>,
        %swap3A_532 = vector.shape_cast %swap3A_531 : vector<1x16xf32> to vector<16xf32>
        %swap3A_533 = vector.shape_cast %mul3A_526 : vector<16xf32> to vector<1x16xf32>
        tpu.vector_store %arg11[%swap3A_529, %swap3A_530], %swap3A_533 {strides = array<i32>} : memref<64x128xf32, #tpu.memory_space<vmem>>, vector<1x16xf32>,
        %add3A_534 = arith.constant 3 : i32
        %add3A_535 = arith.addi %mul3A_93, %add3A_534 : i32
        %get3A_536 = arith.index_cast %add3A_535 : i32 to index
        %get3A_537 = arith.constant 80 : index
        %get3A_538 = tpu.vector_load %arg11[%get3A_536, %get3A_537] {strides = array<i32>} : memref<64x128xf32, #tpu.memory_space<vmem>>, vector<1x16xf32>,
        %get3A_539 = vector.shape_cast %get3A_538 : vector<1x16xf32> to vector<16xf32>
        %mul3A_540 = vector.broadcast %squeeze3A_458 : f32 to vector<16xf32>
        %mul3A_541 = arith.mulf %get3A_539, %mul3A_540 : vector<16xf32>
        %add3A_542 = arith.constant 3 : i32
        %add3A_543 = arith.addi %mul3A_93, %add3A_542 : i32
        %swap3A_544 = arith.index_cast %add3A_543 : i32 to index
        %swap3A_545 = arith.constant 80 : index
        %swap3A_546 = tpu.vector_load %arg11[%swap3A_544, %swap3A_545] {strides = array<i32>} : memref<64x128xf32, #tpu.memory_space<vmem>>, vector<1x16xf32>,
        %swap3A_547 = vector.shape_cast %swap3A_546 : vector<1x16xf32> to vector<16xf32>
        %swap3A_548 = vector.shape_cast %mul3A_541 : vector<16xf32> to vector<1x16xf32>
        tpu.vector_store %arg11[%swap3A_544, %swap3A_545], %swap3A_548 {strides = array<i32>} : memref<64x128xf32, #tpu.memory_space<vmem>>, vector<1x16xf32>,
        %add3A_549 = arith.constant 3 : i32
        %add3A_550 = arith.addi %mul3A_93, %add3A_549 : i32
        %get3A_551 = arith.index_cast %add3A_550 : i32 to index
        %get3A_552 = arith.constant 96 : index
        %get3A_553 = tpu.vector_load %arg11[%get3A_551, %get3A_552] {strides = array<i32>} : memref<64x128xf32, #tpu.memory_space<vmem>>, vector<1x16xf32>,
        %get3A_554 = vector.shape_cast %get3A_553 : vector<1x16xf32> to vector<16xf32>
        %mul3A_555 = vector.broadcast %squeeze3A_458 : f32 to vector<16xf32>
        %mul3A_556 = arith.mulf %get3A_554, %mul3A_555 : vector<16xf32>
        %add3A_557 = arith.constant 3 : i32
        %add3A_558 = arith.addi %mul3A_93, %add3A_557 : i32
        %swap3A_559 = arith.index_cast %add3A_558 : i32 to index
        %swap3A_560 = arith.constant 96 : index
        %swap3A_561 = tpu.vector_load %arg11[%swap3A_559, %swap3A_560] {strides = array<i32>} : memref<64x128xf32, #tpu.memory_space<vmem>>, vector<1x16xf32>,
        %swap3A_562 = vector.shape_cast %swap3A_561 : vector<1x16xf32> to vector<16xf32>
        %swap3A_563 = vector.shape_cast %mul3A_556 : vector<16xf32> to vector<1x16xf32>
        tpu.vector_store %arg11[%swap3A_559, %swap3A_560], %swap3A_563 {strides = array<i32>} : memref<64x128xf32, #tpu.memory_space<vmem>>, vector<1x16xf32>,
        %add3A_564 = arith.constant 3 : i32
        %add3A_565 = arith.addi %mul3A_93, %add3A_564 : i32
        %get3A_566 = arith.index_cast %add3A_565 : i32 to index
        %get3A_567 = arith.constant 112 : index
        %get3A_568 = tpu.vector_load %arg11[%get3A_566, %get3A_567] {strides = array<i32>} : memref<64x128xf32, #tpu.memory_space<vmem>>, vector<1x16xf32>,
        %get3A_569 = vector.shape_cast %get3A_568 : vector<1x16xf32> to vector<16xf32>
        %mul3A_570 = vector.broadcast %squeeze3A_458 : f32 to vector<16xf32>
        %mul3A_571 = arith.mulf %get3A_569, %mul3A_570 : vector<16xf32>
        %add3A_572 = arith.constant 3 : i32
        %add3A_573 = arith.addi %mul3A_93, %add3A_572 : i32
        %swap3A_574 = arith.index_cast %add3A_573 : i32 to index
        %swap3A_575 = arith.constant 112 : index
        %swap3A_576 = tpu.vector_load %arg11[%swap3A_574, %swap3A_575] {strides = array<i32>} : memref<64x128xf32, #tpu.memory_space<vmem>>, vector<1x16xf32>,
        %swap3A_577 = vector.shape_cast %swap3A_576 : vector<1x16xf32> to vector<16xf32>
        %swap3A_578 = vector.shape_cast %mul3A_571 : vector<16xf32> to vector<1x16xf32>
        tpu.vector_store %arg11[%swap3A_574, %swap3A_575], %swap3A_578 {strides = array<i32>} : memref<64x128xf32, #tpu.memory_space<vmem>>, vector<1x16xf32>,
        %slice3A_579 = vector.extract_strided_slice %get3A_91 {offsets = [4], sizes = [1], strides = [1]} : vector<16xf32> to vector<1xf32>
        %squeeze3A_580 = vector.extract %slice3A_579[0] : f32 from vector<1xf32>
        %add3A_581 = arith.constant 4 : i32
        %add3A_582 = arith.addi %mul3A_93, %add3A_581 : i32
        %get3A_583 = arith.index_cast %add3A_582 : i32 to index
        %get3A_584 = arith.constant 0 : index
        %get3A_585 = tpu.vector_load %arg11[%get3A_583, %get3A_584] {strides = array<i32>} : memref<64x128xf32, #tpu.memory_space<vmem>>, vector<1x16xf32>,
        %get3A_586 = vector.shape_cast %get3A_585 : vector<1x16xf32> to vector<16xf32>
        %mul3A_587 = vector.broadcast %squeeze3A_580 : f32 to vector<16xf32>
        %mul3A_588 = arith.mulf %get3A_586, %mul3A_587 : vector<16xf32>
        %add3A_589 = arith.constant 4 : i32
        %add3A_590 = arith.addi %mul3A_93, %add3A_589 : i32
        %swap3A_591 = arith.index_cast %add3A_590 : i32 to index
        %swap3A_592 = arith.constant 0 : index
        %swap3A_593 = tpu.vector_load %arg11[%swap3A_591, %swap3A_592] {strides = array<i32>} : memref<64x128xf32, #tpu.memory_space<vmem>>, vector<1x16xf32>,
        %swap3A_594 = vector.shape_cast %swap3A_593 : vector<1x16xf32> to vector<16xf32>
        %swap3A_595 = vector.shape_cast %mul3A_588 : vector<16xf32> to vector<1x16xf32>
        tpu.vector_store %arg11[%swap3A_591, %swap3A_592], %swap3A_595 {strides = array<i32>} : memref<64x128xf32, #tpu.memory_space<vmem>>, vector<1x16xf32>,
        %add3A_596 = arith.constant 4 : i32
        %add3A_597 = arith.addi %mul3A_93, %add3A_596 : i32
        %get3A_598 = arith.index_cast %add3A_597 : i32 to index
        %get3A_599 = arith.constant 16 : index
        %get3A_600 = tpu.vector_load %arg11[%get3A_598, %get3A_599] {strides = array<i32>} : memref<64x128xf32, #tpu.memory_space<vmem>>, vector<1x16xf32>,
        %get3A_601 = vector.shape_cast %get3A_600 : vector<1x16xf32> to vector<16xf32>
        %mul3A_602 = vector.broadcast %squeeze3A_580 : f32 to vector<16xf32>
        %mul3A_603 = arith.mulf %get3A_601, %mul3A_602 : vector<16xf32>
        %add3A_604 = arith.constant 4 : i32
        %add3A_605 = arith.addi %mul3A_93, %add3A_604 : i32
        %swap3A_606 = arith.index_cast %add3A_605 : i32 to index
        %swap3A_607 = arith.constant 16 : index
        %swap3A_608 = tpu.vector_load %arg11[%swap3A_606, %swap3A_607] {strides = array<i32>} : memref<64x128xf32, #tpu.memory_space<vmem>>, vector<1x16xf32>,
        %swap3A_609 = vector.shape_cast %swap3A_608 : vector<1x16xf32> to vector<16xf32>
        %swap3A_610 = vector.shape_cast %mul3A_603 : vector<16xf32> to vector<1x16xf32>
        tpu.vector_store %arg11[%swap3A_606, %swap3A_607], %swap3A_610 {strides = array<i32>} : memref<64x128xf32, #tpu.memory_space<vmem>>, vector<1x16xf32>,
        %add3A_611 = arith.constant 4 : i32
        %add3A_612 = arith.addi %mul3A_93, %add3A_611 : i32
        %get3A_613 = arith.index_cast %add3A_612 : i32 to index
        %get3A_614 = arith.constant 32 : index
        %get3A_615 = tpu.vector_load %arg11[%get3A_613, %get3A_614] {strides = array<i32>} : memref<64x128xf32, #tpu.memory_space<vmem>>, vector<1x16xf32>,
        %get3A_616 = vector.shape_cast %get3A_615 : vector<1x16xf32> to vector<16xf32>
        %mul3A_617 = vector.broadcast %squeeze3A_580 : f32 to vector<16xf32>
        %mul3A_618 = arith.mulf %get3A_616, %mul3A_617 : vector<16xf32>
        %add3A_619 = arith.constant 4 : i32
        %add3A_620 = arith.addi %mul3A_93, %add3A_619 : i32
        %swap3A_621 = arith.index_cast %add3A_620 : i32 to index
        %swap3A_622 = arith.constant 32 : index
        %swap3A_623 = tpu.vector_load %arg11[%swap3A_621, %swap3A_622] {strides = array<i32>} : memref<64x128xf32, #tpu.memory_space<vmem>>, vector<1x16xf32>,
        %swap3A_624 = vector.shape_cast %swap3A_623 : vector<1x16xf32> to vector<16xf32>
        %swap3A_625 = vector.shape_cast %mul3A_618 : vector<16xf32> to vector<1x16xf32>
        tpu.vector_store %arg11[%swap3A_621, %swap3A_622], %swap3A_625 {strides = array<i32>} : memref<64x128xf32, #tpu.memory_space<vmem>>, vector<1x16xf32>,
        %add3A_626 = arith.constant 4 : i32
        %add3A_627 = arith.addi %mul3A_93, %add3A_626 : i32
        %get3A_628 = arith.index_cast %add3A_627 : i32 to index
        %get3A_629 = arith.constant 48 : index
        %get3A_630 = tpu.vector_load %arg11[%get3A_628, %get3A_629] {strides = array<i32>} : memref<64x128xf32, #tpu.memory_space<vmem>>, vector<1x16xf32>,
        %get3A_631 = vector.shape_cast %get3A_630 : vector<1x16xf32> to vector<16xf32>
        %mul3A_632 = vector.broadcast %squeeze3A_580 : f32 to vector<16xf32>
        %mul3A_633 = arith.mulf %get3A_631, %mul3A_632 : vector<16xf32>
        %add3A_634 = arith.constant 4 : i32
        %add3A_635 = arith.addi %mul3A_93, %add3A_634 : i32
        %swap3A_636 = arith.index_cast %add3A_635 : i32 to index
        %swap3A_637 = arith.constant 48 : index
        %swap3A_638 = tpu.vector_load %arg11[%swap3A_636, %swap3A_637] {strides = array<i32>} : memref<64x128xf32, #tpu.memory_space<vmem>>, vector<1x16xf32>,
        %swap3A_639 = vector.shape_cast %swap3A_638 : vector<1x16xf32> to vector<16xf32>
        %swap3A_640 = vector.shape_cast %mul3A_633 : vector<16xf32> to vector<1x16xf32>
        tpu.vector_store %arg11[%swap3A_636, %swap3A_637], %swap3A_640 {strides = array<i32>} : memref<64x128xf32, #tpu.memory_space<vmem>>, vector<1x16xf32>,
        %add3A_641 = arith.constant 4 : i32
        %add3A_642 = arith.addi %mul3A_93, %add3A_641 : i32
        %get3A_643 = arith.index_cast %add3A_642 : i32 to index
        %get3A_644 = arith.constant 64 : index
        %get3A_645 = tpu.vector_load %arg11[%get3A_643, %get3A_644] {strides = array<i32>} : memref<64x128xf32, #tpu.memory_space<vmem>>, vector<1x16xf32>,
        %get3A_646 = vector.shape_cast %get3A_645 : vector<1x16xf32> to vector<16xf32>
        %mul3A_647 = vector.broadcast %squeeze3A_580 : f32 to vector<16xf32>
        %mul3A_648 = arith.mulf %get3A_646, %mul3A_647 : vector<16xf32>
        %add3A_649 = arith.constant 4 : i32
        %add3A_650 = arith.addi %mul3A_93, %add3A_649 : i32
        %swap3A_651 = arith.index_cast %add3A_650 : i32 to index
        %swap3A_652 = arith.constant 64 : index
        %swap3A_653 = tpu.vector_load %arg11[%swap3A_651, %swap3A_652] {strides = array<i32>} : memref<64x128xf32, #tpu.memory_space<vmem>>, vector<1x16xf32>,
        %swap3A_654 = vector.shape_cast %swap3A_653 : vector<1x16xf32> to vector<16xf32>
        %swap3A_655 = vector.shape_cast %mul3A_648 : vector<16xf32> to vector<1x16xf32>
        tpu.vector_store %arg11[%swap3A_651, %swap3A_652], %swap3A_655 {strides = array<i32>} : memref<64x128xf32, #tpu.memory_space<vmem>>, vector<1x16xf32>,
        %add3A_656 = arith.constant 4 : i32
        %add3A_657 = arith.addi %mul3A_93, %add3A_656 : i32
        %get3A_658 = arith.index_cast %add3A_657 : i32 to index
        %get3A_659 = arith.constant 80 : index
        %get3A_660 = tpu.vector_load %arg11[%get3A_658, %get3A_659] {strides = array<i32>} : memref<64x128xf32, #tpu.memory_space<vmem>>, vector<1x16xf32>,
        %get3A_661 = vector.shape_cast %get3A_660 : vector<1x16xf32> to vector<16xf32>
        %mul3A_662 = vector.broadcast %squeeze3A_580 : f32 to vector<16xf32>
        %mul3A_663 = arith.mulf %get3A_661, %mul3A_662 : vector<16xf32>
        %add3A_664 = arith.constant 4 : i32
        %add3A_665 = arith.addi %mul3A_93, %add3A_664 : i32
        %swap3A_666 = arith.index_cast %add3A_665 : i32 to index
        %swap3A_667 = arith.constant 80 : index
        %swap3A_668 = tpu.vector_load %arg11[%swap3A_666, %swap3A_667] {strides = array<i32>} : memref<64x128xf32, #tpu.memory_space<vmem>>, vector<1x16xf32>,
        %swap3A_669 = vector.shape_cast %swap3A_668 : vector<1x16xf32> to vector<16xf32>
        %swap3A_670 = vector.shape_cast %mul3A_663 : vector<16xf32> to vector<1x16xf32>
        tpu.vector_store %arg11[%swap3A_666, %swap3A_667], %swap3A_670 {strides = array<i32>} : memref<64x128xf32, #tpu.memory_space<vmem>>, vector<1x16xf32>,
        %add3A_671 = arith.constant 4 : i32
        %add3A_672 = arith.addi %mul3A_93, %add3A_671 : i32
        %get3A_673 = arith.index_cast %add3A_672 : i32 to index
        %get3A_674 = arith.constant 96 : index
        %get3A_675 = tpu.vector_load %arg11[%get3A_673, %get3A_674] {strides = array<i32>} : memref<64x128xf32, #tpu.memory_space<vmem>>, vector<1x16xf32>,
        %get3A_676 = vector.shape_cast %get3A_675 : vector<1x16xf32> to vector<16xf32>
        %mul3A_677 = vector.broadcast %squeeze3A_580 : f32 to vector<16xf32>
        %mul3A_678 = arith.mulf %get3A_676, %mul3A_677 : vector<16xf32>
        %add3A_679 = arith.constant 4 : i32
        %add3A_680 = arith.addi %mul3A_93, %add3A_679 : i32
        %swap3A_681 = arith.index_cast %add3A_680 : i32 to index
        %swap3A_682 = arith.constant 96 : index
        %swap3A_683 = tpu.vector_load %arg11[%swap3A_681, %swap3A_682] {strides = array<i32>} : memref<64x128xf32, #tpu.memory_space<vmem>>, vector<1x16xf32>,
        %swap3A_684 = vector.shape_cast %swap3A_683 : vector<1x16xf32> to vector<16xf32>
        %swap3A_685 = vector.shape_cast %mul3A_678 : vector<16xf32> to vector<1x16xf32>
        tpu.vector_store %arg11[%swap3A_681, %swap3A_682], %swap3A_685 {strides = array<i32>} : memref<64x128xf32, #tpu.memory_space<vmem>>, vector<1x16xf32>,
        %add3A_686 = arith.constant 4 : i32
        %add3A_687 = arith.addi %mul3A_93, %add3A_686 : i32
        %get3A_688 = arith.index_cast %add3A_687 : i32 to index
        %get3A_689 = arith.constant 112 : index
        %get3A_690 = tpu.vector_load %arg11[%get3A_688, %get3A_689] {strides = array<i32>} : memref<64x128xf32, #tpu.memory_space<vmem>>, vector<1x16xf32>,
        %get3A_691 = vector.shape_cast %get3A_690 : vector<1x16xf32> to vector<16xf32>
        %mul3A_692 = vector.broadcast %squeeze3A_580 : f32 to vector<16xf32>
        %mul3A_693 = arith.mulf %get3A_691, %mul3A_692 : vector<16xf32>
        %add3A_694 = arith.constant 4 : i32
        %add3A_695 = arith.addi %mul3A_93, %add3A_694 : i32
        %swap3A_696 = arith.index_cast %add3A_695 : i32 to index
        %swap3A_697 = arith.constant 112 : index
        %swap3A_698 = tpu.vector_load %arg11[%swap3A_696, %swap3A_697] {strides = array<i32>} : memref<64x128xf32, #tpu.memory_space<vmem>>, vector<1x16xf32>,
        %swap3A_699 = vector.shape_cast %swap3A_698 : vector<1x16xf32> to vector<16xf32>
        %swap3A_700 = vector.shape_cast %mul3A_693 : vector<16xf32> to vector<1x16xf32>
        tpu.vector_store %arg11[%swap3A_696, %swap3A_697], %swap3A_700 {strides = array<i32>} : memref<64x128xf32, #tpu.memory_space<vmem>>, vector<1x16xf32>,
        %slice3A_701 = vector.extract_strided_slice %get3A_91 {offsets = [5], sizes = [1], strides = [1]} : vector<16xf32> to vector<1xf32>
        %squeeze3A_702 = vector.extract %slice3A_701[0] : f32 from vector<1xf32>
        %add3A_703 = arith.constant 5 : i32
        %add3A_704 = arith.addi %mul3A_93, %add3A_703 : i32
        %get3A_705 = arith.index_cast %add3A_704 : i32 to index
        %get3A_706 = arith.constant 0 : index
        %get3A_707 = tpu.vector_load %arg11[%get3A_705, %get3A_706] {strides = array<i32>} : memref<64x128xf32, #tpu.memory_space<vmem>>, vector<1x16xf32>,
        %get3A_708 = vector.shape_cast %get3A_707 : vector<1x16xf32> to vector<16xf32>
        %mul3A_709 = vector.broadcast %squeeze3A_702 : f32 to vector<16xf32>
        %mul3A_710 = arith.mulf %get3A_708, %mul3A_709 : vector<16xf32>
        %add3A_711 = arith.constant 5 : i32
        %add3A_712 = arith.addi %mul3A_93, %add3A_711 : i32
        %swap3A_713 = arith.index_cast %add3A_712 : i32 to index
        %swap3A_714 = arith.constant 0 : index
        %swap3A_715 = tpu.vector_load %arg11[%swap3A_713, %swap3A_714] {strides = array<i32>} : memref<64x128xf32, #tpu.memory_space<vmem>>, vector<1x16xf32>,
        %swap3A_716 = vector.shape_cast %swap3A_715 : vector<1x16xf32> to vector<16xf32>
        %swap3A_717 = vector.shape_cast %mul3A_710 : vector<16xf32> to vector<1x16xf32>
        tpu.vector_store %arg11[%swap3A_713, %swap3A_714], %swap3A_717 {strides = array<i32>} : memref<64x128xf32, #tpu.memory_space<vmem>>, vector<1x16xf32>,
        %add3A_718 = arith.constant 5 : i32
        %add3A_719 = arith.addi %mul3A_93, %add3A_718 : i32
        %get3A_720 = arith.index_cast %add3A_719 : i32 to index
        %get3A_721 = arith.constant 16 : index
        %get3A_722 = tpu.vector_load %arg11[%get3A_720, %get3A_721] {strides = array<i32>} : memref<64x128xf32, #tpu.memory_space<vmem>>, vector<1x16xf32>,
        %get3A_723 = vector.shape_cast %get3A_722 : vector<1x16xf32> to vector<16xf32>
        %mul3A_724 = vector.broadcast %squeeze3A_702 : f32 to vector<16xf32>
        %mul3A_725 = arith.mulf %get3A_723, %mul3A_724 : vector<16xf32>
        %add3A_726 = arith.constant 5 : i32
        %add3A_727 = arith.addi %mul3A_93, %add3A_726 : i32
        %swap3A_728 = arith.index_cast %add3A_727 : i32 to index
        %swap3A_729 = arith.constant 16 : index
        %swap3A_730 = tpu.vector_load %arg11[%swap3A_728, %swap3A_729] {strides = array<i32>} : memref<64x128xf32, #tpu.memory_space<vmem>>, vector<1x16xf32>,
        %swap3A_731 = vector.shape_cast %swap3A_730 : vector<1x16xf32> to vector<16xf32>
        %swap3A_732 = vector.shape_cast %mul3A_725 : vector<16xf32> to vector<1x16xf32>
        tpu.vector_store %arg11[%swap3A_728, %swap3A_729], %swap3A_732 {strides = array<i32>} : memref<64x128xf32, #tpu.memory_space<vmem>>, vector<1x16xf32>,
        %add3A_733 = arith.constant 5 : i32
        %add3A_734 = arith.addi %mul3A_93, %add3A_733 : i32
        %get3A_735 = arith.index_cast %add3A_734 : i32 to index
        %get3A_736 = arith.constant 32 : index
        %get3A_737 = tpu.vector_load %arg11[%get3A_735, %get3A_736] {strides = array<i32>} : memref<64x128xf32, #tpu.memory_space<vmem>>, vector<1x16xf32>,
        %get3A_738 = vector.shape_cast %get3A_737 : vector<1x16xf32> to vector<16xf32>
        %mul3A_739 = vector.broadcast %squeeze3A_702 : f32 to vector<16xf32>
        %mul3A_740 = arith.mulf %get3A_738, %mul3A_739 : vector<16xf32>
        %add3A_741 = arith.constant 5 : i32
        %add3A_742 = arith.addi %mul3A_93, %add3A_741 : i32
        %swap3A_743 = arith.index_cast %add3A_742 : i32 to index
        %swap3A_744 = arith.constant 32 : index
        %swap3A_745 = tpu.vector_load %arg11[%swap3A_743, %swap3A_744] {strides = array<i32>} : memref<64x128xf32, #tpu.memory_space<vmem>>, vector<1x16xf32>,
        %swap3A_746 = vector.shape_cast %swap3A_745 : vector<1x16xf32> to vector<16xf32>
        %swap3A_747 = vector.shape_cast %mul3A_740 : vector<16xf32> to vector<1x16xf32>
        tpu.vector_store %arg11[%swap3A_743, %swap3A_744], %swap3A_747 {strides = array<i32>} : memref<64x128xf32, #tpu.memory_space<vmem>>, vector<1x16xf32>,
        %add3A_748 = arith.constant 5 : i32
        %add3A_749 = arith.addi %mul3A_93, %add3A_748 : i32
        %get3A_750 = arith.index_cast %add3A_749 : i32 to index
        %get3A_751 = arith.constant 48 : index
        %get3A_752 = tpu.vector_load %arg11[%get3A_750, %get3A_751] {strides = array<i32>} : memref<64x128xf32, #tpu.memory_space<vmem>>, vector<1x16xf32>,
        %get3A_753 = vector.shape_cast %get3A_752 : vector<1x16xf32> to vector<16xf32>
        %mul3A_754 = vector.broadcast %squeeze3A_702 : f32 to vector<16xf32>
        %mul3A_755 = arith.mulf %get3A_753, %mul3A_754 : vector<16xf32>
        %add3A_756 = arith.constant 5 : i32
        %add3A_757 = arith.addi %mul3A_93, %add3A_756 : i32
        %swap3A_758 = arith.index_cast %add3A_757 : i32 to index
        %swap3A_759 = arith.constant 48 : index
        %swap3A_760 = tpu.vector_load %arg11[%swap3A_758, %swap3A_759] {strides = array<i32>} : memref<64x128xf32, #tpu.memory_space<vmem>>, vector<1x16xf32>,
        %swap3A_761 = vector.shape_cast %swap3A_760 : vector<1x16xf32> to vector<16xf32>
        %swap3A_762 = vector.shape_cast %mul3A_755 : vector<16xf32> to vector<1x16xf32>
        tpu.vector_store %arg11[%swap3A_758, %swap3A_759], %swap3A_762 {strides = array<i32>} : memref<64x128xf32, #tpu.memory_space<vmem>>, vector<1x16xf32>,
        %add3A_763 = arith.constant 5 : i32
        %add3A_764 = arith.addi %mul3A_93, %add3A_763 : i32
        %get3A_765 = arith.index_cast %add3A_764 : i32 to index
        %get3A_766 = arith.constant 64 : index
        %get3A_767 = tpu.vector_load %arg11[%get3A_765, %get3A_766] {strides = array<i32>} : memref<64x128xf32, #tpu.memory_space<vmem>>, vector<1x16xf32>,
        %get3A_768 = vector.shape_cast %get3A_767 : vector<1x16xf32> to vector<16xf32>
        %mul3A_769 = vector.broadcast %squeeze3A_702 : f32 to vector<16xf32>
        %mul3A_770 = arith.mulf %get3A_768, %mul3A_769 : vector<16xf32>
        %add3A_771 = arith.constant 5 : i32
        %add3A_772 = arith.addi %mul3A_93, %add3A_771 : i32
        %swap3A_773 = arith.index_cast %add3A_772 : i32 to index
        %swap3A_774 = arith.constant 64 : index
        %swap3A_775 = tpu.vector_load %arg11[%swap3A_773, %swap3A_774] {strides = array<i32>} : memref<64x128xf32, #tpu.memory_space<vmem>>, vector<1x16xf32>,
        %swap3A_776 = vector.shape_cast %swap3A_775 : vector<1x16xf32> to vector<16xf32>
        %swap3A_777 = vector.shape_cast %mul3A_770 : vector<16xf32> to vector<1x16xf32>
        tpu.vector_store %arg11[%swap3A_773, %swap3A_774], %swap3A_777 {strides = array<i32>} : memref<64x128xf32, #tpu.memory_space<vmem>>, vector<1x16xf32>,
        %add3A_778 = arith.constant 5 : i32
        %add3A_779 = arith.addi %mul3A_93, %add3A_778 : i32
        %get3A_780 = arith.index_cast %add3A_779 : i32 to index
        %get3A_781 = arith.constant 80 : index
        %get3A_782 = tpu.vector_load %arg11[%get3A_780, %get3A_781] {strides = array<i32>} : memref<64x128xf32, #tpu.memory_space<vmem>>, vector<1x16xf32>,
        %get3A_783 = vector.shape_cast %get3A_782 : vector<1x16xf32> to vector<16xf32>
        %mul3A_784 = vector.broadcast %squeeze3A_702 : f32 to vector<16xf32>
        %mul3A_785 = arith.mulf %get3A_783, %mul3A_784 : vector<16xf32>
        %add3A_786 = arith.constant 5 : i32
        %add3A_787 = arith.addi %mul3A_93, %add3A_786 : i32
        %swap3A_788 = arith.index_cast %add3A_787 : i32 to index
        %swap3A_789 = arith.constant 80 : index
        %swap3A_790 = tpu.vector_load %arg11[%swap3A_788, %swap3A_789] {strides = array<i32>} : memref<64x128xf32, #tpu.memory_space<vmem>>, vector<1x16xf32>,
        %swap3A_791 = vector.shape_cast %swap3A_790 : vector<1x16xf32> to vector<16xf32>
        %swap3A_792 = vector.shape_cast %mul3A_785 : vector<16xf32> to vector<1x16xf32>
        tpu.vector_store %arg11[%swap3A_788, %swap3A_789], %swap3A_792 {strides = array<i32>} : memref<64x128xf32, #tpu.memory_space<vmem>>, vector<1x16xf32>,
        %add3A_793 = arith.constant 5 : i32
        %add3A_794 = arith.addi %mul3A_93, %add3A_793 : i32
        %get3A_795 = arith.index_cast %add3A_794 : i32 to index
        %get3A_796 = arith.constant 96 : index
        %get3A_797 = tpu.vector_load %arg11[%get3A_795, %get3A_796] {strides = array<i32>} : memref<64x128xf32, #tpu.memory_space<vmem>>, vector<1x16xf32>,
        %get3A_798 = vector.shape_cast %get3A_797 : vector<1x16xf32> to vector<16xf32>
        %mul3A_799 = vector.broadcast %squeeze3A_702 : f32 to vector<16xf32>
        %mul3A_800 = arith.mulf %get3A_798, %mul3A_799 : vector<16xf32>
        %add3A_801 = arith.constant 5 : i32
        %add3A_802 = arith.addi %mul3A_93, %add3A_801 : i32
        %swap3A_803 = arith.index_cast %add3A_802 : i32 to index
        %swap3A_804 = arith.constant 96 : index
        %swap3A_805 = tpu.vector_load %arg11[%swap3A_803, %swap3A_804] {strides = array<i32>} : memref<64x128xf32, #tpu.memory_space<vmem>>, vector<1x16xf32>,
        %swap3A_806 = vector.shape_cast %swap3A_805 : vector<1x16xf32> to vector<16xf32>
        %swap3A_807 = vector.shape_cast %mul3A_800 : vector<16xf32> to vector<1x16xf32>
        tpu.vector_store %arg11[%swap3A_803, %swap3A_804], %swap3A_807 {strides = array<i32>} : memref<64x128xf32, #tpu.memory_space<vmem>>, vector<1x16xf32>,
        %add3A_808 = arith.constant 5 : i32
        %add3A_809 = arith.addi %mul3A_93, %add3A_808 : i32
        %get3A_810 = arith.index_cast %add3A_809 : i32 to index
        %get3A_811 = arith.constant 112 : index
        %get3A_812 = tpu.vector_load %arg11[%get3A_810, %get3A_811] {strides = array<i32>} : memref<64x128xf32, #tpu.memory_space<vmem>>, vector<1x16xf32>,
        %get3A_813 = vector.shape_cast %get3A_812 : vector<1x16xf32> to vector<16xf32>
        %mul3A_814 = vector.broadcast %squeeze3A_702 : f32 to vector<16xf32>
        %mul3A_815 = arith.mulf %get3A_813, %mul3A_814 : vector<16xf32>
        %add3A_816 = arith.constant 5 : i32
        %add3A_817 = arith.addi %mul3A_93, %add3A_816 : i32
        %swap3A_818 = arith.index_cast %add3A_817 : i32 to index
        %swap3A_819 = arith.constant 112 : index
        %swap3A_820 = tpu.vector_load %arg11[%swap3A_818, %swap3A_819] {strides = array<i32>} : memref<64x128xf32, #tpu.memory_space<vmem>>, vector<1x16xf32>,
        %swap3A_821 = vector.shape_cast %swap3A_820 : vector<1x16xf32> to vector<16xf32>
        %swap3A_822 = vector.shape_cast %mul3A_815 : vector<16xf32> to vector<1x16xf32>
        tpu.vector_store %arg11[%swap3A_818, %swap3A_819], %swap3A_822 {strides = array<i32>} : memref<64x128xf32, #tpu.memory_space<vmem>>, vector<1x16xf32>,
        %slice3A_823 = vector.extract_strided_slice %get3A_91 {offsets = [6], sizes = [1], strides = [1]} : vector<16xf32> to vector<1xf32>
        %squeeze3A_824 = vector.extract %slice3A_823[0] : f32 from vector<1xf32>
        %add3A_825 = arith.constant 6 : i32
        %add3A_826 = arith.addi %mul3A_93, %add3A_825 : i32
        %get3A_827 = arith.index_cast %add3A_826 : i32 to index
        %get3A_828 = arith.constant 0 : index
        %get3A_829 = tpu.vector_load %arg11[%get3A_827, %get3A_828] {strides = array<i32>} : memref<64x128xf32, #tpu.memory_space<vmem>>, vector<1x16xf32>,
        %get3A_830 = vector.shape_cast %get3A_829 : vector<1x16xf32> to vector<16xf32>
        %mul3A_831 = vector.broadcast %squeeze3A_824 : f32 to vector<16xf32>
        %mul3A_832 = arith.mulf %get3A_830, %mul3A_831 : vector<16xf32>
        %add3A_833 = arith.constant 6 : i32
        %add3A_834 = arith.addi %mul3A_93, %add3A_833 : i32
        %swap3A_835 = arith.index_cast %add3A_834 : i32 to index
        %swap3A_836 = arith.constant 0 : index
        %swap3A_837 = tpu.vector_load %arg11[%swap3A_835, %swap3A_836] {strides = array<i32>} : memref<64x128xf32, #tpu.memory_space<vmem>>, vector<1x16xf32>,
        %swap3A_838 = vector.shape_cast %swap3A_837 : vector<1x16xf32> to vector<16xf32>
        %swap3A_839 = vector.shape_cast %mul3A_832 : vector<16xf32> to vector<1x16xf32>
        tpu.vector_store %arg11[%swap3A_835, %swap3A_836], %swap3A_839 {strides = array<i32>} : memref<64x128xf32, #tpu.memory_space<vmem>>, vector<1x16xf32>,
        %add3A_840 = arith.constant 6 : i32
        %add3A_841 = arith.addi %mul3A_93, %add3A_840 : i32
        %get3A_842 = arith.index_cast %add3A_841 : i32 to index
        %get3A_843 = arith.constant 16 : index
        %get3A_844 = tpu.vector_load %arg11[%get3A_842, %get3A_843] {strides = array<i32>} : memref<64x128xf32, #tpu.memory_space<vmem>>, vector<1x16xf32>,
        %get3A_845 = vector.shape_cast %get3A_844 : vector<1x16xf32> to vector<16xf32>
        %mul3A_846 = vector.broadcast %squeeze3A_824 : f32 to vector<16xf32>
        %mul3A_847 = arith.mulf %get3A_845, %mul3A_846 : vector<16xf32>
        %add3A_848 = arith.constant 6 : i32
        %add3A_849 = arith.addi %mul3A_93, %add3A_848 : i32
        %swap3A_850 = arith.index_cast %add3A_849 : i32 to index
        %swap3A_851 = arith.constant 16 : index
        %swap3A_852 = tpu.vector_load %arg11[%swap3A_850, %swap3A_851] {strides = array<i32>} : memref<64x128xf32, #tpu.memory_space<vmem>>, vector<1x16xf32>,
        %swap3A_853 = vector.shape_cast %swap3A_852 : vector<1x16xf32> to vector<16xf32>
        %swap3A_854 = vector.shape_cast %mul3A_847 : vector<16xf32> to vector<1x16xf32>
        tpu.vector_store %arg11[%swap3A_850, %swap3A_851], %swap3A_854 {strides = array<i32>} : memref<64x128xf32, #tpu.memory_space<vmem>>, vector<1x16xf32>,
        %add3A_855 = arith.constant 6 : i32
        %add3A_856 = arith.addi %mul3A_93, %add3A_855 : i32
        %get3A_857 = arith.index_cast %add3A_856 : i32 to index
        %get3A_858 = arith.constant 32 : index
        %get3A_859 = tpu.vector_load %arg11[%get3A_857, %get3A_858] {strides = array<i32>} : memref<64x128xf32, #tpu.memory_space<vmem>>, vector<1x16xf32>,
        %get3A_860 = vector.shape_cast %get3A_859 : vector<1x16xf32> to vector<16xf32>
        %mul3A_861 = vector.broadcast %squeeze3A_824 : f32 to vector<16xf32>
        %mul3A_862 = arith.mulf %get3A_860, %mul3A_861 : vector<16xf32>
        %add3A_863 = arith.constant 6 : i32
        %add3A_864 = arith.addi %mul3A_93, %add3A_863 : i32
        %swap3A_865 = arith.index_cast %add3A_864 : i32 to index
        %swap3A_866 = arith.constant 32 : index
        %swap3A_867 = tpu.vector_load %arg11[%swap3A_865, %swap3A_866] {strides = array<i32>} : memref<64x128xf32, #tpu.memory_space<vmem>>, vector<1x16xf32>,
        %swap3A_868 = vector.shape_cast %swap3A_867 : vector<1x16xf32> to vector<16xf32>
        %swap3A_869 = vector.shape_cast %mul3A_862 : vector<16xf32> to vector<1x16xf32>
        tpu.vector_store %arg11[%swap3A_865, %swap3A_866], %swap3A_869 {strides = array<i32>} : memref<64x128xf32, #tpu.memory_space<vmem>>, vector<1x16xf32>,
        %add3A_870 = arith.constant 6 : i32
        %add3A_871 = arith.addi %mul3A_93, %add3A_870 : i32
        %get3A_872 = arith.index_cast %add3A_871 : i32 to index
        %get3A_873 = arith.constant 48 : index
        %get3A_874 = tpu.vector_load %arg11[%get3A_872, %get3A_873] {strides = array<i32>} : memref<64x128xf32, #tpu.memory_space<vmem>>, vector<1x16xf32>,
        %get3A_875 = vector.shape_cast %get3A_874 : vector<1x16xf32> to vector<16xf32>
        %mul3A_876 = vector.broadcast %squeeze3A_824 : f32 to vector<16xf32>
        %mul3A_877 = arith.mulf %get3A_875, %mul3A_876 : vector<16xf32>
        %add3A_878 = arith.constant 6 : i32
        %add3A_879 = arith.addi %mul3A_93, %add3A_878 : i32
        %swap3A_880 = arith.index_cast %add3A_879 : i32 to index
        %swap3A_881 = arith.constant 48 : index
        %swap3A_882 = tpu.vector_load %arg11[%swap3A_880, %swap3A_881] {strides = array<i32>} : memref<64x128xf32, #tpu.memory_space<vmem>>, vector<1x16xf32>,
        %swap3A_883 = vector.shape_cast %swap3A_882 : vector<1x16xf32> to vector<16xf32>
        %swap3A_884 = vector.shape_cast %mul3A_877 : vector<16xf32> to vector<1x16xf32>
        tpu.vector_store %arg11[%swap3A_880, %swap3A_881], %swap3A_884 {strides = array<i32>} : memref<64x128xf32, #tpu.memory_space<vmem>>, vector<1x16xf32>,
        %add3A_885 = arith.constant 6 : i32
        %add3A_886 = arith.addi %mul3A_93, %add3A_885 : i32
        %get3A_887 = arith.index_cast %add3A_886 : i32 to index
        %get3A_888 = arith.constant 64 : index
        %get3A_889 = tpu.vector_load %arg11[%get3A_887, %get3A_888] {strides = array<i32>} : memref<64x128xf32, #tpu.memory_space<vmem>>, vector<1x16xf32>,
        %get3A_890 = vector.shape_cast %get3A_889 : vector<1x16xf32> to vector<16xf32>
        %mul3A_891 = vector.broadcast %squeeze3A_824 : f32 to vector<16xf32>
        %mul3A_892 = arith.mulf %get3A_890, %mul3A_891 : vector<16xf32>
        %add3A_893 = arith.constant 6 : i32
        %add3A_894 = arith.addi %mul3A_93, %add3A_893 : i32
        %swap3A_895 = arith.index_cast %add3A_894 : i32 to index
        %swap3A_896 = arith.constant 64 : index
        %swap3A_897 = tpu.vector_load %arg11[%swap3A_895, %swap3A_896] {strides = array<i32>} : memref<64x128xf32, #tpu.memory_space<vmem>>, vector<1x16xf32>,
        %swap3A_898 = vector.shape_cast %swap3A_897 : vector<1x16xf32> to vector<16xf32>
        %swap3A_899 = vector.shape_cast %mul3A_892 : vector<16xf32> to vector<1x16xf32>
        tpu.vector_store %arg11[%swap3A_895, %swap3A_896], %swap3A_899 {strides = array<i32>} : memref<64x128xf32, #tpu.memory_space<vmem>>, vector<1x16xf32>,
        %add3A_900 = arith.constant 6 : i32
        %add3A_901 = arith.addi %mul3A_93, %add3A_900 : i32
        %get3A_902 = arith.index_cast %add3A_901 : i32 to index
        %get3A_903 = arith.constant 80 : index
        %get3A_904 = tpu.vector_load %arg11[%get3A_902, %get3A_903] {strides = array<i32>} : memref<64x128xf32, #tpu.memory_space<vmem>>, vector<1x16xf32>,
        %get3A_905 = vector.shape_cast %get3A_904 : vector<1x16xf32> to vector<16xf32>
        %mul3A_906 = vector.broadcast %squeeze3A_824 : f32 to vector<16xf32>
        %mul3A_907 = arith.mulf %get3A_905, %mul3A_906 : vector<16xf32>
        %add3A_908 = arith.constant 6 : i32
        %add3A_909 = arith.addi %mul3A_93, %add3A_908 : i32
        %swap3A_910 = arith.index_cast %add3A_909 : i32 to index
        %swap3A_911 = arith.constant 80 : index
        %swap3A_912 = tpu.vector_load %arg11[%swap3A_910, %swap3A_911] {strides = array<i32>} : memref<64x128xf32, #tpu.memory_space<vmem>>, vector<1x16xf32>,
        %swap3A_913 = vector.shape_cast %swap3A_912 : vector<1x16xf32> to vector<16xf32>
        %swap3A_914 = vector.shape_cast %mul3A_907 : vector<16xf32> to vector<1x16xf32>
        tpu.vector_store %arg11[%swap3A_910, %swap3A_911], %swap3A_914 {strides = array<i32>} : memref<64x128xf32, #tpu.memory_space<vmem>>, vector<1x16xf32>,
        %add3A_915 = arith.constant 6 : i32
        %add3A_916 = arith.addi %mul3A_93, %add3A_915 : i32
        %get3A_917 = arith.index_cast %add3A_916 : i32 to index
        %get3A_918 = arith.constant 96 : index
        %get3A_919 = tpu.vector_load %arg11[%get3A_917, %get3A_918] {strides = array<i32>} : memref<64x128xf32, #tpu.memory_space<vmem>>, vector<1x16xf32>,
        %get3A_920 = vector.shape_cast %get3A_919 : vector<1x16xf32> to vector<16xf32>
        %mul3A_921 = vector.broadcast %squeeze3A_824 : f32 to vector<16xf32>
        %mul3A_922 = arith.mulf %get3A_920, %mul3A_921 : vector<16xf32>
        %add3A_923 = arith.constant 6 : i32
        %add3A_924 = arith.addi %mul3A_93, %add3A_923 : i32
        %swap3A_925 = arith.index_cast %add3A_924 : i32 to index
        %swap3A_926 = arith.constant 96 : index
        %swap3A_927 = tpu.vector_load %arg11[%swap3A_925, %swap3A_926] {strides = array<i32>} : memref<64x128xf32, #tpu.memory_space<vmem>>, vector<1x16xf32>,
        %swap3A_928 = vector.shape_cast %swap3A_927 : vector<1x16xf32> to vector<16xf32>
        %swap3A_929 = vector.shape_cast %mul3A_922 : vector<16xf32> to vector<1x16xf32>
        tpu.vector_store %arg11[%swap3A_925, %swap3A_926], %swap3A_929 {strides = array<i32>} : memref<64x128xf32, #tpu.memory_space<vmem>>, vector<1x16xf32>,
        %add3A_930 = arith.constant 6 : i32
        %add3A_931 = arith.addi %mul3A_93, %add3A_930 : i32
        %get3A_932 = arith.index_cast %add3A_931 : i32 to index
        %get3A_933 = arith.constant 112 : index
        %get3A_934 = tpu.vector_load %arg11[%get3A_932, %get3A_933] {strides = array<i32>} : memref<64x128xf32, #tpu.memory_space<vmem>>, vector<1x16xf32>,
        %get3A_935 = vector.shape_cast %get3A_934 : vector<1x16xf32> to vector<16xf32>
        %mul3A_936 = vector.broadcast %squeeze3A_824 : f32 to vector<16xf32>
        %mul3A_937 = arith.mulf %get3A_935, %mul3A_936 : vector<16xf32>
        %add3A_938 = arith.constant 6 : i32
        %add3A_939 = arith.addi %mul3A_93, %add3A_938 : i32
        %swap3A_940 = arith.index_cast %add3A_939 : i32 to index
        %swap3A_941 = arith.constant 112 : index
        %swap3A_942 = tpu.vector_load %arg11[%swap3A_940, %swap3A_941] {strides = array<i32>} : memref<64x128xf32, #tpu.memory_space<vmem>>, vector<1x16xf32>,
        %swap3A_943 = vector.shape_cast %swap3A_942 : vector<1x16xf32> to vector<16xf32>
        %swap3A_944 = vector.shape_cast %mul3A_937 : vector<16xf32> to vector<1x16xf32>
        tpu.vector_store %arg11[%swap3A_940, %swap3A_941], %swap3A_944 {strides = array<i32>} : memref<64x128xf32, #tpu.memory_space<vmem>>, vector<1x16xf32>,
        %slice3A_945 = vector.extract_strided_slice %get3A_91 {offsets = [7], sizes = [1], strides = [1]} : vector<16xf32> to vector<1xf32>
        %squeeze3A_946 = vector.extract %slice3A_945[0] : f32 from vector<1xf32>
        %add3A_947 = arith.constant 7 : i32
        %add3A_948 = arith.addi %mul3A_93, %add3A_947 : i32
        %get3A_949 = arith.index_cast %add3A_948 : i32 to index
        %get3A_950 = arith.constant 0 : index
        %get3A_951 = tpu.vector_load %arg11[%get3A_949, %get3A_950] {strides = array<i32>} : memref<64x128xf32, #tpu.memory_space<vmem>>, vector<1x16xf32>,
        %get3A_952 = vector.shape_cast %get3A_951 : vector<1x16xf32> to vector<16xf32>
        %mul3A_953 = vector.broadcast %squeeze3A_946 : f32 to vector<16xf32>
        %mul3A_954 = arith.mulf %get3A_952, %mul3A_953 : vector<16xf32>
        %add3A_955 = arith.constant 7 : i32
        %add3A_956 = arith.addi %mul3A_93, %add3A_955 : i32
        %swap3A_957 = arith.index_cast %add3A_956 : i32 to index
        %swap3A_958 = arith.constant 0 : index
        %swap3A_959 = tpu.vector_load %arg11[%swap3A_957, %swap3A_958] {strides = array<i32>} : memref<64x128xf32, #tpu.memory_space<vmem>>, vector<1x16xf32>,
        %swap3A_960 = vector.shape_cast %swap3A_959 : vector<1x16xf32> to vector<16xf32>
        %swap3A_961 = vector.shape_cast %mul3A_954 : vector<16xf32> to vector<1x16xf32>
        tpu.vector_store %arg11[%swap3A_957, %swap3A_958], %swap3A_961 {strides = array<i32>} : memref<64x128xf32, #tpu.memory_space<vmem>>, vector<1x16xf32>,
        %add3A_962 = arith.constant 7 : i32
        %add3A_963 = arith.addi %mul3A_93, %add3A_962 : i32
        %get3A_964 = arith.index_cast %add3A_963 : i32 to index
        %get3A_965 = arith.constant 16 : index
        %get3A_966 = tpu.vector_load %arg11[%get3A_964, %get3A_965] {strides = array<i32>} : memref<64x128xf32, #tpu.memory_space<vmem>>, vector<1x16xf32>,
        %get3A_967 = vector.shape_cast %get3A_966 : vector<1x16xf32> to vector<16xf32>
        %mul3A_968 = vector.broadcast %squeeze3A_946 : f32 to vector<16xf32>
        %mul3A_969 = arith.mulf %get3A_967, %mul3A_968 : vector<16xf32>
        %add3A_970 = arith.constant 7 : i32
        %add3A_971 = arith.addi %mul3A_93, %add3A_970 : i32
        %swap3A_972 = arith.index_cast %add3A_971 : i32 to index
        %swap3A_973 = arith.constant 16 : index
        %swap3A_974 = tpu.vector_load %arg11[%swap3A_972, %swap3A_973] {strides = array<i32>} : memref<64x128xf32, #tpu.memory_space<vmem>>, vector<1x16xf32>,
        %swap3A_975 = vector.shape_cast %swap3A_974 : vector<1x16xf32> to vector<16xf32>
        %swap3A_976 = vector.shape_cast %mul3A_969 : vector<16xf32> to vector<1x16xf32>
        tpu.vector_store %arg11[%swap3A_972, %swap3A_973], %swap3A_976 {strides = array<i32>} : memref<64x128xf32, #tpu.memory_space<vmem>>, vector<1x16xf32>,
        %add3A_977 = arith.constant 7 : i32
        %add3A_978 = arith.addi %mul3A_93, %add3A_977 : i32
        %get3A_979 = arith.index_cast %add3A_978 : i32 to index
        %get3A_980 = arith.constant 32 : index
        %get3A_981 = tpu.vector_load %arg11[%get3A_979, %get3A_980] {strides = array<i32>} : memref<64x128xf32, #tpu.memory_space<vmem>>, vector<1x16xf32>,
        %get3A_982 = vector.shape_cast %get3A_981 : vector<1x16xf32> to vector<16xf32>
        %mul3A_983 = vector.broadcast %squeeze3A_946 : f32 to vector<16xf32>
        %mul3A_984 = arith.mulf %get3A_982, %mul3A_983 : vector<16xf32>
        %add3A_985 = arith.constant 7 : i32
        %add3A_986 = arith.addi %mul3A_93, %add3A_985 : i32
        %swap3A_987 = arith.index_cast %add3A_986 : i32 to index
        %swap3A_988 = arith.constant 32 : index
        %swap3A_989 = tpu.vector_load %arg11[%swap3A_987, %swap3A_988] {strides = array<i32>} : memref<64x128xf32, #tpu.memory_space<vmem>>, vector<1x16xf32>,
        %swap3A_990 = vector.shape_cast %swap3A_989 : vector<1x16xf32> to vector<16xf32>
        %swap3A_991 = vector.shape_cast %mul3A_984 : vector<16xf32> to vector<1x16xf32>
        tpu.vector_store %arg11[%swap3A_987, %swap3A_988], %swap3A_991 {strides = array<i32>} : memref<64x128xf32, #tpu.memory_space<vmem>>, vector<1x16xf32>,
        %add3A_992 = arith.constant 7 : i32
        %add3A_993 = arith.addi %mul3A_93, %add3A_992 : i32
        %get3A_994 = arith.index_cast %add3A_993 : i32 to index
        %get3A_995 = arith.constant 48 : index
        %get3A_996 = tpu.vector_load %arg11[%get3A_994, %get3A_995] {strides = array<i32>} : memref<64x128xf32, #tpu.memory_space<vmem>>, vector<1x16xf32>,
        %get3A_997 = vector.shape_cast %get3A_996 : vector<1x16xf32> to vector<16xf32>
        %mul3A_998 = vector.broadcast %squeeze3A_946 : f32 to vector<16xf32>
        %mul3A_999 = arith.mulf %get3A_997, %mul3A_998 : vector<16xf32>
        %add3A_1000 = arith.constant 7 : i32
        %add3A_1001 = arith.addi %mul3A_93, %add3A_1000 : i32
        %swap3A_1002 = arith.index_cast %add3A_1001 : i32 to index
        %swap3A_1003 = arith.constant 48 : index
        %swap3A_1004 = tpu.vector_load %arg11[%swap3A_1002, %swap3A_1003] {strides = array<i32>} : memref<64x128xf32, #tpu.memory_space<vmem>>, vector<1x16xf32>,
        %swap3A_1005 = vector.shape_cast %swap3A_1004 : vector<1x16xf32> to vector<16xf32>
        %swap3A_1006 = vector.shape_cast %mul3A_999 : vector<16xf32> to vector<1x16xf32>
        tpu.vector_store %arg11[%swap3A_1002, %swap3A_1003], %swap3A_1006 {strides = array<i32>} : memref<64x128xf32, #tpu.memory_space<vmem>>, vector<1x16xf32>,
        %add3A_1007 = arith.constant 7 : i32
        %add3A_1008 = arith.addi %mul3A_93, %add3A_1007 : i32
        %get3A_1009 = arith.index_cast %add3A_1008 : i32 to index
        %get3A_1010 = arith.constant 64 : index
        %get3A_1011 = tpu.vector_load %arg11[%get3A_1009, %get3A_1010] {strides = array<i32>} : memref<64x128xf32, #tpu.memory_space<vmem>>, vector<1x16xf32>,
        %get3A_1012 = vector.shape_cast %get3A_1011 : vector<1x16xf32> to vector<16xf32>
        %mul3A_1013 = vector.broadcast %squeeze3A_946 : f32 to vector<16xf32>
        %mul3A_1014 = arith.mulf %get3A_1012, %mul3A_1013 : vector<16xf32>
        %add3A_1015 = arith.constant 7 : i32
        %add3A_1016 = arith.addi %mul3A_93, %add3A_1015 : i32
        %swap3A_1017 = arith.index_cast %add3A_1016 : i32 to index
        %swap3A_1018 = arith.constant 64 : index
        %swap3A_1019 = tpu.vector_load %arg11[%swap3A_1017, %swap3A_1018] {strides = array<i32>} : memref<64x128xf32, #tpu.memory_space<vmem>>, vector<1x16xf32>,
        %swap3A_1020 = vector.shape_cast %swap3A_1019 : vector<1x16xf32> to vector<16xf32>
        %swap3A_1021 = vector.shape_cast %mul3A_1014 : vector<16xf32> to vector<1x16xf32>
        tpu.vector_store %arg11[%swap3A_1017, %swap3A_1018], %swap3A_1021 {strides = array<i32>} : memref<64x128xf32, #tpu.memory_space<vmem>>, vector<1x16xf32>,
        %add3A_1022 = arith.constant 7 : i32
        %add3A_1023 = arith.addi %mul3A_93, %add3A_1022 : i32
        %get3A_1024 = arith.index_cast %add3A_1023 : i32 to index
        %get3A_1025 = arith.constant 80 : index
        %get3A_1026 = tpu.vector_load %arg11[%get3A_1024, %get3A_1025] {strides = array<i32>} : memref<64x128xf32, #tpu.memory_space<vmem>>, vector<1x16xf32>,
        %get3A_1027 = vector.shape_cast %get3A_1026 : vector<1x16xf32> to vector<16xf32>
        %mul3A_1028 = vector.broadcast %squeeze3A_946 : f32 to vector<16xf32>
        %mul3A_1029 = arith.mulf %get3A_1027, %mul3A_1028 : vector<16xf32>
        %add3A_1030 = arith.constant 7 : i32
        %add3A_1031 = arith.addi %mul3A_93, %add3A_1030 : i32
        %swap3A_1032 = arith.index_cast %add3A_1031 : i32 to index
        %swap3A_1033 = arith.constant 80 : index
        %swap3A_1034 = tpu.vector_load %arg11[%swap3A_1032, %swap3A_1033] {strides = array<i32>} : memref<64x128xf32, #tpu.memory_space<vmem>>, vector<1x16xf32>,
        %swap3A_1035 = vector.shape_cast %swap3A_1034 : vector<1x16xf32> to vector<16xf32>
        %swap3A_1036 = vector.shape_cast %mul3A_1029 : vector<16xf32> to vector<1x16xf32>
        tpu.vector_store %arg11[%swap3A_1032, %swap3A_1033], %swap3A_1036 {strides = array<i32>} : memref<64x128xf32, #tpu.memory_space<vmem>>, vector<1x16xf32>,
        %add3A_1037 = arith.constant 7 : i32
        %add3A_1038 = arith.addi %mul3A_93, %add3A_1037 : i32
        %get3A_1039 = arith.index_cast %add3A_1038 : i32 to index
        %get3A_1040 = arith.constant 96 : index
        %get3A_1041 = tpu.vector_load %arg11[%get3A_1039, %get3A_1040] {strides = array<i32>} : memref<64x128xf32, #tpu.memory_space<vmem>>, vector<1x16xf32>,
        %get3A_1042 = vector.shape_cast %get3A_1041 : vector<1x16xf32> to vector<16xf32>
        %mul3A_1043 = vector.broadcast %squeeze3A_946 : f32 to vector<16xf32>
        %mul3A_1044 = arith.mulf %get3A_1042, %mul3A_1043 : vector<16xf32>
        %add3A_1045 = arith.constant 7 : i32
        %add3A_1046 = arith.addi %mul3A_93, %add3A_1045 : i32
        %swap3A_1047 = arith.index_cast %add3A_1046 : i32 to index
        %swap3A_1048 = arith.constant 96 : index
        %swap3A_1049 = tpu.vector_load %arg11[%swap3A_1047, %swap3A_1048] {strides = array<i32>} : memref<64x128xf32, #tpu.memory_space<vmem>>, vector<1x16xf32>,
        %swap3A_1050 = vector.shape_cast %swap3A_1049 : vector<1x16xf32> to vector<16xf32>
        %swap3A_1051 = vector.shape_cast %mul3A_1044 : vector<16xf32> to vector<1x16xf32>
        tpu.vector_store %arg11[%swap3A_1047, %swap3A_1048], %swap3A_1051 {strides = array<i32>} : memref<64x128xf32, #tpu.memory_space<vmem>>, vector<1x16xf32>,
        %add3A_1052 = arith.constant 7 : i32
        %add3A_1053 = arith.addi %mul3A_93, %add3A_1052 : i32
        %get3A_1054 = arith.index_cast %add3A_1053 : i32 to index
        %get3A_1055 = arith.constant 112 : index
        %get3A_1056 = tpu.vector_load %arg11[%get3A_1054, %get3A_1055] {strides = array<i32>} : memref<64x128xf32, #tpu.memory_space<vmem>>, vector<1x16xf32>,
        %get3A_1057 = vector.shape_cast %get3A_1056 : vector<1x16xf32> to vector<16xf32>
        %mul3A_1058 = vector.broadcast %squeeze3A_946 : f32 to vector<16xf32>
        %mul3A_1059 = arith.mulf %get3A_1057, %mul3A_1058 : vector<16xf32>
        %add3A_1060 = arith.constant 7 : i32
        %add3A_1061 = arith.addi %mul3A_93, %add3A_1060 : i32
        %swap3A_1062 = arith.index_cast %add3A_1061 : i32 to index
        %swap3A_1063 = arith.constant 112 : index
        %swap3A_1064 = tpu.vector_load %arg11[%swap3A_1062, %swap3A_1063] {strides = array<i32>} : memref<64x128xf32, #tpu.memory_space<vmem>>, vector<1x16xf32>,
        %swap3A_1065 = vector.shape_cast %swap3A_1064 : vector<1x16xf32> to vector<16xf32>
        %swap3A_1066 = vector.shape_cast %mul3A_1059 : vector<16xf32> to vector<1x16xf32>
        tpu.vector_store %arg11[%swap3A_1062, %swap3A_1063], %swap3A_1066 {strides = array<i32>} : memref<64x128xf32, #tpu.memory_space<vmem>>, vector<1x16xf32>,
        %slice3A_1067 = vector.extract_strided_slice %get3A_91 {offsets = [8], sizes = [1], strides = [1]} : vector<16xf32> to vector<1xf32>
        %squeeze3A_1068 = vector.extract %slice3A_1067[0] : f32 from vector<1xf32>
        %add3A_1069 = arith.constant 8 : i32
        %add3A_1070 = arith.addi %mul3A_93, %add3A_1069 : i32
        %get3A_1071 = arith.index_cast %add3A_1070 : i32 to index
        %get3A_1072 = arith.constant 0 : index
        %get3A_1073 = tpu.vector_load %arg11[%get3A_1071, %get3A_1072] {strides = array<i32>} : memref<64x128xf32, #tpu.memory_space<vmem>>, vector<1x16xf32>,
        %get3A_1074 = vector.shape_cast %get3A_1073 : vector<1x16xf32> to vector<16xf32>
        %mul3A_1075 = vector.broadcast %squeeze3A_1068 : f32 to vector<16xf32>
        %mul3A_1076 = arith.mulf %get3A_1074, %mul3A_1075 : vector<16xf32>
        %add3A_1077 = arith.constant 8 : i32
        %add3A_1078 = arith.addi %mul3A_93, %add3A_1077 : i32
        %swap3A_1079 = arith.index_cast %add3A_1078 : i32 to index
        %swap3A_1080 = arith.constant 0 : index
        %swap3A_1081 = tpu.vector_load %arg11[%swap3A_1079, %swap3A_1080] {strides = array<i32>} : memref<64x128xf32, #tpu.memory_space<vmem>>, vector<1x16xf32>,
        %swap3A_1082 = vector.shape_cast %swap3A_1081 : vector<1x16xf32> to vector<16xf32>
        %swap3A_1083 = vector.shape_cast %mul3A_1076 : vector<16xf32> to vector<1x16xf32>
        tpu.vector_store %arg11[%swap3A_1079, %swap3A_1080], %swap3A_1083 {strides = array<i32>} : memref<64x128xf32, #tpu.memory_space<vmem>>, vector<1x16xf32>,
        %add3A_1084 = arith.constant 8 : i32
        %add3A_1085 = arith.addi %mul3A_93, %add3A_1084 : i32
        %get3A_1086 = arith.index_cast %add3A_1085 : i32 to index
        %get3A_1087 = arith.constant 16 : index
        %get3A_1088 = tpu.vector_load %arg11[%get3A_1086, %get3A_1087] {strides = array<i32>} : memref<64x128xf32, #tpu.memory_space<vmem>>, vector<1x16xf32>,
        %get3A_1089 = vector.shape_cast %get3A_1088 : vector<1x16xf32> to vector<16xf32>
        %mul3A_1090 = vector.broadcast %squeeze3A_1068 : f32 to vector<16xf32>
        %mul3A_1091 = arith.mulf %get3A_1089, %mul3A_1090 : vector<16xf32>
        %add3A_1092 = arith.constant 8 : i32
        %add3A_1093 = arith.addi %mul3A_93, %add3A_1092 : i32
        %swap3A_1094 = arith.index_cast %add3A_1093 : i32 to index
        %swap3A_1095 = arith.constant 16 : index
        %swap3A_1096 = tpu.vector_load %arg11[%swap3A_1094, %swap3A_1095] {strides = array<i32>} : memref<64x128xf32, #tpu.memory_space<vmem>>, vector<1x16xf32>,
        %swap3A_1097 = vector.shape_cast %swap3A_1096 : vector<1x16xf32> to vector<16xf32>
        %swap3A_1098 = vector.shape_cast %mul3A_1091 : vector<16xf32> to vector<1x16xf32>
        tpu.vector_store %arg11[%swap3A_1094, %swap3A_1095], %swap3A_1098 {strides = array<i32>} : memref<64x128xf32, #tpu.memory_space<vmem>>, vector<1x16xf32>,
        %add3A_1099 = arith.constant 8 : i32
        %add3A_1100 = arith.addi %mul3A_93, %add3A_1099 : i32
        %get3A_1101 = arith.index_cast %add3A_1100 : i32 to index
        %get3A_1102 = arith.constant 32 : index
        %get3A_1103 = tpu.vector_load %arg11[%get3A_1101, %get3A_1102] {strides = array<i32>} : memref<64x128xf32, #tpu.memory_space<vmem>>, vector<1x16xf32>,
        %get3A_1104 = vector.shape_cast %get3A_1103 : vector<1x16xf32> to vector<16xf32>
        %mul3A_1105 = vector.broadcast %squeeze3A_1068 : f32 to vector<16xf32>
        %mul3A_1106 = arith.mulf %get3A_1104, %mul3A_1105 : vector<16xf32>
        %add3A_1107 = arith.constant 8 : i32
        %add3A_1108 = arith.addi %mul3A_93, %add3A_1107 : i32
        %swap3A_1109 = arith.index_cast %add3A_1108 : i32 to index
        %swap3A_1110 = arith.constant 32 : index
        %swap3A_1111 = tpu.vector_load %arg11[%swap3A_1109, %swap3A_1110] {strides = array<i32>} : memref<64x128xf32, #tpu.memory_space<vmem>>, vector<1x16xf32>,
        %swap3A_1112 = vector.shape_cast %swap3A_1111 : vector<1x16xf32> to vector<16xf32>
        %swap3A_1113 = vector.shape_cast %mul3A_1106 : vector<16xf32> to vector<1x16xf32>
        tpu.vector_store %arg11[%swap3A_1109, %swap3A_1110], %swap3A_1113 {strides = array<i32>} : memref<64x128xf32, #tpu.memory_space<vmem>>, vector<1x16xf32>,
        %add3A_1114 = arith.constant 8 : i32
        %add3A_1115 = arith.addi %mul3A_93, %add3A_1114 : i32
        %get3A_1116 = arith.index_cast %add3A_1115 : i32 to index
        %get3A_1117 = arith.constant 48 : index
        %get3A_1118 = tpu.vector_load %arg11[%get3A_1116, %get3A_1117] {strides = array<i32>} : memref<64x128xf32, #tpu.memory_space<vmem>>, vector<1x16xf32>,
        %get3A_1119 = vector.shape_cast %get3A_1118 : vector<1x16xf32> to vector<16xf32>
        %mul3A_1120 = vector.broadcast %squeeze3A_1068 : f32 to vector<16xf32>
        %mul3A_1121 = arith.mulf %get3A_1119, %mul3A_1120 : vector<16xf32>
        %add3A_1122 = arith.constant 8 : i32
        %add3A_1123 = arith.addi %mul3A_93, %add3A_1122 : i32
        %swap3A_1124 = arith.index_cast %add3A_1123 : i32 to index
        %swap3A_1125 = arith.constant 48 : index
        %swap3A_1126 = tpu.vector_load %arg11[%swap3A_1124, %swap3A_1125] {strides = array<i32>} : memref<64x128xf32, #tpu.memory_space<vmem>>, vector<1x16xf32>,
        %swap3A_1127 = vector.shape_cast %swap3A_1126 : vector<1x16xf32> to vector<16xf32>
        %swap3A_1128 = vector.shape_cast %mul3A_1121 : vector<16xf32> to vector<1x16xf32>
        tpu.vector_store %arg11[%swap3A_1124, %swap3A_1125], %swap3A_1128 {strides = array<i32>} : memref<64x128xf32, #tpu.memory_space<vmem>>, vector<1x16xf32>,
        %add3A_1129 = arith.constant 8 : i32
        %add3A_1130 = arith.addi %mul3A_93, %add3A_1129 : i32
        %get3A_1131 = arith.index_cast %add3A_1130 : i32 to index
        %get3A_1132 = arith.constant 64 : index
        %get3A_1133 = tpu.vector_load %arg11[%get3A_1131, %get3A_1132] {strides = array<i32>} : memref<64x128xf32, #tpu.memory_space<vmem>>, vector<1x16xf32>,
        %get3A_1134 = vector.shape_cast %get3A_1133 : vector<1x16xf32> to vector<16xf32>
        %mul3A_1135 = vector.broadcast %squeeze3A_1068 : f32 to vector<16xf32>
        %mul3A_1136 = arith.mulf %get3A_1134, %mul3A_1135 : vector<16xf32>
        %add3A_1137 = arith.constant 8 : i32
        %add3A_1138 = arith.addi %mul3A_93, %add3A_1137 : i32
        %swap3A_1139 = arith.index_cast %add3A_1138 : i32 to index
        %swap3A_1140 = arith.constant 64 : index
        %swap3A_1141 = tpu.vector_load %arg11[%swap3A_1139, %swap3A_1140] {strides = array<i32>} : memref<64x128xf32, #tpu.memory_space<vmem>>, vector<1x16xf32>,
        %swap3A_1142 = vector.shape_cast %swap3A_1141 : vector<1x16xf32> to vector<16xf32>
        %swap3A_1143 = vector.shape_cast %mul3A_1136 : vector<16xf32> to vector<1x16xf32>
        tpu.vector_store %arg11[%swap3A_1139, %swap3A_1140], %swap3A_1143 {strides = array<i32>} : memref<64x128xf32, #tpu.memory_space<vmem>>, vector<1x16xf32>,
        %add3A_1144 = arith.constant 8 : i32
        %add3A_1145 = arith.addi %mul3A_93, %add3A_1144 : i32
        %get3A_1146 = arith.index_cast %add3A_1145 : i32 to index
        %get3A_1147 = arith.constant 80 : index
        %get3A_1148 = tpu.vector_load %arg11[%get3A_1146, %get3A_1147] {strides = array<i32>} : memref<64x128xf32, #tpu.memory_space<vmem>>, vector<1x16xf32>,
        %get3A_1149 = vector.shape_cast %get3A_1148 : vector<1x16xf32> to vector<16xf32>
        %mul3A_1150 = vector.broadcast %squeeze3A_1068 : f32 to vector<16xf32>
        %mul3A_1151 = arith.mulf %get3A_1149, %mul3A_1150 : vector<16xf32>
        %add3A_1152 = arith.constant 8 : i32
        %add3A_1153 = arith.addi %mul3A_93, %add3A_1152 : i32
        %swap3A_1154 = arith.index_cast %add3A_1153 : i32 to index
        %swap3A_1155 = arith.constant 80 : index
        %swap3A_1156 = tpu.vector_load %arg11[%swap3A_1154, %swap3A_1155] {strides = array<i32>} : memref<64x128xf32, #tpu.memory_space<vmem>>, vector<1x16xf32>,
        %swap3A_1157 = vector.shape_cast %swap3A_1156 : vector<1x16xf32> to vector<16xf32>
        %swap3A_1158 = vector.shape_cast %mul3A_1151 : vector<16xf32> to vector<1x16xf32>
        tpu.vector_store %arg11[%swap3A_1154, %swap3A_1155], %swap3A_1158 {strides = array<i32>} : memref<64x128xf32, #tpu.memory_space<vmem>>, vector<1x16xf32>,
        %add3A_1159 = arith.constant 8 : i32
        %add3A_1160 = arith.addi %mul3A_93, %add3A_1159 : i32
        %get3A_1161 = arith.index_cast %add3A_1160 : i32 to index
        %get3A_1162 = arith.constant 96 : index
        %get3A_1163 = tpu.vector_load %arg11[%get3A_1161, %get3A_1162] {strides = array<i32>} : memref<64x128xf32, #tpu.memory_space<vmem>>, vector<1x16xf32>,
        %get3A_1164 = vector.shape_cast %get3A_1163 : vector<1x16xf32> to vector<16xf32>
        %mul3A_1165 = vector.broadcast %squeeze3A_1068 : f32 to vector<16xf32>
        %mul3A_1166 = arith.mulf %get3A_1164, %mul3A_1165 : vector<16xf32>
        %add3A_1167 = arith.constant 8 : i32
        %add3A_1168 = arith.addi %mul3A_93, %add3A_1167 : i32
        %swap3A_1169 = arith.index_cast %add3A_1168 : i32 to index
        %swap3A_1170 = arith.constant 96 : index
        %swap3A_1171 = tpu.vector_load %arg11[%swap3A_1169, %swap3A_1170] {strides = array<i32>} : memref<64x128xf32, #tpu.memory_space<vmem>>, vector<1x16xf32>,
        %swap3A_1172 = vector.shape_cast %swap3A_1171 : vector<1x16xf32> to vector<16xf32>
        %swap3A_1173 = vector.shape_cast %mul3A_1166 : vector<16xf32> to vector<1x16xf32>
        tpu.vector_store %arg11[%swap3A_1169, %swap3A_1170], %swap3A_1173 {strides = array<i32>} : memref<64x128xf32, #tpu.memory_space<vmem>>, vector<1x16xf32>,
        %add3A_1174 = arith.constant 8 : i32
        %add3A_1175 = arith.addi %mul3A_93, %add3A_1174 : i32
        %get3A_1176 = arith.index_cast %add3A_1175 : i32 to index
        %get3A_1177 = arith.constant 112 : index
        %get3A_1178 = tpu.vector_load %arg11[%get3A_1176, %get3A_1177] {strides = array<i32>} : memref<64x128xf32, #tpu.memory_space<vmem>>, vector<1x16xf32>,
        %get3A_1179 = vector.shape_cast %get3A_1178 : vector<1x16xf32> to vector<16xf32>
        %mul3A_1180 = vector.broadcast %squeeze3A_1068 : f32 to vector<16xf32>
        %mul3A_1181 = arith.mulf %get3A_1179, %mul3A_1180 : vector<16xf32>
        %add3A_1182 = arith.constant 8 : i32
        %add3A_1183 = arith.addi %mul3A_93, %add3A_1182 : i32
        %swap3A_1184 = arith.index_cast %add3A_1183 : i32 to index
        %swap3A_1185 = arith.constant 112 : index
        %swap3A_1186 = tpu.vector_load %arg11[%swap3A_1184, %swap3A_1185] {strides = array<i32>} : memref<64x128xf32, #tpu.memory_space<vmem>>, vector<1x16xf32>,
        %swap3A_1187 = vector.shape_cast %swap3A_1186 : vector<1x16xf32> to vector<16xf32>
        %swap3A_1188 = vector.shape_cast %mul3A_1181 : vector<16xf32> to vector<1x16xf32>
        tpu.vector_store %arg11[%swap3A_1184, %swap3A_1185], %swap3A_1188 {strides = array<i32>} : memref<64x128xf32, #tpu.memory_space<vmem>>, vector<1x16xf32>,
        %slice3A_1189 = vector.extract_strided_slice %get3A_91 {offsets = [9], sizes = [1], strides = [1]} : vector<16xf32> to vector<1xf32>
        %squeeze3A_1190 = vector.extract %slice3A_1189[0] : f32 from vector<1xf32>
        %add3A_1191 = arith.constant 9 : i32
        %add3A_1192 = arith.addi %mul3A_93, %add3A_1191 : i32
        %get3A_1193 = arith.index_cast %add3A_1192 : i32 to index
        %get3A_1194 = arith.constant 0 : index
        %get3A_1195 = tpu.vector_load %arg11[%get3A_1193, %get3A_1194] {strides = array<i32>} : memref<64x128xf32, #tpu.memory_space<vmem>>, vector<1x16xf32>,
        %get3A_1196 = vector.shape_cast %get3A_1195 : vector<1x16xf32> to vector<16xf32>
        %mul3A_1197 = vector.broadcast %squeeze3A_1190 : f32 to vector<16xf32>
        %mul3A_1198 = arith.mulf %get3A_1196, %mul3A_1197 : vector<16xf32>
        %add3A_1199 = arith.constant 9 : i32
        %add3A_1200 = arith.addi %mul3A_93, %add3A_1199 : i32
        %swap3A_1201 = arith.index_cast %add3A_1200 : i32 to index
        %swap3A_1202 = arith.constant 0 : index
        %swap3A_1203 = tpu.vector_load %arg11[%swap3A_1201, %swap3A_1202] {strides = array<i32>} : memref<64x128xf32, #tpu.memory_space<vmem>>, vector<1x16xf32>,
        %swap3A_1204 = vector.shape_cast %swap3A_1203 : vector<1x16xf32> to vector<16xf32>
        %swap3A_1205 = vector.shape_cast %mul3A_1198 : vector<16xf32> to vector<1x16xf32>
        tpu.vector_store %arg11[%swap3A_1201, %swap3A_1202], %swap3A_1205 {strides = array<i32>} : memref<64x128xf32, #tpu.memory_space<vmem>>, vector<1x16xf32>,
        %add3A_1206 = arith.constant 9 : i32
        %add3A_1207 = arith.addi %mul3A_93, %add3A_1206 : i32
        %get3A_1208 = arith.index_cast %add3A_1207 : i32 to index
        %get3A_1209 = arith.constant 16 : index
        %get3A_1210 = tpu.vector_load %arg11[%get3A_1208, %get3A_1209] {strides = array<i32>} : memref<64x128xf32, #tpu.memory_space<vmem>>, vector<1x16xf32>,
        %get3A_1211 = vector.shape_cast %get3A_1210 : vector<1x16xf32> to vector<16xf32>
        %mul3A_1212 = vector.broadcast %squeeze3A_1190 : f32 to vector<16xf32>
        %mul3A_1213 = arith.mulf %get3A_1211, %mul3A_1212 : vector<16xf32>
        %add3A_1214 = arith.constant 9 : i32
        %add3A_1215 = arith.addi %mul3A_93, %add3A_1214 : i32
        %swap3A_1216 = arith.index_cast %add3A_1215 : i32 to index
        %swap3A_1217 = arith.constant 16 : index
        %swap3A_1218 = tpu.vector_load %arg11[%swap3A_1216, %swap3A_1217] {strides = array<i32>} : memref<64x128xf32, #tpu.memory_space<vmem>>, vector<1x16xf32>,
        %swap3A_1219 = vector.shape_cast %swap3A_1218 : vector<1x16xf32> to vector<16xf32>
        %swap3A_1220 = vector.shape_cast %mul3A_1213 : vector<16xf32> to vector<1x16xf32>
        tpu.vector_store %arg11[%swap3A_1216, %swap3A_1217], %swap3A_1220 {strides = array<i32>} : memref<64x128xf32, #tpu.memory_space<vmem>>, vector<1x16xf32>,
        %add3A_1221 = arith.constant 9 : i32
        %add3A_1222 = arith.addi %mul3A_93, %add3A_1221 : i32
        %get3A_1223 = arith.index_cast %add3A_1222 : i32 to index
        %get3A_1224 = arith.constant 32 : index
        %get3A_1225 = tpu.vector_load %arg11[%get3A_1223, %get3A_1224] {strides = array<i32>} : memref<64x128xf32, #tpu.memory_space<vmem>>, vector<1x16xf32>,
        %get3A_1226 = vector.shape_cast %get3A_1225 : vector<1x16xf32> to vector<16xf32>
        %mul3A_1227 = vector.broadcast %squeeze3A_1190 : f32 to vector<16xf32>
        %mul3A_1228 = arith.mulf %get3A_1226, %mul3A_1227 : vector<16xf32>
        %add3A_1229 = arith.constant 9 : i32
        %add3A_1230 = arith.addi %mul3A_93, %add3A_1229 : i32
        %swap3A_1231 = arith.index_cast %add3A_1230 : i32 to index
        %swap3A_1232 = arith.constant 32 : index
        %swap3A_1233 = tpu.vector_load %arg11[%swap3A_1231, %swap3A_1232] {strides = array<i32>} : memref<64x128xf32, #tpu.memory_space<vmem>>, vector<1x16xf32>,
        %swap3A_1234 = vector.shape_cast %swap3A_1233 : vector<1x16xf32> to vector<16xf32>
        %swap3A_1235 = vector.shape_cast %mul3A_1228 : vector<16xf32> to vector<1x16xf32>
        tpu.vector_store %arg11[%swap3A_1231, %swap3A_1232], %swap3A_1235 {strides = array<i32>} : memref<64x128xf32, #tpu.memory_space<vmem>>, vector<1x16xf32>,
        %add3A_1236 = arith.constant 9 : i32
        %add3A_1237 = arith.addi %mul3A_93, %add3A_1236 : i32
        %get3A_1238 = arith.index_cast %add3A_1237 : i32 to index
        %get3A_1239 = arith.constant 48 : index
        %get3A_1240 = tpu.vector_load %arg11[%get3A_1238, %get3A_1239] {strides = array<i32>} : memref<64x128xf32, #tpu.memory_space<vmem>>, vector<1x16xf32>,
        %get3A_1241 = vector.shape_cast %get3A_1240 : vector<1x16xf32> to vector<16xf32>
        %mul3A_1242 = vector.broadcast %squeeze3A_1190 : f32 to vector<16xf32>
        %mul3A_1243 = arith.mulf %get3A_1241, %mul3A_1242 : vector<16xf32>
        %add3A_1244 = arith.constant 9 : i32
        %add3A_1245 = arith.addi %mul3A_93, %add3A_1244 : i32
        %swap3A_1246 = arith.index_cast %add3A_1245 : i32 to index
        %swap3A_1247 = arith.constant 48 : index
        %swap3A_1248 = tpu.vector_load %arg11[%swap3A_1246, %swap3A_1247] {strides = array<i32>} : memref<64x128xf32, #tpu.memory_space<vmem>>, vector<1x16xf32>,
        %swap3A_1249 = vector.shape_cast %swap3A_1248 : vector<1x16xf32> to vector<16xf32>
        %swap3A_1250 = vector.shape_cast %mul3A_1243 : vector<16xf32> to vector<1x16xf32>
        tpu.vector_store %arg11[%swap3A_1246, %swap3A_1247], %swap3A_1250 {strides = array<i32>} : memref<64x128xf32, #tpu.memory_space<vmem>>, vector<1x16xf32>,
        %add3A_1251 = arith.constant 9 : i32
        %add3A_1252 = arith.addi %mul3A_93, %add3A_1251 : i32
        %get3A_1253 = arith.index_cast %add3A_1252 : i32 to index
        %get3A_1254 = arith.constant 64 : index
        %get3A_1255 = tpu.vector_load %arg11[%get3A_1253, %get3A_1254] {strides = array<i32>} : memref<64x128xf32, #tpu.memory_space<vmem>>, vector<1x16xf32>,
        %get3A_1256 = vector.shape_cast %get3A_1255 : vector<1x16xf32> to vector<16xf32>
        %mul3A_1257 = vector.broadcast %squeeze3A_1190 : f32 to vector<16xf32>
        %mul3A_1258 = arith.mulf %get3A_1256, %mul3A_1257 : vector<16xf32>
        %add3A_1259 = arith.constant 9 : i32
        %add3A_1260 = arith.addi %mul3A_93, %add3A_1259 : i32
        %swap3A_1261 = arith.index_cast %add3A_1260 : i32 to index
        %swap3A_1262 = arith.constant 64 : index
        %swap3A_1263 = tpu.vector_load %arg11[%swap3A_1261, %swap3A_1262] {strides = array<i32>} : memref<64x128xf32, #tpu.memory_space<vmem>>, vector<1x16xf32>,
        %swap3A_1264 = vector.shape_cast %swap3A_1263 : vector<1x16xf32> to vector<16xf32>
        %swap3A_1265 = vector.shape_cast %mul3A_1258 : vector<16xf32> to vector<1x16xf32>
        tpu.vector_store %arg11[%swap3A_1261, %swap3A_1262], %swap3A_1265 {strides = array<i32>} : memref<64x128xf32, #tpu.memory_space<vmem>>, vector<1x16xf32>,
        %add3A_1266 = arith.constant 9 : i32
        %add3A_1267 = arith.addi %mul3A_93, %add3A_1266 : i32
        %get3A_1268 = arith.index_cast %add3A_1267 : i32 to index
        %get3A_1269 = arith.constant 80 : index
        %get3A_1270 = tpu.vector_load %arg11[%get3A_1268, %get3A_1269] {strides = array<i32>} : memref<64x128xf32, #tpu.memory_space<vmem>>, vector<1x16xf32>,
        %get3A_1271 = vector.shape_cast %get3A_1270 : vector<1x16xf32> to vector<16xf32>
        %mul3A_1272 = vector.broadcast %squeeze3A_1190 : f32 to vector<16xf32>
        %mul3A_1273 = arith.mulf %get3A_1271, %mul3A_1272 : vector<16xf32>
        %add3A_1274 = arith.constant 9 : i32
        %add3A_1275 = arith.addi %mul3A_93, %add3A_1274 : i32
        %swap3A_1276 = arith.index_cast %add3A_1275 : i32 to index
        %swap3A_1277 = arith.constant 80 : index
        %swap3A_1278 = tpu.vector_load %arg11[%swap3A_1276, %swap3A_1277] {strides = array<i32>} : memref<64x128xf32, #tpu.memory_space<vmem>>, vector<1x16xf32>,
        %swap3A_1279 = vector.shape_cast %swap3A_1278 : vector<1x16xf32> to vector<16xf32>
        %swap3A_1280 = vector.shape_cast %mul3A_1273 : vector<16xf32> to vector<1x16xf32>
        tpu.vector_store %arg11[%swap3A_1276, %swap3A_1277], %swap3A_1280 {strides = array<i32>} : memref<64x128xf32, #tpu.memory_space<vmem>>, vector<1x16xf32>,
        %add3A_1281 = arith.constant 9 : i32
        %add3A_1282 = arith.addi %mul3A_93, %add3A_1281 : i32
        %get3A_1283 = arith.index_cast %add3A_1282 : i32 to index
        %get3A_1284 = arith.constant 96 : index
        %get3A_1285 = tpu.vector_load %arg11[%get3A_1283, %get3A_1284] {strides = array<i32>} : memref<64x128xf32, #tpu.memory_space<vmem>>, vector<1x16xf32>,
        %get3A_1286 = vector.shape_cast %get3A_1285 : vector<1x16xf32> to vector<16xf32>
        %mul3A_1287 = vector.broadcast %squeeze3A_1190 : f32 to vector<16xf32>
        %mul3A_1288 = arith.mulf %get3A_1286, %mul3A_1287 : vector<16xf32>
        %add3A_1289 = arith.constant 9 : i32
        %add3A_1290 = arith.addi %mul3A_93, %add3A_1289 : i32
        %swap3A_1291 = arith.index_cast %add3A_1290 : i32 to index
        %swap3A_1292 = arith.constant 96 : index
        %swap3A_1293 = tpu.vector_load %arg11[%swap3A_1291, %swap3A_1292] {strides = array<i32>} : memref<64x128xf32, #tpu.memory_space<vmem>>, vector<1x16xf32>,
        %swap3A_1294 = vector.shape_cast %swap3A_1293 : vector<1x16xf32> to vector<16xf32>
        %swap3A_1295 = vector.shape_cast %mul3A_1288 : vector<16xf32> to vector<1x16xf32>
        tpu.vector_store %arg11[%swap3A_1291, %swap3A_1292], %swap3A_1295 {strides = array<i32>} : memref<64x128xf32, #tpu.memory_space<vmem>>, vector<1x16xf32>,
        %add3A_1296 = arith.constant 9 : i32
        %add3A_1297 = arith.addi %mul3A_93, %add3A_1296 : i32
        %get3A_1298 = arith.index_cast %add3A_1297 : i32 to index
        %get3A_1299 = arith.constant 112 : index
        %get3A_1300 = tpu.vector_load %arg11[%get3A_1298, %get3A_1299] {strides = array<i32>} : memref<64x128xf32, #tpu.memory_space<vmem>>, vector<1x16xf32>,
        %get3A_1301 = vector.shape_cast %get3A_1300 : vector<1x16xf32> to vector<16xf32>
        %mul3A_1302 = vector.broadcast %squeeze3A_1190 : f32 to vector<16xf32>
        %mul3A_1303 = arith.mulf %get3A_1301, %mul3A_1302 : vector<16xf32>
        %add3A_1304 = arith.constant 9 : i32
        %add3A_1305 = arith.addi %mul3A_93, %add3A_1304 : i32
        %swap3A_1306 = arith.index_cast %add3A_1305 : i32 to index
        %swap3A_1307 = arith.constant 112 : index
        %swap3A_1308 = tpu.vector_load %arg11[%swap3A_1306, %swap3A_1307] {strides = array<i32>} : memref<64x128xf32, #tpu.memory_space<vmem>>, vector<1x16xf32>,
        %swap3A_1309 = vector.shape_cast %swap3A_1308 : vector<1x16xf32> to vector<16xf32>
        %swap3A_1310 = vector.shape_cast %mul3A_1303 : vector<16xf32> to vector<1x16xf32>
        tpu.vector_store %arg11[%swap3A_1306, %swap3A_1307], %swap3A_1310 {strides = array<i32>} : memref<64x128xf32, #tpu.memory_space<vmem>>, vector<1x16xf32>,
        %slice3A_1311 = vector.extract_strided_slice %get3A_91 {offsets = [10], sizes = [1], strides = [1]} : vector<16xf32> to vector<1xf32>
        %squeeze3A_1312 = vector.extract %slice3A_1311[0] : f32 from vector<1xf32>
        %add3A_1313 = arith.constant 10 : i32
        %add3A_1314 = arith.addi %mul3A_93, %add3A_1313 : i32
        %get3A_1315 = arith.index_cast %add3A_1314 : i32 to index
        %get3A_1316 = arith.constant 0 : index
        %get3A_1317 = tpu.vector_load %arg11[%get3A_1315, %get3A_1316] {strides = array<i32>} : memref<64x128xf32, #tpu.memory_space<vmem>>, vector<1x16xf32>,
        %get3A_1318 = vector.shape_cast %get3A_1317 : vector<1x16xf32> to vector<16xf32>
        %mul3A_1319 = vector.broadcast %squeeze3A_1312 : f32 to vector<16xf32>
        %mul3A_1320 = arith.mulf %get3A_1318, %mul3A_1319 : vector<16xf32>
        %add3A_1321 = arith.constant 10 : i32
        %add3A_1322 = arith.addi %mul3A_93, %add3A_1321 : i32
        %swap3A_1323 = arith.index_cast %add3A_1322 : i32 to index
        %swap3A_1324 = arith.constant 0 : index
        %swap3A_1325 = tpu.vector_load %arg11[%swap3A_1323, %swap3A_1324] {strides = array<i32>} : memref<64x128xf32, #tpu.memory_space<vmem>>, vector<1x16xf32>,
        %swap3A_1326 = vector.shape_cast %swap3A_1325 : vector<1x16xf32> to vector<16xf32>
        %swap3A_1327 = vector.shape_cast %mul3A_1320 : vector<16xf32> to vector<1x16xf32>
        tpu.vector_store %arg11[%swap3A_1323, %swap3A_1324], %swap3A_1327 {strides = array<i32>} : memref<64x128xf32, #tpu.memory_space<vmem>>, vector<1x16xf32>,
        %add3A_1328 = arith.constant 10 : i32
        %add3A_1329 = arith.addi %mul3A_93, %add3A_1328 : i32
        %get3A_1330 = arith.index_cast %add3A_1329 : i32 to index
        %get3A_1331 = arith.constant 16 : index
        %get3A_1332 = tpu.vector_load %arg11[%get3A_1330, %get3A_1331] {strides = array<i32>} : memref<64x128xf32, #tpu.memory_space<vmem>>, vector<1x16xf32>,
        %get3A_1333 = vector.shape_cast %get3A_1332 : vector<1x16xf32> to vector<16xf32>
        %mul3A_1334 = vector.broadcast %squeeze3A_1312 : f32 to vector<16xf32>
        %mul3A_1335 = arith.mulf %get3A_1333, %mul3A_1334 : vector<16xf32>
        %add3A_1336 = arith.constant 10 : i32
        %add3A_1337 = arith.addi %mul3A_93, %add3A_1336 : i32
        %swap3A_1338 = arith.index_cast %add3A_1337 : i32 to index
        %swap3A_1339 = arith.constant 16 : index
        %swap3A_1340 = tpu.vector_load %arg11[%swap3A_1338, %swap3A_1339] {strides = array<i32>} : memref<64x128xf32, #tpu.memory_space<vmem>>, vector<1x16xf32>,
        %swap3A_1341 = vector.shape_cast %swap3A_1340 : vector<1x16xf32> to vector<16xf32>
        %swap3A_1342 = vector.shape_cast %mul3A_1335 : vector<16xf32> to vector<1x16xf32>
        tpu.vector_store %arg11[%swap3A_1338, %swap3A_1339], %swap3A_1342 {strides = array<i32>} : memref<64x128xf32, #tpu.memory_space<vmem>>, vector<1x16xf32>,
        %add3A_1343 = arith.constant 10 : i32
        %add3A_1344 = arith.addi %mul3A_93, %add3A_1343 : i32
        %get3A_1345 = arith.index_cast %add3A_1344 : i32 to index
        %get3A_1346 = arith.constant 32 : index
        %get3A_1347 = tpu.vector_load %arg11[%get3A_1345, %get3A_1346] {strides = array<i32>} : memref<64x128xf32, #tpu.memory_space<vmem>>, vector<1x16xf32>,
        %get3A_1348 = vector.shape_cast %get3A_1347 : vector<1x16xf32> to vector<16xf32>
        %mul3A_1349 = vector.broadcast %squeeze3A_1312 : f32 to vector<16xf32>
        %mul3A_1350 = arith.mulf %get3A_1348, %mul3A_1349 : vector<16xf32>
        %add3A_1351 = arith.constant 10 : i32
        %add3A_1352 = arith.addi %mul3A_93, %add3A_1351 : i32
        %swap3A_1353 = arith.index_cast %add3A_1352 : i32 to index
        %swap3A_1354 = arith.constant 32 : index
        %swap3A_1355 = tpu.vector_load %arg11[%swap3A_1353, %swap3A_1354] {strides = array<i32>} : memref<64x128xf32, #tpu.memory_space<vmem>>, vector<1x16xf32>,
        %swap3A_1356 = vector.shape_cast %swap3A_1355 : vector<1x16xf32> to vector<16xf32>
        %swap3A_1357 = vector.shape_cast %mul3A_1350 : vector<16xf32> to vector<1x16xf32>
        tpu.vector_store %arg11[%swap3A_1353, %swap3A_1354], %swap3A_1357 {strides = array<i32>} : memref<64x128xf32, #tpu.memory_space<vmem>>, vector<1x16xf32>,
        %add3A_1358 = arith.constant 10 : i32
        %add3A_1359 = arith.addi %mul3A_93, %add3A_1358 : i32
        %get3A_1360 = arith.index_cast %add3A_1359 : i32 to index
        %get3A_1361 = arith.constant 48 : index
        %get3A_1362 = tpu.vector_load %arg11[%get3A_1360, %get3A_1361] {strides = array<i32>} : memref<64x128xf32, #tpu.memory_space<vmem>>, vector<1x16xf32>,
        %get3A_1363 = vector.shape_cast %get3A_1362 : vector<1x16xf32> to vector<16xf32>
        %mul3A_1364 = vector.broadcast %squeeze3A_1312 : f32 to vector<16xf32>
        %mul3A_1365 = arith.mulf %get3A_1363, %mul3A_1364 : vector<16xf32>
        %add3A_1366 = arith.constant 10 : i32
        %add3A_1367 = arith.addi %mul3A_93, %add3A_1366 : i32
        %swap3A_1368 = arith.index_cast %add3A_1367 : i32 to index
        %swap3A_1369 = arith.constant 48 : index
        %swap3A_1370 = tpu.vector_load %arg11[%swap3A_1368, %swap3A_1369] {strides = array<i32>} : memref<64x128xf32, #tpu.memory_space<vmem>>, vector<1x16xf32>,
        %swap3A_1371 = vector.shape_cast %swap3A_1370 : vector<1x16xf32> to vector<16xf32>
        %swap3A_1372 = vector.shape_cast %mul3A_1365 : vector<16xf32> to vector<1x16xf32>
        tpu.vector_store %arg11[%swap3A_1368, %swap3A_1369], %swap3A_1372 {strides = array<i32>} : memref<64x128xf32, #tpu.memory_space<vmem>>, vector<1x16xf32>,
        %add3A_1373 = arith.constant 10 : i32
        %add3A_1374 = arith.addi %mul3A_93, %add3A_1373 : i32
        %get3A_1375 = arith.index_cast %add3A_1374 : i32 to index
        %get3A_1376 = arith.constant 64 : index
        %get3A_1377 = tpu.vector_load %arg11[%get3A_1375, %get3A_1376] {strides = array<i32>} : memref<64x128xf32, #tpu.memory_space<vmem>>, vector<1x16xf32>,
        %get3A_1378 = vector.shape_cast %get3A_1377 : vector<1x16xf32> to vector<16xf32>
        %mul3A_1379 = vector.broadcast %squeeze3A_1312 : f32 to vector<16xf32>
        %mul3A_1380 = arith.mulf %get3A_1378, %mul3A_1379 : vector<16xf32>
        %add3A_1381 = arith.constant 10 : i32
        %add3A_1382 = arith.addi %mul3A_93, %add3A_1381 : i32
        %swap3A_1383 = arith.index_cast %add3A_1382 : i32 to index
        %swap3A_1384 = arith.constant 64 : index
        %swap3A_1385 = tpu.vector_load %arg11[%swap3A_1383, %swap3A_1384] {strides = array<i32>} : memref<64x128xf32, #tpu.memory_space<vmem>>, vector<1x16xf32>,
        %swap3A_1386 = vector.shape_cast %swap3A_1385 : vector<1x16xf32> to vector<16xf32>
        %swap3A_1387 = vector.shape_cast %mul3A_1380 : vector<16xf32> to vector<1x16xf32>
        tpu.vector_store %arg11[%swap3A_1383, %swap3A_1384], %swap3A_1387 {strides = array<i32>} : memref<64x128xf32, #tpu.memory_space<vmem>>, vector<1x16xf32>,
        %add3A_1388 = arith.constant 10 : i32
        %add3A_1389 = arith.addi %mul3A_93, %add3A_1388 : i32
        %get3A_1390 = arith.index_cast %add3A_1389 : i32 to index
        %get3A_1391 = arith.constant 80 : index
        %get3A_1392 = tpu.vector_load %arg11[%get3A_1390, %get3A_1391] {strides = array<i32>} : memref<64x128xf32, #tpu.memory_space<vmem>>, vector<1x16xf32>,
        %get3A_1393 = vector.shape_cast %get3A_1392 : vector<1x16xf32> to vector<16xf32>
        %mul3A_1394 = vector.broadcast %squeeze3A_1312 : f32 to vector<16xf32>
        %mul3A_1395 = arith.mulf %get3A_1393, %mul3A_1394 : vector<16xf32>
        %add3A_1396 = arith.constant 10 : i32
        %add3A_1397 = arith.addi %mul3A_93, %add3A_1396 : i32
        %swap3A_1398 = arith.index_cast %add3A_1397 : i32 to index
        %swap3A_1399 = arith.constant 80 : index
        %swap3A_1400 = tpu.vector_load %arg11[%swap3A_1398, %swap3A_1399] {strides = array<i32>} : memref<64x128xf32, #tpu.memory_space<vmem>>, vector<1x16xf32>,
        %swap3A_1401 = vector.shape_cast %swap3A_1400 : vector<1x16xf32> to vector<16xf32>
        %swap3A_1402 = vector.shape_cast %mul3A_1395 : vector<16xf32> to vector<1x16xf32>
        tpu.vector_store %arg11[%swap3A_1398, %swap3A_1399], %swap3A_1402 {strides = array<i32>} : memref<64x128xf32, #tpu.memory_space<vmem>>, vector<1x16xf32>,
        %add3A_1403 = arith.constant 10 : i32
        %add3A_1404 = arith.addi %mul3A_93, %add3A_1403 : i32
        %get3A_1405 = arith.index_cast %add3A_1404 : i32 to index
        %get3A_1406 = arith.constant 96 : index
        %get3A_1407 = tpu.vector_load %arg11[%get3A_1405, %get3A_1406] {strides = array<i32>} : memref<64x128xf32, #tpu.memory_space<vmem>>, vector<1x16xf32>,
        %get3A_1408 = vector.shape_cast %get3A_1407 : vector<1x16xf32> to vector<16xf32>
        %mul3A_1409 = vector.broadcast %squeeze3A_1312 : f32 to vector<16xf32>
        %mul3A_1410 = arith.mulf %get3A_1408, %mul3A_1409 : vector<16xf32>
        %add3A_1411 = arith.constant 10 : i32
        %add3A_1412 = arith.addi %mul3A_93, %add3A_1411 : i32
        %swap3A_1413 = arith.index_cast %add3A_1412 : i32 to index
        %swap3A_1414 = arith.constant 96 : index
        %swap3A_1415 = tpu.vector_load %arg11[%swap3A_1413, %swap3A_1414] {strides = array<i32>} : memref<64x128xf32, #tpu.memory_space<vmem>>, vector<1x16xf32>,
        %swap3A_1416 = vector.shape_cast %swap3A_1415 : vector<1x16xf32> to vector<16xf32>
        %swap3A_1417 = vector.shape_cast %mul3A_1410 : vector<16xf32> to vector<1x16xf32>
        tpu.vector_store %arg11[%swap3A_1413, %swap3A_1414], %swap3A_1417 {strides = array<i32>} : memref<64x128xf32, #tpu.memory_space<vmem>>, vector<1x16xf32>,
        %add3A_1418 = arith.constant 10 : i32
        %add3A_1419 = arith.addi %mul3A_93, %add3A_1418 : i32
        %get3A_1420 = arith.index_cast %add3A_1419 : i32 to index
        %get3A_1421 = arith.constant 112 : index
        %get3A_1422 = tpu.vector_load %arg11[%get3A_1420, %get3A_1421] {strides = array<i32>} : memref<64x128xf32, #tpu.memory_space<vmem>>, vector<1x16xf32>,
        %get3A_1423 = vector.shape_cast %get3A_1422 : vector<1x16xf32> to vector<16xf32>
        %mul3A_1424 = vector.broadcast %squeeze3A_1312 : f32 to vector<16xf32>
        %mul3A_1425 = arith.mulf %get3A_1423, %mul3A_1424 : vector<16xf32>
        %add3A_1426 = arith.constant 10 : i32
        %add3A_1427 = arith.addi %mul3A_93, %add3A_1426 : i32
        %swap3A_1428 = arith.index_cast %add3A_1427 : i32 to index
        %swap3A_1429 = arith.constant 112 : index
        %swap3A_1430 = tpu.vector_load %arg11[%swap3A_1428, %swap3A_1429] {strides = array<i32>} : memref<64x128xf32, #tpu.memory_space<vmem>>, vector<1x16xf32>,
        %swap3A_1431 = vector.shape_cast %swap3A_1430 : vector<1x16xf32> to vector<16xf32>
        %swap3A_1432 = vector.shape_cast %mul3A_1425 : vector<16xf32> to vector<1x16xf32>
        tpu.vector_store %arg11[%swap3A_1428, %swap3A_1429], %swap3A_1432 {strides = array<i32>} : memref<64x128xf32, #tpu.memory_space<vmem>>, vector<1x16xf32>,
        %slice3A_1433 = vector.extract_strided_slice %get3A_91 {offsets = [11], sizes = [1], strides = [1]} : vector<16xf32> to vector<1xf32>
        %squeeze3A_1434 = vector.extract %slice3A_1433[0] : f32 from vector<1xf32>
        %add3A_1435 = arith.constant 11 : i32
        %add3A_1436 = arith.addi %mul3A_93, %add3A_1435 : i32
        %get3A_1437 = arith.index_cast %add3A_1436 : i32 to index
        %get3A_1438 = arith.constant 0 : index
        %get3A_1439 = tpu.vector_load %arg11[%get3A_1437, %get3A_1438] {strides = array<i32>} : memref<64x128xf32, #tpu.memory_space<vmem>>, vector<1x16xf32>,
        %get3A_1440 = vector.shape_cast %get3A_1439 : vector<1x16xf32> to vector<16xf32>
        %mul3A_1441 = vector.broadcast %squeeze3A_1434 : f32 to vector<16xf32>
        %mul3A_1442 = arith.mulf %get3A_1440, %mul3A_1441 : vector<16xf32>
        %add3A_1443 = arith.constant 11 : i32
        %add3A_1444 = arith.addi %mul3A_93, %add3A_1443 : i32
        %swap3A_1445 = arith.index_cast %add3A_1444 : i32 to index
        %swap3A_1446 = arith.constant 0 : index
        %swap3A_1447 = tpu.vector_load %arg11[%swap3A_1445, %swap3A_1446] {strides = array<i32>} : memref<64x128xf32, #tpu.memory_space<vmem>>, vector<1x16xf32>,
        %swap3A_1448 = vector.shape_cast %swap3A_1447 : vector<1x16xf32> to vector<16xf32>
        %swap3A_1449 = vector.shape_cast %mul3A_1442 : vector<16xf32> to vector<1x16xf32>
        tpu.vector_store %arg11[%swap3A_1445, %swap3A_1446], %swap3A_1449 {strides = array<i32>} : memref<64x128xf32, #tpu.memory_space<vmem>>, vector<1x16xf32>,
        %add3A_1450 = arith.constant 11 : i32
        %add3A_1451 = arith.addi %mul3A_93, %add3A_1450 : i32
        %get3A_1452 = arith.index_cast %add3A_1451 : i32 to index
        %get3A_1453 = arith.constant 16 : index
        %get3A_1454 = tpu.vector_load %arg11[%get3A_1452, %get3A_1453] {strides = array<i32>} : memref<64x128xf32, #tpu.memory_space<vmem>>, vector<1x16xf32>,
        %get3A_1455 = vector.shape_cast %get3A_1454 : vector<1x16xf32> to vector<16xf32>
        %mul3A_1456 = vector.broadcast %squeeze3A_1434 : f32 to vector<16xf32>
        %mul3A_1457 = arith.mulf %get3A_1455, %mul3A_1456 : vector<16xf32>
        %add3A_1458 = arith.constant 11 : i32
        %add3A_1459 = arith.addi %mul3A_93, %add3A_1458 : i32
        %swap3A_1460 = arith.index_cast %add3A_1459 : i32 to index
        %swap3A_1461 = arith.constant 16 : index
        %swap3A_1462 = tpu.vector_load %arg11[%swap3A_1460, %swap3A_1461] {strides = array<i32>} : memref<64x128xf32, #tpu.memory_space<vmem>>, vector<1x16xf32>,
        %swap3A_1463 = vector.shape_cast %swap3A_1462 : vector<1x16xf32> to vector<16xf32>
        %swap3A_1464 = vector.shape_cast %mul3A_1457 : vector<16xf32> to vector<1x16xf32>
        tpu.vector_store %arg11[%swap3A_1460, %swap3A_1461], %swap3A_1464 {strides = array<i32>} : memref<64x128xf32, #tpu.memory_space<vmem>>, vector<1x16xf32>,
        %add3A_1465 = arith.constant 11 : i32
        %add3A_1466 = arith.addi %mul3A_93, %add3A_1465 : i32
        %get3A_1467 = arith.index_cast %add3A_1466 : i32 to index
        %get3A_1468 = arith.constant 32 : index
        %get3A_1469 = tpu.vector_load %arg11[%get3A_1467, %get3A_1468] {strides = array<i32>} : memref<64x128xf32, #tpu.memory_space<vmem>>, vector<1x16xf32>,
        %get3A_1470 = vector.shape_cast %get3A_1469 : vector<1x16xf32> to vector<16xf32>
        %mul3A_1471 = vector.broadcast %squeeze3A_1434 : f32 to vector<16xf32>
        %mul3A_1472 = arith.mulf %get3A_1470, %mul3A_1471 : vector<16xf32>
        %add3A_1473 = arith.constant 11 : i32
        %add3A_1474 = arith.addi %mul3A_93, %add3A_1473 : i32
        %swap3A_1475 = arith.index_cast %add3A_1474 : i32 to index
        %swap3A_1476 = arith.constant 32 : index
        %swap3A_1477 = tpu.vector_load %arg11[%swap3A_1475, %swap3A_1476] {strides = array<i32>} : memref<64x128xf32, #tpu.memory_space<vmem>>, vector<1x16xf32>,
        %swap3A_1478 = vector.shape_cast %swap3A_1477 : vector<1x16xf32> to vector<16xf32>
        %swap3A_1479 = vector.shape_cast %mul3A_1472 : vector<16xf32> to vector<1x16xf32>
        tpu.vector_store %arg11[%swap3A_1475, %swap3A_1476], %swap3A_1479 {strides = array<i32>} : memref<64x128xf32, #tpu.memory_space<vmem>>, vector<1x16xf32>,
        %add3A_1480 = arith.constant 11 : i32
        %add3A_1481 = arith.addi %mul3A_93, %add3A_1480 : i32
        %get3A_1482 = arith.index_cast %add3A_1481 : i32 to index
        %get3A_1483 = arith.constant 48 : index
        %get3A_1484 = tpu.vector_load %arg11[%get3A_1482, %get3A_1483] {strides = array<i32>} : memref<64x128xf32, #tpu.memory_space<vmem>>, vector<1x16xf32>,
        %get3A_1485 = vector.shape_cast %get3A_1484 : vector<1x16xf32> to vector<16xf32>
        %mul3A_1486 = vector.broadcast %squeeze3A_1434 : f32 to vector<16xf32>
        %mul3A_1487 = arith.mulf %get3A_1485, %mul3A_1486 : vector<16xf32>
        %add3A_1488 = arith.constant 11 : i32
        %add3A_1489 = arith.addi %mul3A_93, %add3A_1488 : i32
        %swap3A_1490 = arith.index_cast %add3A_1489 : i32 to index
        %swap3A_1491 = arith.constant 48 : index
        %swap3A_1492 = tpu.vector_load %arg11[%swap3A_1490, %swap3A_1491] {strides = array<i32>} : memref<64x128xf32, #tpu.memory_space<vmem>>, vector<1x16xf32>,
        %swap3A_1493 = vector.shape_cast %swap3A_1492 : vector<1x16xf32> to vector<16xf32>
        %swap3A_1494 = vector.shape_cast %mul3A_1487 : vector<16xf32> to vector<1x16xf32>
        tpu.vector_store %arg11[%swap3A_1490, %swap3A_1491], %swap3A_1494 {strides = array<i32>} : memref<64x128xf32, #tpu.memory_space<vmem>>, vector<1x16xf32>,
        %add3A_1495 = arith.constant 11 : i32
        %add3A_1496 = arith.addi %mul3A_93, %add3A_1495 : i32
        %get3A_1497 = arith.index_cast %add3A_1496 : i32 to index
        %get3A_1498 = arith.constant 64 : index
        %get3A_1499 = tpu.vector_load %arg11[%get3A_1497, %get3A_1498] {strides = array<i32>} : memref<64x128xf32, #tpu.memory_space<vmem>>, vector<1x16xf32>,
        %get3A_1500 = vector.shape_cast %get3A_1499 : vector<1x16xf32> to vector<16xf32>
        %mul3A_1501 = vector.broadcast %squeeze3A_1434 : f32 to vector<16xf32>
        %mul3A_1502 = arith.mulf %get3A_1500, %mul3A_1501 : vector<16xf32>
        %add3A_1503 = arith.constant 11 : i32
        %add3A_1504 = arith.addi %mul3A_93, %add3A_1503 : i32
        %swap3A_1505 = arith.index_cast %add3A_1504 : i32 to index
        %swap3A_1506 = arith.constant 64 : index
        %swap3A_1507 = tpu.vector_load %arg11[%swap3A_1505, %swap3A_1506] {strides = array<i32>} : memref<64x128xf32, #tpu.memory_space<vmem>>, vector<1x16xf32>,
        %swap3A_1508 = vector.shape_cast %swap3A_1507 : vector<1x16xf32> to vector<16xf32>
        %swap3A_1509 = vector.shape_cast %mul3A_1502 : vector<16xf32> to vector<1x16xf32>
        tpu.vector_store %arg11[%swap3A_1505, %swap3A_1506], %swap3A_1509 {strides = array<i32>} : memref<64x128xf32, #tpu.memory_space<vmem>>, vector<1x16xf32>,
        %add3A_1510 = arith.constant 11 : i32
        %add3A_1511 = arith.addi %mul3A_93, %add3A_1510 : i32
        %get3A_1512 = arith.index_cast %add3A_1511 : i32 to index
        %get3A_1513 = arith.constant 80 : index
        %get3A_1514 = tpu.vector_load %arg11[%get3A_1512, %get3A_1513] {strides = array<i32>} : memref<64x128xf32, #tpu.memory_space<vmem>>, vector<1x16xf32>,
        %get3A_1515 = vector.shape_cast %get3A_1514 : vector<1x16xf32> to vector<16xf32>
        %mul3A_1516 = vector.broadcast %squeeze3A_1434 : f32 to vector<16xf32>
        %mul3A_1517 = arith.mulf %get3A_1515, %mul3A_1516 : vector<16xf32>
        %add3A_1518 = arith.constant 11 : i32
        %add3A_1519 = arith.addi %mul3A_93, %add3A_1518 : i32
        %swap3A_1520 = arith.index_cast %add3A_1519 : i32 to index
        %swap3A_1521 = arith.constant 80 : index
        %swap3A_1522 = tpu.vector_load %arg11[%swap3A_1520, %swap3A_1521] {strides = array<i32>} : memref<64x128xf32, #tpu.memory_space<vmem>>, vector<1x16xf32>,
        %swap3A_1523 = vector.shape_cast %swap3A_1522 : vector<1x16xf32> to vector<16xf32>
        %swap3A_1524 = vector.shape_cast %mul3A_1517 : vector<16xf32> to vector<1x16xf32>
        tpu.vector_store %arg11[%swap3A_1520, %swap3A_1521], %swap3A_1524 {strides = array<i32>} : memref<64x128xf32, #tpu.memory_space<vmem>>, vector<1x16xf32>,
        %add3A_1525 = arith.constant 11 : i32
        %add3A_1526 = arith.addi %mul3A_93, %add3A_1525 : i32
        %get3A_1527 = arith.index_cast %add3A_1526 : i32 to index
        %get3A_1528 = arith.constant 96 : index
        %get3A_1529 = tpu.vector_load %arg11[%get3A_1527, %get3A_1528] {strides = array<i32>} : memref<64x128xf32, #tpu.memory_space<vmem>>, vector<1x16xf32>,
        %get3A_1530 = vector.shape_cast %get3A_1529 : vector<1x16xf32> to vector<16xf32>
        %mul3A_1531 = vector.broadcast %squeeze3A_1434 : f32 to vector<16xf32>
        %mul3A_1532 = arith.mulf %get3A_1530, %mul3A_1531 : vector<16xf32>
        %add3A_1533 = arith.constant 11 : i32
        %add3A_1534 = arith.addi %mul3A_93, %add3A_1533 : i32
        %swap3A_1535 = arith.index_cast %add3A_1534 : i32 to index
        %swap3A_1536 = arith.constant 96 : index
        %swap3A_1537 = tpu.vector_load %arg11[%swap3A_1535, %swap3A_1536] {strides = array<i32>} : memref<64x128xf32, #tpu.memory_space<vmem>>, vector<1x16xf32>,
        %swap3A_1538 = vector.shape_cast %swap3A_1537 : vector<1x16xf32> to vector<16xf32>
        %swap3A_1539 = vector.shape_cast %mul3A_1532 : vector<16xf32> to vector<1x16xf32>
        tpu.vector_store %arg11[%swap3A_1535, %swap3A_1536], %swap3A_1539 {strides = array<i32>} : memref<64x128xf32, #tpu.memory_space<vmem>>, vector<1x16xf32>,
        %add3A_1540 = arith.constant 11 : i32
        %add3A_1541 = arith.addi %mul3A_93, %add3A_1540 : i32
        %get3A_1542 = arith.index_cast %add3A_1541 : i32 to index
        %get3A_1543 = arith.constant 112 : index
        %get3A_1544 = tpu.vector_load %arg11[%get3A_1542, %get3A_1543] {strides = array<i32>} : memref<64x128xf32, #tpu.memory_space<vmem>>, vector<1x16xf32>,
        %get3A_1545 = vector.shape_cast %get3A_1544 : vector<1x16xf32> to vector<16xf32>
        %mul3A_1546 = vector.broadcast %squeeze3A_1434 : f32 to vector<16xf32>
        %mul3A_1547 = arith.mulf %get3A_1545, %mul3A_1546 : vector<16xf32>
        %add3A_1548 = arith.constant 11 : i32
        %add3A_1549 = arith.addi %mul3A_93, %add3A_1548 : i32
        %swap3A_1550 = arith.index_cast %add3A_1549 : i32 to index
        %swap3A_1551 = arith.constant 112 : index
        %swap3A_1552 = tpu.vector_load %arg11[%swap3A_1550, %swap3A_1551] {strides = array<i32>} : memref<64x128xf32, #tpu.memory_space<vmem>>, vector<1x16xf32>,
        %swap3A_1553 = vector.shape_cast %swap3A_1552 : vector<1x16xf32> to vector<16xf32>
        %swap3A_1554 = vector.shape_cast %mul3A_1547 : vector<16xf32> to vector<1x16xf32>
        tpu.vector_store %arg11[%swap3A_1550, %swap3A_1551], %swap3A_1554 {strides = array<i32>} : memref<64x128xf32, #tpu.memory_space<vmem>>, vector<1x16xf32>,
        %slice3A_1555 = vector.extract_strided_slice %get3A_91 {offsets = [12], sizes = [1], strides = [1]} : vector<16xf32> to vector<1xf32>
        %squeeze3A_1556 = vector.extract %slice3A_1555[0] : f32 from vector<1xf32>
        %add3A_1557 = arith.constant 12 : i32
        %add3A_1558 = arith.addi %mul3A_93, %add3A_1557 : i32
        %get3A_1559 = arith.index_cast %add3A_1558 : i32 to index
        %get3A_1560 = arith.constant 0 : index
        %get3A_1561 = tpu.vector_load %arg11[%get3A_1559, %get3A_1560] {strides = array<i32>} : memref<64x128xf32, #tpu.memory_space<vmem>>, vector<1x16xf32>,
        %get3A_1562 = vector.shape_cast %get3A_1561 : vector<1x16xf32> to vector<16xf32>
        %mul3A_1563 = vector.broadcast %squeeze3A_1556 : f32 to vector<16xf32>
        %mul3A_1564 = arith.mulf %get3A_1562, %mul3A_1563 : vector<16xf32>
        %add3A_1565 = arith.constant 12 : i32
        %add3A_1566 = arith.addi %mul3A_93, %add3A_1565 : i32
        %swap3A_1567 = arith.index_cast %add3A_1566 : i32 to index
        %swap3A_1568 = arith.constant 0 : index
        %swap3A_1569 = tpu.vector_load %arg11[%swap3A_1567, %swap3A_1568] {strides = array<i32>} : memref<64x128xf32, #tpu.memory_space<vmem>>, vector<1x16xf32>,
        %swap3A_1570 = vector.shape_cast %swap3A_1569 : vector<1x16xf32> to vector<16xf32>
        %swap3A_1571 = vector.shape_cast %mul3A_1564 : vector<16xf32> to vector<1x16xf32>
        tpu.vector_store %arg11[%swap3A_1567, %swap3A_1568], %swap3A_1571 {strides = array<i32>} : memref<64x128xf32, #tpu.memory_space<vmem>>, vector<1x16xf32>,
        %add3A_1572 = arith.constant 12 : i32
        %add3A_1573 = arith.addi %mul3A_93, %add3A_1572 : i32
        %get3A_1574 = arith.index_cast %add3A_1573 : i32 to index
        %get3A_1575 = arith.constant 16 : index
        %get3A_1576 = tpu.vector_load %arg11[%get3A_1574, %get3A_1575] {strides = array<i32>} : memref<64x128xf32, #tpu.memory_space<vmem>>, vector<1x16xf32>,
        %get3A_1577 = vector.shape_cast %get3A_1576 : vector<1x16xf32> to vector<16xf32>
        %mul3A_1578 = vector.broadcast %squeeze3A_1556 : f32 to vector<16xf32>
        %mul3A_1579 = arith.mulf %get3A_1577, %mul3A_1578 : vector<16xf32>
        %add3A_1580 = arith.constant 12 : i32
        %add3A_1581 = arith.addi %mul3A_93, %add3A_1580 : i32
        %swap3A_1582 = arith.index_cast %add3A_1581 : i32 to index
        %swap3A_1583 = arith.constant 16 : index
        %swap3A_1584 = tpu.vector_load %arg11[%swap3A_1582, %swap3A_1583] {strides = array<i32>} : memref<64x128xf32, #tpu.memory_space<vmem>>, vector<1x16xf32>,
        %swap3A_1585 = vector.shape_cast %swap3A_1584 : vector<1x16xf32> to vector<16xf32>
        %swap3A_1586 = vector.shape_cast %mul3A_1579 : vector<16xf32> to vector<1x16xf32>
        tpu.vector_store %arg11[%swap3A_1582, %swap3A_1583], %swap3A_1586 {strides = array<i32>} : memref<64x128xf32, #tpu.memory_space<vmem>>, vector<1x16xf32>,
        %add3A_1587 = arith.constant 12 : i32
        %add3A_1588 = arith.addi %mul3A_93, %add3A_1587 : i32
        %get3A_1589 = arith.index_cast %add3A_1588 : i32 to index
        %get3A_1590 = arith.constant 32 : index
        %get3A_1591 = tpu.vector_load %arg11[%get3A_1589, %get3A_1590] {strides = array<i32>} : memref<64x128xf32, #tpu.memory_space<vmem>>, vector<1x16xf32>,
        %get3A_1592 = vector.shape_cast %get3A_1591 : vector<1x16xf32> to vector<16xf32>
        %mul3A_1593 = vector.broadcast %squeeze3A_1556 : f32 to vector<16xf32>
        %mul3A_1594 = arith.mulf %get3A_1592, %mul3A_1593 : vector<16xf32>
        %add3A_1595 = arith.constant 12 : i32
        %add3A_1596 = arith.addi %mul3A_93, %add3A_1595 : i32
        %swap3A_1597 = arith.index_cast %add3A_1596 : i32 to index
        %swap3A_1598 = arith.constant 32 : index
        %swap3A_1599 = tpu.vector_load %arg11[%swap3A_1597, %swap3A_1598] {strides = array<i32>} : memref<64x128xf32, #tpu.memory_space<vmem>>, vector<1x16xf32>,
        %swap3A_1600 = vector.shape_cast %swap3A_1599 : vector<1x16xf32> to vector<16xf32>
        %swap3A_1601 = vector.shape_cast %mul3A_1594 : vector<16xf32> to vector<1x16xf32>
        tpu.vector_store %arg11[%swap3A_1597, %swap3A_1598], %swap3A_1601 {strides = array<i32>} : memref<64x128xf32, #tpu.memory_space<vmem>>, vector<1x16xf32>,
        %add3A_1602 = arith.constant 12 : i32
        %add3A_1603 = arith.addi %mul3A_93, %add3A_1602 : i32
        %get3A_1604 = arith.index_cast %add3A_1603 : i32 to index
        %get3A_1605 = arith.constant 48 : index
        %get3A_1606 = tpu.vector_load %arg11[%get3A_1604, %get3A_1605] {strides = array<i32>} : memref<64x128xf32, #tpu.memory_space<vmem>>, vector<1x16xf32>,
        %get3A_1607 = vector.shape_cast %get3A_1606 : vector<1x16xf32> to vector<16xf32>
        %mul3A_1608 = vector.broadcast %squeeze3A_1556 : f32 to vector<16xf32>
        %mul3A_1609 = arith.mulf %get3A_1607, %mul3A_1608 : vector<16xf32>
        %add3A_1610 = arith.constant 12 : i32
        %add3A_1611 = arith.addi %mul3A_93, %add3A_1610 : i32
        %swap3A_1612 = arith.index_cast %add3A_1611 : i32 to index
        %swap3A_1613 = arith.constant 48 : index
        %swap3A_1614 = tpu.vector_load %arg11[%swap3A_1612, %swap3A_1613] {strides = array<i32>} : memref<64x128xf32, #tpu.memory_space<vmem>>, vector<1x16xf32>,
        %swap3A_1615 = vector.shape_cast %swap3A_1614 : vector<1x16xf32> to vector<16xf32>
        %swap3A_1616 = vector.shape_cast %mul3A_1609 : vector<16xf32> to vector<1x16xf32>
        tpu.vector_store %arg11[%swap3A_1612, %swap3A_1613], %swap3A_1616 {strides = array<i32>} : memref<64x128xf32, #tpu.memory_space<vmem>>, vector<1x16xf32>,
        %add3A_1617 = arith.constant 12 : i32
        %add3A_1618 = arith.addi %mul3A_93, %add3A_1617 : i32
        %get3A_1619 = arith.index_cast %add3A_1618 : i32 to index
        %get3A_1620 = arith.constant 64 : index
        %get3A_1621 = tpu.vector_load %arg11[%get3A_1619, %get3A_1620] {strides = array<i32>} : memref<64x128xf32, #tpu.memory_space<vmem>>, vector<1x16xf32>,
        %get3A_1622 = vector.shape_cast %get3A_1621 : vector<1x16xf32> to vector<16xf32>
        %mul3A_1623 = vector.broadcast %squeeze3A_1556 : f32 to vector<16xf32>
        %mul3A_1624 = arith.mulf %get3A_1622, %mul3A_1623 : vector<16xf32>
        %add3A_1625 = arith.constant 12 : i32
        %add3A_1626 = arith.addi %mul3A_93, %add3A_1625 : i32
        %swap3A_1627 = arith.index_cast %add3A_1626 : i32 to index
        %swap3A_1628 = arith.constant 64 : index
        %swap3A_1629 = tpu.vector_load %arg11[%swap3A_1627, %swap3A_1628] {strides = array<i32>} : memref<64x128xf32, #tpu.memory_space<vmem>>, vector<1x16xf32>,
        %swap3A_1630 = vector.shape_cast %swap3A_1629 : vector<1x16xf32> to vector<16xf32>
        %swap3A_1631 = vector.shape_cast %mul3A_1624 : vector<16xf32> to vector<1x16xf32>
        tpu.vector_store %arg11[%swap3A_1627, %swap3A_1628], %swap3A_1631 {strides = array<i32>} : memref<64x128xf32, #tpu.memory_space<vmem>>, vector<1x16xf32>,
        %add3A_1632 = arith.constant 12 : i32
        %add3A_1633 = arith.addi %mul3A_93, %add3A_1632 : i32
        %get3A_1634 = arith.index_cast %add3A_1633 : i32 to index
        %get3A_1635 = arith.constant 80 : index
        %get3A_1636 = tpu.vector_load %arg11[%get3A_1634, %get3A_1635] {strides = array<i32>} : memref<64x128xf32, #tpu.memory_space<vmem>>, vector<1x16xf32>,
        %get3A_1637 = vector.shape_cast %get3A_1636 : vector<1x16xf32> to vector<16xf32>
        %mul3A_1638 = vector.broadcast %squeeze3A_1556 : f32 to vector<16xf32>
        %mul3A_1639 = arith.mulf %get3A_1637, %mul3A_1638 : vector<16xf32>
        %add3A_1640 = arith.constant 12 : i32
        %add3A_1641 = arith.addi %mul3A_93, %add3A_1640 : i32
        %swap3A_1642 = arith.index_cast %add3A_1641 : i32 to index
        %swap3A_1643 = arith.constant 80 : index
        %swap3A_1644 = tpu.vector_load %arg11[%swap3A_1642, %swap3A_1643] {strides = array<i32>} : memref<64x128xf32, #tpu.memory_space<vmem>>, vector<1x16xf32>,
        %swap3A_1645 = vector.shape_cast %swap3A_1644 : vector<1x16xf32> to vector<16xf32>
        %swap3A_1646 = vector.shape_cast %mul3A_1639 : vector<16xf32> to vector<1x16xf32>
        tpu.vector_store %arg11[%swap3A_1642, %swap3A_1643], %swap3A_1646 {strides = array<i32>} : memref<64x128xf32, #tpu.memory_space<vmem>>, vector<1x16xf32>,
        %add3A_1647 = arith.constant 12 : i32
        %add3A_1648 = arith.addi %mul3A_93, %add3A_1647 : i32
        %get3A_1649 = arith.index_cast %add3A_1648 : i32 to index
        %get3A_1650 = arith.constant 96 : index
        %get3A_1651 = tpu.vector_load %arg11[%get3A_1649, %get3A_1650] {strides = array<i32>} : memref<64x128xf32, #tpu.memory_space<vmem>>, vector<1x16xf32>,
        %get3A_1652 = vector.shape_cast %get3A_1651 : vector<1x16xf32> to vector<16xf32>
        %mul3A_1653 = vector.broadcast %squeeze3A_1556 : f32 to vector<16xf32>
        %mul3A_1654 = arith.mulf %get3A_1652, %mul3A_1653 : vector<16xf32>
        %add3A_1655 = arith.constant 12 : i32
        %add3A_1656 = arith.addi %mul3A_93, %add3A_1655 : i32
        %swap3A_1657 = arith.index_cast %add3A_1656 : i32 to index
        %swap3A_1658 = arith.constant 96 : index
        %swap3A_1659 = tpu.vector_load %arg11[%swap3A_1657, %swap3A_1658] {strides = array<i32>} : memref<64x128xf32, #tpu.memory_space<vmem>>, vector<1x16xf32>,
        %swap3A_1660 = vector.shape_cast %swap3A_1659 : vector<1x16xf32> to vector<16xf32>
        %swap3A_1661 = vector.shape_cast %mul3A_1654 : vector<16xf32> to vector<1x16xf32>
        tpu.vector_store %arg11[%swap3A_1657, %swap3A_1658], %swap3A_1661 {strides = array<i32>} : memref<64x128xf32, #tpu.memory_space<vmem>>, vector<1x16xf32>,
        %add3A_1662 = arith.constant 12 : i32
        %add3A_1663 = arith.addi %mul3A_93, %add3A_1662 : i32
        %get3A_1664 = arith.index_cast %add3A_1663 : i32 to index
        %get3A_1665 = arith.constant 112 : index
        %get3A_1666 = tpu.vector_load %arg11[%get3A_1664, %get3A_1665] {strides = array<i32>} : memref<64x128xf32, #tpu.memory_space<vmem>>, vector<1x16xf32>,
        %get3A_1667 = vector.shape_cast %get3A_1666 : vector<1x16xf32> to vector<16xf32>
        %mul3A_1668 = vector.broadcast %squeeze3A_1556 : f32 to vector<16xf32>
        %mul3A_1669 = arith.mulf %get3A_1667, %mul3A_1668 : vector<16xf32>
        %add3A_1670 = arith.constant 12 : i32
        %add3A_1671 = arith.addi %mul3A_93, %add3A_1670 : i32
        %swap3A_1672 = arith.index_cast %add3A_1671 : i32 to index
        %swap3A_1673 = arith.constant 112 : index
        %swap3A_1674 = tpu.vector_load %arg11[%swap3A_1672, %swap3A_1673] {strides = array<i32>} : memref<64x128xf32, #tpu.memory_space<vmem>>, vector<1x16xf32>,
        %swap3A_1675 = vector.shape_cast %swap3A_1674 : vector<1x16xf32> to vector<16xf32>
        %swap3A_1676 = vector.shape_cast %mul3A_1669 : vector<16xf32> to vector<1x16xf32>
        tpu.vector_store %arg11[%swap3A_1672, %swap3A_1673], %swap3A_1676 {strides = array<i32>} : memref<64x128xf32, #tpu.memory_space<vmem>>, vector<1x16xf32>,
        %slice3A_1677 = vector.extract_strided_slice %get3A_91 {offsets = [13], sizes = [1], strides = [1]} : vector<16xf32> to vector<1xf32>
        %squeeze3A_1678 = vector.extract %slice3A_1677[0] : f32 from vector<1xf32>
        %add3A_1679 = arith.constant 13 : i32
        %add3A_1680 = arith.addi %mul3A_93, %add3A_1679 : i32
        %get3A_1681 = arith.index_cast %add3A_1680 : i32 to index
        %get3A_1682 = arith.constant 0 : index
        %get3A_1683 = tpu.vector_load %arg11[%get3A_1681, %get3A_1682] {strides = array<i32>} : memref<64x128xf32, #tpu.memory_space<vmem>>, vector<1x16xf32>,
        %get3A_1684 = vector.shape_cast %get3A_1683 : vector<1x16xf32> to vector<16xf32>
        %mul3A_1685 = vector.broadcast %squeeze3A_1678 : f32 to vector<16xf32>
        %mul3A_1686 = arith.mulf %get3A_1684, %mul3A_1685 : vector<16xf32>
        %add3A_1687 = arith.constant 13 : i32
        %add3A_1688 = arith.addi %mul3A_93, %add3A_1687 : i32
        %swap3A_1689 = arith.index_cast %add3A_1688 : i32 to index
        %swap3A_1690 = arith.constant 0 : index
        %swap3A_1691 = tpu.vector_load %arg11[%swap3A_1689, %swap3A_1690] {strides = array<i32>} : memref<64x128xf32, #tpu.memory_space<vmem>>, vector<1x16xf32>,
        %swap3A_1692 = vector.shape_cast %swap3A_1691 : vector<1x16xf32> to vector<16xf32>
        %swap3A_1693 = vector.shape_cast %mul3A_1686 : vector<16xf32> to vector<1x16xf32>
        tpu.vector_store %arg11[%swap3A_1689, %swap3A_1690], %swap3A_1693 {strides = array<i32>} : memref<64x128xf32, #tpu.memory_space<vmem>>, vector<1x16xf32>,
        %add3A_1694 = arith.constant 13 : i32
        %add3A_1695 = arith.addi %mul3A_93, %add3A_1694 : i32
        %get3A_1696 = arith.index_cast %add3A_1695 : i32 to index
        %get3A_1697 = arith.constant 16 : index
        %get3A_1698 = tpu.vector_load %arg11[%get3A_1696, %get3A_1697] {strides = array<i32>} : memref<64x128xf32, #tpu.memory_space<vmem>>, vector<1x16xf32>,
        %get3A_1699 = vector.shape_cast %get3A_1698 : vector<1x16xf32> to vector<16xf32>
        %mul3A_1700 = vector.broadcast %squeeze3A_1678 : f32 to vector<16xf32>
        %mul3A_1701 = arith.mulf %get3A_1699, %mul3A_1700 : vector<16xf32>
        %add3A_1702 = arith.constant 13 : i32
        %add3A_1703 = arith.addi %mul3A_93, %add3A_1702 : i32
        %swap3A_1704 = arith.index_cast %add3A_1703 : i32 to index
        %swap3A_1705 = arith.constant 16 : index
        %swap3A_1706 = tpu.vector_load %arg11[%swap3A_1704, %swap3A_1705] {strides = array<i32>} : memref<64x128xf32, #tpu.memory_space<vmem>>, vector<1x16xf32>,
        %swap3A_1707 = vector.shape_cast %swap3A_1706 : vector<1x16xf32> to vector<16xf32>
        %swap3A_1708 = vector.shape_cast %mul3A_1701 : vector<16xf32> to vector<1x16xf32>
        tpu.vector_store %arg11[%swap3A_1704, %swap3A_1705], %swap3A_1708 {strides = array<i32>} : memref<64x128xf32, #tpu.memory_space<vmem>>, vector<1x16xf32>,
        %add3A_1709 = arith.constant 13 : i32
        %add3A_1710 = arith.addi %mul3A_93, %add3A_1709 : i32
        %get3A_1711 = arith.index_cast %add3A_1710 : i32 to index
        %get3A_1712 = arith.constant 32 : index
        %get3A_1713 = tpu.vector_load %arg11[%get3A_1711, %get3A_1712] {strides = array<i32>} : memref<64x128xf32, #tpu.memory_space<vmem>>, vector<1x16xf32>,
        %get3A_1714 = vector.shape_cast %get3A_1713 : vector<1x16xf32> to vector<16xf32>
        %mul3A_1715 = vector.broadcast %squeeze3A_1678 : f32 to vector<16xf32>
        %mul3A_1716 = arith.mulf %get3A_1714, %mul3A_1715 : vector<16xf32>
        %add3A_1717 = arith.constant 13 : i32
        %add3A_1718 = arith.addi %mul3A_93, %add3A_1717 : i32
        %swap3A_1719 = arith.index_cast %add3A_1718 : i32 to index
        %swap3A_1720 = arith.constant 32 : index
        %swap3A_1721 = tpu.vector_load %arg11[%swap3A_1719, %swap3A_1720] {strides = array<i32>} : memref<64x128xf32, #tpu.memory_space<vmem>>, vector<1x16xf32>,
        %swap3A_1722 = vector.shape_cast %swap3A_1721 : vector<1x16xf32> to vector<16xf32>
        %swap3A_1723 = vector.shape_cast %mul3A_1716 : vector<16xf32> to vector<1x16xf32>
        tpu.vector_store %arg11[%swap3A_1719, %swap3A_1720], %swap3A_1723 {strides = array<i32>} : memref<64x128xf32, #tpu.memory_space<vmem>>, vector<1x16xf32>,
        %add3A_1724 = arith.constant 13 : i32
        %add3A_1725 = arith.addi %mul3A_93, %add3A_1724 : i32
        %get3A_1726 = arith.index_cast %add3A_1725 : i32 to index
        %get3A_1727 = arith.constant 48 : index
        %get3A_1728 = tpu.vector_load %arg11[%get3A_1726, %get3A_1727] {strides = array<i32>} : memref<64x128xf32, #tpu.memory_space<vmem>>, vector<1x16xf32>,
        %get3A_1729 = vector.shape_cast %get3A_1728 : vector<1x16xf32> to vector<16xf32>
        %mul3A_1730 = vector.broadcast %squeeze3A_1678 : f32 to vector<16xf32>
        %mul3A_1731 = arith.mulf %get3A_1729, %mul3A_1730 : vector<16xf32>
        %add3A_1732 = arith.constant 13 : i32
        %add3A_1733 = arith.addi %mul3A_93, %add3A_1732 : i32
        %swap3A_1734 = arith.index_cast %add3A_1733 : i32 to index
        %swap3A_1735 = arith.constant 48 : index
        %swap3A_1736 = tpu.vector_load %arg11[%swap3A_1734, %swap3A_1735] {strides = array<i32>} : memref<64x128xf32, #tpu.memory_space<vmem>>, vector<1x16xf32>,
        %swap3A_1737 = vector.shape_cast %swap3A_1736 : vector<1x16xf32> to vector<16xf32>
        %swap3A_1738 = vector.shape_cast %mul3A_1731 : vector<16xf32> to vector<1x16xf32>
        tpu.vector_store %arg11[%swap3A_1734, %swap3A_1735], %swap3A_1738 {strides = array<i32>} : memref<64x128xf32, #tpu.memory_space<vmem>>, vector<1x16xf32>,
        %add3A_1739 = arith.constant 13 : i32
        %add3A_1740 = arith.addi %mul3A_93, %add3A_1739 : i32
        %get3A_1741 = arith.index_cast %add3A_1740 : i32 to index
        %get3A_1742 = arith.constant 64 : index
        %get3A_1743 = tpu.vector_load %arg11[%get3A_1741, %get3A_1742] {strides = array<i32>} : memref<64x128xf32, #tpu.memory_space<vmem>>, vector<1x16xf32>,
        %get3A_1744 = vector.shape_cast %get3A_1743 : vector<1x16xf32> to vector<16xf32>
        %mul3A_1745 = vector.broadcast %squeeze3A_1678 : f32 to vector<16xf32>
        %mul3A_1746 = arith.mulf %get3A_1744, %mul3A_1745 : vector<16xf32>
        %add3A_1747 = arith.constant 13 : i32
        %add3A_1748 = arith.addi %mul3A_93, %add3A_1747 : i32
        %swap3A_1749 = arith.index_cast %add3A_1748 : i32 to index
        %swap3A_1750 = arith.constant 64 : index
        %swap3A_1751 = tpu.vector_load %arg11[%swap3A_1749, %swap3A_1750] {strides = array<i32>} : memref<64x128xf32, #tpu.memory_space<vmem>>, vector<1x16xf32>,
        %swap3A_1752 = vector.shape_cast %swap3A_1751 : vector<1x16xf32> to vector<16xf32>
        %swap3A_1753 = vector.shape_cast %mul3A_1746 : vector<16xf32> to vector<1x16xf32>
        tpu.vector_store %arg11[%swap3A_1749, %swap3A_1750], %swap3A_1753 {strides = array<i32>} : memref<64x128xf32, #tpu.memory_space<vmem>>, vector<1x16xf32>,
        %add3A_1754 = arith.constant 13 : i32
        %add3A_1755 = arith.addi %mul3A_93, %add3A_1754 : i32
        %get3A_1756 = arith.index_cast %add3A_1755 : i32 to index
        %get3A_1757 = arith.constant 80 : index
        %get3A_1758 = tpu.vector_load %arg11[%get3A_1756, %get3A_1757] {strides = array<i32>} : memref<64x128xf32, #tpu.memory_space<vmem>>, vector<1x16xf32>,
        %get3A_1759 = vector.shape_cast %get3A_1758 : vector<1x16xf32> to vector<16xf32>
        %mul3A_1760 = vector.broadcast %squeeze3A_1678 : f32 to vector<16xf32>
        %mul3A_1761 = arith.mulf %get3A_1759, %mul3A_1760 : vector<16xf32>
        %add3A_1762 = arith.constant 13 : i32
        %add3A_1763 = arith.addi %mul3A_93, %add3A_1762 : i32
        %swap3A_1764 = arith.index_cast %add3A_1763 : i32 to index
        %swap3A_1765 = arith.constant 80 : index
        %swap3A_1766 = tpu.vector_load %arg11[%swap3A_1764, %swap3A_1765] {strides = array<i32>} : memref<64x128xf32, #tpu.memory_space<vmem>>, vector<1x16xf32>,
        %swap3A_1767 = vector.shape_cast %swap3A_1766 : vector<1x16xf32> to vector<16xf32>
        %swap3A_1768 = vector.shape_cast %mul3A_1761 : vector<16xf32> to vector<1x16xf32>
        tpu.vector_store %arg11[%swap3A_1764, %swap3A_1765], %swap3A_1768 {strides = array<i32>} : memref<64x128xf32, #tpu.memory_space<vmem>>, vector<1x16xf32>,
        %add3A_1769 = arith.constant 13 : i32
        %add3A_1770 = arith.addi %mul3A_93, %add3A_1769 : i32
        %get3A_1771 = arith.index_cast %add3A_1770 : i32 to index
        %get3A_1772 = arith.constant 96 : index
        %get3A_1773 = tpu.vector_load %arg11[%get3A_1771, %get3A_1772] {strides = array<i32>} : memref<64x128xf32, #tpu.memory_space<vmem>>, vector<1x16xf32>,
        %get3A_1774 = vector.shape_cast %get3A_1773 : vector<1x16xf32> to vector<16xf32>
        %mul3A_1775 = vector.broadcast %squeeze3A_1678 : f32 to vector<16xf32>
        %mul3A_1776 = arith.mulf %get3A_1774, %mul3A_1775 : vector<16xf32>
        %add3A_1777 = arith.constant 13 : i32
        %add3A_1778 = arith.addi %mul3A_93, %add3A_1777 : i32
        %swap3A_1779 = arith.index_cast %add3A_1778 : i32 to index
        %swap3A_1780 = arith.constant 96 : index
        %swap3A_1781 = tpu.vector_load %arg11[%swap3A_1779, %swap3A_1780] {strides = array<i32>} : memref<64x128xf32, #tpu.memory_space<vmem>>, vector<1x16xf32>,
        %swap3A_1782 = vector.shape_cast %swap3A_1781 : vector<1x16xf32> to vector<16xf32>
        %swap3A_1783 = vector.shape_cast %mul3A_1776 : vector<16xf32> to vector<1x16xf32>
        tpu.vector_store %arg11[%swap3A_1779, %swap3A_1780], %swap3A_1783 {strides = array<i32>} : memref<64x128xf32, #tpu.memory_space<vmem>>, vector<1x16xf32>,
        %add3A_1784 = arith.constant 13 : i32
        %add3A_1785 = arith.addi %mul3A_93, %add3A_1784 : i32
        %get3A_1786 = arith.index_cast %add3A_1785 : i32 to index
        %get3A_1787 = arith.constant 112 : index
        %get3A_1788 = tpu.vector_load %arg11[%get3A_1786, %get3A_1787] {strides = array<i32>} : memref<64x128xf32, #tpu.memory_space<vmem>>, vector<1x16xf32>,
        %get3A_1789 = vector.shape_cast %get3A_1788 : vector<1x16xf32> to vector<16xf32>
        %mul3A_1790 = vector.broadcast %squeeze3A_1678 : f32 to vector<16xf32>
        %mul3A_1791 = arith.mulf %get3A_1789, %mul3A_1790 : vector<16xf32>
        %add3A_1792 = arith.constant 13 : i32
        %add3A_1793 = arith.addi %mul3A_93, %add3A_1792 : i32
        %swap3A_1794 = arith.index_cast %add3A_1793 : i32 to index
        %swap3A_1795 = arith.constant 112 : index
        %swap3A_1796 = tpu.vector_load %arg11[%swap3A_1794, %swap3A_1795] {strides = array<i32>} : memref<64x128xf32, #tpu.memory_space<vmem>>, vector<1x16xf32>,
        %swap3A_1797 = vector.shape_cast %swap3A_1796 : vector<1x16xf32> to vector<16xf32>
        %swap3A_1798 = vector.shape_cast %mul3A_1791 : vector<16xf32> to vector<1x16xf32>
        tpu.vector_store %arg11[%swap3A_1794, %swap3A_1795], %swap3A_1798 {strides = array<i32>} : memref<64x128xf32, #tpu.memory_space<vmem>>, vector<1x16xf32>,
        %slice3A_1799 = vector.extract_strided_slice %get3A_91 {offsets = [14], sizes = [1], strides = [1]} : vector<16xf32> to vector<1xf32>
        %squeeze3A_1800 = vector.extract %slice3A_1799[0] : f32 from vector<1xf32>
        %add3A_1801 = arith.constant 14 : i32
        %add3A_1802 = arith.addi %mul3A_93, %add3A_1801 : i32
        %get3A_1803 = arith.index_cast %add3A_1802 : i32 to index
        %get3A_1804 = arith.constant 0 : index
        %get3A_1805 = tpu.vector_load %arg11[%get3A_1803, %get3A_1804] {strides = array<i32>} : memref<64x128xf32, #tpu.memory_space<vmem>>, vector<1x16xf32>,
        %get3A_1806 = vector.shape_cast %get3A_1805 : vector<1x16xf32> to vector<16xf32>
        %mul3A_1807 = vector.broadcast %squeeze3A_1800 : f32 to vector<16xf32>
        %mul3A_1808 = arith.mulf %get3A_1806, %mul3A_1807 : vector<16xf32>
        %add3A_1809 = arith.constant 14 : i32
        %add3A_1810 = arith.addi %mul3A_93, %add3A_1809 : i32
        %swap3A_1811 = arith.index_cast %add3A_1810 : i32 to index
        %swap3A_1812 = arith.constant 0 : index
        %swap3A_1813 = tpu.vector_load %arg11[%swap3A_1811, %swap3A_1812] {strides = array<i32>} : memref<64x128xf32, #tpu.memory_space<vmem>>, vector<1x16xf32>,
        %swap3A_1814 = vector.shape_cast %swap3A_1813 : vector<1x16xf32> to vector<16xf32>
        %swap3A_1815 = vector.shape_cast %mul3A_1808 : vector<16xf32> to vector<1x16xf32>
        tpu.vector_store %arg11[%swap3A_1811, %swap3A_1812], %swap3A_1815 {strides = array<i32>} : memref<64x128xf32, #tpu.memory_space<vmem>>, vector<1x16xf32>,
        %add3A_1816 = arith.constant 14 : i32
        %add3A_1817 = arith.addi %mul3A_93, %add3A_1816 : i32
        %get3A_1818 = arith.index_cast %add3A_1817 : i32 to index
        %get3A_1819 = arith.constant 16 : index
        %get3A_1820 = tpu.vector_load %arg11[%get3A_1818, %get3A_1819] {strides = array<i32>} : memref<64x128xf32, #tpu.memory_space<vmem>>, vector<1x16xf32>,
        %get3A_1821 = vector.shape_cast %get3A_1820 : vector<1x16xf32> to vector<16xf32>
        %mul3A_1822 = vector.broadcast %squeeze3A_1800 : f32 to vector<16xf32>
        %mul3A_1823 = arith.mulf %get3A_1821, %mul3A_1822 : vector<16xf32>
        %add3A_1824 = arith.constant 14 : i32
        %add3A_1825 = arith.addi %mul3A_93, %add3A_1824 : i32
        %swap3A_1826 = arith.index_cast %add3A_1825 : i32 to index
        %swap3A_1827 = arith.constant 16 : index
        %swap3A_1828 = tpu.vector_load %arg11[%swap3A_1826, %swap3A_1827] {strides = array<i32>} : memref<64x128xf32, #tpu.memory_space<vmem>>, vector<1x16xf32>,
        %swap3A_1829 = vector.shape_cast %swap3A_1828 : vector<1x16xf32> to vector<16xf32>
        %swap3A_1830 = vector.shape_cast %mul3A_1823 : vector<16xf32> to vector<1x16xf32>
        tpu.vector_store %arg11[%swap3A_1826, %swap3A_1827], %swap3A_1830 {strides = array<i32>} : memref<64x128xf32, #tpu.memory_space<vmem>>, vector<1x16xf32>,
        %add3A_1831 = arith.constant 14 : i32
        %add3A_1832 = arith.addi %mul3A_93, %add3A_1831 : i32
        %get3A_1833 = arith.index_cast %add3A_1832 : i32 to index
        %get3A_1834 = arith.constant 32 : index
        %get3A_1835 = tpu.vector_load %arg11[%get3A_1833, %get3A_1834] {strides = array<i32>} : memref<64x128xf32, #tpu.memory_space<vmem>>, vector<1x16xf32>,
        %get3A_1836 = vector.shape_cast %get3A_1835 : vector<1x16xf32> to vector<16xf32>
        %mul3A_1837 = vector.broadcast %squeeze3A_1800 : f32 to vector<16xf32>
        %mul3A_1838 = arith.mulf %get3A_1836, %mul3A_1837 : vector<16xf32>
        %add3A_1839 = arith.constant 14 : i32
        %add3A_1840 = arith.addi %mul3A_93, %add3A_1839 : i32
        %swap3A_1841 = arith.index_cast %add3A_1840 : i32 to index
        %swap3A_1842 = arith.constant 32 : index
        %swap3A_1843 = tpu.vector_load %arg11[%swap3A_1841, %swap3A_1842] {strides = array<i32>} : memref<64x128xf32, #tpu.memory_space<vmem>>, vector<1x16xf32>,
        %swap3A_1844 = vector.shape_cast %swap3A_1843 : vector<1x16xf32> to vector<16xf32>
        %swap3A_1845 = vector.shape_cast %mul3A_1838 : vector<16xf32> to vector<1x16xf32>
        tpu.vector_store %arg11[%swap3A_1841, %swap3A_1842], %swap3A_1845 {strides = array<i32>} : memref<64x128xf32, #tpu.memory_space<vmem>>, vector<1x16xf32>,
        %add3A_1846 = arith.constant 14 : i32
        %add3A_1847 = arith.addi %mul3A_93, %add3A_1846 : i32
        %get3A_1848 = arith.index_cast %add3A_1847 : i32 to index
        %get3A_1849 = arith.constant 48 : index
        %get3A_1850 = tpu.vector_load %arg11[%get3A_1848, %get3A_1849] {strides = array<i32>} : memref<64x128xf32, #tpu.memory_space<vmem>>, vector<1x16xf32>,
        %get3A_1851 = vector.shape_cast %get3A_1850 : vector<1x16xf32> to vector<16xf32>
        %mul3A_1852 = vector.broadcast %squeeze3A_1800 : f32 to vector<16xf32>
        %mul3A_1853 = arith.mulf %get3A_1851, %mul3A_1852 : vector<16xf32>
        %add3A_1854 = arith.constant 14 : i32
        %add3A_1855 = arith.addi %mul3A_93, %add3A_1854 : i32
        %swap3A_1856 = arith.index_cast %add3A_1855 : i32 to index
        %swap3A_1857 = arith.constant 48 : index
        %swap3A_1858 = tpu.vector_load %arg11[%swap3A_1856, %swap3A_1857] {strides = array<i32>} : memref<64x128xf32, #tpu.memory_space<vmem>>, vector<1x16xf32>,
        %swap3A_1859 = vector.shape_cast %swap3A_1858 : vector<1x16xf32> to vector<16xf32>
        %swap3A_1860 = vector.shape_cast %mul3A_1853 : vector<16xf32> to vector<1x16xf32>
        tpu.vector_store %arg11[%swap3A_1856, %swap3A_1857], %swap3A_1860 {strides = array<i32>} : memref<64x128xf32, #tpu.memory_space<vmem>>, vector<1x16xf32>,
        %add3A_1861 = arith.constant 14 : i32
        %add3A_1862 = arith.addi %mul3A_93, %add3A_1861 : i32
        %get3A_1863 = arith.index_cast %add3A_1862 : i32 to index
        %get3A_1864 = arith.constant 64 : index
        %get3A_1865 = tpu.vector_load %arg11[%get3A_1863, %get3A_1864] {strides = array<i32>} : memref<64x128xf32, #tpu.memory_space<vmem>>, vector<1x16xf32>,
        %get3A_1866 = vector.shape_cast %get3A_1865 : vector<1x16xf32> to vector<16xf32>
        %mul3A_1867 = vector.broadcast %squeeze3A_1800 : f32 to vector<16xf32>
        %mul3A_1868 = arith.mulf %get3A_1866, %mul3A_1867 : vector<16xf32>
        %add3A_1869 = arith.constant 14 : i32
        %add3A_1870 = arith.addi %mul3A_93, %add3A_1869 : i32
        %swap3A_1871 = arith.index_cast %add3A_1870 : i32 to index
        %swap3A_1872 = arith.constant 64 : index
        %swap3A_1873 = tpu.vector_load %arg11[%swap3A_1871, %swap3A_1872] {strides = array<i32>} : memref<64x128xf32, #tpu.memory_space<vmem>>, vector<1x16xf32>,
        %swap3A_1874 = vector.shape_cast %swap3A_1873 : vector<1x16xf32> to vector<16xf32>
        %swap3A_1875 = vector.shape_cast %mul3A_1868 : vector<16xf32> to vector<1x16xf32>
        tpu.vector_store %arg11[%swap3A_1871, %swap3A_1872], %swap3A_1875 {strides = array<i32>} : memref<64x128xf32, #tpu.memory_space<vmem>>, vector<1x16xf32>,
        %add3A_1876 = arith.constant 14 : i32
        %add3A_1877 = arith.addi %mul3A_93, %add3A_1876 : i32
        %get3A_1878 = arith.index_cast %add3A_1877 : i32 to index
        %get3A_1879 = arith.constant 80 : index
        %get3A_1880 = tpu.vector_load %arg11[%get3A_1878, %get3A_1879] {strides = array<i32>} : memref<64x128xf32, #tpu.memory_space<vmem>>, vector<1x16xf32>,
        %get3A_1881 = vector.shape_cast %get3A_1880 : vector<1x16xf32> to vector<16xf32>
        %mul3A_1882 = vector.broadcast %squeeze3A_1800 : f32 to vector<16xf32>
        %mul3A_1883 = arith.mulf %get3A_1881, %mul3A_1882 : vector<16xf32>
        %add3A_1884 = arith.constant 14 : i32
        %add3A_1885 = arith.addi %mul3A_93, %add3A_1884 : i32
        %swap3A_1886 = arith.index_cast %add3A_1885 : i32 to index
        %swap3A_1887 = arith.constant 80 : index
        %swap3A_1888 = tpu.vector_load %arg11[%swap3A_1886, %swap3A_1887] {strides = array<i32>} : memref<64x128xf32, #tpu.memory_space<vmem>>, vector<1x16xf32>,
        %swap3A_1889 = vector.shape_cast %swap3A_1888 : vector<1x16xf32> to vector<16xf32>
        %swap3A_1890 = vector.shape_cast %mul3A_1883 : vector<16xf32> to vector<1x16xf32>
        tpu.vector_store %arg11[%swap3A_1886, %swap3A_1887], %swap3A_1890 {strides = array<i32>} : memref<64x128xf32, #tpu.memory_space<vmem>>, vector<1x16xf32>,
        %add3A_1891 = arith.constant 14 : i32
        %add3A_1892 = arith.addi %mul3A_93, %add3A_1891 : i32
        %get3A_1893 = arith.index_cast %add3A_1892 : i32 to index
        %get3A_1894 = arith.constant 96 : index
        %get3A_1895 = tpu.vector_load %arg11[%get3A_1893, %get3A_1894] {strides = array<i32>} : memref<64x128xf32, #tpu.memory_space<vmem>>, vector<1x16xf32>,
        %get3A_1896 = vector.shape_cast %get3A_1895 : vector<1x16xf32> to vector<16xf32>
        %mul3A_1897 = vector.broadcast %squeeze3A_1800 : f32 to vector<16xf32>
        %mul3A_1898 = arith.mulf %get3A_1896, %mul3A_1897 : vector<16xf32>
        %add3A_1899 = arith.constant 14 : i32
        %add3A_1900 = arith.addi %mul3A_93, %add3A_1899 : i32
        %swap3A_1901 = arith.index_cast %add3A_1900 : i32 to index
        %swap3A_1902 = arith.constant 96 : index
        %swap3A_1903 = tpu.vector_load %arg11[%swap3A_1901, %swap3A_1902] {strides = array<i32>} : memref<64x128xf32, #tpu.memory_space<vmem>>, vector<1x16xf32>,
        %swap3A_1904 = vector.shape_cast %swap3A_1903 : vector<1x16xf32> to vector<16xf32>
        %swap3A_1905 = vector.shape_cast %mul3A_1898 : vector<16xf32> to vector<1x16xf32>
        tpu.vector_store %arg11[%swap3A_1901, %swap3A_1902], %swap3A_1905 {strides = array<i32>} : memref<64x128xf32, #tpu.memory_space<vmem>>, vector<1x16xf32>,
        %add3A_1906 = arith.constant 14 : i32
        %add3A_1907 = arith.addi %mul3A_93, %add3A_1906 : i32
        %get3A_1908 = arith.index_cast %add3A_1907 : i32 to index
        %get3A_1909 = arith.constant 112 : index
        %get3A_1910 = tpu.vector_load %arg11[%get3A_1908, %get3A_1909] {strides = array<i32>} : memref<64x128xf32, #tpu.memory_space<vmem>>, vector<1x16xf32>,
        %get3A_1911 = vector.shape_cast %get3A_1910 : vector<1x16xf32> to vector<16xf32>
        %mul3A_1912 = vector.broadcast %squeeze3A_1800 : f32 to vector<16xf32>
        %mul3A_1913 = arith.mulf %get3A_1911, %mul3A_1912 : vector<16xf32>
        %add3A_1914 = arith.constant 14 : i32
        %add3A_1915 = arith.addi %mul3A_93, %add3A_1914 : i32
        %swap3A_1916 = arith.index_cast %add3A_1915 : i32 to index
        %swap3A_1917 = arith.constant 112 : index
        %swap3A_1918 = tpu.vector_load %arg11[%swap3A_1916, %swap3A_1917] {strides = array<i32>} : memref<64x128xf32, #tpu.memory_space<vmem>>, vector<1x16xf32>,
        %swap3A_1919 = vector.shape_cast %swap3A_1918 : vector<1x16xf32> to vector<16xf32>
        %swap3A_1920 = vector.shape_cast %mul3A_1913 : vector<16xf32> to vector<1x16xf32>
        tpu.vector_store %arg11[%swap3A_1916, %swap3A_1917], %swap3A_1920 {strides = array<i32>} : memref<64x128xf32, #tpu.memory_space<vmem>>, vector<1x16xf32>,
        %slice3A_1921 = vector.extract_strided_slice %get3A_91 {offsets = [15], sizes = [1], strides = [1]} : vector<16xf32> to vector<1xf32>
        %squeeze3A_1922 = vector.extract %slice3A_1921[0] : f32 from vector<1xf32>
        %add3A_1923 = arith.constant 15 : i32
        %add3A_1924 = arith.addi %mul3A_93, %add3A_1923 : i32
        %get3A_1925 = arith.index_cast %add3A_1924 : i32 to index
        %get3A_1926 = arith.constant 0 : index
        %get3A_1927 = tpu.vector_load %arg11[%get3A_1925, %get3A_1926] {strides = array<i32>} : memref<64x128xf32, #tpu.memory_space<vmem>>, vector<1x16xf32>,
        %get3A_1928 = vector.shape_cast %get3A_1927 : vector<1x16xf32> to vector<16xf32>
        %mul3A_1929 = vector.broadcast %squeeze3A_1922 : f32 to vector<16xf32>
        %mul3A_1930 = arith.mulf %get3A_1928, %mul3A_1929 : vector<16xf32>
        %add3A_1931 = arith.constant 15 : i32
        %add3A_1932 = arith.addi %mul3A_93, %add3A_1931 : i32
        %swap3A_1933 = arith.index_cast %add3A_1932 : i32 to index
        %swap3A_1934 = arith.constant 0 : index
        %swap3A_1935 = tpu.vector_load %arg11[%swap3A_1933, %swap3A_1934] {strides = array<i32>} : memref<64x128xf32, #tpu.memory_space<vmem>>, vector<1x16xf32>,
        %swap3A_1936 = vector.shape_cast %swap3A_1935 : vector<1x16xf32> to vector<16xf32>
        %swap3A_1937 = vector.shape_cast %mul3A_1930 : vector<16xf32> to vector<1x16xf32>
        tpu.vector_store %arg11[%swap3A_1933, %swap3A_1934], %swap3A_1937 {strides = array<i32>} : memref<64x128xf32, #tpu.memory_space<vmem>>, vector<1x16xf32>,
        %add3A_1938 = arith.constant 15 : i32
        %add3A_1939 = arith.addi %mul3A_93, %add3A_1938 : i32
        %get3A_1940 = arith.index_cast %add3A_1939 : i32 to index
        %get3A_1941 = arith.constant 16 : index
        %get3A_1942 = tpu.vector_load %arg11[%get3A_1940, %get3A_1941] {strides = array<i32>} : memref<64x128xf32, #tpu.memory_space<vmem>>, vector<1x16xf32>,
        %get3A_1943 = vector.shape_cast %get3A_1942 : vector<1x16xf32> to vector<16xf32>
        %mul3A_1944 = vector.broadcast %squeeze3A_1922 : f32 to vector<16xf32>
        %mul3A_1945 = arith.mulf %get3A_1943, %mul3A_1944 : vector<16xf32>
        %add3A_1946 = arith.constant 15 : i32
        %add3A_1947 = arith.addi %mul3A_93, %add3A_1946 : i32
        %swap3A_1948 = arith.index_cast %add3A_1947 : i32 to index
        %swap3A_1949 = arith.constant 16 : index
        %swap3A_1950 = tpu.vector_load %arg11[%swap3A_1948, %swap3A_1949] {strides = array<i32>} : memref<64x128xf32, #tpu.memory_space<vmem>>, vector<1x16xf32>,
        %swap3A_1951 = vector.shape_cast %swap3A_1950 : vector<1x16xf32> to vector<16xf32>
        %swap3A_1952 = vector.shape_cast %mul3A_1945 : vector<16xf32> to vector<1x16xf32>
        tpu.vector_store %arg11[%swap3A_1948, %swap3A_1949], %swap3A_1952 {strides = array<i32>} : memref<64x128xf32, #tpu.memory_space<vmem>>, vector<1x16xf32>,
        %add3A_1953 = arith.constant 15 : i32
        %add3A_1954 = arith.addi %mul3A_93, %add3A_1953 : i32
        %get3A_1955 = arith.index_cast %add3A_1954 : i32 to index
        %get3A_1956 = arith.constant 32 : index
        %get3A_1957 = tpu.vector_load %arg11[%get3A_1955, %get3A_1956] {strides = array<i32>} : memref<64x128xf32, #tpu.memory_space<vmem>>, vector<1x16xf32>,
        %get3A_1958 = vector.shape_cast %get3A_1957 : vector<1x16xf32> to vector<16xf32>
        %mul3A_1959 = vector.broadcast %squeeze3A_1922 : f32 to vector<16xf32>
        %mul3A_1960 = arith.mulf %get3A_1958, %mul3A_1959 : vector<16xf32>
        %add3A_1961 = arith.constant 15 : i32
        %add3A_1962 = arith.addi %mul3A_93, %add3A_1961 : i32
        %swap3A_1963 = arith.index_cast %add3A_1962 : i32 to index
        %swap3A_1964 = arith.constant 32 : index
        %swap3A_1965 = tpu.vector_load %arg11[%swap3A_1963, %swap3A_1964] {strides = array<i32>} : memref<64x128xf32, #tpu.memory_space<vmem>>, vector<1x16xf32>,
        %swap3A_1966 = vector.shape_cast %swap3A_1965 : vector<1x16xf32> to vector<16xf32>
        %swap3A_1967 = vector.shape_cast %mul3A_1960 : vector<16xf32> to vector<1x16xf32>
        tpu.vector_store %arg11[%swap3A_1963, %swap3A_1964], %swap3A_1967 {strides = array<i32>} : memref<64x128xf32, #tpu.memory_space<vmem>>, vector<1x16xf32>,
        %add3A_1968 = arith.constant 15 : i32
        %add3A_1969 = arith.addi %mul3A_93, %add3A_1968 : i32
        %get3A_1970 = arith.index_cast %add3A_1969 : i32 to index
        %get3A_1971 = arith.constant 48 : index
        %get3A_1972 = tpu.vector_load %arg11[%get3A_1970, %get3A_1971] {strides = array<i32>} : memref<64x128xf32, #tpu.memory_space<vmem>>, vector<1x16xf32>,
        %get3A_1973 = vector.shape_cast %get3A_1972 : vector<1x16xf32> to vector<16xf32>
        %mul3A_1974 = vector.broadcast %squeeze3A_1922 : f32 to vector<16xf32>
        %mul3A_1975 = arith.mulf %get3A_1973, %mul3A_1974 : vector<16xf32>
        %add3A_1976 = arith.constant 15 : i32
        %add3A_1977 = arith.addi %mul3A_93, %add3A_1976 : i32
        %swap3A_1978 = arith.index_cast %add3A_1977 : i32 to index
        %swap3A_1979 = arith.constant 48 : index
        %swap3A_1980 = tpu.vector_load %arg11[%swap3A_1978, %swap3A_1979] {strides = array<i32>} : memref<64x128xf32, #tpu.memory_space<vmem>>, vector<1x16xf32>,
        %swap3A_1981 = vector.shape_cast %swap3A_1980 : vector<1x16xf32> to vector<16xf32>
        %swap3A_1982 = vector.shape_cast %mul3A_1975 : vector<16xf32> to vector<1x16xf32>
        tpu.vector_store %arg11[%swap3A_1978, %swap3A_1979], %swap3A_1982 {strides = array<i32>} : memref<64x128xf32, #tpu.memory_space<vmem>>, vector<1x16xf32>,
        %add3A_1983 = arith.constant 15 : i32
        %add3A_1984 = arith.addi %mul3A_93, %add3A_1983 : i32
        %get3A_1985 = arith.index_cast %add3A_1984 : i32 to index
        %get3A_1986 = arith.constant 64 : index
        %get3A_1987 = tpu.vector_load %arg11[%get3A_1985, %get3A_1986] {strides = array<i32>} : memref<64x128xf32, #tpu.memory_space<vmem>>, vector<1x16xf32>,
        %get3A_1988 = vector.shape_cast %get3A_1987 : vector<1x16xf32> to vector<16xf32>
        %mul3A_1989 = vector.broadcast %squeeze3A_1922 : f32 to vector<16xf32>
        %mul3A_1990 = arith.mulf %get3A_1988, %mul3A_1989 : vector<16xf32>
        %add3A_1991 = arith.constant 15 : i32
        %add3A_1992 = arith.addi %mul3A_93, %add3A_1991 : i32
        %swap3A_1993 = arith.index_cast %add3A_1992 : i32 to index
        %swap3A_1994 = arith.constant 64 : index
        %swap3A_1995 = tpu.vector_load %arg11[%swap3A_1993, %swap3A_1994] {strides = array<i32>} : memref<64x128xf32, #tpu.memory_space<vmem>>, vector<1x16xf32>,
        %swap3A_1996 = vector.shape_cast %swap3A_1995 : vector<1x16xf32> to vector<16xf32>
        %swap3A_1997 = vector.shape_cast %mul3A_1990 : vector<16xf32> to vector<1x16xf32>
        tpu.vector_store %arg11[%swap3A_1993, %swap3A_1994], %swap3A_1997 {strides = array<i32>} : memref<64x128xf32, #tpu.memory_space<vmem>>, vector<1x16xf32>,
        %add3A_1998 = arith.constant 15 : i32
        %add3A_1999 = arith.addi %mul3A_93, %add3A_1998 : i32
        %get3A_2000 = arith.index_cast %add3A_1999 : i32 to index
        %get3A_2001 = arith.constant 80 : index
        %get3A_2002 = tpu.vector_load %arg11[%get3A_2000, %get3A_2001] {strides = array<i32>} : memref<64x128xf32, #tpu.memory_space<vmem>>, vector<1x16xf32>,
        %get3A_2003 = vector.shape_cast %get3A_2002 : vector<1x16xf32> to vector<16xf32>
        %mul3A_2004 = vector.broadcast %squeeze3A_1922 : f32 to vector<16xf32>
        %mul3A_2005 = arith.mulf %get3A_2003, %mul3A_2004 : vector<16xf32>
        %add3A_2006 = arith.constant 15 : i32
        %add3A_2007 = arith.addi %mul3A_93, %add3A_2006 : i32
        %swap3A_2008 = arith.index_cast %add3A_2007 : i32 to index
        %swap3A_2009 = arith.constant 80 : index
        %swap3A_2010 = tpu.vector_load %arg11[%swap3A_2008, %swap3A_2009] {strides = array<i32>} : memref<64x128xf32, #tpu.memory_space<vmem>>, vector<1x16xf32>,
        %swap3A_2011 = vector.shape_cast %swap3A_2010 : vector<1x16xf32> to vector<16xf32>
        %swap3A_2012 = vector.shape_cast %mul3A_2005 : vector<16xf32> to vector<1x16xf32>
        tpu.vector_store %arg11[%swap3A_2008, %swap3A_2009], %swap3A_2012 {strides = array<i32>} : memref<64x128xf32, #tpu.memory_space<vmem>>, vector<1x16xf32>,
        %add3A_2013 = arith.constant 15 : i32
        %add3A_2014 = arith.addi %mul3A_93, %add3A_2013 : i32
        %get3A_2015 = arith.index_cast %add3A_2014 : i32 to index
        %get3A_2016 = arith.constant 96 : index
        %get3A_2017 = tpu.vector_load %arg11[%get3A_2015, %get3A_2016] {strides = array<i32>} : memref<64x128xf32, #tpu.memory_space<vmem>>, vector<1x16xf32>,
        %get3A_2018 = vector.shape_cast %get3A_2017 : vector<1x16xf32> to vector<16xf32>
        %mul3A_2019 = vector.broadcast %squeeze3A_1922 : f32 to vector<16xf32>
        %mul3A_2020 = arith.mulf %get3A_2018, %mul3A_2019 : vector<16xf32>
        %add3A_2021 = arith.constant 15 : i32
        %add3A_2022 = arith.addi %mul3A_93, %add3A_2021 : i32
        %swap3A_2023 = arith.index_cast %add3A_2022 : i32 to index
        %swap3A_2024 = arith.constant 96 : index
        %swap3A_2025 = tpu.vector_load %arg11[%swap3A_2023, %swap3A_2024] {strides = array<i32>} : memref<64x128xf32, #tpu.memory_space<vmem>>, vector<1x16xf32>,
        %swap3A_2026 = vector.shape_cast %swap3A_2025 : vector<1x16xf32> to vector<16xf32>
        %swap3A_2027 = vector.shape_cast %mul3A_2020 : vector<16xf32> to vector<1x16xf32>
        tpu.vector_store %arg11[%swap3A_2023, %swap3A_2024], %swap3A_2027 {strides = array<i32>} : memref<64x128xf32, #tpu.memory_space<vmem>>, vector<1x16xf32>,
        %add3A_2028 = arith.constant 15 : i32
        %add3A_2029 = arith.addi %mul3A_93, %add3A_2028 : i32
        %get3A_2030 = arith.index_cast %add3A_2029 : i32 to index
        %get3A_2031 = arith.constant 112 : index
        %get3A_2032 = tpu.vector_load %arg11[%get3A_2030, %get3A_2031] {strides = array<i32>} : memref<64x128xf32, #tpu.memory_space<vmem>>, vector<1x16xf32>,
        %get3A_2033 = vector.shape_cast %get3A_2032 : vector<1x16xf32> to vector<16xf32>
        %mul3A_2034 = vector.broadcast %squeeze3A_1922 : f32 to vector<16xf32>
        %mul3A_2035 = arith.mulf %get3A_2033, %mul3A_2034 : vector<16xf32>
        %add3A_2036 = arith.constant 15 : i32
        %add3A_2037 = arith.addi %mul3A_93, %add3A_2036 : i32
        %swap3A_2038 = arith.index_cast %add3A_2037 : i32 to index
        %swap3A_2039 = arith.constant 112 : index
        %swap3A_2040 = tpu.vector_load %arg11[%swap3A_2038, %swap3A_2039] {strides = array<i32>} : memref<64x128xf32, #tpu.memory_space<vmem>>, vector<1x16xf32>,
        %swap3A_2041 = vector.shape_cast %swap3A_2040 : vector<1x16xf32> to vector<16xf32>
        %swap3A_2042 = vector.shape_cast %mul3A_2035 : vector<16xf32> to vector<1x16xf32>
        tpu.vector_store %arg11[%swap3A_2038, %swap3A_2039], %swap3A_2042 {strides = array<i32>} : memref<64x128xf32, #tpu.memory_space<vmem>>, vector<1x16xf32>,
      }
      %scan3A_65 = arith.constant 4 : i32
      %dma_start3A_66 = arith.constant 64 : i32
      %dma_start3A_67 = tpu.memref_slice %arg8[%scan3A_25, %dma_start3A_66] : memref<79x128xi32, #tpu.memory_space<vmem>> -> memref<1x64xi32, #tpu.memory_space<vmem>>
      %dma_start3A_68 = tpu.memref_squeeze %dma_start3A_67 : memref<1x64xi32, #tpu.memory_space<vmem>> -> memref<64xi32, #tpu.memory_space<vmem>>
      %dma_start3A_69 = arith.constant 0 : i32
      %dma_start3A_70 = arith.constant 0 : i32
      %dma_start3A_71 = tpu.memref_slice %arg12[%dma_start3A_69, %dma_start3A_70] : memref<10112x128xf32, #tpu.memory_space<vmem_shared>> -> memref<10112x128xf32, #tpu.memory_space<vmem_shared>>
      tpu.enqueue_indirect_dma source(%arg11 : memref<64x128xf32, #tpu.memory_space<vmem>>) target(%dma_start3A_71 : memref<10112x128xf32, #tpu.memory_space<vmem_shared>>) offsets(%dma_start3A_68 : memref<64xi32, #tpu.memory_space<vmem>>) semaphore(%arg16 : memref<!tpu.dma_semaphore, #tpu.memory_space<semaphore_mem>>) {add = true}
      %dma_wait3A_72 = arith.constant 0 : i32
      %dma_wait3A_73 = tpu.memref_slice %arg8[%scan3A_25, %dma_wait3A_72] : memref<79x128xi32, #tpu.memory_space<vmem>> -> memref<1x64xi32, #tpu.memory_space<vmem>>
      %dma_wait3A_74 = tpu.memref_squeeze %dma_wait3A_73 : memref<1x64xi32, #tpu.memory_space<vmem>> -> memref<64xi32, #tpu.memory_space<vmem>>
      %dma_wait3A_75 = arith.constant 0 : i32
      %dma_wait3A_76 = arith.constant 0 : i32
      %dma_wait3A_77 = tpu.memref_slice %arg12[%dma_wait3A_75, %dma_wait3A_76] : memref<10112x128xf32, #tpu.memory_space<vmem_shared>> -> memref<10112x128xf32, #tpu.memory_space<vmem_shared>>
      tpu.wait_indirect_dma semaphore(%arg15 : memref<!tpu.dma_semaphore, #tpu.memory_space<semaphore_mem>>) src(%arg10 : memref<64x128xf32, #tpu.memory_space<vmem>>) dst(%dma_wait3A_77 : memref<10112x128xf32, #tpu.memory_space<vmem_shared>>)
      %dma_wait3A_78 = arith.constant 64 : i32
      %dma_wait3A_79 = tpu.memref_slice %arg8[%scan3A_25, %dma_wait3A_78] : memref<79x128xi32, #tpu.memory_space<vmem>> -> memref<1x64xi32, #tpu.memory_space<vmem>>
      %dma_wait3A_80 = tpu.memref_squeeze %dma_wait3A_79 : memref<1x64xi32, #tpu.memory_space<vmem>> -> memref<64xi32, #tpu.memory_space<vmem>>
      %dma_wait3A_81 = arith.constant 0 : i32
      %dma_wait3A_82 = arith.constant 0 : i32
      %dma_wait3A_83 = tpu.memref_slice %arg12[%dma_wait3A_81, %dma_wait3A_82] : memref<10112x128xf32, #tpu.memory_space<vmem_shared>> -> memref<10112x128xf32, #tpu.memory_space<vmem_shared>>
      tpu.wait_indirect_dma semaphore(%arg16 : memref<!tpu.dma_semaphore, #tpu.memory_space<semaphore_mem>>) src(%arg11 : memref<64x128xf32, #tpu.memory_space<vmem>>) dst(%dma_wait3A_83 : memref<10112x128xf32, #tpu.memory_space<vmem_shared>>)
    }
    %scan3A_23 = arith.constant 79 : i32
    %barrier3A_24 = arith.constant 0 : index
    tpu.barrier barrier_id(%barrier3A_24)
    "tpu.region"() ({
      %run_scoped3A = tpu.sem_alloc : memref<!tpu.dma_semaphore, #tpu.memory_space<semaphore_mem>>
      %dma_start3A = arith.constant 0 : i32
      %dma_start3A_25 = arith.constant 0 : i32
      %dma_start3A_26 = tpu.memref_slice %arg6[%arg0, %dma_start3A, %dma_start3A_25] : memref<2x10112x128xf32, #tpu.memory_space<hbm>> -> memref<1x10112x128xf32, #tpu.memory_space<hbm>>
      %dma_start3A_27 = tpu.memref_squeeze %dma_start3A_26 : memref<1x10112x128xf32, #tpu.memory_space<hbm>> -> memref<10112x128xf32, #tpu.memory_space<hbm>>
      %dma_start3A_28 = arith.constant 0 : i32
      %dma_start3A_29 = tpu.memref_slice %dma_start3A_27[%mul3A_2, %dma_start3A_28] : memref<10112x128xf32, #tpu.memory_space<hbm>> -> memref<632x128xf32, #tpu.memory_space<hbm>>
      %dma_start3A_30 = arith.constant 0 : i32
      %dma_start3A_31 = tpu.memref_slice %arg12[%mul3A_2, %dma_start3A_30] : memref<10112x128xf32, #tpu.memory_space<vmem_shared>> -> memref<632x128xf32, #tpu.memory_space<vmem_shared>>
      tpu.enqueue_dma source(%dma_start3A_31 : memref<632x128xf32, #tpu.memory_space<vmem_shared>>) target(%dma_start3A_29 : memref<632x128xf32, #tpu.memory_space<hbm>>) target_semaphore(%run_scoped3A : memref<!tpu.dma_semaphore, #tpu.memory_space<semaphore_mem>>)
      %dma_wait3A = arith.constant 0 : i32
      %dma_wait3A_32 = arith.constant 0 : i32
      %dma_wait3A_33 = tpu.memref_slice %arg6[%arg0, %dma_wait3A, %dma_wait3A_32] : memref<2x10112x128xf32, #tpu.memory_space<hbm>> -> memref<1x10112x128xf32, #tpu.memory_space<hbm>>
      %dma_wait3A_34 = tpu.memref_squeeze %dma_wait3A_33 : memref<1x10112x128xf32, #tpu.memory_space<hbm>> -> memref<10112x128xf32, #tpu.memory_space<hbm>>
      %dma_wait3A_35 = arith.constant 0 : i32
      %dma_wait3A_36 = tpu.memref_slice %dma_wait3A_34[%mul3A_2, %dma_wait3A_35] : memref<10112x128xf32, #tpu.memory_space<hbm>> -> memref<632x128xf32, #tpu.memory_space<hbm>>
      %dma_wait3A_37 = arith.constant 0 : i32
      %dma_wait3A_38 = tpu.memref_slice %arg12[%mul3A_2, %dma_wait3A_37] : memref<10112x128xf32, #tpu.memory_space<vmem_shared>> -> memref<632x128xf32, #tpu.memory_space<vmem_shared>>
      tpu.wait_dma2 semaphore(%run_scoped3A : memref<!tpu.dma_semaphore, #tpu.memory_space<semaphore_mem>>) src(%dma_wait3A_38 : memref<632x128xf32, #tpu.memory_space<vmem_shared>>) dst(%dma_wait3A_36 : memref<632x128xf32, #tpu.memory_space<hbm>>)
      tpu.yield
    }) : () -> ()
    return
  }
}

module attributes {stable_mosaic.version = 14 : i64} {
  func.func @_mm_body(%arg0: i32, %arg1: memref<2000x128xf32, #tpu.memory_space<vmem>>, %arg2: memref<2000x128xf32, #tpu.memory_space<vmem>>, %arg3: memref<128x128xf32, #tpu.memory_space<vmem>>, %arg4: memref<1x128xf32, #tpu.memory_space<vmem>>, %arg5: memref<2000x128xf32, #tpu.memory_space<vmem>>) attributes {dimension_semantics = [#tpu.dimension_semantics<arbitrary>], iteration_bounds = array<i64: 5>, scalar_prefetch = 0 : i64, scratch_operands = 0 : i64, tpu.core_type = #tpu.core_type<tc>, window_params = [{transform_indices = @transform_0, window_bounds = array<i64: 2000, 128>}, {transform_indices = @transform_1, window_bounds = array<i64: 2000, 128>}, {pipeline_mode = #tpu.pipeline_mode<synchronous>, transform_indices = @transform_2, window_bounds = array<i64: 128, 128>}, {pipeline_mode = #tpu.pipeline_mode<synchronous>, transform_indices = @transform_3, window_bounds = array<i64: 1, 128>}, {transform_indices = @transform_4, window_bounds = array<i64: 2000, 128>}]} {
    %get3A = arith.constant 0 : index
    %get3A_0 = arith.constant 0 : index
    %get3A_1 = vector.load %arg1[%get3A, %get3A_0] : memref<2000x128xf32, #tpu.memory_space<vmem>>, vector<2000x128xf32>
    %get3A_2 = arith.constant 0 : index
    %get3A_3 = arith.constant 0 : index
    %get3A_4 = vector.load %arg2[%get3A_2, %get3A_3] : memref<2000x128xf32, #tpu.memory_space<vmem>>, vector<2000x128xf32>
    %add3A = arith.addf %get3A_1, %get3A_4 : vector<2000x128xf32>
    %get3A_5 = arith.constant 0 : index
    %get3A_6 = arith.constant 0 : index
    %get3A_7 = vector.load %arg3[%get3A_5, %get3A_6] : memref<128x128xf32, #tpu.memory_space<vmem>>, vector<128x128xf32>
    %dot_general3A = arith.constant dense<0.000000e+00> : vector<2000x128xf32>
    %dot_general3A_8 = tpu.matmul %add3A, %get3A_7, %dot_general3A {dimension_numbers = #tpu.dot_dimension_numbers<[1], [0], [0], [1], [0, 0, 1, 1], [], []>, transpose_lhs_hint = false} : vector<2000x128xf32>, vector<128x128xf32>, vector<2000x128xf32> -> vector<2000x128xf32>
    %get3A_9 = arith.constant 0 : index
    %get3A_10 = arith.constant 0 : index
    %get3A_11 = vector.load %arg4[%get3A_9, %get3A_10] : memref<1x128xf32, #tpu.memory_space<vmem>>, vector<1x128xf32>
    %add3A_12 = vector.broadcast %get3A_11 : vector<1x128xf32> to vector<2000x128xf32>
    %add3A_13 = arith.addf %dot_general3A_8, %add3A_12 : vector<2000x128xf32>
    %max3A = arith.constant 0.000000e+00 : f32
    %max3A_14 = vector.broadcast %max3A : f32 to vector<2000x128xf32>
    %max3A_15 = arith.maximumf %add3A_13, %max3A_14 : vector<2000x128xf32>
    %swap3A = arith.constant 0 : index
    %swap3A_16 = arith.constant 0 : index
    %swap3A_17 = vector.load %arg5[%swap3A, %swap3A_16] : memref<2000x128xf32, #tpu.memory_space<vmem>>, vector<2000x128xf32>
    tpu.vector_store %arg5[%swap3A, %swap3A_16], %max3A_15 {strides = array<i32>} : memref<2000x128xf32, #tpu.memory_space<vmem>>, vector<2000x128xf32>,
    return
  }
  func.func @transform_0(%arg0: i32) -> (i32, i32) {
    %c0_i32 = arith.constant 0 : i32
    %c0_i32_0 = arith.constant 0 : i32
    return %arg0, %c0_i32 : i32, i32
  }
  func.func @transform_1(%arg0: i32) -> (i32, i32) {
    %c0_i32 = arith.constant 0 : i32
    %c0_i32_0 = arith.constant 0 : i32
    return %arg0, %c0_i32 : i32, i32
  }
  func.func @transform_2(%arg0: i32) -> (i32, i32) {
    %c0_i32 = arith.constant 0 : i32
    %c0_i32_0 = arith.constant 0 : i32
    %c0_i32_1 = arith.constant 0 : i32
    return %c0_i32, %c0_i32_0 : i32, i32
  }
  func.func @transform_3(%arg0: i32) -> (i32, i32) {
    %c0_i32 = arith.constant 0 : i32
    %c0_i32_0 = arith.constant 0 : i32
    %c0_i32_1 = arith.constant 0 : i32
    return %c0_i32, %c0_i32_0 : i32, i32
  }
  func.func @transform_4(%arg0: i32) -> (i32, i32) {
    %c0_i32 = arith.constant 0 : i32
    %c0_i32_0 = arith.constant 0 : i32
    return %arg0, %c0_i32 : i32, i32
  }
}

</mosaic_0001>

<sc_bundles>
// kernel: kernel.4.cloned.1.call-start
scs
__scs_entry_jumppad:
0x0: {  	(pc) =	sbr.rel $0x88, $3  }
0x1: {  	(tag) =	ssettag $0x0;
	lr =	simm.s32 $0x1  }
0x2: {  	[smem:$0x3F9C] =	sst lr;
	_ =	strace $0xD0000000  }
0x3: {  	_ = 	snop  }
0x4: {  	_ = 	snop  }
0x5: {  	_ = 	snop  }
0x6: {  	_ = 	snop  }
0x7: {  	_ = 	snop  }
__scs_overlays_trampoline_lowered:
0x8: {  	[smem:$0x3FAB] =	sst s0  }
0x9: {  	[smem:$0x3FAC] =	sst s1  }
0xa: {  	[smem:$0x3FAD] =	sst s2  }
0xb: {  	[smem:$0x3FAE] =	sst s3  }
0xc: {  	[smem:$0x3FAF] =	sst s4  }
0xd: {  	[smem:$0x3FB0] =	sst s5  }
0xe: {  	[smem:$0x3FB1] =	sst s6  }
0xf: {  	[smem:$0x3FB2] =	sst s7  }
0x10: {  	[smem:$0x3FB3] =	sst s8  }
0x11: {  	[smem:$0x3FB4] =	sst s9;
	s0 =	simm.s32 @!p0 $0x0  }
0x12: {  	s1 =	sld [smem:$0x3F9A];
	s0 =	simm.s32 @p0 $0x1  }
0x13: {  	[smem:$0x3FB5] =	sst s0;
	s0 =	simm.s32 @!p1 $0x0  }
0x14: {  	s2 =	sld [smem:$0x3F99];
	s0 =	simm.s32 @p1 $0x1  }
0x15: {  	[smem:$0x3FB6] =	sst s0;
	s0 =	simm.s32 @!p2 $0x0  }
0x16: {  	s3 =	sld [smem:$0x3FDB];
	s0 =	simm.s32 @p2 $0x1  }
0x17: {  	s4 =	simm.s32 $0x1BF5;
	[smem:$0x3FB8] =	sst s0  }
0x18: {  	s0 =	sld [smem:$0x3F9B];
	_ =	swait.ge [sflag:s4], $0x0  }
0x19: {  	s7 =	sld [smem:$0x3F9C]  }
0x1a: {  	s8 =	sadd.s32 $0xFFFFE003, lr  }
0x1b: {  	s9 =	sadd.s32 $0xFFFFFEF7, lr;
	s5 =	simm.s32 $0xFFFFFFFF;
	p2 =	slt.u32 s8, $0xFFFFF086  }
0x1c: {  	p1 =	slt.u32 s9, $0xF7A;
	s5 =	simm.s32 @!p2 $0x0  }
0x1d: {  	s5 =	simm.s32 @p1 $0x1;
	p0 =	seq.s32 s7, s2  }
0x1e: {  	s7 =	smul.u32 @!p0 $0xF7A, s2;
	p2 =	seq.s32 @!p0 s5, $0x0  }
0x1f: {  	s9 =	smul.u32 $0xF7A, s1;
	s8 =	simm.s32 @!p0 $0x1BF5;
	p2 =	por !p2, p0  }
0x20: {  	[sflag:s8] =	ssyncset.s32 @!p0 $0xFFFFF086;
	s6 =	sadd.s32 @!p0 s3, s7;
	s7 =	simm.s32 @!p0 $0x108  }
0x21: {  	s3 =	sadd.s32 s3, s9;
	s6 =	sadd.s32 @!p0 $0x88, s6;
	s7 =	simm.s32 @p2 $0x1082  }
0x22: {  	[simem:s7], [sflag:s8] =	dma.local @!p0 [hbm:s6], $0xF7A  }
0x23: {  	s9 =	sor.u32 $0xD0000000, s2;
	s6 =	simm.s32 $0x108;
	_ =	swait.ge @!p0 [sflag:s8], $0x0  }
0x24: {  	s3 =	sadd.s32 $0x88, s3;
	s6 =	simm.s32 @!p1 $0x1082;
	[sflag:s4] =	ssyncset.s32 $0xFFFFF086  }
0x25: {  	[simem:s6], [sflag:s4] =	dma.local [hbm:s3], $0xF7A  }
0x26: {  	[smem:$0x3F9C] =	sst s1;
	(tag) =	ssettag s2;
	_ =	strace s9  }
0x27: {  	s1 =	sld [smem:$0x3FAC]  }
0x28: {  	s2 =	sld [smem:$0x3FAD]  }
0x29: {  	s4 =	sld [smem:$0x3FAF]  }
0x2a: {  	p0 =	seq.s32 s5, $0x0;
	s5 =	sld [smem:$0x3FB0]  }
0x2b: {  	s6 =	sld [smem:$0x3FB1]  }
0x2c: {  	s7 =	sld [smem:$0x3FB2]  }
0x2d: {  	s3 =	simm.s32 $0x108;
	s8 =	sld [smem:$0x3FB3]  }
0x2e: {  	s3 =	simm.s32 @!p0 $0x1082;
	s9 =	sld [smem:$0x3FB4]  }
0x2f: {  	lr =	sadd.s32 s0, s3;
	s0 =	sld [smem:$0x3FAB]  }
0x30: {  	s3 =	sld [smem:$0x3FAE]  }
0x31: {  	[smem:$0x3FB7] =	sst s10  }
0x32: {  	s10 =	sld [smem:$0x3FB5];
	_ =	sdelay $0x3  }
0x33: {  	p0 =	seq.s32 s10, $0x1;
	s10 =	sld [smem:$0x3FB7];
	_ =	sdelay $0x3  }
0x34: {  	[smem:$0x3FB7] =	sst s10  }
0x35: {  	s10 =	sld [smem:$0x3FB6];
	_ =	sdelay $0x3  }
0x36: {  	p1 =	seq.s32 s10, $0x1;
	s10 =	sld [smem:$0x3FB7];
	_ =	sdelay $0x3  }
0x37: {  	[smem:$0x3FB7] =	sst s10  }
0x38: {  	s10 =	sld [smem:$0x3FB8]  }
0x39: {  	_ = 	snop;
	(pc) =	sbr.ind lr, $3  }
0x3a: {  	_ = 	snop  }
0x3b: {  	_ = 	snop  }
0x3c: {  	p2 =	seq.s32 s10, $0x1;
	s10 =	sld [smem:$0x3FB7]  }
0x3d: {  	_ =	shalt  }
0x3e: {  	_ =	shalt  }
0x3f: {  	_ =	shalt  }
0x40: {  	_ =	shalt  }
0x41: {  	_ =	shalt  }
0x42: {  	_ =	shalt  }
0x43: {  	_ =	shalt  }
0x44: {  	_ =	shalt  }
0x45: {  	_ =	shalt  }
0x46: {  	_ =	shalt  }
0x47: {  	_ =	shalt  }
0x48: {  	_ =	shalt  }
0x49: {  	_ =	shalt  }
0x4a: {  	_ =	shalt  }
0x4b: {  	_ =	shalt  }
0x4c: {  	_ =	shalt  }
0x4d: {  	_ =	shalt  }
0x4e: {  	_ =	shalt  }
0x4f: {  	_ =	shalt  }
0x50: {  	_ =	shalt  }
0x51: {  	_ =	shalt  }
0x52: {  	_ =	shalt  }
0x53: {  	_ =	shalt  }
0x54: {  	_ =	shalt  }
0x55: {  	_ =	shalt  }
0x56: {  	_ =	shalt  }
0x57: {  	_ =	shalt  }
0x58: {  	_ =	shalt  }
0x59: {  	_ =	shalt  }
0x5a: {  	_ =	shalt  }
0x5b: {  	_ =	shalt  }
0x5c: {  	_ =	shalt  }
0x5d: {  	_ =	shalt  }
0x5e: {  	_ =	shalt  }
0x5f: {  	_ =	shalt  }
0x60: {  	_ =	shalt  }
0x61: {  	_ =	shalt  }
0x62: {  	_ =	shalt  }
0x63: {  	_ =	shalt  }
0x64: {  	_ =	shalt  }
0x65: {  	_ =	shalt  }
0x66: {  	_ =	shalt  }
0x67: {  	_ =	shalt  }
0x68: {  	_ =	shalt  }
0x69: {  	_ =	shalt  }
0x6a: {  	_ =	shalt  }
0x6b: {  	_ =	shalt  }
0x6c: {  	_ =	shalt  }
0x6d: {  	_ =	shalt  }
0x6e: {  	_ =	shalt  }
0x6f: {  	_ =	shalt  }
0x70: {  	_ =	shalt  }
0x71: {  	_ =	shalt  }
0x72: {  	_ =	shalt  }
0x73: {  	_ =	shalt  }
0x74: {  	_ =	shalt  }
0x75: {  	_ =	shalt  }
0x76: {  	_ =	shalt  }
0x77: {  	_ =	shalt  }
0x78: {  	_ =	shalt  }
0x79: {  	_ =	shalt  }
0x7a: {  	_ =	shalt  }
0x7b: {  	_ =	shalt  }
0x7c: {  	_ =	shalt  }
0x7d: {  	_ =	shalt  }
0x7e: {  	_ =	shalt  }
0x7f: {  	_ =	shalt  }
0x80: {  	_ =	shalt  }
0x81: {  	_ =	shalt  }
0x82: {  	_ =	shalt  }
0x83: {  	_ =	shalt  }
0x84: {  	_ =	shalt  }
0x85: {  	_ =	shalt  }
0x86: {  	_ =	shalt  }
0x87: {  	_ =	shalt  }
.Lfunc_end0:
.L_simem_size_0:
called_computation_lowered:
.L_overlay_start_0:
0x88: {  	s2 =	sld [smem:$0x3FD9]  }
0x89: {  	s3 =	sld [smem:$0x3FFE];
	_ =	sdelay $0x1  }
0x8a: {  	s1 =	srdreg.scid  }
0x8b: {  	s0 =	sand.u32 $0x1, s1  }
0x8c: {  	s17 =	sshll.u32 s0, $0xA;
	s2 =	sadd.s32 s3, s2  }
0x8d: {  	s2 =	sadd.s32 s2, s17  }
0x8e: {  	[smem:$0x3FC3] =	sst s2  }
0x8f: {  	_ = 	snop  }
0x90: {  	s2 =	sld [smem:$0x3FC9]  }
0x91: {  	s18 =	sld [smem:$0x3FD0];
	(tm) =	ssettm $0x1  }
0x92: {  	s4 =	sld [smem:$0x3FFB];
	_ =	sdelay $0x3  }
0x93: {  	_ =	strace s4  }
0x94: {  	s4 =	sld [smem:$0x3FFC];
	_ =	sdelay $0x3  }
0x95: {  	_ =	strace s4  }
0x96: {  	s4 =	sld [smem:$0x3FFD];
	_ =	sdelay $0x3  }
0x97: {  	_ =	strace s4  }
0x98: {  	_ =	strace $0x8FFFFFFF  }
0x99: {  	s19 =	sld [smem:$0x3FDB];
	_ =	sdelay $0x1  }
0x9a: {  	s5 =	simm.s32 $_scs_section_size  }
0x9b: {  	s6 =	simm.s32 $_size__tile_overlayer_lowered;
	s7 =	simm.s32 $_tile_overlayer_lowered  }
0x9c: {  	s22 =	simm.s32 $0x1BFF;
	s21 =	sshll.u32 s7, $0x1;
	s4 =	sadd.s32 s5, s19  }
0x9d: {  	s8 =	simm.s32 $0x0;
	s20 =	sshll.u32 s6, $0x1;
	s6 =	sadd.s32 s21, s4  }
0x9e: {  	[timem:s8], [sflag:s22] =	dma.local [hbm:s6], s20  }
0x9f: {  	_ =	swait.ge [sflag:s22], s20  }
0xa0: {  	s5 =	ssub.s32 $0x0, s20;
	[sflag:s22] =	ssyncset.done $0x0  }
0xa1: {  	[sflag:s22] =	ssyncadd.s32 s5;
	_ =	sdelay $0x1  }
0xa2: {  	s23 =	simm.s32 $0x1B8B  }
0xa3: {  	_ =	swait.ge [sflag:s23], $0x1  }
0xa4: {  	[sflag:s23] =	ssyncset.done $0x0  }
0xa5: {  	s25 =	simm.s32 $0x1B8E;
	s24 =	sld [smem:$0x3FFE];
	[sflag:s23] =	ssyncadd.s32 $0xFFFFFFFF  }
0xa6: {  	s26 =	simm.s32 $execute0_lowered;
	[smem:$0x3FD2] =	sst s25  }
0xa7: {  	s6 =	sshll.u32 s26, $0x1;
	_ =	strace $0x80000046;
	[dreg:$0x1] =	wrdreg $0xFFFFFFFF  }
0xa8: {  	s28 =	simm.s32 $_size_execute0_lowered;
	s4 =	sadd.s32 s4, s6;
	[dreg:$0x0] =	wrdreg $0x0  }
0xa9: {  	s6 =	sshll.u32 s28, $0x1;
	[dreg:$0x2] =	wrdreg s4  }
0xaa: {  	[dreg:$0x3] =	wrdreg s6  }
0xab: {  	[dreg:$0x4] =	wrdreg $0xC0  }
0xac: {  	_ =	task [dreg:s8], $0x5FFFF  }
0xad: {  	[dreg:$0x1] =	wrdreg $0xFFFFFFFF  }
0xae: {  	[dreg:$0x0] =	wrdreg $0x60  }
0xaf: {  	[dreg:$0x2] =	wrdreg s2  }
0xb0: {  	[dreg:$0x3] =	wrdreg s18  }
0xb1: {  	[dreg:$0x4] =	wrdreg s24  }
0xb2: {  	[dreg:$0x5] =	wrdreg $0xB8000  }
0xb3: {  	[dreg:$0x6] =	wrdreg $0x9  }
0xb4: {  	_ =	task.clear_ibuf [dreg:s8], $0x7FFFF;
	_ =	strace $0x90000046  }
0xb5: {  	s29 =	simm.s32 $0x9;
	_ =	strace $0x80000048  }
0xb6: {  	_ =	swait.ge [sflag:s29], $0x1  }
0xb7: {  	[sflag:s29] =	ssyncadd.s32 $0xFFFFFFFF  }
0xb8: {  	_ =	strace $0x90000048  }
0xb9: {  	_ =	sfence  }
0xba: {  	s30 =	sld [smem:$0x0];
	_ =	sdelay $0x2  }
0xbb: {  	s31 =	sshll.u32 s1, $0xD;
	s1 =	sshrl.u32 s1, $0x2  }
0xbc: {  	s3 =	sand.u32 $0x4000, s31;
	s1 =	sadd.s32 s1, s30  }
0xbd: {  	s0 =	sor.u32 s3, s0;
	s1 =	sshll.u32 s1, $0x11  }
0xbe: {  	s0 =	sor.u32 s1, s0  }
0xbf: {  	s0 =	sadd.s32 $0x8F2B, s0  }
0xc0: {  	[sflag:s0] =	ssyncadd.remote.s32 $0x1  }
0xc1: {  	_ =	sfence.sel $0xFFFF  }
0xc2: {  	[dreg:$0x0] =	wrdreg $0xFFFFFFFF;
	(pc) =	sbr.abs _section_cstart, $3  }
0xc3: {  	[dreg:$0x1] =	wrdreg $0xFFFFFFFF  }
0xc4: {  	_ =	task.clear_ibuf [dreg:s8], $0x2FFFF;
	_ =	strace $0x9FFFFFFF  }
0xc5: {  	(tm) =	ssettm $0x7FFFFFFF  }
tec
execute0_lowered:
.L_overlay_start_1:
0x0: {  	(tag) =	ssettag $0x1  }
0x1: {  	s1 =	rddreg [dreg:$0x0]  }
0x2: {  	s0 =	rddreg [dreg:$0x1];
	s2 =	srdreg.scid  }
0x3: {  	s11 =	stileid.u32;
	s5 =	rddreg [dreg:$0x2]  }
0x4: {  	s3 =	rddreg [dreg:$0x3];
	s19 =	simm.s32 $0x7800;
	s20 =	simm.s32 $0x5  }
0x5: {  	s23 =	simm.s32 $0x40;
	s28 =	simm.s32 $0x2;
	s29 =	simm.s32 $0x3  }
0x6: {  	s2 =	sand.u32 $0x1, s2;
	s4 =	sshll.u32 s11, $0x1;
	s25 =	smul.u32 $0x4F000, s11  }
0x7: {  	s30 =	simm.s32 $0x4;
	s21 =	smul.u32 $0x2780, s11;
	s6 =	sor.u32 s2, s4  }
0x8: {  	s4 =	simm.s32 $0x0;
	s8 =	smul.u32 $0x27800, s2;
	s2 =	ssub.s32 $0x2, s2  }
0x9: {  	s7 =	smul.u32 $0x500, s6;
	[smem:$0x7FF] =	sst s4;
	s6 =	sshrl.u32 s25, $0x2  }
0xa: {  	s26 =	sshrl.u32 s2, $0x1;
	s25 =	simm.s32 $0x9800;
	_ =	strace $0x80000047  }
0xb: {  	s10 =	sadd.s32 s8, s5;
	s2 =	ssub.s32 s2, s26;
	s26 =	simm.s32 $0x1  }
0xc: {  	s9 =	sadd.s32 s7, s5;
	s5 =	sadd.s32 s6, s3;
	s7 =	sadd.s32 s0, s7  }
0xd: {  	s31 =	sadd.s32 $0x14400, s10;
	s10 =	smax.u32 s2, $0x1;
	s6 =	sadd.s32 $0x12000, s5  }
0xe: {  	s8 =	sadd.s32 $0xA400, s9;
	s9 =	sadd.s32 $0x400, s9;
	s11 =	sadd.s32 $0x2000, s5  }
0xf: {  	s12 =	sadd.s32 $0x4000, s5;
	s13 =	sadd.s32 $0x6000, s5;
	s14 =	sadd.s32 $0x8000, s5  }
0x10: {  	s15 =	sadd.s32 $0xA000, s5;
	s16 =	sadd.s32 $0xC000, s5;
	s17 =	sadd.s32 $0xE000, s5  }
0x11: {  	v0 =	vimm.f32 $0.0e+00;
	s18 =	sadd.s32 $0x10000, s5;
	s24 =	sadd.s32 s21, s31;
	[dreg:$0x5] =	wrdreg s6  }
.LBB2_1:
0x12: {  	s0 =	simm.s32 $0x0;
	s2 =	simm.s32 $0x200  }
.LBB2_2:
0x13: {  	p0 =	sne.s32 s2, $0x7E00;
	[tilespmem:s0+$0x7870] =	vst v0  }
0x14: {  	[tilespmem:s0+$0x7800] =	vst v0  }
0x15: {  	[tilespmem:s0+$0x7810] =	vst v0  }
.Ltmp0:
0x16: {  	[tilespmem:s0+$0x7820] =	vst v0;
	(pc) =	sbr.rel @p0 .LBB2_2-.Ltmp0, $4  }
0x17: {  	[tilespmem:s0+$0x7830] =	vst v0  }
0x18: {  	[tilespmem:s0+$0x7840] =	vst v0  }
0x19: {  	[tilespmem:s0+$0x7850] =	vst v0  }
0x1a: {  	[tilespmem:s0+$0x7860] =	vst v0;
	s0 =	sshra.s32 s2, $0x2;
	s2 =	sadd.s32 $0x200, s2  }
0x1b: {  	[tilespmem:s0+$0x7870] =	vst v0  }
0x1c: {  	[tilespmem:s0+$0x7800] =	vst v0  }
0x1d: {  	[tilespmem:s0+$0x7810] =	vst v0  }
0x1e: {  	[tilespmem:s0+$0x7820] =	vst v0  }
0x1f: {  	[tilespmem:s0+$0x7830] =	vst v0  }
0x20: {  	[tilespmem:s0+$0x7840] =	vst v0  }
0x21: {  	[tilespmem:s0+$0x7850] =	vst v0  }
0x22: {  	[tilespmem:s0+$0x7860] =	vst v0  }
0x23: {  	[spmem:s5] =	stream.linear.scatter [tilespmem:s19], [sflag:$0x5], $0x2000, $0x38;
	[tilespmem:$0x1F400] =	vst v63  }
0x24: {  	_ =	swait.ge [sflag:s20], $0x2000  }
0x25: {  	[sflag:s20] =	ssyncset.done $0x0  }
0x26: {  	[sflag:s20] =	ssyncadd.s32 $0xFFFFE000  }
0x27: {  	[spmem:s11] =	stream.linear.scatter [tilespmem:s19], [sflag:$0x5], $0x2000, $0x38;
	[tilespmem:$0x1F400] =	vst v63  }
0x28: {  	_ =	swait.ge [sflag:s20], $0x2000  }
0x29: {  	[sflag:s20] =	ssyncset.done $0x0  }
0x2a: {  	[sflag:s20] =	ssyncadd.s32 $0xFFFFE000  }
0x2b: {  	[spmem:s12] =	stream.linear.scatter [tilespmem:s19], [sflag:$0x5], $0x2000, $0x38;
	[tilespmem:$0x1F400] =	vst v63  }
0x2c: {  	_ =	swait.ge [sflag:s20], $0x2000  }
0x2d: {  	[sflag:s20] =	ssyncset.done $0x0  }
0x2e: {  	[sflag:s20] =	ssyncadd.s32 $0xFFFFE000  }
0x2f: {  	[spmem:s13] =	stream.linear.scatter [tilespmem:s19], [sflag:$0x5], $0x2000, $0x38;
	[tilespmem:$0x1F400] =	vst v63  }
0x30: {  	_ =	swait.ge [sflag:s20], $0x2000  }
0x31: {  	[sflag:s20] =	ssyncset.done $0x0  }
0x32: {  	[sflag:s20] =	ssyncadd.s32 $0xFFFFE000  }
0x33: {  	[spmem:s14] =	stream.linear.scatter [tilespmem:s19], [sflag:$0x5], $0x2000, $0x38;
	[tilespmem:$0x1F400] =	vst v63  }
0x34: {  	_ =	swait.ge [sflag:s20], $0x2000  }
0x35: {  	[sflag:s20] =	ssyncset.done $0x0  }
0x36: {  	[sflag:s20] =	ssyncadd.s32 $0xFFFFE000  }
0x37: {  	[spmem:s15] =	stream.linear.scatter [tilespmem:s19], [sflag:$0x5], $0x2000, $0x38;
	[tilespmem:$0x1F400] =	vst v63  }
0x38: {  	_ =	swait.ge [sflag:s20], $0x2000  }
0x39: {  	[sflag:s20] =	ssyncset.done $0x0  }
0x3a: {  	[sflag:s20] =	ssyncadd.s32 $0xFFFFE000  }
0x3b: {  	[spmem:s16] =	stream.linear.scatter [tilespmem:s19], [sflag:$0x5], $0x2000, $0x38;
	[tilespmem:$0x1F400] =	vst v63  }
0x3c: {  	_ =	swait.ge [sflag:s20], $0x2000  }
0x3d: {  	[sflag:s20] =	ssyncset.done $0x0  }
0x3e: {  	[sflag:s20] =	ssyncadd.s32 $0xFFFFE000  }
0x3f: {  	[spmem:s17] =	stream.linear.scatter [tilespmem:s19], [sflag:$0x5], $0x2000, $0x38;
	[tilespmem:$0x1F400] =	vst v63  }
0x40: {  	_ =	swait.ge [sflag:s20], $0x2000  }
0x41: {  	[sflag:s20] =	ssyncset.done $0x0  }
0x42: {  	[sflag:s20] =	ssyncadd.s32 $0xFFFFE000  }
0x43: {  	[spmem:s18] =	stream.linear.scatter [tilespmem:s19], [sflag:$0x5], $0x2000, $0x38;
	[tilespmem:$0x1F400] =	vst v63  }
0x44: {  	_ =	swait.ge [sflag:s20], $0x2000  }
0x45: {  	[sflag:s20] =	ssyncset.done $0x0  }
0x46: {  	s6 =	rddreg [dreg:$0x5];
	[sflag:s20] =	ssyncadd.s32 $0xFFFFE000  }
0x47: {  	[spmem:s6] =	stream.linear.scatter [tilespmem:s19], [sflag:$0x5], $0x1C00, $0x38;
	[tilespmem:$0x1F400] =	vst v63  }
0x48: {  	_ =	swait.ge [sflag:s20], $0x1C00  }
0x49: {  	[sflag:s20] =	ssyncset.done $0x0  }
0x4a: {  	s31 =	simm.s32 $0x0;
	[sflag:s20] =	ssyncadd.s32 $0xFFFFE400  }
0x4b: {  	[tilespmem:s31], [sflag:$0x5] =	stream.linear.gather [hbm4b:s7+s31], $0x2780, $0x38;
	[tilespmem:$0x1F400] =	vst v63  }
0x4c: {  	_ =	swait.ge [sflag:s20], $0x2780  }
0x4d: {  	[sflag:s20] =	ssyncset.done $0x0  }
0x4e: {  	s21 =	simm.s32 $0x2800;
	[sflag:s20] =	ssyncadd.s32 $0xFFFFD880  }
0x4f: {  	[tilespmem:s21], [sflag:$0x5] =	stream.linear.gather [hbm4b:s8+s31], $0x2780, $0x38;
	[tilespmem:$0x1F400] =	vst v63  }
0x50: {  	_ =	swait.ge [sflag:s20], $0x2780  }
0x51: {  	[sflag:s20] =	ssyncset.done $0x0  }
0x52: {  	s22 =	simm.s32 $0x5000;
	[sflag:s20] =	ssyncadd.s32 $0xFFFFD880  }
0x53: {  	[tilespmem:s22], [sflag:$0x5] =	stream.linear.gather [hbm4b:s9+s31], $0x2780, $0x38;
	[tilespmem:$0x1F400] =	vst v63  }
0x54: {  	_ =	swait.ge [sflag:s20], $0x2780  }
0x55: {  	[sflag:s20] =	ssyncset.done $0x0  }
0x56: {  	[sflag:s20] =	ssyncadd.s32 $0xFFFFD880  }
0x57: {  	[bflag:$0x0] =	sbarrier.arrive $0xFFFF  }
.LBB2_4:
0x58: {  	s21 =	sshll.u32 s31, $0x7  }
0x59: {  	[tilespmem:s19], [sflag:$0x1] =	stream.indirect.gather [hbm4b:s1+s23], $0x80, s21, s23, $0xb8;
	[tilespmem:$0x1F400] =	vst v63  }
0x5a: {  	s0 =	sadd.s32 $0x5000, s21  }
0x5b: {  	s2 =	sor.u32 $0x40, s21;
	v1 =	vmov s0  }
0x5c: {  	[tilespmem:s25], [sflag:$0x2] =	stream.indirect.gather [hbm4b:s1+s23], $0x80, s2, s23, $0xb8;
	[tilespmem:$0x1F400] =	vst v63  }
0x5d: {  	_ =	swait.ge [sflag:s26], $0x2000  }
0x5e: {  	s22 =	simm.s32 $0x0;
	[sflag:s26] =	ssyncset.done $0x0  }
0x5f: {  	s0 =	sand.u32 $0x3FFFFFF0, s22;
	s22 =	simm.s32 $0x0;
	[sflag:s26] =	ssyncadd.s32 $0xFFFFE000  }
0x60: {  	s22 =	sand.u32 $0x3FFFF800, s22;
	v2 =	vld.idx.msk [tilespmem:v1+s0+$0x0 ss:$0x1], $0xffff  }
0x61: {  	v8 =	vld [tilespmem:s22+$0x78C0]  }
0x62: {  	v4 =	vld [tilespmem:s22+$0x7820]  }
0x63: {  	v5 =	vld [tilespmem:s22+$0x7830]  }
0x64: {  	v11 =	vld [tilespmem:s22+$0x7860]  }
0x65: {  	v12 =	vld [tilespmem:s22+$0x7870];
	v3 =	vbroadcast v2, $0x0  }
0x66: {  	v13 =	vld [tilespmem:s22+$0x7880]  }
0x67: {  	v14 =	vld [tilespmem:s22+$0x7890];
	v4 =	vmul.f32 v4, v3  }
0x68: {  	v15 =	vld [tilespmem:s22+$0x78A0];
	v5 =	vmul.f32 v5, v3  }
0x69: {  	v10 =	vld [tilespmem:s22+$0x78B0];
	v21 =	vbroadcast v2, $0x1;
	v20 =	vmul.f32 v11, v3;
	[tilespmem:s22+$0x7820] =	vst v4  }
0x6a: {  	v9 =	vld [tilespmem:s22+$0x78D0];
	v12 =	vmul.f32 v12, v3;
	[tilespmem:s22+$0x7830] =	vst v5  }
0x6b: {  	v7 =	vld [tilespmem:s22+$0x7D70];
	v13 =	vmul.f32 v13, v21;
	[tilespmem:s22+$0x7860] =	vst v20  }
0x6c: {  	v23 =	vld [tilespmem:s22+$0x78F0];
	v14 =	vmul.f32 v14, v21;
	[tilespmem:s22+$0x7870] =	vst v12  }
0x6d: {  	v24 =	vld [tilespmem:s22+$0x7900];
	v15 =	vmul.f32 v15, v21;
	[tilespmem:s22+$0x7880] =	vst v13  }
0x6e: {  	v25 =	vld [tilespmem:s22+$0x7910];
	v10 =	vmul.f32 v10, v21;
	[tilespmem:s22+$0x7890] =	vst v14  }
0x6f: {  	v22 =	vld [tilespmem:s22+$0x78E0];
	v8 =	vmul.f32 v8, v21;
	[tilespmem:s22+$0x78A0] =	vst v15  }
0x70: {  	v26 =	vld [tilespmem:s22+$0x7920];
	v16 =	vbroadcast v2, $0x2;
	v9 =	vmul.f32 v9, v21;
	[tilespmem:s22+$0x78B0] =	vst v10  }
0x71: {  	v27 =	vld [tilespmem:s22+$0x7930];
	v11 =	vmul.f32 v23, v21;
	[tilespmem:s22+$0x78C0] =	vst v8  }
0x72: {  	v28 =	vld [tilespmem:s22+$0x7940];
	v6 =	vbroadcast v2, $0xA;
	v30 =	vmul.f32 v24, v16;
	[tilespmem:s22+$0x78D0] =	vst v9  }
0x73: {  	v29 =	vld [tilespmem:s22+$0x7950];
	v32 =	vmul.f32 v25, v16;
	[tilespmem:s22+$0x78F0] =	vst v11  }
0x74: {  	v31 =	vld [tilespmem:s22+$0x7960];
	v4 =	vmul.f32 v7, v6;
	[tilespmem:s22+$0x7900] =	vst v30  }
0x75: {  	v33 =	vld [tilespmem:s22+$0x7970];
	v12 =	vmul.f32 v22, v21;
	[tilespmem:s22+$0x7910] =	vst v32  }
0x76: {  	v34 =	vld [tilespmem:s22+$0x7980];
	v10 =	vmul.f32 v26, v16;
	[tilespmem:s22+$0x7D70] =	vst v4  }
0x77: {  	v35 =	vld [tilespmem:s22+$0x7990];
	v8 =	vmul.f32 v27, v16;
	[tilespmem:s22+$0x78E0] =	vst v12  }
0x78: {  	v36 =	vld [tilespmem:s22+$0x79A0];
	v9 =	vmul.f32 v28, v16;
	[tilespmem:s22+$0x7920] =	vst v10  }
0x79: {  	v37 =	vld [tilespmem:s22+$0x79B0];
	v39 =	vbroadcast v2, $0x3;
	v11 =	vmul.f32 v31, v16;
	[tilespmem:s22+$0x7930] =	vst v8  }
0x7a: {  	v38 =	vld [tilespmem:s22+$0x79C0];
	v13 =	vmul.f32 v33, v16;
	[tilespmem:s22+$0x7940] =	vst v9  }
0x7b: {  	v40 =	vld [tilespmem:s22+$0x79D0];
	v14 =	vmul.f32 v34, v39;
	[tilespmem:s22+$0x7960] =	vst v11  }
0x7c: {  	v41 =	vld [tilespmem:s22+$0x79E0];
	v12 =	vmul.f32 v29, v16;
	[tilespmem:s22+$0x7970] =	vst v13  }
0x7d: {  	v42 =	vld [tilespmem:s22+$0x79F0];
	v10 =	vmul.f32 v35, v39;
	[tilespmem:s22+$0x7980] =	vst v14  }
0x7e: {  	v43 =	vld [tilespmem:s22+$0x7A00];
	v8 =	vmul.f32 v36, v39;
	[tilespmem:s22+$0x7950] =	vst v12  }
0x7f: {  	v44 =	vld [tilespmem:s22+$0x7A10];
	v9 =	vmul.f32 v37, v39;
	[tilespmem:s22+$0x7990] =	vst v10  }
0x80: {  	v45 =	vld [tilespmem:s22+$0x7A20];
	v11 =	vmul.f32 v40, v39;
	[tilespmem:s22+$0x79A0] =	vst v8  }
0x81: {  	v46 =	vld [tilespmem:s22+$0x7A30];
	v13 =	vmul.f32 v41, v39;
	[tilespmem:s22+$0x79B0] =	vst v9  }
0x82: {  	v47 =	vld [tilespmem:s22+$0x7A40];
	v48 =	vbroadcast v2, $0x4;
	v14 =	vmul.f32 v42, v39;
	[tilespmem:s22+$0x79D0] =	vst v11  }
0x83: {  	v49 =	vld [tilespmem:s22+$0x7A50];
	v12 =	vmul.f32 v38, v39;
	[tilespmem:s22+$0x79E0] =	vst v13  }
0x84: {  	v50 =	vld [tilespmem:s22+$0x7A60];
	v10 =	vmul.f32 v43, v48;
	[tilespmem:s22+$0x79F0] =	vst v14  }
0x85: {  	v51 =	vld [tilespmem:s22+$0x7A70];
	v8 =	vmul.f32 v44, v48;
	[tilespmem:s22+$0x79C0] =	vst v12  }
0x86: {  	v52 =	vld [tilespmem:s22+$0x7A80];
	v9 =	vmul.f32 v45, v48;
	[tilespmem:s22+$0x7A00] =	vst v10  }
0x87: {  	v53 =	vld [tilespmem:s22+$0x7A90];
	v11 =	vmul.f32 v47, v48;
	[tilespmem:s22+$0x7A10] =	vst v8  }
0x88: {  	v54 =	vld [tilespmem:s22+$0x7AA0];
	v13 =	vmul.f32 v49, v48;
	[tilespmem:s22+$0x7A20] =	vst v9  }
0x89: {  	v55 =	vld [tilespmem:s22+$0x7AB0];
	v14 =	vmul.f32 v50, v48;
	[tilespmem:s22+$0x7A40] =	vst v11  }
0x8a: {  	v56 =	vld [tilespmem:s22+$0x7AC0];
	v57 =	vbroadcast v2, $0x5;
	v12 =	vmul.f32 v46, v48;
	[tilespmem:s22+$0x7A50] =	vst v13  }
0x8b: {  	v58 =	vld [tilespmem:s22+$0x7AD0];
	v10 =	vmul.f32 v51, v48;
	[tilespmem:s22+$0x7A60] =	vst v14  }
0x8c: {  	v59 =	vld [tilespmem:s22+$0x7AE0];
	v8 =	vmul.f32 v52, v57;
	[tilespmem:s22+$0x7A30] =	vst v12  }
0x8d: {  	v60 =	vld [tilespmem:s22+$0x7AF0];
	v9 =	vmul.f32 v53, v57;
	[tilespmem:s22+$0x7A70] =	vst v10  }
0x8e: {  	v61 =	vld [tilespmem:s22+$0x7B00];
	v11 =	vmul.f32 v55, v57;
	[tilespmem:s22+$0x7A80] =	vst v8  }
0x8f: {  	v62 =	vld [tilespmem:s22+$0x7B10];
	v13 =	vmul.f32 v56, v57;
	[tilespmem:s22+$0x7A90] =	vst v9  }
0x90: {  	v63 =	vld [tilespmem:s22+$0x7B20];
	v14 =	vmul.f32 v58, v57;
	[tilespmem:s22+$0x7AB0] =	vst v11  }
0x91: {  	v20 =	vld [tilespmem:s22+$0x7B30];
	v12 =	vmul.f32 v54, v57;
	[tilespmem:s22+$0x7AC0] =	vst v13  }
0x92: {  	v21 =	vld [tilespmem:s22+$0x7B40];
	v22 =	vbroadcast v2, $0x6;
	v10 =	vmul.f32 v59, v57;
	[tilespmem:s22+$0x7AD0] =	vst v14  }
0x93: {  	v23 =	vld [tilespmem:s22+$0x7B50];
	v8 =	vmul.f32 v60, v57;
	[tilespmem:s22+$0x7AA0] =	vst v12  }
0x94: {  	v24 =	vld [tilespmem:s22+$0x7B60];
	v9 =	vmul.f32 v61, v22;
	[tilespmem:s22+$0x7AE0] =	vst v10  }
0x95: {  	v25 =	vld [tilespmem:s22+$0x7B70];
	v11 =	vmul.f32 v63, v22;
	[tilespmem:s22+$0x7AF0] =	vst v8  }
0x96: {  	v5 =	vld [tilespmem:s22+$0x7D80];
	v13 =	vmul.f32 v20, v22;
	[tilespmem:s22+$0x7B00] =	vst v9  }
0x97: {  	v27 =	vld [tilespmem:s22+$0x7B90];
	v14 =	vmul.f32 v21, v22;
	[tilespmem:s22+$0x7B20] =	vst v11  }
0x98: {  	v28 =	vld [tilespmem:s22+$0x7BA0];
	v12 =	vmul.f32 v62, v22;
	[tilespmem:s22+$0x7B30] =	vst v13  }
0x99: {  	v29 =	vld [tilespmem:s22+$0x7BB0];
	v10 =	vmul.f32 v23, v22;
	[tilespmem:s22+$0x7B40] =	vst v14  }
0x9a: {  	v31 =	vbroadcast v2, $0x7;
	v53 =	vld [tilespmem:s22+$0x7D00];
	v8 =	vmul.f32 v24, v22;
	[tilespmem:s22+$0x7B10] =	vst v12  }
0x9b: {  	v58 =	vld [tilespmem:s22+$0x7D50];
	v9 =	vmul.f32 v25, v22;
	[tilespmem:s22+$0x7B50] =	vst v10  }
0x9c: {  	v26 =	vld [tilespmem:s22+$0x7B80];
	v11 =	vmul.f32 v27, v31;
	[tilespmem:s22+$0x7B60] =	vst v8  }
0x9d: {  	v30 =	vld [tilespmem:s22+$0x7BC0];
	v13 =	vmul.f32 v28, v31;
	[tilespmem:s22+$0x7B70] =	vst v9  }
0x9e: {  	v32 =	vld [tilespmem:s22+$0x7BD0];
	v14 =	vmul.f32 v29, v31;
	[tilespmem:s22+$0x7B90] =	vst v11  }
0x9f: {  	v33 =	vld [tilespmem:s22+$0x7BE0];
	v59 =	vmul.f32 v53, v6;
	[tilespmem:s22+$0x7BA0] =	vst v13  }
0xa0: {  	v35 =	vld [tilespmem:s22+$0x7C00];
	v21 =	vmul.f32 v58, v6;
	[tilespmem:s22+$0x7BB0] =	vst v14  }
0xa1: {  	v36 =	vld [tilespmem:s22+$0x7C10];
	v12 =	vmul.f32 v26, v31;
	[tilespmem:s22+$0x7D00] =	vst v59  }
0xa2: {  	v37 =	vld [tilespmem:s22+$0x7C20];
	v10 =	vmul.f32 v30, v31;
	[tilespmem:s22+$0x7D50] =	vst v21  }
0xa3: {  	v7 =	vld [tilespmem:s22+$0x7D90];
	v40 =	vbroadcast v2, $0x8;
	v8 =	vmul.f32 v32, v31;
	[tilespmem:s22+$0x7B80] =	vst v12  }
0xa4: {  	v34 =	vld [tilespmem:s22+$0x7BF0];
	v9 =	vmul.f32 v33, v31;
	[tilespmem:s22+$0x7BC0] =	vst v10  }
0xa5: {  	v57 =	vld [tilespmem:s22+$0x7D40];
	v11 =	vmul.f32 v35, v40;
	[tilespmem:s22+$0x7BD0] =	vst v8  }
0xa6: {  	v61 =	vld [tilespmem:s22+$0x7800];
	v24 =	vbroadcast v2, $0xB;
	v13 =	vmul.f32 v36, v40;
	[tilespmem:s22+$0x7BE0] =	vst v9  }
0xa7: {  	v4 =	vld [tilespmem:s22+$0x7FD0];
	v14 =	vmul.f32 v37, v40;
	[tilespmem:s22+$0x7C00] =	vst v11  }
0xa8: {  	v38 =	vld [tilespmem:s22+$0x7C30];
	v5 =	vmul.f32 v5, v24;
	[tilespmem:s22+$0x7C10] =	vst v13  }
0xa9: {  	v39 =	vld [tilespmem:s22+$0x7C40];
	v7 =	vmul.f32 v7, v24;
	[tilespmem:s22+$0x7C20] =	vst v14  }
0xaa: {  	v41 =	vld [tilespmem:s22+$0x7C50];
	v19 =	vmul.f32 v57, v6;
	[tilespmem:s22+$0x7D80] =	vst v5  }
0xab: {  	v43 =	vld [tilespmem:s22+$0x7C70];
	v25 =	vmul.f32 v3, v61;
	[tilespmem:s22+$0x7D90] =	vst v7  }
0xac: {  	v44 =	vld [tilespmem:s22+$0x7C80];
	v12 =	vmul.f32 v34, v31;
	[tilespmem:s22+$0x7D40] =	vst v19  }
0xad: {  	v45 =	vld [tilespmem:s22+$0x7C90];
	v10 =	vmul.f32 v38, v40;
	[tilespmem:s22+$0x7800] =	vst v25  }
0xae: {  	v27 =	vld [tilespmem:s22+$0x7DD0];
	v8 =	vmul.f32 v39, v40;
	[tilespmem:s22+$0x7BF0] =	vst v12  }
0xaf: {  	v49 =	vbroadcast v2, $0x9;
	v29 =	vld [tilespmem:s22+$0x7DF0];
	v9 =	vmul.f32 v41, v40;
	[tilespmem:s22+$0x7C30] =	vst v10  }
0xb0: {  	v42 =	vld [tilespmem:s22+$0x7C60];
	v11 =	vmul.f32 v43, v40;
	[tilespmem:s22+$0x7C40] =	vst v8  }
0xb1: {  	v46 =	vld [tilespmem:s22+$0x7CA0];
	v13 =	vmul.f32 v44, v49;
	[tilespmem:s22+$0x7C50] =	vst v9  }
0xb2: {  	v47 =	vld [tilespmem:s22+$0x7CB0];
	v14 =	vmul.f32 v45, v49;
	[tilespmem:s22+$0x7C70] =	vst v11  }
0xb3: {  	v48 =	vld [tilespmem:s22+$0x7CC0];
	v32 =	vmul.f32 v27, v24;
	[tilespmem:s22+$0x7C80] =	vst v13  }
0xb4: {  	v51 =	vld [tilespmem:s22+$0x7CE0];
	v7 =	vmul.f32 v29, v24;
	[tilespmem:s22+$0x7C90] =	vst v14  }
0xb5: {  	v52 =	vld [tilespmem:s22+$0x7CF0];
	v12 =	vmul.f32 v42, v40;
	[tilespmem:s22+$0x7DD0] =	vst v32  }
0xb6: {  	v10 =	vmul.f32 v46, v49;
	[tilespmem:s22+$0x7DF0] =	vst v7  }
0xb7: {  	v28 =	vld [tilespmem:s22+$0x7DE0];
	v8 =	vmul.f32 v47, v49;
	[tilespmem:s22+$0x7C60] =	vst v12  }
0xb8: {  	v30 =	vld [tilespmem:s22+$0x7E00];
	v9 =	vmul.f32 v48, v49;
	[tilespmem:s22+$0x7CA0] =	vst v10  }
0xb9: {  	v50 =	vld [tilespmem:s22+$0x7CD0];
	v5 =	vbroadcast v2, $0xF;
	v11 =	vmul.f32 v51, v49;
	[tilespmem:s22+$0x7CB0] =	vst v8  }
0xba: {  	v54 =	vld [tilespmem:s22+$0x7D10];
	v13 =	vmul.f32 v52, v49;
	[tilespmem:s22+$0x7CC0] =	vst v9  }
0xbb: {  	v55 =	vld [tilespmem:s22+$0x7D20];
	v35 =	vbroadcast v2, $0xC;
	v4 =	vmul.f32 v4, v5;
	[tilespmem:s22+$0x7CE0] =	vst v11  }
0xbc: {  	v56 =	vld [tilespmem:s22+$0x7D30];
	v40 =	vmul.f32 v28, v24;
	[tilespmem:s22+$0x7CF0] =	vst v13  }
0xbd: {  	v60 =	vld [tilespmem:s22+$0x7D60];
	v16 =	vmul.f32 v30, v35;
	[tilespmem:s22+$0x7FD0] =	vst v4  }
0xbe: {  	v62 =	vld [tilespmem:s22+$0x7810];
	v12 =	vmul.f32 v50, v49;
	[tilespmem:s22+$0x7DE0] =	vst v40  }
0xbf: {  	v63 =	vld [tilespmem:s22+$0x7840];
	v10 =	vmul.f32 v54, v6;
	[tilespmem:s22+$0x7E00] =	vst v16  }
0xc0: {  	v20 =	vld [tilespmem:s22+$0x7850];
	v8 =	vmul.f32 v55, v6;
	[tilespmem:s22+$0x7CD0] =	vst v12  }
0xc1: {  	v33 =	vld [tilespmem:s22+$0x7E30];
	v9 =	vmul.f32 v56, v6;
	[tilespmem:s22+$0x7D10] =	vst v10  }
0xc2: {  	v61 =	vld [tilespmem:s22+$0x7FF0];
	v6 =	vmul.f32 v60, v6;
	[tilespmem:s22+$0x7D20] =	vst v8  }
0xc3: {  	v38 =	vld [tilespmem:s22+$0x7E70];
	v13 =	vmul.f32 v62, v3;
	[tilespmem:s22+$0x7D30] =	vst v9  }
0xc4: {  	v22 =	vld [tilespmem:s22+$0x7DA0];
	v4 =	vmul.f32 v63, v3;
	[tilespmem:s22+$0x7D60] =	vst v6  }
0xc5: {  	v23 =	vld [tilespmem:s22+$0x7DB0];
	v3 =	vmul.f32 v20, v3;
	[tilespmem:s22+$0x7810] =	vst v13  }
0xc6: {  	v26 =	vld [tilespmem:s22+$0x7DC0];
	v62 =	vmul.f32 v33, v35;
	[tilespmem:s22+$0x7840] =	vst v4  }
0xc7: {  	v31 =	vld [tilespmem:s22+$0x7E10];
	v63 =	vmul.f32 v61, v5;
	[tilespmem:s22+$0x7850] =	vst v3  }
0xc8: {  	v34 =	vld [tilespmem:s22+$0x7E40];
	v16 =	vmul.f32 v38, v35;
	[tilespmem:s22+$0x7E30] =	vst v62  }
0xc9: {  	v41 =	vld [tilespmem:s22+$0x7EA0];
	v8 =	vmul.f32 v22, v24;
	[tilespmem:s22+$0x7FF0] =	vst v63  }
0xca: {  	v46 =	vld [tilespmem:s22+$0x7EE0];
	v9 =	vmul.f32 v23, v24;
	[tilespmem:s22+$0x7E70] =	vst v16  }
0xcb: {  	v6 =	vmul.f32 v26, v24;
	v3 =	vld [tilespmem:s22+$0x7E90];
	[tilespmem:s22+$0x7DA0] =	vst v8  }
0xcc: {  	v36 =	vld [tilespmem:s22+$0x7E50];
	v44 =	vbroadcast v2, $0xD;
	v10 =	vmul.f32 v31, v35;
	[tilespmem:s22+$0x7DB0] =	vst v9  }
0xcd: {  	v37 =	vld [tilespmem:s22+$0x7E60];
	v13 =	vmul.f32 v34, v35;
	[tilespmem:s22+$0x7DC0] =	vst v6  }
0xce: {  	v39 =	vld [tilespmem:s22+$0x7E80];
	v12 =	vmul.f32 v41, v44;
	[tilespmem:s22+$0x7E10] =	vst v10  }
0xcf: {  	v42 =	vld [tilespmem:s22+$0x7EB0];
	v51 =	vmul.f32 v46, v44;
	[tilespmem:s22+$0x7E40] =	vst v13  }
0xd0: {  	v48 =	vld [tilespmem:s22+$0x7F10];
	[tilespmem:s22+$0x7EA0] =	vst v12;
	v3 =	vmul.f32 v3, v44  }
0xd1: {  	v49 =	vld [tilespmem:s22+$0x7F20];
	v9 =	vmul.f32 v36, v35;
	[tilespmem:s22+$0x7EE0] =	vst v51  }
0xd2: {  	v6 =	vmul.f32 v37, v35;
	[tilespmem:s22+$0x7E90] =	vst v3;
	v3 =	vld [tilespmem:s22+$0x7F00]  }
0xd3: {  	v2 =	vbroadcast v2, $0xE;
	v50 =	vld [tilespmem:s22+$0x7F30];
	v10 =	vmul.f32 v39, v44;
	[tilespmem:s22+$0x7E50] =	vst v9  }
0xd4: {  	v45 =	vld [tilespmem:s22+$0x7ED0];
	v13 =	vmul.f32 v42, v44;
	[tilespmem:s22+$0x7E60] =	vst v6  }
0xd5: {  	v47 =	vld [tilespmem:s22+$0x7EF0];
	v12 =	vmul.f32 v48, v2;
	[tilespmem:s22+$0x7E80] =	vst v10  }
0xd6: {  	v43 =	vld [tilespmem:s22+$0x7EC0];
	v11 =	vmul.f32 v49, v2;
	[tilespmem:s22+$0x7EB0] =	vst v13  }
0xd7: {  	v55 =	vld [tilespmem:s22+$0x7F80];
	[tilespmem:s22+$0x7F10] =	vst v12;
	v3 =	vmul.f32 v3, v2  }
0xd8: {  	v57 =	vld [tilespmem:s22+$0x7FA0];
	v7 =	vmul.f32 v50, v2;
	[tilespmem:s22+$0x7F20] =	vst v11  }
0xd9: {  	v6 =	vmul.f32 v45, v44;
	[tilespmem:s22+$0x7F00] =	vst v3;
	v3 =	vld [tilespmem:s22+$0x7F70]  }
0xda: {  	v52 =	vld [tilespmem:s22+$0x7F40];
	v10 =	vmul.f32 v47, v44;
	[tilespmem:s22+$0x7F30] =	vst v7  }
0xdb: {  	v56 =	vld [tilespmem:s22+$0x7F90];
	v9 =	vmul.f32 v43, v44;
	[tilespmem:s22+$0x7ED0] =	vst v6  }
0xdc: {  	v54 =	vld [tilespmem:s22+$0x7F60];
	v12 =	vmul.f32 v55, v5;
	[tilespmem:s22+$0x7EF0] =	vst v10  }
0xdd: {  	v58 =	vld [tilespmem:s22+$0x7FB0];
	v7 =	vmul.f32 v57, v5;
	[tilespmem:s22+$0x7EC0] =	vst v9  }
0xde: {  	v53 =	vld [tilespmem:s22+$0x7F50];
	[tilespmem:s22+$0x7F80] =	vst v12;
	v3 =	vmul.f32 v3, v2  }
0xdf: {  	v59 =	vld [tilespmem:s22+$0x7FC0];
	v6 =	vmul.f32 v52, v2;
	[tilespmem:s22+$0x7FA0] =	vst v7  }
0xe0: {  	v60 =	vld [tilespmem:s22+$0x7FE0];
	[tilespmem:s22+$0x7F70] =	vst v3;
	v3 =	vmul.f32 v56, v5  }
0xe1: {  	v10 =	vmul.f32 v54, v2;
	[tilespmem:s22+$0x7F40] =	vst v6  }
0xe2: {  	v4 =	vld [tilespmem:s22+$0x7E20];
	[tilespmem:s22+$0x7F90] =	vst v3;
	v3 =	vmul.f32 v58, v5  }
0xe3: {  	[tilespmem:s22+$0x7F60] =	vst v10;
	v2 =	vmul.f32 v53, v2  }
0xe4: {  	[tilespmem:s22+$0x7FB0] =	vst v3;
	v3 =	vmul.f32 v59, v5  }
0xe5: {  	[tilespmem:s22+$0x7F50] =	vst v2;
	v5 =	vmul.f32 v60, v5  }
0xe6: {  	[tilespmem:s22+$0x7FC0] =	vst v3  }
0xe7: {  	s0 =	simm.s32 $0x1;
	v3 =	vmul.f32 v4, v35;
	[tilespmem:s22+$0x7FE0] =	vst v5  }
.LBB2_5:
0xe8: {  	s6 =	sshll.u32 s0, $0x4  }
0xe9: {  	p0 =	sne.s32 s0, $0x3;
	[tilespmem:s22+$0x7E20] =	vst v3;
	s22 =	smov.u32 s0;
	s0 =	sadd.s32 $0x1, s0  }
0xea: {  	s6 =	sand.u32 $0x3FFFFFF0, s6  }
0xeb: {  	v2 =	vld.idx.msk [tilespmem:v1+s6+$0x0 ss:$0x1], $0xffff  }
0xec: {  	s6 =	sshll.u32 s22, $0xB  }
0xed: {  	s22 =	sand.u32 $0x3FFFF800, s6  }
0xee: {  	v9 =	vld [tilespmem:s22+$0x78C0]  }
0xef: {  	v10 =	vld [tilespmem:s22+$0x78D0]  }
0xf0: {  	v11 =	vld [tilespmem:s22+$0x78B0]  }
0xf1: {  	v3 =	vbroadcast v2, $0x0;
	v8 =	vbroadcast v2, $0x4;
	v4 =	vld [tilespmem:s22+$0x7820]  }
0xf2: {  	v6 =	vld [tilespmem:s22+$0x7830]  }
0xf3: {  	v7 =	vld [tilespmem:s22+$0x7D70]  }
0xf4: {  	v12 =	vld [tilespmem:s22+$0x7860]  }
0xf5: {  	v13 =	vld [tilespmem:s22+$0x7870]  }
0xf6: {  	v5 =	vbroadcast v2, $0xA;
	v4 =	vmul.f32 v4, v3;
	v14 =	vld [tilespmem:s22+$0x7880]  }
0xf7: {  	v6 =	vmul.f32 v6, v3;
	v15 =	vld [tilespmem:s22+$0x7890]  }
0xf8: {  	[tilespmem:s22+$0x7820] =	vst v4;
	v16 =	vld [tilespmem:s22+$0x78A0];
	v4 =	vmul.f32 v7, v5  }
0xf9: {  	[tilespmem:s22+$0x7830] =	vst v6;
	v7 =	vmul.f32 v12, v3;
	v12 =	vbroadcast v2, $0x1;
	v6 =	vld [tilespmem:s22+$0x7D80]  }
0xfa: {  	v13 =	vmul.f32 v13, v3;
	[tilespmem:s22+$0x7D70] =	vst v4;
	v4 =	vld [tilespmem:s22+$0x7FD0]  }
0xfb: {  	[tilespmem:s22+$0x7860] =	vst v7;
	v14 =	vmul.f32 v14, v12;
	v7 =	vld [tilespmem:s22+$0x7D90]  }
0xfc: {  	[tilespmem:s22+$0x7870] =	vst v13;
	v13 =	vmul.f32 v15, v12;
	v15 =	vld [tilespmem:s22+$0x78E0]  }
0xfd: {  	[tilespmem:s22+$0x7880] =	vst v14;
	v14 =	vmul.f32 v16, v12;
	v16 =	vld [tilespmem:s22+$0x78F0]  }
0xfe: {  	v11 =	vmul.f32 v11, v12;
	[tilespmem:s22+$0x7890] =	vst v13;
	v13 =	vld [tilespmem:s22+$0x7900]  }
0xff: {  	v9 =	vmul.f32 v9, v12;
	[tilespmem:s22+$0x78A0] =	vst v14;
	v14 =	vld [tilespmem:s22+$0x7910]  }
0x100: {  	v10 =	vmul.f32 v10, v12;
	[tilespmem:s22+$0x78B0] =	vst v11;
	v11 =	vld [tilespmem:s22+$0x7920]  }
0x101: {  	[tilespmem:s22+$0x78C0] =	vst v9;
	v9 =	vmul.f32 v15, v12;
	v15 =	vbroadcast v2, $0x2;
	v17 =	vld [tilespmem:s22+$0x7930]  }
0x102: {  	[tilespmem:s22+$0x78D0] =	vst v10;
	v10 =	vmul.f32 v16, v12;
	v12 =	vld [tilespmem:s22+$0x7940]  }
0x103: {  	[tilespmem:s22+$0x78E0] =	vst v9;
	v9 =	vmul.f32 v13, v15;
	v13 =	vld [tilespmem:s22+$0x7950]  }
0x104: {  	[tilespmem:s22+$0x78F0] =	vst v10;
	v10 =	vmul.f32 v14, v15;
	v14 =	vld [tilespmem:s22+$0x7960]  }
0x105: {  	[tilespmem:s22+$0x7900] =	vst v9;
	v9 =	vmul.f32 v11, v15;
	v11 =	vld [tilespmem:s22+$0x7970]  }
0x106: {  	[tilespmem:s22+$0x7910] =	vst v10;
	v10 =	vmul.f32 v17, v15;
	v16 =	vld [tilespmem:s22+$0x7980]  }
0x107: {  	[tilespmem:s22+$0x7920] =	vst v9;
	v9 =	vmul.f32 v12, v15;
	v12 =	vld [tilespmem:s22+$0x7990]  }
0x108: {  	[tilespmem:s22+$0x7930] =	vst v10;
	v10 =	vmul.f32 v13, v15;
	v13 =	vld [tilespmem:s22+$0x79A0]  }
0x109: {  	[tilespmem:s22+$0x7940] =	vst v9;
	v9 =	vmul.f32 v14, v15;
	v14 =	vbroadcast v2, $0x3;
	v17 =	vld [tilespmem:s22+$0x79B0]  }
0x10a: {  	[tilespmem:s22+$0x7950] =	vst v10;
	v10 =	vmul.f32 v11, v15;
	v11 =	vld [tilespmem:s22+$0x79C0]  }
0x10b: {  	[tilespmem:s22+$0x7960] =	vst v9;
	v9 =	vmul.f32 v16, v14;
	v15 =	vld [tilespmem:s22+$0x79D0]  }
0x10c: {  	[tilespmem:s22+$0x7970] =	vst v10;
	v10 =	vmul.f32 v12, v14;
	v12 =	vld [tilespmem:s22+$0x79E0]  }
0x10d: {  	[tilespmem:s22+$0x7980] =	vst v9;
	v9 =	vmul.f32 v13, v14;
	v13 =	vld [tilespmem:s22+$0x79F0]  }
0x10e: {  	[tilespmem:s22+$0x7990] =	vst v10;
	v10 =	vmul.f32 v17, v14;
	v16 =	vld [tilespmem:s22+$0x7A00]  }
0x10f: {  	[tilespmem:s22+$0x79A0] =	vst v9;
	v9 =	vmul.f32 v11, v14;
	v11 =	vld [tilespmem:s22+$0x7A10]  }
0x110: {  	[tilespmem:s22+$0x79B0] =	vst v10;
	v10 =	vmul.f32 v15, v14;
	v15 =	vld [tilespmem:s22+$0x7A20]  }
0x111: {  	[tilespmem:s22+$0x79C0] =	vst v9;
	v9 =	vmul.f32 v12, v14;
	v12 =	vld [tilespmem:s22+$0x7A30]  }
0x112: {  	[tilespmem:s22+$0x79D0] =	vst v10;
	v10 =	vmul.f32 v13, v14;
	v13 =	vld [tilespmem:s22+$0x7A40]  }
0x113: {  	[tilespmem:s22+$0x79E0] =	vst v9;
	v9 =	vmul.f32 v16, v8;
	v14 =	vld [tilespmem:s22+$0x7A50]  }
0x114: {  	[tilespmem:s22+$0x79F0] =	vst v10;
	v10 =	vmul.f32 v11, v8;
	v11 =	vld [tilespmem:s22+$0x7A60]  }
0x115: {  	[tilespmem:s22+$0x7A00] =	vst v9;
	v9 =	vmul.f32 v15, v8;
	v15 =	vld [tilespmem:s22+$0x7A70]  }
0x116: {  	[tilespmem:s22+$0x7A10] =	vst v10;
	v10 =	vmul.f32 v12, v8;
	v12 =	vld [tilespmem:s22+$0x7A80]  }
0x117: {  	[tilespmem:s22+$0x7A20] =	vst v9;
	v9 =	vmul.f32 v13, v8;
	v13 =	vld [tilespmem:s22+$0x7A90]  }
0x118: {  	[tilespmem:s22+$0x7A30] =	vst v10;
	v10 =	vmul.f32 v14, v8;
	v14 =	vld [tilespmem:s22+$0x7AA0]  }
0x119: {  	[tilespmem:s22+$0x7A40] =	vst v9;
	v9 =	vmul.f32 v11, v8;
	v11 =	vbroadcast v2, $0x5;
	v16 =	vld [tilespmem:s22+$0x7AB0]  }
0x11a: {  	[tilespmem:s22+$0x7A50] =	vst v10;
	v8 =	vmul.f32 v15, v8;
	v10 =	vld [tilespmem:s22+$0x7AC0]  }
0x11b: {  	[tilespmem:s22+$0x7A60] =	vst v9;
	v9 =	vmul.f32 v12, v11;
	v12 =	vld [tilespmem:s22+$0x7AD0]  }
0x11c: {  	[tilespmem:s22+$0x7A70] =	vst v8;
	v8 =	vmul.f32 v13, v11;
	v13 =	vld [tilespmem:s22+$0x7AE0]  }
0x11d: {  	[tilespmem:s22+$0x7A80] =	vst v9;
	v9 =	vmul.f32 v14, v11;
	v14 =	vld [tilespmem:s22+$0x7AF0]  }
0x11e: {  	[tilespmem:s22+$0x7A90] =	vst v8;
	v8 =	vmul.f32 v16, v11;
	v15 =	vld [tilespmem:s22+$0x7B00]  }
0x11f: {  	[tilespmem:s22+$0x7AA0] =	vst v9;
	v9 =	vmul.f32 v10, v11;
	v10 =	vld [tilespmem:s22+$0x7B10]  }
0x120: {  	[tilespmem:s22+$0x7AB0] =	vst v8;
	v8 =	vmul.f32 v12, v11;
	v12 =	vld [tilespmem:s22+$0x7B20]  }
0x121: {  	[tilespmem:s22+$0x7AC0] =	vst v9;
	v9 =	vmul.f32 v13, v11;
	v13 =	vbroadcast v2, $0x6;
	v16 =	vld [tilespmem:s22+$0x7B30]  }
0x122: {  	[tilespmem:s22+$0x7AD0] =	vst v8;
	v8 =	vmul.f32 v14, v11;
	v11 =	vld [tilespmem:s22+$0x7B40]  }
0x123: {  	[tilespmem:s22+$0x7AE0] =	vst v9;
	v9 =	vmul.f32 v15, v13;
	v14 =	vld [tilespmem:s22+$0x7B50]  }
0x124: {  	[tilespmem:s22+$0x7AF0] =	vst v8;
	v8 =	vmul.f32 v10, v13;
	v10 =	vld [tilespmem:s22+$0x7B60]  }
0x125: {  	[tilespmem:s22+$0x7B00] =	vst v9;
	v9 =	vmul.f32 v12, v13;
	v12 =	vld [tilespmem:s22+$0x7B70]  }
0x126: {  	[tilespmem:s22+$0x7B10] =	vst v8;
	v8 =	vmul.f32 v16, v13;
	v15 =	vld [tilespmem:s22+$0x7B80]  }
0x127: {  	[tilespmem:s22+$0x7B20] =	vst v9;
	v9 =	vmul.f32 v11, v13;
	v11 =	vld [tilespmem:s22+$0x7B90]  }
0x128: {  	[tilespmem:s22+$0x7B30] =	vst v8;
	v8 =	vmul.f32 v14, v13;
	v14 =	vld [tilespmem:s22+$0x7BA0]  }
0x129: {  	[tilespmem:s22+$0x7B40] =	vst v9;
	v9 =	vmul.f32 v10, v13;
	v10 =	vbroadcast v2, $0x7;
	v16 =	vld [tilespmem:s22+$0x7BB0]  }
0x12a: {  	[tilespmem:s22+$0x7B50] =	vst v8;
	v8 =	vmul.f32 v12, v13;
	v12 =	vld [tilespmem:s22+$0x7BC0]  }
0x12b: {  	[tilespmem:s22+$0x7B60] =	vst v9;
	v9 =	vmul.f32 v15, v10;
	v13 =	vld [tilespmem:s22+$0x7BD0]  }
0x12c: {  	[tilespmem:s22+$0x7B70] =	vst v8;
	v8 =	vmul.f32 v11, v10;
	v11 =	vld [tilespmem:s22+$0x7BE0]  }
0x12d: {  	[tilespmem:s22+$0x7B80] =	vst v9;
	v9 =	vmul.f32 v14, v10;
	v14 =	vld [tilespmem:s22+$0x7BF0]  }
0x12e: {  	[tilespmem:s22+$0x7B90] =	vst v8;
	v8 =	vmul.f32 v16, v10;
	v15 =	vld [tilespmem:s22+$0x7C00]  }
0x12f: {  	[tilespmem:s22+$0x7BA0] =	vst v9;
	v9 =	vmul.f32 v12, v10;
	v12 =	vld [tilespmem:s22+$0x7C10]  }
0x130: {  	[tilespmem:s22+$0x7BB0] =	vst v8;
	v8 =	vmul.f32 v13, v10;
	v13 =	vld [tilespmem:s22+$0x7C20]  }
0x131: {  	[tilespmem:s22+$0x7BC0] =	vst v9;
	v9 =	vmul.f32 v11, v10;
	v11 =	vbroadcast v2, $0x8;
	v16 =	vld [tilespmem:s22+$0x7C30]  }
0x132: {  	[tilespmem:s22+$0x7BD0] =	vst v8;
	v8 =	vmul.f32 v14, v10;
	v10 =	vld [tilespmem:s22+$0x7C40]  }
0x133: {  	[tilespmem:s22+$0x7BE0] =	vst v9;
	v9 =	vmul.f32 v15, v11;
	v14 =	vld [tilespmem:s22+$0x7C50]  }
0x134: {  	[tilespmem:s22+$0x7BF0] =	vst v8;
	v8 =	vmul.f32 v12, v11;
	v12 =	vld [tilespmem:s22+$0x7C60]  }
0x135: {  	[tilespmem:s22+$0x7C00] =	vst v9;
	v9 =	vmul.f32 v13, v11;
	v13 =	vld [tilespmem:s22+$0x7C70]  }
0x136: {  	[tilespmem:s22+$0x7C10] =	vst v8;
	v8 =	vmul.f32 v16, v11;
	v15 =	vld [tilespmem:s22+$0x7C80]  }
0x137: {  	[tilespmem:s22+$0x7C20] =	vst v9;
	v9 =	vmul.f32 v10, v11;
	v10 =	vld [tilespmem:s22+$0x7C90]  }
0x138: {  	[tilespmem:s22+$0x7C30] =	vst v8;
	v8 =	vmul.f32 v14, v11;
	v14 =	vld [tilespmem:s22+$0x7CA0]  }
0x139: {  	[tilespmem:s22+$0x7C40] =	vst v9;
	v9 =	vmul.f32 v12, v11;
	v12 =	vbroadcast v2, $0x9;
	v16 =	vld [tilespmem:s22+$0x7CB0]  }
0x13a: {  	[tilespmem:s22+$0x7C50] =	vst v8;
	v8 =	vmul.f32 v13, v11;
	v11 =	vld [tilespmem:s22+$0x7CC0]  }
0x13b: {  	[tilespmem:s22+$0x7C60] =	vst v9;
	v9 =	vmul.f32 v15, v12;
	v13 =	vld [tilespmem:s22+$0x7CD0]  }
0x13c: {  	[tilespmem:s22+$0x7C70] =	vst v8;
	v8 =	vmul.f32 v10, v12;
	v10 =	vld [tilespmem:s22+$0x7CE0]  }
0x13d: {  	[tilespmem:s22+$0x7C80] =	vst v9;
	v9 =	vmul.f32 v14, v12;
	v14 =	vld [tilespmem:s22+$0x7CF0]  }
0x13e: {  	[tilespmem:s22+$0x7C90] =	vst v8;
	v8 =	vmul.f32 v16, v12;
	v15 =	vld [tilespmem:s22+$0x7D00]  }
0x13f: {  	[tilespmem:s22+$0x7CA0] =	vst v9;
	v9 =	vmul.f32 v11, v12;
	v11 =	vld [tilespmem:s22+$0x7D10]  }
0x140: {  	[tilespmem:s22+$0x7CB0] =	vst v8;
	v8 =	vmul.f32 v13, v12;
	v13 =	vld [tilespmem:s22+$0x7D20]  }
0x141: {  	[tilespmem:s22+$0x7CC0] =	vst v9;
	v9 =	vmul.f32 v10, v12;
	v10 =	vld [tilespmem:s22+$0x7D30]  }
0x142: {  	[tilespmem:s22+$0x7CD0] =	vst v8;
	v8 =	vmul.f32 v14, v12;
	v12 =	vld [tilespmem:s22+$0x7D40]  }
0x143: {  	[tilespmem:s22+$0x7CE0] =	vst v9;
	v9 =	vmul.f32 v15, v5;
	v14 =	vld [tilespmem:s22+$0x7D50]  }
0x144: {  	[tilespmem:s22+$0x7CF0] =	vst v8;
	v8 =	vmul.f32 v11, v5;
	v11 =	vld [tilespmem:s22+$0x7D60]  }
0x145: {  	v15 =	vld [tilespmem:s22+$0x7800];
	[tilespmem:s22+$0x7D00] =	vst v9;
	v9 =	vmul.f32 v13, v5  }
0x146: {  	v13 =	vld [tilespmem:s22+$0x7810];
	[tilespmem:s22+$0x7D10] =	vst v8;
	v8 =	vmul.f32 v10, v5  }
0x147: {  	v10 =	vld [tilespmem:s22+$0x7840];
	[tilespmem:s22+$0x7D20] =	vst v9;
	v9 =	vmul.f32 v12, v5  }
0x148: {  	v12 =	vld [tilespmem:s22+$0x7850];
	[tilespmem:s22+$0x7D30] =	vst v8;
	v8 =	vmul.f32 v14, v5  }
0x149: {  	[tilespmem:s22+$0x7D40] =	vst v9;
	v9 =	vmul.f32 v11, v5;
	v11 =	vbroadcast v2, $0xB;
	v14 =	vld [tilespmem:s22+$0x7DA0]  }
0x14a: {  	v5 =	vbroadcast v2, $0xF;
	v15 =	vmul.f32 v3, v15;
	[tilespmem:s22+$0x7D50] =	vst v8;
	v8 =	vld [tilespmem:s22+$0x7DB0]  }
0x14b: {  	v13 =	vmul.f32 v13, v3;
	[tilespmem:s22+$0x7D60] =	vst v9;
	v6 =	vmul.f32 v6, v11;
	v9 =	vld [tilespmem:s22+$0x7DC0]  }
0x14c: {  	v7 =	vmul.f32 v7, v11;
	[tilespmem:s22+$0x7800] =	vst v15;
	v10 =	vmul.f32 v10, v3;
	v15 =	vld [tilespmem:s22+$0x7DD0]  }
0x14d: {  	v4 =	vmul.f32 v4, v5;
	v12 =	vmul.f32 v12, v3;
	[tilespmem:s22+$0x7D80] =	vst v6;
	v3 =	vld [tilespmem:s22+$0x7DE0]  }
0x14e: {  	[tilespmem:s22+$0x7D90] =	vst v7;
	v6 =	vmul.f32 v14, v11;
	v7 =	vld [tilespmem:s22+$0x7DF0]  }
0x14f: {  	v8 =	vmul.f32 v8, v11;
	v14 =	vld [tilespmem:s22+$0x7E00];
	[tilespmem:s22+$0x7FD0] =	vst v4  }
0x150: {  	[tilespmem:s22+$0x7810] =	vst v13;
	v4 =	vmul.f32 v9, v11;
	v9 =	vld [tilespmem:s22+$0x7E10]  }
0x151: {  	[tilespmem:s22+$0x7840] =	vst v10;
	v10 =	vmul.f32 v15, v11;
	v13 =	vld [tilespmem:s22+$0x7E20]  }
0x152: {  	v15 =	vbroadcast v2, $0xC;
	[tilespmem:s22+$0x7DA0] =	vst v6;
	v6 =	vmul.f32 v3, v11;
	v16 =	vld [tilespmem:s22+$0x7E30]  }
0x153: {  	[tilespmem:s22+$0x7DD0] =	vst v10;
	v7 =	vmul.f32 v7, v11;
	v10 =	vld [tilespmem:s22+$0x7E40]  }
0x154: {  	[tilespmem:s22+$0x7DB0] =	vst v8;
	v3 =	vmul.f32 v14, v15;
	v8 =	vld [tilespmem:s22+$0x7E50]  }
0x155: {  	[tilespmem:s22+$0x7DC0] =	vst v4;
	v4 =	vmul.f32 v9, v15;
	v9 =	vld [tilespmem:s22+$0x7E60]  }
0x156: {  	[tilespmem:s22+$0x7E00] =	vst v3;
	v3 =	vmul.f32 v13, v15;
	v11 =	vld [tilespmem:s22+$0x7E70]  }
0x157: {  	[tilespmem:s22+$0x7E10] =	vst v4;
	v4 =	vld [tilespmem:s22+$0x7E80]  }
0x158: {  	[tilespmem:s22+$0x7850] =	vst v12;
	v10 =	vmul.f32 v10, v15;
	v12 =	vld [tilespmem:s22+$0x7E90]  }
0x159: {  	[tilespmem:s22+$0x7DE0] =	vst v6;
	v6 =	vmul.f32 v8, v15;
	v8 =	vld [tilespmem:s22+$0x7EA0]  }
0x15a: {  	[tilespmem:s22+$0x7E40] =	vst v10;
	v9 =	vmul.f32 v9, v15;
	v10 =	vbroadcast v2, $0xD;
	v13 =	vld [tilespmem:s22+$0x7EB0]  }
0x15b: {  	[tilespmem:s22+$0x7E50] =	vst v6;
	v6 =	vmul.f32 v11, v15;
	v11 =	vld [tilespmem:s22+$0x7EC0]  }
0x15c: {  	[tilespmem:s22+$0x7E60] =	vst v9;
	v4 =	vmul.f32 v4, v10;
	v9 =	vld [tilespmem:s22+$0x7ED0]  }
0x15d: {  	[tilespmem:s22+$0x7E70] =	vst v6;
	v6 =	vmul.f32 v12, v10;
	v12 =	vld [tilespmem:s22+$0x7EE0]  }
0x15e: {  	[tilespmem:s22+$0x7E80] =	vst v4;
	v4 =	vmul.f32 v8, v10;
	v8 =	vld [tilespmem:s22+$0x7EF0]  }
0x15f: {  	[tilespmem:s22+$0x7E90] =	vst v6;
	v6 =	vmul.f32 v13, v10;
	v13 =	vld [tilespmem:s22+$0x7F00]  }
0x160: {  	[tilespmem:s22+$0x7EA0] =	vst v4;
	v4 =	vmul.f32 v11, v10;
	v11 =	vld [tilespmem:s22+$0x7F10]  }
0x161: {  	[tilespmem:s22+$0x7EB0] =	vst v6;
	v6 =	vmul.f32 v9, v10;
	v9 =	vld [tilespmem:s22+$0x7F20]  }
0x162: {  	v2 =	vbroadcast v2, $0xE;
	[tilespmem:s22+$0x7DF0] =	vst v7;
	v7 =	vmul.f32 v12, v10;
	v12 =	vld [tilespmem:s22+$0x7F30]  }
0x163: {  	[tilespmem:s22+$0x7ED0] =	vst v6;
	v6 =	vmul.f32 v8, v10;
	v8 =	vld [tilespmem:s22+$0x7F40]  }
0x164: {  	[tilespmem:s22+$0x7EE0] =	vst v7;
	v7 =	vmul.f32 v13, v2;
	v10 =	vld [tilespmem:s22+$0x7F50]  }
0x165: {  	[tilespmem:s22+$0x7EF0] =	vst v6;
	v6 =	vmul.f32 v11, v2;
	v11 =	vld [tilespmem:s22+$0x7F60]  }
0x166: {  	[tilespmem:s22+$0x7F00] =	vst v7;
	v7 =	vmul.f32 v9, v2;
	v9 =	vld [tilespmem:s22+$0x7F70]  }
0x167: {  	[tilespmem:s22+$0x7F10] =	vst v6;
	v6 =	vmul.f32 v12, v2;
	v12 =	vld [tilespmem:s22+$0x7F80]  }
0x168: {  	[tilespmem:s22+$0x7F20] =	vst v7;
	v7 =	vmul.f32 v8, v2;
	v8 =	vld [tilespmem:s22+$0x7F90]  }
0x169: {  	[tilespmem:s22+$0x7F30] =	vst v6;
	v6 =	vmul.f32 v10, v2;
	v10 =	vld [tilespmem:s22+$0x7FA0]  }
0x16a: {  	[tilespmem:s22+$0x7F40] =	vst v7;
	v7 =	vmul.f32 v11, v2;
	v11 =	vld [tilespmem:s22+$0x7FB0]  }
0x16b: {  	[tilespmem:s22+$0x7EC0] =	vst v4;
	v2 =	vmul.f32 v9, v2;
	v4 =	vld [tilespmem:s22+$0x7FC0]  }
0x16c: {  	[tilespmem:s22+$0x7F60] =	vst v7;
	v7 =	vmul.f32 v12, v5;
	v9 =	vld [tilespmem:s22+$0x7FE0]  }
0x16d: {  	[tilespmem:s22+$0x7F70] =	vst v2;
	v2 =	vmul.f32 v8, v5;
	v8 =	vld [tilespmem:s22+$0x7FF0]  }
0x16e: {  	[tilespmem:s22+$0x7F80] =	vst v7;
	v7 =	vmul.f32 v10, v5  }
0x16f: {  	[tilespmem:s22+$0x7F90] =	vst v2;
	v2 =	vmul.f32 v11, v5  }
0x170: {  	v10 =	vmul.f32 v16, v15;
	[tilespmem:s22+$0x7FA0] =	vst v7  }
0x171: {  	[tilespmem:s22+$0x7FB0] =	vst v2;
	v2 =	vmul.f32 v4, v5  }
.Ltmp1:
0x172: {  	[tilespmem:s22+$0x7E30] =	vst v10;
	v4 =	vmul.f32 v8, v5;
	(pc) =	sbr.rel @p0 .LBB2_5-.Ltmp1, $4  }
0x173: {  	[tilespmem:s22+$0x7FC0] =	vst v2  }
0x174: {  	v2 =	vmul.f32 v9, v5;
	[tilespmem:s22+$0x7FF0] =	vst v4  }
0x175: {  	[tilespmem:s22+$0x7F50] =	vst v6  }
0x176: {  	[tilespmem:s22+$0x7FE0] =	vst v2  }
0x177: {  	[tilespmem:s22+$0x7E20] =	vst v3;
	s0 =	sadd.s32 $0x2800, s21  }
0x178: {  	[spmem:s3] =	stream.indirect.scatter.add.f32 [tilespmem:s19], [sflag:$0x3], $0x80, s0, s23, $0xb8;
	[tilespmem:$0x1F400] =	vst v63  }
0x179: {  	_ =	swait.ge [sflag:s28], $0x2000  }
0x17a: {  	s22 =	simm.s32 $0x0;
	[sflag:s28] =	ssyncset.done $0x0  }
0x17b: {  	s6 =	simm.s32 $0x0;
	s0 =	sand.u32 $0x3FFFFFF0, s22;
	[sflag:s28] =	ssyncadd.s32 $0xFFFFE000  }
0x17c: {  	s21 =	sand.u32 $0x3FFFF800, s6;
	v2 =	vld.idx.msk [tilespmem:v1+s0+$0x40 ss:$0x1], $0xffff  }
0x17d: {  	v8 =	vld [tilespmem:s21+$0x98C0]  }
0x17e: {  	v4 =	vld [tilespmem:s21+$0x9820]  }
0x17f: {  	v5 =	vld [tilespmem:s21+$0x9830]  }
0x180: {  	v11 =	vld [tilespmem:s21+$0x9860]  }
0x181: {  	v12 =	vld [tilespmem:s21+$0x9870];
	v3 =	vbroadcast v2, $0x0  }
0x182: {  	v13 =	vld [tilespmem:s21+$0x9880]  }
0x183: {  	v14 =	vld [tilespmem:s21+$0x9890];
	v4 =	vmul.f32 v4, v3  }
0x184: {  	v15 =	vld [tilespmem:s21+$0x98A0];
	v5 =	vmul.f32 v5, v3  }
0x185: {  	v10 =	vld [tilespmem:s21+$0x98B0];
	v21 =	vbroadcast v2, $0x1;
	v20 =	vmul.f32 v11, v3;
	[tilespmem:s21+$0x9820] =	vst v4  }
0x186: {  	v9 =	vld [tilespmem:s21+$0x98D0];
	v12 =	vmul.f32 v12, v3;
	[tilespmem:s21+$0x9830] =	vst v5  }
0x187: {  	v7 =	vld [tilespmem:s21+$0x9D70];
	v13 =	vmul.f32 v13, v21;
	[tilespmem:s21+$0x9860] =	vst v20  }
0x188: {  	v23 =	vld [tilespmem:s21+$0x98F0];
	v14 =	vmul.f32 v14, v21;
	[tilespmem:s21+$0x9870] =	vst v12  }
0x189: {  	v24 =	vld [tilespmem:s21+$0x9900];
	v15 =	vmul.f32 v15, v21;
	[tilespmem:s21+$0x9880] =	vst v13  }
0x18a: {  	v25 =	vld [tilespmem:s21+$0x9910];
	v10 =	vmul.f32 v10, v21;
	[tilespmem:s21+$0x9890] =	vst v14  }
0x18b: {  	v22 =	vld [tilespmem:s21+$0x98E0];
	v8 =	vmul.f32 v8, v21;
	[tilespmem:s21+$0x98A0] =	vst v15  }
0x18c: {  	v26 =	vld [tilespmem:s21+$0x9920];
	v16 =	vbroadcast v2, $0x2;
	v9 =	vmul.f32 v9, v21;
	[tilespmem:s21+$0x98B0] =	vst v10  }
0x18d: {  	v27 =	vld [tilespmem:s21+$0x9930];
	v11 =	vmul.f32 v23, v21;
	[tilespmem:s21+$0x98C0] =	vst v8  }
0x18e: {  	v28 =	vld [tilespmem:s21+$0x9940];
	v6 =	vbroadcast v2, $0xA;
	v30 =	vmul.f32 v24, v16;
	[tilespmem:s21+$0x98D0] =	vst v9  }
0x18f: {  	v29 =	vld [tilespmem:s21+$0x9950];
	v32 =	vmul.f32 v25, v16;
	[tilespmem:s21+$0x98F0] =	vst v11  }
0x190: {  	v31 =	vld [tilespmem:s21+$0x9960];
	v4 =	vmul.f32 v7, v6;
	[tilespmem:s21+$0x9900] =	vst v30  }
0x191: {  	v33 =	vld [tilespmem:s21+$0x9970];
	v12 =	vmul.f32 v22, v21;
	[tilespmem:s21+$0x9910] =	vst v32  }
0x192: {  	v34 =	vld [tilespmem:s21+$0x9980];
	v10 =	vmul.f32 v26, v16;
	[tilespmem:s21+$0x9D70] =	vst v4  }
0x193: {  	v35 =	vld [tilespmem:s21+$0x9990];
	v8 =	vmul.f32 v27, v16;
	[tilespmem:s21+$0x98E0] =	vst v12  }
0x194: {  	v36 =	vld [tilespmem:s21+$0x99A0];
	v9 =	vmul.f32 v28, v16;
	[tilespmem:s21+$0x9920] =	vst v10  }
0x195: {  	v37 =	vld [tilespmem:s21+$0x99B0];
	v39 =	vbroadcast v2, $0x3;
	v11 =	vmul.f32 v31, v16;
	[tilespmem:s21+$0x9930] =	vst v8  }
0x196: {  	v38 =	vld [tilespmem:s21+$0x99C0];
	v13 =	vmul.f32 v33, v16;
	[tilespmem:s21+$0x9940] =	vst v9  }
0x197: {  	v40 =	vld [tilespmem:s21+$0x99D0];
	v14 =	vmul.f32 v34, v39;
	[tilespmem:s21+$0x9960] =	vst v11  }
0x198: {  	v41 =	vld [tilespmem:s21+$0x99E0];
	v12 =	vmul.f32 v29, v16;
	[tilespmem:s21+$0x9970] =	vst v13  }
0x199: {  	v42 =	vld [tilespmem:s21+$0x99F0];
	v10 =	vmul.f32 v35, v39;
	[tilespmem:s21+$0x9980] =	vst v14  }
0x19a: {  	v43 =	vld [tilespmem:s21+$0x9A00];
	v8 =	vmul.f32 v36, v39;
	[tilespmem:s21+$0x9950] =	vst v12  }
0x19b: {  	v44 =	vld [tilespmem:s21+$0x9A10];
	v9 =	vmul.f32 v37, v39;
	[tilespmem:s21+$0x9990] =	vst v10  }
0x19c: {  	v45 =	vld [tilespmem:s21+$0x9A20];
	v11 =	vmul.f32 v40, v39;
	[tilespmem:s21+$0x99A0] =	vst v8  }
0x19d: {  	v46 =	vld [tilespmem:s21+$0x9A30];
	v13 =	vmul.f32 v41, v39;
	[tilespmem:s21+$0x99B0] =	vst v9  }
0x19e: {  	v47 =	vld [tilespmem:s21+$0x9A40];
	v48 =	vbroadcast v2, $0x4;
	v14 =	vmul.f32 v42, v39;
	[tilespmem:s21+$0x99D0] =	vst v11  }
0x19f: {  	v49 =	vld [tilespmem:s21+$0x9A50];
	v12 =	vmul.f32 v38, v39;
	[tilespmem:s21+$0x99E0] =	vst v13  }
0x1a0: {  	v50 =	vld [tilespmem:s21+$0x9A60];
	v10 =	vmul.f32 v43, v48;
	[tilespmem:s21+$0x99F0] =	vst v14  }
0x1a1: {  	v51 =	vld [tilespmem:s21+$0x9A70];
	v8 =	vmul.f32 v44, v48;
	[tilespmem:s21+$0x99C0] =	vst v12  }
0x1a2: {  	v52 =	vld [tilespmem:s21+$0x9A80];
	v9 =	vmul.f32 v45, v48;
	[tilespmem:s21+$0x9A00] =	vst v10  }
0x1a3: {  	v53 =	vld [tilespmem:s21+$0x9A90];
	v11 =	vmul.f32 v47, v48;
	[tilespmem:s21+$0x9A10] =	vst v8  }
0x1a4: {  	v54 =	vld [tilespmem:s21+$0x9AA0];
	v13 =	vmul.f32 v49, v48;
	[tilespmem:s21+$0x9A20] =	vst v9  }
0x1a5: {  	v55 =	vld [tilespmem:s21+$0x9AB0];
	v14 =	vmul.f32 v50, v48;
	[tilespmem:s21+$0x9A40] =	vst v11  }
0x1a6: {  	v56 =	vld [tilespmem:s21+$0x9AC0];
	v57 =	vbroadcast v2, $0x5;
	v12 =	vmul.f32 v46, v48;
	[tilespmem:s21+$0x9A50] =	vst v13  }
0x1a7: {  	v58 =	vld [tilespmem:s21+$0x9AD0];
	v10 =	vmul.f32 v51, v48;
	[tilespmem:s21+$0x9A60] =	vst v14  }
0x1a8: {  	v59 =	vld [tilespmem:s21+$0x9AE0];
	v8 =	vmul.f32 v52, v57;
	[tilespmem:s21+$0x9A30] =	vst v12  }
0x1a9: {  	v60 =	vld [tilespmem:s21+$0x9AF0];
	v9 =	vmul.f32 v53, v57;
	[tilespmem:s21+$0x9A70] =	vst v10  }
0x1aa: {  	v61 =	vld [tilespmem:s21+$0x9B00];
	v11 =	vmul.f32 v55, v57;
	[tilespmem:s21+$0x9A80] =	vst v8  }
0x1ab: {  	v62 =	vld [tilespmem:s21+$0x9B10];
	v13 =	vmul.f32 v56, v57;
	[tilespmem:s21+$0x9A90] =	vst v9  }
0x1ac: {  	v63 =	vld [tilespmem:s21+$0x9B20];
	v14 =	vmul.f32 v58, v57;
	[tilespmem:s21+$0x9AB0] =	vst v11  }
0x1ad: {  	v20 =	vld [tilespmem:s21+$0x9B30];
	v12 =	vmul.f32 v54, v57;
	[tilespmem:s21+$0x9AC0] =	vst v13  }
0x1ae: {  	v21 =	vld [tilespmem:s21+$0x9B40];
	v22 =	vbroadcast v2, $0x6;
	v10 =	vmul.f32 v59, v57;
	[tilespmem:s21+$0x9AD0] =	vst v14  }
0x1af: {  	v23 =	vld [tilespmem:s21+$0x9B50];
	v8 =	vmul.f32 v60, v57;
	[tilespmem:s21+$0x9AA0] =	vst v12  }
0x1b0: {  	v24 =	vld [tilespmem:s21+$0x9B60];
	v9 =	vmul.f32 v61, v22;
	[tilespmem:s21+$0x9AE0] =	vst v10  }
0x1b1: {  	v25 =	vld [tilespmem:s21+$0x9B70];
	v11 =	vmul.f32 v63, v22;
	[tilespmem:s21+$0x9AF0] =	vst v8  }
0x1b2: {  	v5 =	vld [tilespmem:s21+$0x9D80];
	v13 =	vmul.f32 v20, v22;
	[tilespmem:s21+$0x9B00] =	vst v9  }
0x1b3: {  	v27 =	vld [tilespmem:s21+$0x9B90];
	v14 =	vmul.f32 v21, v22;
	[tilespmem:s21+$0x9B20] =	vst v11  }
0x1b4: {  	v28 =	vld [tilespmem:s21+$0x9BA0];
	v12 =	vmul.f32 v62, v22;
	[tilespmem:s21+$0x9B30] =	vst v13  }
0x1b5: {  	v29 =	vld [tilespmem:s21+$0x9BB0];
	v10 =	vmul.f32 v23, v22;
	[tilespmem:s21+$0x9B40] =	vst v14  }
0x1b6: {  	v31 =	vbroadcast v2, $0x7;
	v53 =	vld [tilespmem:s21+$0x9D00];
	v8 =	vmul.f32 v24, v22;
	[tilespmem:s21+$0x9B10] =	vst v12  }
0x1b7: {  	v58 =	vld [tilespmem:s21+$0x9D50];
	v9 =	vmul.f32 v25, v22;
	[tilespmem:s21+$0x9B50] =	vst v10  }
0x1b8: {  	v26 =	vld [tilespmem:s21+$0x9B80];
	v11 =	vmul.f32 v27, v31;
	[tilespmem:s21+$0x9B60] =	vst v8  }
0x1b9: {  	v30 =	vld [tilespmem:s21+$0x9BC0];
	v13 =	vmul.f32 v28, v31;
	[tilespmem:s21+$0x9B70] =	vst v9  }
0x1ba: {  	v32 =	vld [tilespmem:s21+$0x9BD0];
	v14 =	vmul.f32 v29, v31;
	[tilespmem:s21+$0x9B90] =	vst v11  }
0x1bb: {  	v33 =	vld [tilespmem:s21+$0x9BE0];
	v59 =	vmul.f32 v53, v6;
	[tilespmem:s21+$0x9BA0] =	vst v13  }
0x1bc: {  	v35 =	vld [tilespmem:s21+$0x9C00];
	v21 =	vmul.f32 v58, v6;
	[tilespmem:s21+$0x9BB0] =	vst v14  }
0x1bd: {  	v36 =	vld [tilespmem:s21+$0x9C10];
	v12 =	vmul.f32 v26, v31;
	[tilespmem:s21+$0x9D00] =	vst v59  }
0x1be: {  	v37 =	vld [tilespmem:s21+$0x9C20];
	v10 =	vmul.f32 v30, v31;
	[tilespmem:s21+$0x9D50] =	vst v21  }
0x1bf: {  	v7 =	vld [tilespmem:s21+$0x9D90];
	v40 =	vbroadcast v2, $0x8;
	v8 =	vmul.f32 v32, v31;
	[tilespmem:s21+$0x9B80] =	vst v12  }
0x1c0: {  	v34 =	vld [tilespmem:s21+$0x9BF0];
	v9 =	vmul.f32 v33, v31;
	[tilespmem:s21+$0x9BC0] =	vst v10  }
0x1c1: {  	v57 =	vld [tilespmem:s21+$0x9D40];
	v11 =	vmul.f32 v35, v40;
	[tilespmem:s21+$0x9BD0] =	vst v8  }
0x1c2: {  	v61 =	vld [tilespmem:s21+$0x9800];
	v24 =	vbroadcast v2, $0xB;
	v13 =	vmul.f32 v36, v40;
	[tilespmem:s21+$0x9BE0] =	vst v9  }
0x1c3: {  	v4 =	vld [tilespmem:s21+$0x9FD0];
	v14 =	vmul.f32 v37, v40;
	[tilespmem:s21+$0x9C00] =	vst v11  }
0x1c4: {  	v38 =	vld [tilespmem:s21+$0x9C30];
	v5 =	vmul.f32 v5, v24;
	[tilespmem:s21+$0x9C10] =	vst v13  }
0x1c5: {  	v39 =	vld [tilespmem:s21+$0x9C40];
	v7 =	vmul.f32 v7, v24;
	[tilespmem:s21+$0x9C20] =	vst v14  }
0x1c6: {  	v41 =	vld [tilespmem:s21+$0x9C50];
	v19 =	vmul.f32 v57, v6;
	[tilespmem:s21+$0x9D80] =	vst v5  }
0x1c7: {  	v43 =	vld [tilespmem:s21+$0x9C70];
	v25 =	vmul.f32 v3, v61;
	[tilespmem:s21+$0x9D90] =	vst v7  }
0x1c8: {  	v44 =	vld [tilespmem:s21+$0x9C80];
	v12 =	vmul.f32 v34, v31;
	[tilespmem:s21+$0x9D40] =	vst v19  }
0x1c9: {  	v45 =	vld [tilespmem:s21+$0x9C90];
	v10 =	vmul.f32 v38, v40;
	[tilespmem:s21+$0x9800] =	vst v25  }
0x1ca: {  	v27 =	vld [tilespmem:s21+$0x9DD0];
	v8 =	vmul.f32 v39, v40;
	[tilespmem:s21+$0x9BF0] =	vst v12  }
0x1cb: {  	v49 =	vbroadcast v2, $0x9;
	v29 =	vld [tilespmem:s21+$0x9DF0];
	v9 =	vmul.f32 v41, v40;
	[tilespmem:s21+$0x9C30] =	vst v10  }
0x1cc: {  	v42 =	vld [tilespmem:s21+$0x9C60];
	v11 =	vmul.f32 v43, v40;
	[tilespmem:s21+$0x9C40] =	vst v8  }
0x1cd: {  	v46 =	vld [tilespmem:s21+$0x9CA0];
	v13 =	vmul.f32 v44, v49;
	[tilespmem:s21+$0x9C50] =	vst v9  }
0x1ce: {  	v47 =	vld [tilespmem:s21+$0x9CB0];
	v14 =	vmul.f32 v45, v49;
	[tilespmem:s21+$0x9C70] =	vst v11  }
0x1cf: {  	v48 =	vld [tilespmem:s21+$0x9CC0];
	v32 =	vmul.f32 v27, v24;
	[tilespmem:s21+$0x9C80] =	vst v13  }
0x1d0: {  	v51 =	vld [tilespmem:s21+$0x9CE0];
	v7 =	vmul.f32 v29, v24;
	[tilespmem:s21+$0x9C90] =	vst v14  }
0x1d1: {  	v52 =	vld [tilespmem:s21+$0x9CF0];
	v12 =	vmul.f32 v42, v40;
	[tilespmem:s21+$0x9DD0] =	vst v32  }
0x1d2: {  	v10 =	vmul.f32 v46, v49;
	[tilespmem:s21+$0x9DF0] =	vst v7  }
0x1d3: {  	v28 =	vld [tilespmem:s21+$0x9DE0];
	v8 =	vmul.f32 v47, v49;
	[tilespmem:s21+$0x9C60] =	vst v12  }
0x1d4: {  	v30 =	vld [tilespmem:s21+$0x9E00];
	v9 =	vmul.f32 v48, v49;
	[tilespmem:s21+$0x9CA0] =	vst v10  }
0x1d5: {  	v50 =	vld [tilespmem:s21+$0x9CD0];
	v5 =	vbroadcast v2, $0xF;
	v11 =	vmul.f32 v51, v49;
	[tilespmem:s21+$0x9CB0] =	vst v8  }
0x1d6: {  	v54 =	vld [tilespmem:s21+$0x9D10];
	v13 =	vmul.f32 v52, v49;
	[tilespmem:s21+$0x9CC0] =	vst v9  }
0x1d7: {  	v55 =	vld [tilespmem:s21+$0x9D20];
	v35 =	vbroadcast v2, $0xC;
	v4 =	vmul.f32 v4, v5;
	[tilespmem:s21+$0x9CE0] =	vst v11  }
0x1d8: {  	v56 =	vld [tilespmem:s21+$0x9D30];
	v40 =	vmul.f32 v28, v24;
	[tilespmem:s21+$0x9CF0] =	vst v13  }
0x1d9: {  	v60 =	vld [tilespmem:s21+$0x9D60];
	v16 =	vmul.f32 v30, v35;
	[tilespmem:s21+$0x9FD0] =	vst v4  }
0x1da: {  	v62 =	vld [tilespmem:s21+$0x9810];
	v12 =	vmul.f32 v50, v49;
	[tilespmem:s21+$0x9DE0] =	vst v40  }
0x1db: {  	v63 =	vld [tilespmem:s21+$0x9840];
	v10 =	vmul.f32 v54, v6;
	[tilespmem:s21+$0x9E00] =	vst v16  }
0x1dc: {  	v20 =	vld [tilespmem:s21+$0x9850];
	v8 =	vmul.f32 v55, v6;
	[tilespmem:s21+$0x9CD0] =	vst v12  }
0x1dd: {  	v33 =	vld [tilespmem:s21+$0x9E30];
	v9 =	vmul.f32 v56, v6;
	[tilespmem:s21+$0x9D10] =	vst v10  }
0x1de: {  	v61 =	vld [tilespmem:s21+$0x9FF0];
	v6 =	vmul.f32 v60, v6;
	[tilespmem:s21+$0x9D20] =	vst v8  }
0x1df: {  	v38 =	vld [tilespmem:s21+$0x9E70];
	v13 =	vmul.f32 v62, v3;
	[tilespmem:s21+$0x9D30] =	vst v9  }
0x1e0: {  	v22 =	vld [tilespmem:s21+$0x9DA0];
	v4 =	vmul.f32 v63, v3;
	[tilespmem:s21+$0x9D60] =	vst v6  }
0x1e1: {  	v23 =	vld [tilespmem:s21+$0x9DB0];
	v3 =	vmul.f32 v20, v3;
	[tilespmem:s21+$0x9810] =	vst v13  }
0x1e2: {  	v26 =	vld [tilespmem:s21+$0x9DC0];
	v62 =	vmul.f32 v33, v35;
	[tilespmem:s21+$0x9840] =	vst v4  }
0x1e3: {  	v31 =	vld [tilespmem:s21+$0x9E10];
	v63 =	vmul.f32 v61, v5;
	[tilespmem:s21+$0x9850] =	vst v3  }
0x1e4: {  	v34 =	vld [tilespmem:s21+$0x9E40];
	v16 =	vmul.f32 v38, v35;
	[tilespmem:s21+$0x9E30] =	vst v62  }
0x1e5: {  	v41 =	vld [tilespmem:s21+$0x9EA0];
	v8 =	vmul.f32 v22, v24;
	[tilespmem:s21+$0x9FF0] =	vst v63  }
0x1e6: {  	v46 =	vld [tilespmem:s21+$0x9EE0];
	v9 =	vmul.f32 v23, v24;
	[tilespmem:s21+$0x9E70] =	vst v16  }
0x1e7: {  	v6 =	vmul.f32 v26, v24;
	v3 =	vld [tilespmem:s21+$0x9E90];
	[tilespmem:s21+$0x9DA0] =	vst v8  }
0x1e8: {  	v36 =	vld [tilespmem:s21+$0x9E50];
	v44 =	vbroadcast v2, $0xD;
	v10 =	vmul.f32 v31, v35;
	[tilespmem:s21+$0x9DB0] =	vst v9  }
0x1e9: {  	v37 =	vld [tilespmem:s21+$0x9E60];
	v13 =	vmul.f32 v34, v35;
	[tilespmem:s21+$0x9DC0] =	vst v6  }
0x1ea: {  	v39 =	vld [tilespmem:s21+$0x9E80];
	v12 =	vmul.f32 v41, v44;
	[tilespmem:s21+$0x9E10] =	vst v10  }
0x1eb: {  	v42 =	vld [tilespmem:s21+$0x9EB0];
	v51 =	vmul.f32 v46, v44;
	[tilespmem:s21+$0x9E40] =	vst v13  }
0x1ec: {  	v48 =	vld [tilespmem:s21+$0x9F10];
	[tilespmem:s21+$0x9EA0] =	vst v12;
	v3 =	vmul.f32 v3, v44  }
0x1ed: {  	v49 =	vld [tilespmem:s21+$0x9F20];
	v9 =	vmul.f32 v36, v35;
	[tilespmem:s21+$0x9EE0] =	vst v51  }
0x1ee: {  	v6 =	vmul.f32 v37, v35;
	[tilespmem:s21+$0x9E90] =	vst v3;
	v3 =	vld [tilespmem:s21+$0x9F00]  }
0x1ef: {  	v2 =	vbroadcast v2, $0xE;
	v50 =	vld [tilespmem:s21+$0x9F30];
	v10 =	vmul.f32 v39, v44;
	[tilespmem:s21+$0x9E50] =	vst v9  }
0x1f0: {  	v45 =	vld [tilespmem:s21+$0x9ED0];
	v13 =	vmul.f32 v42, v44;
	[tilespmem:s21+$0x9E60] =	vst v6  }
0x1f1: {  	v47 =	vld [tilespmem:s21+$0x9EF0];
	v12 =	vmul.f32 v48, v2;
	[tilespmem:s21+$0x9E80] =	vst v10  }
0x1f2: {  	v43 =	vld [tilespmem:s21+$0x9EC0];
	v11 =	vmul.f32 v49, v2;
	[tilespmem:s21+$0x9EB0] =	vst v13  }
0x1f3: {  	v55 =	vld [tilespmem:s21+$0x9F80];
	[tilespmem:s21+$0x9F10] =	vst v12;
	v3 =	vmul.f32 v3, v2  }
0x1f4: {  	v57 =	vld [tilespmem:s21+$0x9FA0];
	v7 =	vmul.f32 v50, v2;
	[tilespmem:s21+$0x9F20] =	vst v11  }
0x1f5: {  	v6 =	vmul.f32 v45, v44;
	[tilespmem:s21+$0x9F00] =	vst v3;
	v3 =	vld [tilespmem:s21+$0x9F70]  }
0x1f6: {  	v52 =	vld [tilespmem:s21+$0x9F40];
	v10 =	vmul.f32 v47, v44;
	[tilespmem:s21+$0x9F30] =	vst v7  }
0x1f7: {  	v56 =	vld [tilespmem:s21+$0x9F90];
	v9 =	vmul.f32 v43, v44;
	[tilespmem:s21+$0x9ED0] =	vst v6  }
0x1f8: {  	v54 =	vld [tilespmem:s21+$0x9F60];
	v12 =	vmul.f32 v55, v5;
	[tilespmem:s21+$0x9EF0] =	vst v10  }
0x1f9: {  	v58 =	vld [tilespmem:s21+$0x9FB0];
	v7 =	vmul.f32 v57, v5;
	[tilespmem:s21+$0x9EC0] =	vst v9  }
0x1fa: {  	v53 =	vld [tilespmem:s21+$0x9F50];
	[tilespmem:s21+$0x9F80] =	vst v12;
	v3 =	vmul.f32 v3, v2  }
0x1fb: {  	v59 =	vld [tilespmem:s21+$0x9FC0];
	v6 =	vmul.f32 v52, v2;
	[tilespmem:s21+$0x9FA0] =	vst v7  }
0x1fc: {  	v60 =	vld [tilespmem:s21+$0x9FE0];
	[tilespmem:s21+$0x9F70] =	vst v3;
	v3 =	vmul.f32 v56, v5  }
0x1fd: {  	v10 =	vmul.f32 v54, v2;
	[tilespmem:s21+$0x9F40] =	vst v6  }
0x1fe: {  	v4 =	vld [tilespmem:s21+$0x9E20];
	[tilespmem:s21+$0x9F90] =	vst v3;
	v3 =	vmul.f32 v58, v5  }
0x1ff: {  	[tilespmem:s21+$0x9F60] =	vst v10;
	v2 =	vmul.f32 v53, v2  }
0x200: {  	[tilespmem:s21+$0x9FB0] =	vst v3;
	v3 =	vmul.f32 v59, v5  }
0x201: {  	[tilespmem:s21+$0x9F50] =	vst v2;
	v5 =	vmul.f32 v60, v5  }
0x202: {  	[tilespmem:s21+$0x9FC0] =	vst v3  }
0x203: {  	s0 =	simm.s32 $0x1;
	v3 =	vmul.f32 v4, v35;
	[tilespmem:s21+$0x9FE0] =	vst v5  }
.LBB2_7:
0x204: {  	s6 =	sshll.u32 s0, $0x4  }
0x205: {  	p0 =	sne.s32 s0, $0x3;
	[tilespmem:s21+$0x9E20] =	vst v3;
	s21 =	smov.u32 s0;
	s0 =	sadd.s32 $0x1, s0  }
0x206: {  	s6 =	sand.u32 $0x3FFFFFF0, s6  }
0x207: {  	v2 =	vld.idx.msk [tilespmem:v1+s6+$0x40 ss:$0x1], $0xffff  }
0x208: {  	s6 =	sshll.u32 s21, $0xB  }
0x209: {  	s21 =	sand.u32 $0x3FFFF800, s6  }
0x20a: {  	v9 =	vld [tilespmem:s21+$0x98C0]  }
0x20b: {  	v10 =	vld [tilespmem:s21+$0x98D0]  }
0x20c: {  	v11 =	vld [tilespmem:s21+$0x98B0]  }
0x20d: {  	v3 =	vbroadcast v2, $0x0;
	v8 =	vbroadcast v2, $0x4;
	v4 =	vld [tilespmem:s21+$0x9820]  }
0x20e: {  	v6 =	vld [tilespmem:s21+$0x9830]  }
0x20f: {  	v7 =	vld [tilespmem:s21+$0x9D70]  }
0x210: {  	v12 =	vld [tilespmem:s21+$0x9860]  }
0x211: {  	v13 =	vld [tilespmem:s21+$0x9870]  }
0x212: {  	v5 =	vbroadcast v2, $0xA;
	v4 =	vmul.f32 v4, v3;
	v14 =	vld [tilespmem:s21+$0x9880]  }
0x213: {  	v6 =	vmul.f32 v6, v3;
	v15 =	vld [tilespmem:s21+$0x9890]  }
0x214: {  	[tilespmem:s21+$0x9820] =	vst v4;
	v16 =	vld [tilespmem:s21+$0x98A0];
	v4 =	vmul.f32 v7, v5  }
0x215: {  	[tilespmem:s21+$0x9830] =	vst v6;
	v7 =	vmul.f32 v12, v3;
	v12 =	vbroadcast v2, $0x1;
	v6 =	vld [tilespmem:s21+$0x9D80]  }
0x216: {  	v13 =	vmul.f32 v13, v3;
	[tilespmem:s21+$0x9D70] =	vst v4;
	v4 =	vld [tilespmem:s21+$0x9FD0]  }
0x217: {  	[tilespmem:s21+$0x9860] =	vst v7;
	v14 =	vmul.f32 v14, v12;
	v7 =	vld [tilespmem:s21+$0x9D90]  }
0x218: {  	[tilespmem:s21+$0x9870] =	vst v13;
	v13 =	vmul.f32 v15, v12;
	v15 =	vld [tilespmem:s21+$0x98E0]  }
0x219: {  	[tilespmem:s21+$0x9880] =	vst v14;
	v14 =	vmul.f32 v16, v12;
	v16 =	vld [tilespmem:s21+$0x98F0]  }
0x21a: {  	v11 =	vmul.f32 v11, v12;
	[tilespmem:s21+$0x9890] =	vst v13;
	v13 =	vld [tilespmem:s21+$0x9900]  }
0x21b: {  	v9 =	vmul.f32 v9, v12;
	[tilespmem:s21+$0x98A0] =	vst v14;
	v14 =	vld [tilespmem:s21+$0x9910]  }
0x21c: {  	v10 =	vmul.f32 v10, v12;
	[tilespmem:s21+$0x98B0] =	vst v11;
	v11 =	vld [tilespmem:s21+$0x9920]  }
0x21d: {  	[tilespmem:s21+$0x98C0] =	vst v9;
	v9 =	vmul.f32 v15, v12;
	v15 =	vbroadcast v2, $0x2;
	v17 =	vld [tilespmem:s21+$0x9930]  }
0x21e: {  	[tilespmem:s21+$0x98D0] =	vst v10;
	v10 =	vmul.f32 v16, v12;
	v12 =	vld [tilespmem:s21+$0x9940]  }
0x21f: {  	[tilespmem:s21+$0x98E0] =	vst v9;
	v9 =	vmul.f32 v13, v15;
	v13 =	vld [tilespmem:s21+$0x9950]  }
0x220: {  	[tilespmem:s21+$0x98F0] =	vst v10;
	v10 =	vmul.f32 v14, v15;
	v14 =	vld [tilespmem:s21+$0x9960]  }
0x221: {  	[tilespmem:s21+$0x9900] =	vst v9;
	v9 =	vmul.f32 v11, v15;
	v11 =	vld [tilespmem:s21+$0x9970]  }
0x222: {  	[tilespmem:s21+$0x9910] =	vst v10;
	v10 =	vmul.f32 v17, v15;
	v16 =	vld [tilespmem:s21+$0x9980]  }
0x223: {  	[tilespmem:s21+$0x9920] =	vst v9;
	v9 =	vmul.f32 v12, v15;
	v12 =	vld [tilespmem:s21+$0x9990]  }
0x224: {  	[tilespmem:s21+$0x9930] =	vst v10;
	v10 =	vmul.f32 v13, v15;
	v13 =	vld [tilespmem:s21+$0x99A0]  }
0x225: {  	[tilespmem:s21+$0x9940] =	vst v9;
	v9 =	vmul.f32 v14, v15;
	v14 =	vbroadcast v2, $0x3;
	v17 =	vld [tilespmem:s21+$0x99B0]  }
0x226: {  	[tilespmem:s21+$0x9950] =	vst v10;
	v10 =	vmul.f32 v11, v15;
	v11 =	vld [tilespmem:s21+$0x99C0]  }
0x227: {  	[tilespmem:s21+$0x9960] =	vst v9;
	v9 =	vmul.f32 v16, v14;
	v15 =	vld [tilespmem:s21+$0x99D0]  }
0x228: {  	[tilespmem:s21+$0x9970] =	vst v10;
	v10 =	vmul.f32 v12, v14;
	v12 =	vld [tilespmem:s21+$0x99E0]  }
0x229: {  	[tilespmem:s21+$0x9980] =	vst v9;
	v9 =	vmul.f32 v13, v14;
	v13 =	vld [tilespmem:s21+$0x99F0]  }
0x22a: {  	[tilespmem:s21+$0x9990] =	vst v10;
	v10 =	vmul.f32 v17, v14;
	v16 =	vld [tilespmem:s21+$0x9A00]  }
0x22b: {  	[tilespmem:s21+$0x99A0] =	vst v9;
	v9 =	vmul.f32 v11, v14;
	v11 =	vld [tilespmem:s21+$0x9A10]  }
0x22c: {  	[tilespmem:s21+$0x99B0] =	vst v10;
	v10 =	vmul.f32 v15, v14;
	v15 =	vld [tilespmem:s21+$0x9A20]  }
0x22d: {  	[tilespmem:s21+$0x99C0] =	vst v9;
	v9 =	vmul.f32 v12, v14;
	v12 =	vld [tilespmem:s21+$0x9A30]  }
0x22e: {  	[tilespmem:s21+$0x99D0] =	vst v10;
	v10 =	vmul.f32 v13, v14;
	v13 =	vld [tilespmem:s21+$0x9A40]  }
0x22f: {  	[tilespmem:s21+$0x99E0] =	vst v9;
	v9 =	vmul.f32 v16, v8;
	v14 =	vld [tilespmem:s21+$0x9A50]  }
0x230: {  	[tilespmem:s21+$0x99F0] =	vst v10;
	v10 =	vmul.f32 v11, v8;
	v11 =	vld [tilespmem:s21+$0x9A60]  }
0x231: {  	[tilespmem:s21+$0x9A00] =	vst v9;
	v9 =	vmul.f32 v15, v8;
	v15 =	vld [tilespmem:s21+$0x9A70]  }
0x232: {  	[tilespmem:s21+$0x9A10] =	vst v10;
	v10 =	vmul.f32 v12, v8;
	v12 =	vld [tilespmem:s21+$0x9A80]  }
0x233: {  	[tilespmem:s21+$0x9A20] =	vst v9;
	v9 =	vmul.f32 v13, v8;
	v13 =	vld [tilespmem:s21+$0x9A90]  }
0x234: {  	[tilespmem:s21+$0x9A30] =	vst v10;
	v10 =	vmul.f32 v14, v8;
	v14 =	vld [tilespmem:s21+$0x9AA0]  }
0x235: {  	[tilespmem:s21+$0x9A40] =	vst v9;
	v9 =	vmul.f32 v11, v8;
	v11 =	vbroadcast v2, $0x5;
	v16 =	vld [tilespmem:s21+$0x9AB0]  }
0x236: {  	[tilespmem:s21+$0x9A50] =	vst v10;
	v8 =	vmul.f32 v15, v8;
	v10 =	vld [tilespmem:s21+$0x9AC0]  }
0x237: {  	[tilespmem:s21+$0x9A60] =	vst v9;
	v9 =	vmul.f32 v12, v11;
	v12 =	vld [tilespmem:s21+$0x9AD0]  }
0x238: {  	[tilespmem:s21+$0x9A70] =	vst v8;
	v8 =	vmul.f32 v13, v11;
	v13 =	vld [tilespmem:s21+$0x9AE0]  }
0x239: {  	[tilespmem:s21+$0x9A80] =	vst v9;
	v9 =	vmul.f32 v14, v11;
	v14 =	vld [tilespmem:s21+$0x9AF0]  }
0x23a: {  	[tilespmem:s21+$0x9A90] =	vst v8;
	v8 =	vmul.f32 v16, v11;
	v15 =	vld [tilespmem:s21+$0x9B00]  }
0x23b: {  	[tilespmem:s21+$0x9AA0] =	vst v9;
	v9 =	vmul.f32 v10, v11;
	v10 =	vld [tilespmem:s21+$0x9B10]  }
0x23c: {  	[tilespmem:s21+$0x9AB0] =	vst v8;
	v8 =	vmul.f32 v12, v11;
	v12 =	vld [tilespmem:s21+$0x9B20]  }
0x23d: {  	[tilespmem:s21+$0x9AC0] =	vst v9;
	v9 =	vmul.f32 v13, v11;
	v13 =	vbroadcast v2, $0x6;
	v16 =	vld [tilespmem:s21+$0x9B30]  }
0x23e: {  	[tilespmem:s21+$0x9AD0] =	vst v8;
	v8 =	vmul.f32 v14, v11;
	v11 =	vld [tilespmem:s21+$0x9B40]  }
0x23f: {  	[tilespmem:s21+$0x9AE0] =	vst v9;
	v9 =	vmul.f32 v15, v13;
	v14 =	vld [tilespmem:s21+$0x9B50]  }
0x240: {  	[tilespmem:s21+$0x9AF0] =	vst v8;
	v8 =	vmul.f32 v10, v13;
	v10 =	vld [tilespmem:s21+$0x9B60]  }
0x241: {  	[tilespmem:s21+$0x9B00] =	vst v9;
	v9 =	vmul.f32 v12, v13;
	v12 =	vld [tilespmem:s21+$0x9B70]  }
0x242: {  	[tilespmem:s21+$0x9B10] =	vst v8;
	v8 =	vmul.f32 v16, v13;
	v15 =	vld [tilespmem:s21+$0x9B80]  }
0x243: {  	[tilespmem:s21+$0x9B20] =	vst v9;
	v9 =	vmul.f32 v11, v13;
	v11 =	vld [tilespmem:s21+$0x9B90]  }
0x244: {  	[tilespmem:s21+$0x9B30] =	vst v8;
	v8 =	vmul.f32 v14, v13;
	v14 =	vld [tilespmem:s21+$0x9BA0]  }
0x245: {  	[tilespmem:s21+$0x9B40] =	vst v9;
	v9 =	vmul.f32 v10, v13;
	v10 =	vbroadcast v2, $0x7;
	v16 =	vld [tilespmem:s21+$0x9BB0]  }
0x246: {  	[tilespmem:s21+$0x9B50] =	vst v8;
	v8 =	vmul.f32 v12, v13;
	v12 =	vld [tilespmem:s21+$0x9BC0]  }
0x247: {  	[tilespmem:s21+$0x9B60] =	vst v9;
	v9 =	vmul.f32 v15, v10;
	v13 =	vld [tilespmem:s21+$0x9BD0]  }
0x248: {  	[tilespmem:s21+$0x9B70] =	vst v8;
	v8 =	vmul.f32 v11, v10;
	v11 =	vld [tilespmem:s21+$0x9BE0]  }
0x249: {  	[tilespmem:s21+$0x9B80] =	vst v9;
	v9 =	vmul.f32 v14, v10;
	v14 =	vld [tilespmem:s21+$0x9BF0]  }
0x24a: {  	[tilespmem:s21+$0x9B90] =	vst v8;
	v8 =	vmul.f32 v16, v10;
	v15 =	vld [tilespmem:s21+$0x9C00]  }
0x24b: {  	[tilespmem:s21+$0x9BA0] =	vst v9;
	v9 =	vmul.f32 v12, v10;
	v12 =	vld [tilespmem:s21+$0x9C10]  }
0x24c: {  	[tilespmem:s21+$0x9BB0] =	vst v8;
	v8 =	vmul.f32 v13, v10;
	v13 =	vld [tilespmem:s21+$0x9C20]  }
0x24d: {  	[tilespmem:s21+$0x9BC0] =	vst v9;
	v9 =	vmul.f32 v11, v10;
	v11 =	vbroadcast v2, $0x8;
	v16 =	vld [tilespmem:s21+$0x9C30]  }
0x24e: {  	[tilespmem:s21+$0x9BD0] =	vst v8;
	v8 =	vmul.f32 v14, v10;
	v10 =	vld [tilespmem:s21+$0x9C40]  }
0x24f: {  	[tilespmem:s21+$0x9BE0] =	vst v9;
	v9 =	vmul.f32 v15, v11;
	v14 =	vld [tilespmem:s21+$0x9C50]  }
0x250: {  	[tilespmem:s21+$0x9BF0] =	vst v8;
	v8 =	vmul.f32 v12, v11;
	v12 =	vld [tilespmem:s21+$0x9C60]  }
0x251: {  	[tilespmem:s21+$0x9C00] =	vst v9;
	v9 =	vmul.f32 v13, v11;
	v13 =	vld [tilespmem:s21+$0x9C70]  }
0x252: {  	[tilespmem:s21+$0x9C10] =	vst v8;
	v8 =	vmul.f32 v16, v11;
	v15 =	vld [tilespmem:s21+$0x9C80]  }
0x253: {  	[tilespmem:s21+$0x9C20] =	vst v9;
	v9 =	vmul.f32 v10, v11;
	v10 =	vld [tilespmem:s21+$0x9C90]  }
0x254: {  	[tilespmem:s21+$0x9C30] =	vst v8;
	v8 =	vmul.f32 v14, v11;
	v14 =	vld [tilespmem:s21+$0x9CA0]  }
0x255: {  	[tilespmem:s21+$0x9C40] =	vst v9;
	v9 =	vmul.f32 v12, v11;
	v12 =	vbroadcast v2, $0x9;
	v16 =	vld [tilespmem:s21+$0x9CB0]  }
0x256: {  	[tilespmem:s21+$0x9C50] =	vst v8;
	v8 =	vmul.f32 v13, v11;
	v11 =	vld [tilespmem:s21+$0x9CC0]  }
0x257: {  	[tilespmem:s21+$0x9C60] =	vst v9;
	v9 =	vmul.f32 v15, v12;
	v13 =	vld [tilespmem:s21+$0x9CD0]  }
0x258: {  	[tilespmem:s21+$0x9C70] =	vst v8;
	v8 =	vmul.f32 v10, v12;
	v10 =	vld [tilespmem:s21+$0x9CE0]  }
0x259: {  	[tilespmem:s21+$0x9C80] =	vst v9;
	v9 =	vmul.f32 v14, v12;
	v14 =	vld [tilespmem:s21+$0x9CF0]  }
0x25a: {  	[tilespmem:s21+$0x9C90] =	vst v8;
	v8 =	vmul.f32 v16, v12;
	v15 =	vld [tilespmem:s21+$0x9D00]  }
0x25b: {  	[tilespmem:s21+$0x9CA0] =	vst v9;
	v9 =	vmul.f32 v11, v12;
	v11 =	vld [tilespmem:s21+$0x9D10]  }
0x25c: {  	[tilespmem:s21+$0x9CB0] =	vst v8;
	v8 =	vmul.f32 v13, v12;
	v13 =	vld [tilespmem:s21+$0x9D20]  }
0x25d: {  	[tilespmem:s21+$0x9CC0] =	vst v9;
	v9 =	vmul.f32 v10, v12;
	v10 =	vld [tilespmem:s21+$0x9D30]  }
0x25e: {  	[tilespmem:s21+$0x9CD0] =	vst v8;
	v8 =	vmul.f32 v14, v12;
	v12 =	vld [tilespmem:s21+$0x9D40]  }
0x25f: {  	[tilespmem:s21+$0x9CE0] =	vst v9;
	v9 =	vmul.f32 v15, v5;
	v14 =	vld [tilespmem:s21+$0x9D50]  }
0x260: {  	[tilespmem:s21+$0x9CF0] =	vst v8;
	v8 =	vmul.f32 v11, v5;
	v11 =	vld [tilespmem:s21+$0x9D60]  }
0x261: {  	v15 =	vld [tilespmem:s21+$0x9800];
	[tilespmem:s21+$0x9D00] =	vst v9;
	v9 =	vmul.f32 v13, v5  }
0x262: {  	v13 =	vld [tilespmem:s21+$0x9810];
	[tilespmem:s21+$0x9D10] =	vst v8;
	v8 =	vmul.f32 v10, v5  }
0x263: {  	v10 =	vld [tilespmem:s21+$0x9840];
	[tilespmem:s21+$0x9D20] =	vst v9;
	v9 =	vmul.f32 v12, v5  }
0x264: {  	v12 =	vld [tilespmem:s21+$0x9850];
	[tilespmem:s21+$0x9D30] =	vst v8;
	v8 =	vmul.f32 v14, v5  }
0x265: {  	[tilespmem:s21+$0x9D40] =	vst v9;
	v9 =	vmul.f32 v11, v5;
	v11 =	vbroadcast v2, $0xB;
	v14 =	vld [tilespmem:s21+$0x9DA0]  }
0x266: {  	v5 =	vbroadcast v2, $0xF;
	v15 =	vmul.f32 v3, v15;
	[tilespmem:s21+$0x9D50] =	vst v8;
	v8 =	vld [tilespmem:s21+$0x9DB0]  }
0x267: {  	v13 =	vmul.f32 v13, v3;
	[tilespmem:s21+$0x9D60] =	vst v9;
	v6 =	vmul.f32 v6, v11;
	v9 =	vld [tilespmem:s21+$0x9DC0]  }
0x268: {  	v7 =	vmul.f32 v7, v11;
	[tilespmem:s21+$0x9800] =	vst v15;
	v10 =	vmul.f32 v10, v3;
	v15 =	vld [tilespmem:s21+$0x9DD0]  }
0x269: {  	v4 =	vmul.f32 v4, v5;
	v12 =	vmul.f32 v12, v3;
	[tilespmem:s21+$0x9D80] =	vst v6;
	v3 =	vld [tilespmem:s21+$0x9DE0]  }
0x26a: {  	[tilespmem:s21+$0x9D90] =	vst v7;
	v6 =	vmul.f32 v14, v11;
	v7 =	vld [tilespmem:s21+$0x9DF0]  }
0x26b: {  	v8 =	vmul.f32 v8, v11;
	v14 =	vld [tilespmem:s21+$0x9E00];
	[tilespmem:s21+$0x9FD0] =	vst v4  }
0x26c: {  	[tilespmem:s21+$0x9810] =	vst v13;
	v4 =	vmul.f32 v9, v11;
	v9 =	vld [tilespmem:s21+$0x9E10]  }
0x26d: {  	[tilespmem:s21+$0x9840] =	vst v10;
	v10 =	vmul.f32 v15, v11;
	v13 =	vld [tilespmem:s21+$0x9E20]  }
0x26e: {  	v15 =	vbroadcast v2, $0xC;
	[tilespmem:s21+$0x9DA0] =	vst v6;
	v6 =	vmul.f32 v3, v11;
	v16 =	vld [tilespmem:s21+$0x9E30]  }
0x26f: {  	[tilespmem:s21+$0x9DD0] =	vst v10;
	v7 =	vmul.f32 v7, v11;
	v10 =	vld [tilespmem:s21+$0x9E40]  }
0x270: {  	[tilespmem:s21+$0x9DB0] =	vst v8;
	v3 =	vmul.f32 v14, v15;
	v8 =	vld [tilespmem:s21+$0x9E50]  }
0x271: {  	[tilespmem:s21+$0x9DC0] =	vst v4;
	v4 =	vmul.f32 v9, v15;
	v9 =	vld [tilespmem:s21+$0x9E60]  }
0x272: {  	[tilespmem:s21+$0x9E00] =	vst v3;
	v3 =	vmul.f32 v13, v15;
	v11 =	vld [tilespmem:s21+$0x9E70]  }
0x273: {  	[tilespmem:s21+$0x9E10] =	vst v4;
	v4 =	vld [tilespmem:s21+$0x9E80]  }
0x274: {  	[tilespmem:s21+$0x9850] =	vst v12;
	v10 =	vmul.f32 v10, v15;
	v12 =	vld [tilespmem:s21+$0x9E90]  }
0x275: {  	[tilespmem:s21+$0x9DE0] =	vst v6;
	v6 =	vmul.f32 v8, v15;
	v8 =	vld [tilespmem:s21+$0x9EA0]  }
0x276: {  	[tilespmem:s21+$0x9E40] =	vst v10;
	v9 =	vmul.f32 v9, v15;
	v10 =	vbroadcast v2, $0xD;
	v13 =	vld [tilespmem:s21+$0x9EB0]  }
0x277: {  	[tilespmem:s21+$0x9E50] =	vst v6;
	v6 =	vmul.f32 v11, v15;
	v11 =	vld [tilespmem:s21+$0x9EC0]  }
0x278: {  	[tilespmem:s21+$0x9E60] =	vst v9;
	v4 =	vmul.f32 v4, v10;
	v9 =	vld [tilespmem:s21+$0x9ED0]  }
0x279: {  	[tilespmem:s21+$0x9E70] =	vst v6;
	v6 =	vmul.f32 v12, v10;
	v12 =	vld [tilespmem:s21+$0x9EE0]  }
0x27a: {  	[tilespmem:s21+$0x9E80] =	vst v4;
	v4 =	vmul.f32 v8, v10;
	v8 =	vld [tilespmem:s21+$0x9EF0]  }
0x27b: {  	[tilespmem:s21+$0x9E90] =	vst v6;
	v6 =	vmul.f32 v13, v10;
	v13 =	vld [tilespmem:s21+$0x9F00]  }
0x27c: {  	[tilespmem:s21+$0x9EA0] =	vst v4;
	v4 =	vmul.f32 v11, v10;
	v11 =	vld [tilespmem:s21+$0x9F10]  }
0x27d: {  	[tilespmem:s21+$0x9EB0] =	vst v6;
	v6 =	vmul.f32 v9, v10;
	v9 =	vld [tilespmem:s21+$0x9F20]  }
0x27e: {  	v2 =	vbroadcast v2, $0xE;
	[tilespmem:s21+$0x9DF0] =	vst v7;
	v7 =	vmul.f32 v12, v10;
	v12 =	vld [tilespmem:s21+$0x9F30]  }
0x27f: {  	[tilespmem:s21+$0x9ED0] =	vst v6;
	v6 =	vmul.f32 v8, v10;
	v8 =	vld [tilespmem:s21+$0x9F40]  }
0x280: {  	[tilespmem:s21+$0x9EE0] =	vst v7;
	v7 =	vmul.f32 v13, v2;
	v10 =	vld [tilespmem:s21+$0x9F50]  }
0x281: {  	[tilespmem:s21+$0x9EF0] =	vst v6;
	v6 =	vmul.f32 v11, v2;
	v11 =	vld [tilespmem:s21+$0x9F60]  }
0x282: {  	[tilespmem:s21+$0x9F00] =	vst v7;
	v7 =	vmul.f32 v9, v2;
	v9 =	vld [tilespmem:s21+$0x9F70]  }
0x283: {  	[tilespmem:s21+$0x9F10] =	vst v6;
	v6 =	vmul.f32 v12, v2;
	v12 =	vld [tilespmem:s21+$0x9F80]  }
0x284: {  	[tilespmem:s21+$0x9F20] =	vst v7;
	v7 =	vmul.f32 v8, v2;
	v8 =	vld [tilespmem:s21+$0x9F90]  }
0x285: {  	[tilespmem:s21+$0x9F30] =	vst v6;
	v6 =	vmul.f32 v10, v2;
	v10 =	vld [tilespmem:s21+$0x9FA0]  }
0x286: {  	[tilespmem:s21+$0x9F40] =	vst v7;
	v7 =	vmul.f32 v11, v2;
	v11 =	vld [tilespmem:s21+$0x9FB0]  }
0x287: {  	[tilespmem:s21+$0x9EC0] =	vst v4;
	v2 =	vmul.f32 v9, v2;
	v4 =	vld [tilespmem:s21+$0x9FC0]  }
0x288: {  	[tilespmem:s21+$0x9F60] =	vst v7;
	v7 =	vmul.f32 v12, v5;
	v9 =	vld [tilespmem:s21+$0x9FE0]  }
0x289: {  	[tilespmem:s21+$0x9F70] =	vst v2;
	v2 =	vmul.f32 v8, v5;
	v8 =	vld [tilespmem:s21+$0x9FF0]  }
0x28a: {  	[tilespmem:s21+$0x9F80] =	vst v7;
	v7 =	vmul.f32 v10, v5  }
0x28b: {  	[tilespmem:s21+$0x9F90] =	vst v2;
	v2 =	vmul.f32 v11, v5  }
0x28c: {  	v10 =	vmul.f32 v16, v15;
	[tilespmem:s21+$0x9FA0] =	vst v7  }
0x28d: {  	[tilespmem:s21+$0x9FB0] =	vst v2;
	v2 =	vmul.f32 v4, v5  }
.Ltmp2:
0x28e: {  	[tilespmem:s21+$0x9E30] =	vst v10;
	v4 =	vmul.f32 v8, v5;
	(pc) =	sbr.rel @p0 .LBB2_7-.Ltmp2, $4  }
0x28f: {  	[tilespmem:s21+$0x9FC0] =	vst v2  }
0x290: {  	v2 =	vmul.f32 v9, v5;
	[tilespmem:s21+$0x9FF0] =	vst v4  }
0x291: {  	[tilespmem:s21+$0x9F50] =	vst v6  }
0x292: {  	[tilespmem:s21+$0x9FE0] =	vst v2  }
0x293: {  	[tilespmem:s21+$0x9E20] =	vst v3;
	s0 =	sadd.s32 $0x2800, s2;
	s31 =	sadd.s32 $0x1, s31  }
0x294: {  	[spmem:s3] =	stream.indirect.scatter.add.f32 [tilespmem:s25], [sflag:$0x4], $0x80, s0, s23, $0xb8;
	[tilespmem:$0x1F400] =	vst v63  }
0x295: {  	p0 =	sne.s32 s31, $0x4F;
	_ =	swait.ge [sflag:s29], $0x2000  }
.Ltmp3:
0x296: {  	[sflag:s29] =	ssyncset.done $0x0;
	(pc) =	sbr.rel @p0 .LBB2_4-.Ltmp3, $4  }
0x297: {  	[sflag:s29] =	ssyncadd.s32 $0xFFFFE000  }
0x298: {  	_ =	swait.ge [sflag:s30], $0x2000  }
0x299: {  	[sflag:s30] =	ssyncset.done $0x0  }
0x29a: {  	[sflag:s30] =	ssyncadd.s32 $0xFFFFE000  }
0x29b: {  	s0 =	stileid.u32;
	s4 =	sadd.s32 $0x1, s4  }
0x29c: {  	[bflag:$0x0] =	sbarrier.arrive $0xFFFF;
	s0 =	sshll.u32 s0, $0x6;
	p0 =	sne.s32 s4, s10  }
.Ltmp4:
0x29d: {  	s2 =	sshrl.u32 s5, $0x3;
	s0 =	sor.u32 $0x1C05, s0;
	(pc) =	sbr.rel @p0 .LBB2_1-.Ltmp4, $4  }
0x29e: {  	[hbm:s24], [sflag:s0] =	dma.local [spmem:s2], $0x2780  }
0x29f: {  	_ =	swait.ge [sflag:s20], $0x2780  }
0x2a0: {  	[sflag:s20] =	ssyncset.done $0x0  }
0x2a1: {  	[sflag:s20] =	ssyncadd.s32 $0xFFFFD880  }
0x2a2: {  	_ =	sfence.sel $0x180000  }
0x2a3: {  	[bflag:$0x0] =	sbarrier.arrive $0xFFFF  }
0x2a4: {  	_ =	strace $0x90000047  }
0x2a5: {  	s0 =	stileid.u32;
	[bflag:$0x2] =	sbarrier.arrive $0xFFFF  }
0x2a6: {  	p0 =	sne.s32 s0, $0x0;
	s0 =	rddreg [dreg:$0x4]  }
0x2a7: {  	s0 =	sadd.s32 @!p0 $0x100000, s0  }
0x2a8: {  	[sflag:s0] =	ssyncadd.tile.s32 @!p0 $0x1;
	_ =	shalt  }
.Lfunc_end2:
_tile_overlayer_lowered:
.L_overlay_start_2:
0x2a9: {  	(tag) =	ssettag $0x2  }
0x2aa: {  	s0 =	rddreg [dreg:$0x0];
	s2 =	stileid.u32  }
0x2ab: {  	s1 =	rddreg [dreg:$0x1];
	p0 =	sne.s32 s2, $0x0  }
0x2ac: {  	s3 =	rddreg [dreg:$0x2];
	[bflag:$0x3] =	sbarrier.arrive $0xFFFF;
	s2 =	simm.s32 @!p0 $0x1C05  }
0x2ad: {  	[timem:s3], [sflag:s2] =	dma.local @!p0 [hbm:s0], s1  }
0x2ae: {  	s0 =	simm.s32 @!p0 $0x5  }
0x2af: {  	_ =	swait.ge @!p0 [sflag:s0], s1  }
0x2b0: {  	s1 =	ssub.s32 @!p0 $0x0, s1;
	[sflag:s0] =	ssyncset.done @!p0 $0x0  }
0x2b1: {  	[sflag:s0] =	ssyncadd.s32 @!p0 s1  }
0x2b2: {  	[bflag:$0x3] =	sbarrier.arrive $0xFFFF  }
0x2b3: {  	_ =	shalt  }

</sc_bundles>
